<compile_context>
chip_gen: v7x
topology: tpu7x:2x2x1
jax: 0.10.2.dev20260603
libtpu: 0.0.44.dev20260713+nightly
codegen_flags: <defaults>
</compile_context>

<pallas_src>
import functools

import jax
import jax.numpy as jnp
from jax import lax
from jax.experimental import pallas as pl
from jax.experimental.pallas import tpu as pltpu
from jax.experimental.pallas import tpu_sc as plsc


_TM = 512
_R = 1024
_QC = 1024
_RB = 8
_NQ = 4
_NG = 8
_ROWS_PG = _R // _NG
_NBATCH = _ROWS_PG // _RB


def _sc_rows_body(x_hbm, s_hbm, part_hbm, xq, wbuf, obuf, sem):
    cid = lax.axis_index("c")
    sid = lax.axis_index("s")
    wid = sid * 2 + cid
    q = wid % _NQ
    g = wid // _NQ
    qoff = q * _QC
    row0 = g * _ROWS_PG

    pltpu.sync_copy(x_hbm.at[pl.ds(q * (_QC // 2), _QC // 2), :], xq)

    def wcopy(batch, slot):
        return pltpu.make_async_copy(
            s_hbm.at[pl.ds(row0 + batch * _RB, _RB), pl.ds(qoff, _QC)],
            wbuf.at[slot],
            sem.at[slot],
        )

    wcopy(0, 0).start()

    @pl.loop(0, _NBATCH, step=2)
    def _batches(k):
        for u in range(2):
            batch = k + u

            @pl.when(batch + 1 < _NBATCH)
            def _():
                wcopy(batch + 1, 1 - u).start()

            wcopy(batch, u).wait()

            def block(cb, acc):
                acc = list(acc)
                base = cb * 16
                wv = [wbuf[u, b, pl.ds(base, 16)] for b in range(_RB)]
                for t in range(16):
                    xrow = cb * 8 + t // 2
                    xcol = (t % 2) * 64
                    xv = [xq[xrow, pl.ds(xcol + 16 * j, 16)] for j in range(4)]
                    idx = jnp.full((16,), t, jnp.int32)
                    for b in range(_RB):
                        wb = jnp.take_along_axis(
                            wv[b], idx, axis=0, mode="promise_in_bounds")
                        for j in range(4):
                            acc[b * 4 + j] = acc[b * 4 + j] + wb * xv[j]
                return tuple(acc)

            zero = jnp.zeros((16,), jnp.float32)
            acc = lax.fori_loop(0, _QC // 16, block, (zero,) * (_RB * 4))
            for b in range(_RB):
                for j in range(4):
                    obuf[b, 16 * j:16 * (j + 1)] = acc[b * 4 + j]
            pltpu.sync_copy(
                obuf, part_hbm.at[q, pl.ds(row0 + batch * _RB, _RB), :])


def _sc_rows(x_coarse, interp_matrix):
    kern = pl.kernel(
        _sc_rows_body,
        out_type=jax.ShapeDtypeStruct((_NQ, _R, 64), jnp.float32),
        mesh=plsc.VectorSubcoreMesh(core_axis_name="c", subcore_axis_name="s"),
        scratch_types=[
            pltpu.VMEM((_QC // 2, 128), jnp.float32),
            pltpu.VMEM((2, _RB, _QC), jnp.float32),
            pltpu.VMEM((_RB, 64), jnp.float32),
            pltpu.SemaphoreType.DMA((2,)),
        ],
    )
    return kern(x_coarse.reshape(_QC * _NQ // 2, 128), interp_matrix)


def _interp_tile(s_ref, x_ref, o_ref):
    o_ref[...] = jnp.dot(s_ref[...], x_ref[...],
                         preferred_element_type=jnp.float32)


def _tc_rows(x_coarse, interp_matrix):
    m, k = interp_matrix.shape
    n = x_coarse.shape[1]
    off = _R // _TM
    return pl.pallas_call(
        _interp_tile,
        grid=((m - _R) // _TM,),
        in_specs=[
            pl.BlockSpec((_TM, k), lambda i: (i + off, 0)),
            pl.BlockSpec(memory_space=pltpu.MemorySpace.VMEM),
        ],
        out_specs=pl.BlockSpec((_TM, n), lambda i: (i, 0)),
        out_shape=jax.ShapeDtypeStruct((m - _R, n), jnp.float32),
    )(interp_matrix, x_coarse)


def kernel(x_coarse, interp_matrix):
    part = _sc_rows(x_coarse, interp_matrix)
    rest = _tc_rows(x_coarse, interp_matrix)
    top = part[0] + part[1] + part[2] + part[3]
    return jnp.concatenate([top, rest], axis=0)

# --- scband reference (transcript-rebuilt; emitter-appended) ---
"""Pipeline reference for scband-barycentric-interpolator-84232898609310 (READ-ONLY COPY).

The authoritative reference and input builder live on the scoring server;
editing this copy changes nothing except your own understanding.
"""

import jax, jax.numpy as jnp
import numpy as np


def setup_inputs(seed: int = 0) -> dict:
    key = jax.random.key(seed)
    k1, k2 = jax.random.split(key)
    x_coarse = jax.random.normal(k1, (4096, 64), dtype=jnp.float32)
    # barycentric-style interpolation matrix (dense materialization of S)
    interp_matrix = jax.random.uniform(k2, (16384, 4096), dtype=jnp.float32)
    return {"x_coarse": x_coarse, "interp_matrix": interp_matrix}


def reference(x_coarse, interp_matrix):
    # f_fine = S @ f_coarse  (dense path of BarycentricInterpolator.forward)
    return interp_matrix @ x_coarse

if __name__ == "__main__":
    import jax
    _d = setup_inputs()
    print(jax.jit(kernel)(*tuple(_d.values())))

</pallas_src>

<mosaic_0001>
#map = affine_map<(d0, d1) -> (0, 0)>
#map1 = affine_map<(d0, d1) -> (0, 0, 0)>
module attributes {stable_mosaic.version = 14 : i64} {
  func.func @_sc_rows_body(%arg0: i32, %arg1: i32, %arg2: memref<2048x128xf32, #tpu.memory_space<hbm>>, %arg3: memref<16384x4096xf32, #tpu.memory_space<hbm>>, %arg4: memref<4x1024x64xf32, #tpu.memory_space<hbm>>, %arg5: memref<512x128xf32, #tpu.memory_space<vmem>>, %arg6: memref<2x8x1024xf32, #tpu.memory_space<vmem>>, %arg7: memref<8x64xf32, #tpu.memory_space<vmem>>, %arg8: memref<2x!tpu.dma_semaphore, #tpu.memory_space<semaphore_mem>>) attributes {dimension_semantics = [#tpu.dimension_semantics<core_parallel>, #tpu.dimension_semantics<subcore_parallel>], iteration_bounds = array<i64: 2, 16>, scalar_prefetch = 0 : i64, scratch_operands = 4 : i64, tpu.core_type = #tpu.core_type<sc_vector_subcore>, window_params = [{transform_indices = #map}, {transform_indices = #map}, {transform_indices = #map1}]} {
    %mul3A = arith.constant 2 : i32
    %mul3A_0 = arith.muli %arg1, %mul3A : i32
    %add3A = arith.addi %mul3A_0, %arg0 : i32
    %jit3A = arith.constant 4 : i32
    %eq3A = arith.constant 0 : i32
    %eq3A_1 = arith.cmpi eq, %jit3A, %eq3A : i32
    %jit3A_2 = arith.constant 1 : i32
    %select_n3A = arith.select %eq3A_1, %jit3A_2, %jit3A : i32
    %rem3A = arith.remsi %add3A, %select_n3A : i32
    %ne3A = arith.constant 0 : i32
    %ne3A_3 = arith.cmpi ne, %rem3A, %ne3A : i32
    %lt3A = arith.constant 0 : i32
    %lt3A_4 = arith.cmpi slt, %rem3A, %lt3A : i32
    %lt3A_5 = arith.constant 0 : i32
    %lt3A_6 = arith.cmpi slt, %select_n3A, %lt3A_5 : i32
    %ne3A_7 = arith.xori %lt3A_4, %lt3A_6 : i1
    %and3A = arith.andi %ne3A_7, %ne3A_3 : i1
    %add3A_8 = arith.addi %rem3A, %select_n3A : i32
    %select_n3A_9 = arith.select %and3A, %add3A_8, %rem3A : i32
    %jit3A_10 = arith.constant 4 : i32
    %div3A = arith.divsi %add3A, %jit3A_10 : i32
    %sign3A = arith.constant 0 : i32
    %sign3A_11 = arith.cmpi sgt, %add3A, %sign3A : i32
    %sign3A_12 = arith.extui %sign3A_11 : i1 to i32
    %sign3A_13 = arith.constant 0 : i32
    %sign3A_14 = arith.cmpi slt, %add3A, %sign3A_13 : i32
    %sign3A_15 = arith.extui %sign3A_14 : i1 to i32
    %sign3A_16 = arith.subi %sign3A_12, %sign3A_15 : i32
    %sign3A_17 = arith.constant 0 : i32
    %sign3A_18 = arith.cmpi sgt, %jit3A_10, %sign3A_17 : i32
    %sign3A_19 = arith.extui %sign3A_18 : i1 to i32
    %sign3A_20 = arith.constant 0 : i32
    %sign3A_21 = arith.cmpi slt, %jit3A_10, %sign3A_20 : i32
    %sign3A_22 = arith.extui %sign3A_21 : i1 to i32
    %sign3A_23 = arith.subi %sign3A_19, %sign3A_22 : i32
    %ne3A_24 = arith.cmpi ne, %sign3A_16, %sign3A_23 : i32
    %rem3A_25 = arith.remsi %add3A, %jit3A_10 : i32
    %ne3A_26 = arith.constant 0 : i32
    %ne3A_27 = arith.cmpi ne, %rem3A_25, %ne3A_26 : i32
    %and3A_28 = arith.andi %ne3A_24, %ne3A_27 : i1
    %sub3A = arith.constant 1 : i32
    %sub3A_29 = arith.subi %div3A, %sub3A : i32
    %select_n3A_30 = arith.select %and3A_28, %sub3A_29, %div3A : i32
    %mul3A_31 = arith.constant 1024 : i32
    %mul3A_32 = arith.muli %select_n3A_9, %mul3A_31 : i32
    %mul3A_33 = arith.constant 128 : i32
    %mul3A_34 = arith.muli %select_n3A_30, %mul3A_33 : i32
    %mul3A_35 = arith.constant 512 : i32
    %mul3A_36 = arith.muli %select_n3A_9, %mul3A_35 : i32
    "tpu.region"() ({
      %run_scoped3A = tpu.sem_alloc : memref<!tpu.dma_semaphore, #tpu.memory_space<semaphore_mem>>
      %dma_start3A_56 = arith.constant 0 : i32
      %dma_start3A_57 = tpu.memref_slice %arg2[%mul3A_36, %dma_start3A_56] : memref<2048x128xf32, #tpu.memory_space<hbm>> -> memref<512x128xf32, #tpu.memory_space<hbm>>
      %dma_start3A_58 = arith.constant 0 : i32
      %dma_start3A_59 = tpu.memref_slice %arg2[%mul3A_36, %dma_start3A_58] : memref<2048x128xf32, #tpu.memory_space<hbm>> -> memref<512x128xf32, #tpu.memory_space<hbm>>
      tpu.enqueue_dma source(%dma_start3A_59 : memref<512x128xf32, #tpu.memory_space<hbm>>) target(%arg5 : memref<512x128xf32, #tpu.memory_space<vmem>>) target_semaphore(%run_scoped3A : memref<!tpu.dma_semaphore, #tpu.memory_space<semaphore_mem>>)
      %dma_wait3A = arith.constant 0 : i32
      %dma_wait3A_60 = tpu.memref_slice %arg2[%mul3A_36, %dma_wait3A] : memref<2048x128xf32, #tpu.memory_space<hbm>> -> memref<512x128xf32, #tpu.memory_space<hbm>>
      %dma_wait3A_61 = arith.constant 0 : i32
      %dma_wait3A_62 = tpu.memref_slice %arg2[%mul3A_36, %dma_wait3A_61] : memref<2048x128xf32, #tpu.memory_space<hbm>> -> memref<512x128xf32, #tpu.memory_space<hbm>>
      tpu.wait_dma2 semaphore(%run_scoped3A : memref<!tpu.dma_semaphore, #tpu.memory_space<semaphore_mem>>) src(%dma_wait3A_62 : memref<512x128xf32, #tpu.memory_space<hbm>>) dst(%arg5 : memref<512x128xf32, #tpu.memory_space<vmem>>)
      tpu.yield
    }) : () -> ()
    %add3A_37 = arith.constant 0 : i32
    %add3A_38 = arith.addi %mul3A_34, %add3A_37 : i32
    %dma_start3A = arith.constant 0 : i32
    %dma_start3A_39 = arith.constant 0 : i32
    %dma_start3A_40 = arith.constant 0 : i32
    %dma_start3A_41 = arith.constant 0 : i32
    %dma_start3A_42 = tpu.memref_slice %arg6[%dma_start3A, %dma_start3A_40, %dma_start3A_41] : memref<2x8x1024xf32, #tpu.memory_space<vmem>> -> memref<1x8x1024xf32, #tpu.memory_space<vmem>>
    %dma_start3A_43 = tpu.memref_squeeze %dma_start3A_42 : memref<1x8x1024xf32, #tpu.memory_space<vmem>> -> memref<8x1024xf32, #tpu.memory_space<vmem>>
    %dma_start3A_44 = tpu.memref_slice %arg3[%add3A_38, %mul3A_32] : memref<16384x4096xf32, #tpu.memory_space<hbm>> -> memref<8x1024xf32, #tpu.memory_space<hbm>>
    %dma_start3A_45 = tpu.memref_slice %arg8[%dma_start3A_39] : memref<2x!tpu.dma_semaphore, #tpu.memory_space<semaphore_mem>> -> memref<1x!tpu.dma_semaphore, #tpu.memory_space<semaphore_mem>>
    %dma_start3A_46 = tpu.memref_squeeze %dma_start3A_45 : memref<1x!tpu.dma_semaphore, #tpu.memory_space<semaphore_mem>> -> memref<!tpu.dma_semaphore, #tpu.memory_space<semaphore_mem>>
    %dma_start3A_47 = arith.constant 0 : i32
    %dma_start3A_48 = arith.constant 0 : i32
    %dma_start3A_49 = tpu.memref_slice %arg6[%dma_start3A, %dma_start3A_47, %dma_start3A_48] : memref<2x8x1024xf32, #tpu.memory_space<vmem>> -> memref<1x8x1024xf32, #tpu.memory_space<vmem>>
    %dma_start3A_50 = tpu.memref_squeeze %dma_start3A_49 : memref<1x8x1024xf32, #tpu.memory_space<vmem>> -> memref<8x1024xf32, #tpu.memory_space<vmem>>
    %dma_start3A_51 = tpu.memref_slice %arg3[%add3A_38, %mul3A_32] : memref<16384x4096xf32, #tpu.memory_space<hbm>> -> memref<8x1024xf32, #tpu.memory_space<hbm>>
    tpu.enqueue_dma source(%dma_start3A_51 : memref<8x1024xf32, #tpu.memory_space<hbm>>) target(%dma_start3A_50 : memref<8x1024xf32, #tpu.memory_space<vmem>>) target_semaphore(%dma_start3A_46 : memref<!tpu.dma_semaphore, #tpu.memory_space<semaphore_mem>>)
    %scan3A = arith.constant 0 : i32
    %scan3A_52 = arith.constant 8 : i32
    %scan3A_53 = arith.addi %scan3A, %scan3A_52 : i32
    %scan3A_54 = arith.constant 1 : i32
    scf.for %scan3A_56 = %scan3A to %scan3A_53 step %scan3A_54  : i32 {
      %mul3A_57 = arith.constant 2 : i32
      %mul3A_58 = arith.muli %scan3A_56, %mul3A_57 : i32
      %add3A_59 = arith.constant 0 : i32
      %add3A_60 = arith.addi %add3A_59, %mul3A_58 : i32
      %add3A_61 = arith.constant 0 : i32
      %add3A_62 = arith.addi %add3A_60, %add3A_61 : i32
      %add3A_63 = arith.constant 1 : i32
      %add3A_64 = arith.addi %add3A_62, %add3A_63 : i32
      %lt3A_65 = arith.constant 16 : i32
      %lt3A_66 = arith.cmpi slt, %add3A_64, %lt3A_65 : i32
      %convert_element_type3A = arith.extui %lt3A_66 : i1 to i32
      %cond3A = arith.constant 0 : i32
      %cond3A_67 = arith.cmpi ne, %convert_element_type3A, %cond3A : i32
      scf.if %cond3A_67 {
        %add3A_514 = arith.constant 1 : i32
        %add3A_515 = arith.addi %add3A_62, %add3A_514 : i32
        %mul3A_516 = arith.constant 8 : i32
        %mul3A_517 = arith.muli %add3A_515, %mul3A_516 : i32
        %add3A_518 = arith.addi %mul3A_34, %mul3A_517 : i32
        %dma_start3A_519 = arith.constant 1 : i32
        %dma_start3A_520 = arith.constant 1 : i32
        %dma_start3A_521 = arith.constant 0 : i32
        %dma_start3A_522 = arith.constant 0 : i32
        %dma_start3A_523 = tpu.memref_slice %arg6[%dma_start3A_519, %dma_start3A_521, %dma_start3A_522] : memref<2x8x1024xf32, #tpu.memory_space<vmem>> -> memref<1x8x1024xf32, #tpu.memory_space<vmem>>
        %dma_start3A_524 = tpu.memref_squeeze %dma_start3A_523 : memref<1x8x1024xf32, #tpu.memory_space<vmem>> -> memref<8x1024xf32, #tpu.memory_space<vmem>>
        %dma_start3A_525 = tpu.memref_slice %arg3[%add3A_518, %mul3A_32] : memref<16384x4096xf32, #tpu.memory_space<hbm>> -> memref<8x1024xf32, #tpu.memory_space<hbm>>
        %dma_start3A_526 = tpu.memref_slice %arg8[%dma_start3A_520] : memref<2x!tpu.dma_semaphore, #tpu.memory_space<semaphore_mem>> -> memref<1x!tpu.dma_semaphore, #tpu.memory_space<semaphore_mem>>
        %dma_start3A_527 = tpu.memref_squeeze %dma_start3A_526 : memref<1x!tpu.dma_semaphore, #tpu.memory_space<semaphore_mem>> -> memref<!tpu.dma_semaphore, #tpu.memory_space<semaphore_mem>>
        %dma_start3A_528 = arith.constant 0 : i32
        %dma_start3A_529 = arith.constant 0 : i32
        %dma_start3A_530 = tpu.memref_slice %arg6[%dma_start3A_519, %dma_start3A_528, %dma_start3A_529] : memref<2x8x1024xf32, #tpu.memory_space<vmem>> -> memref<1x8x1024xf32, #tpu.memory_space<vmem>>
        %dma_start3A_531 = tpu.memref_squeeze %dma_start3A_530 : memref<1x8x1024xf32, #tpu.memory_space<vmem>> -> memref<8x1024xf32, #tpu.memory_space<vmem>>
        %dma_start3A_532 = tpu.memref_slice %arg3[%add3A_518, %mul3A_32] : memref<16384x4096xf32, #tpu.memory_space<hbm>> -> memref<8x1024xf32, #tpu.memory_space<hbm>>
        tpu.enqueue_dma source(%dma_start3A_532 : memref<8x1024xf32, #tpu.memory_space<hbm>>) target(%dma_start3A_531 : memref<8x1024xf32, #tpu.memory_space<vmem>>) target_semaphore(%dma_start3A_527 : memref<!tpu.dma_semaphore, #tpu.memory_space<semaphore_mem>>)
      } else {
      }
      %mul3A_68 = arith.constant 8 : i32
      %mul3A_69 = arith.muli %add3A_62, %mul3A_68 : i32
      %add3A_70 = arith.addi %mul3A_34, %mul3A_69 : i32
      %dma_wait3A = arith.constant 0 : i32
      %dma_wait3A_71 = arith.constant 0 : i32
      %dma_wait3A_72 = arith.constant 0 : i32
      %dma_wait3A_73 = arith.constant 0 : i32
      %dma_wait3A_74 = tpu.memref_slice %arg6[%dma_wait3A, %dma_wait3A_72, %dma_wait3A_73] : memref<2x8x1024xf32, #tpu.memory_space<vmem>> -> memref<1x8x1024xf32, #tpu.memory_space<vmem>>
      %dma_wait3A_75 = tpu.memref_squeeze %dma_wait3A_74 : memref<1x8x1024xf32, #tpu.memory_space<vmem>> -> memref<8x1024xf32, #tpu.memory_space<vmem>>
      %dma_wait3A_76 = tpu.memref_slice %arg3[%add3A_70, %mul3A_32] : memref<16384x4096xf32, #tpu.memory_space<hbm>> -> memref<8x1024xf32, #tpu.memory_space<hbm>>
      %dma_wait3A_77 = tpu.memref_slice %arg8[%dma_wait3A_71] : memref<2x!tpu.dma_semaphore, #tpu.memory_space<semaphore_mem>> -> memref<1x!tpu.dma_semaphore, #tpu.memory_space<semaphore_mem>>
      %dma_wait3A_78 = tpu.memref_squeeze %dma_wait3A_77 : memref<1x!tpu.dma_semaphore, #tpu.memory_space<semaphore_mem>> -> memref<!tpu.dma_semaphore, #tpu.memory_space<semaphore_mem>>
      %dma_wait3A_79 = arith.constant 0 : i32
      %dma_wait3A_80 = arith.constant 0 : i32
      %dma_wait3A_81 = tpu.memref_slice %arg6[%dma_wait3A, %dma_wait3A_79, %dma_wait3A_80] : memref<2x8x1024xf32, #tpu.memory_space<vmem>> -> memref<1x8x1024xf32, #tpu.memory_space<vmem>>
      %dma_wait3A_82 = tpu.memref_squeeze %dma_wait3A_81 : memref<1x8x1024xf32, #tpu.memory_space<vmem>> -> memref<8x1024xf32, #tpu.memory_space<vmem>>
      %dma_wait3A_83 = tpu.memref_slice %arg3[%add3A_70, %mul3A_32] : memref<16384x4096xf32, #tpu.memory_space<hbm>> -> memref<8x1024xf32, #tpu.memory_space<hbm>>
      tpu.wait_dma2 semaphore(%dma_wait3A_78 : memref<!tpu.dma_semaphore, #tpu.memory_space<semaphore_mem>>) src(%dma_wait3A_83 : memref<8x1024xf32, #tpu.memory_space<hbm>>) dst(%dma_wait3A_82 : memref<8x1024xf32, #tpu.memory_space<vmem>>)
      %broadcast_in_dim3A = arith.constant 0.000000e+00 : f32
      %broadcast_in_dim3A_84 = vector.broadcast %broadcast_in_dim3A : f32 to vector<16xf32>
      %scan3A_85 = arith.constant 0 : i32
      %scan3A_86 = arith.constant 64 : i32
      %scan3A_87 = arith.addi %scan3A_85, %scan3A_86 : i32
      %scan3A_88 = arith.constant 1 : i32
      %scan3A_89:32 = scf.for %scan3A_514 = %scan3A_85 to %scan3A_87 step %scan3A_88 iter_args(%scan3A_515 = %broadcast_in_dim3A_84, %scan3A_516 = %broadcast_in_dim3A_84, %scan3A_517 = %broadcast_in_dim3A_84, %scan3A_518 = %broadcast_in_dim3A_84, %scan3A_519 = %broadcast_in_dim3A_84, %scan3A_520 = %broadcast_in_dim3A_84, %scan3A_521 = %broadcast_in_dim3A_84, %scan3A_522 = %broadcast_in_dim3A_84, %scan3A_523 = %broadcast_in_dim3A_84, %scan3A_524 = %broadcast_in_dim3A_84, %scan3A_525 = %broadcast_in_dim3A_84, %scan3A_526 = %broadcast_in_dim3A_84, %scan3A_527 = %broadcast_in_dim3A_84, %scan3A_528 = %broadcast_in_dim3A_84, %scan3A_529 = %broadcast_in_dim3A_84, %scan3A_530 = %broadcast_in_dim3A_84, %scan3A_531 = %broadcast_in_dim3A_84, %scan3A_532 = %broadcast_in_dim3A_84, %scan3A_533 = %broadcast_in_dim3A_84, %scan3A_534 = %broadcast_in_dim3A_84, %scan3A_535 = %broadcast_in_dim3A_84, %scan3A_536 = %broadcast_in_dim3A_84, %scan3A_537 = %broadcast_in_dim3A_84, %scan3A_538 = %broadcast_in_dim3A_84, %scan3A_539 = %broadcast_in_dim3A_84, %scan3A_540 = %broadcast_in_dim3A_84, %scan3A_541 = %broadcast_in_dim3A_84, %scan3A_542 = %broadcast_in_dim3A_84, %scan3A_543 = %broadcast_in_dim3A_84, %scan3A_544 = %broadcast_in_dim3A_84, %scan3A_545 = %broadcast_in_dim3A_84, %scan3A_546 = %broadcast_in_dim3A_84) -> (vector<16xf32>, vector<16xf32>, vector<16xf32>, vector<16xf32>, vector<16xf32>, vector<16xf32>, vector<16xf32>, vector<16xf32>, vector<16xf32>, vector<16xf32>, vector<16xf32>, vector<16xf32>, vector<16xf32>, vector<16xf32>, vector<16xf32>, vector<16xf32>, vector<16xf32>, vector<16xf32>, vector<16xf32>, vector<16xf32>, vector<16xf32>, vector<16xf32>, vector<16xf32>, vector<16xf32>, vector<16xf32>, vector<16xf32>, vector<16xf32>, vector<16xf32>, vector<16xf32>, vector<16xf32>, vector<16xf32>, vector<16xf32>)  : i32 {
        %mul3A_547 = arith.constant 16 : i32
        %mul3A_548 = arith.muli %scan3A_514, %mul3A_547 : i32
        %get3A = arith.constant 0 : i32
        %get3A_549 = arith.constant 0 : i32
        %get3A_550 = arith.index_cast %get3A : i32 to index
        %get3A_551 = arith.index_cast %get3A_549 : i32 to index
        %get3A_552 = arith.index_cast %mul3A_548 : i32 to index
        %get3A_553 = tpu.vector_load %arg6[%get3A_550, %get3A_551, %get3A_552] {strides = array<i32>} : memref<2x8x1024xf32, #tpu.memory_space<vmem>>, vector<1x1x16xf32>,
        %get3A_554 = vector.shape_cast %get3A_553 : vector<1x1x16xf32> to vector<16xf32>
        %get3A_555 = arith.constant 0 : i32
        %get3A_556 = arith.constant 1 : i32
        %get3A_557 = arith.index_cast %get3A_555 : i32 to index
        %get3A_558 = arith.index_cast %get3A_556 : i32 to index
        %get3A_559 = arith.index_cast %mul3A_548 : i32 to index
        %get3A_560 = tpu.vector_load %arg6[%get3A_557, %get3A_558, %get3A_559] {strides = array<i32>} : memref<2x8x1024xf32, #tpu.memory_space<vmem>>, vector<1x1x16xf32>,
        %get3A_561 = vector.shape_cast %get3A_560 : vector<1x1x16xf32> to vector<16xf32>
        %get3A_562 = arith.constant 0 : i32
        %get3A_563 = arith.constant 2 : i32
        %get3A_564 = arith.index_cast %get3A_562 : i32 to index
        %get3A_565 = arith.index_cast %get3A_563 : i32 to index
        %get3A_566 = arith.index_cast %mul3A_548 : i32 to index
        %get3A_567 = tpu.vector_load %arg6[%get3A_564, %get3A_565, %get3A_566] {strides = array<i32>} : memref<2x8x1024xf32, #tpu.memory_space<vmem>>, vector<1x1x16xf32>,
        %get3A_568 = vector.shape_cast %get3A_567 : vector<1x1x16xf32> to vector<16xf32>
        %get3A_569 = arith.constant 0 : i32
        %get3A_570 = arith.constant 3 : i32
        %get3A_571 = arith.index_cast %get3A_569 : i32 to index
        %get3A_572 = arith.index_cast %get3A_570 : i32 to index
        %get3A_573 = arith.index_cast %mul3A_548 : i32 to index
        %get3A_574 = tpu.vector_load %arg6[%get3A_571, %get3A_572, %get3A_573] {strides = array<i32>} : memref<2x8x1024xf32, #tpu.memory_space<vmem>>, vector<1x1x16xf32>,
        %get3A_575 = vector.shape_cast %get3A_574 : vector<1x1x16xf32> to vector<16xf32>
        %get3A_576 = arith.constant 0 : i32
        %get3A_577 = arith.constant 4 : i32
        %get3A_578 = arith.index_cast %get3A_576 : i32 to index
        %get3A_579 = arith.index_cast %get3A_577 : i32 to index
        %get3A_580 = arith.index_cast %mul3A_548 : i32 to index
        %get3A_581 = tpu.vector_load %arg6[%get3A_578, %get3A_579, %get3A_580] {strides = array<i32>} : memref<2x8x1024xf32, #tpu.memory_space<vmem>>, vector<1x1x16xf32>,
        %get3A_582 = vector.shape_cast %get3A_581 : vector<1x1x16xf32> to vector<16xf32>
        %get3A_583 = arith.constant 0 : i32
        %get3A_584 = arith.constant 5 : i32
        %get3A_585 = arith.index_cast %get3A_583 : i32 to index
        %get3A_586 = arith.index_cast %get3A_584 : i32 to index
        %get3A_587 = arith.index_cast %mul3A_548 : i32 to index
        %get3A_588 = tpu.vector_load %arg6[%get3A_585, %get3A_586, %get3A_587] {strides = array<i32>} : memref<2x8x1024xf32, #tpu.memory_space<vmem>>, vector<1x1x16xf32>,
        %get3A_589 = vector.shape_cast %get3A_588 : vector<1x1x16xf32> to vector<16xf32>
        %get3A_590 = arith.constant 0 : i32
        %get3A_591 = arith.constant 6 : i32
        %get3A_592 = arith.index_cast %get3A_590 : i32 to index
        %get3A_593 = arith.index_cast %get3A_591 : i32 to index
        %get3A_594 = arith.index_cast %mul3A_548 : i32 to index
        %get3A_595 = tpu.vector_load %arg6[%get3A_592, %get3A_593, %get3A_594] {strides = array<i32>} : memref<2x8x1024xf32, #tpu.memory_space<vmem>>, vector<1x1x16xf32>,
        %get3A_596 = vector.shape_cast %get3A_595 : vector<1x1x16xf32> to vector<16xf32>
        %get3A_597 = arith.constant 0 : i32
        %get3A_598 = arith.constant 7 : i32
        %get3A_599 = arith.index_cast %get3A_597 : i32 to index
        %get3A_600 = arith.index_cast %get3A_598 : i32 to index
        %get3A_601 = arith.index_cast %mul3A_548 : i32 to index
        %get3A_602 = tpu.vector_load %arg6[%get3A_599, %get3A_600, %get3A_601] {strides = array<i32>} : memref<2x8x1024xf32, #tpu.memory_space<vmem>>, vector<1x1x16xf32>,
        %get3A_603 = vector.shape_cast %get3A_602 : vector<1x1x16xf32> to vector<16xf32>
        %mul3A_604 = arith.constant 8 : i32
        %mul3A_605 = arith.muli %scan3A_514, %mul3A_604 : i32
        %add3A_606 = arith.constant 0 : i32
        %add3A_607 = arith.addi %mul3A_605, %add3A_606 : i32
        %get3A_608 = arith.index_cast %add3A_607 : i32 to index
        %get3A_609 = arith.constant 0 : index
        %get3A_610 = tpu.vector_load %arg5[%get3A_608, %get3A_609] {strides = array<i32>} : memref<512x128xf32, #tpu.memory_space<vmem>>, vector<1x16xf32>,
        %get3A_611 = vector.shape_cast %get3A_610 : vector<1x16xf32> to vector<16xf32>
        %get3A_612 = arith.index_cast %add3A_607 : i32 to index
        %get3A_613 = arith.constant 16 : index
        %get3A_614 = tpu.vector_load %arg5[%get3A_612, %get3A_613] {strides = array<i32>} : memref<512x128xf32, #tpu.memory_space<vmem>>, vector<1x16xf32>,
        %get3A_615 = vector.shape_cast %get3A_614 : vector<1x16xf32> to vector<16xf32>
        %get3A_616 = arith.index_cast %add3A_607 : i32 to index
        %get3A_617 = arith.constant 32 : index
        %get3A_618 = tpu.vector_load %arg5[%get3A_616, %get3A_617] {strides = array<i32>} : memref<512x128xf32, #tpu.memory_space<vmem>>, vector<1x16xf32>,
        %get3A_619 = vector.shape_cast %get3A_618 : vector<1x16xf32> to vector<16xf32>
        %get3A_620 = arith.index_cast %add3A_607 : i32 to index
        %get3A_621 = arith.constant 48 : index
        %get3A_622 = tpu.vector_load %arg5[%get3A_620, %get3A_621] {strides = array<i32>} : memref<512x128xf32, #tpu.memory_space<vmem>>, vector<1x16xf32>,
        %get3A_623 = vector.shape_cast %get3A_622 : vector<1x16xf32> to vector<16xf32>
        %broadcast_in_dim3A_624 = arith.constant 0 : i32
        %broadcast_in_dim3A_625 = vector.broadcast %broadcast_in_dim3A_624 : i32 to vector<16xi32>
        %reshape3A = vector.shape_cast %broadcast_in_dim3A_625 : vector<16xi32> to vector<16x1xi32>
        %gather3A = vector.shape_cast %reshape3A : vector<16x1xi32> to vector<16xi32>
        %gather3A_626 = tpu.dynamic_gather %get3A_554[%gather3A] in [0] : vector<16xf32>, vector<16xi32> -> vector<16xf32>
        %mul3A_627 = arith.mulf %gather3A_626, %get3A_611 : vector<16xf32>
        %add3A_628 = arith.addf %scan3A_515, %mul3A_627 : vector<16xf32>
        %mul3A_629 = arith.mulf %gather3A_626, %get3A_615 : vector<16xf32>
        %add3A_630 = arith.addf %scan3A_516, %mul3A_629 : vector<16xf32>
        %mul3A_631 = arith.mulf %gather3A_626, %get3A_619 : vector<16xf32>
        %add3A_632 = arith.addf %scan3A_517, %mul3A_631 : vector<16xf32>
        %mul3A_633 = arith.mulf %gather3A_626, %get3A_623 : vector<16xf32>
        %add3A_634 = arith.addf %scan3A_518, %mul3A_633 : vector<16xf32>
        %reshape3A_635 = vector.shape_cast %broadcast_in_dim3A_625 : vector<16xi32> to vector<16x1xi32>
        %gather3A_636 = vector.shape_cast %reshape3A_635 : vector<16x1xi32> to vector<16xi32>
        %gather3A_637 = tpu.dynamic_gather %get3A_561[%gather3A_636] in [0] : vector<16xf32>, vector<16xi32> -> vector<16xf32>
        %mul3A_638 = arith.mulf %gather3A_637, %get3A_611 : vector<16xf32>
        %add3A_639 = arith.addf %scan3A_519, %mul3A_638 : vector<16xf32>
        %mul3A_640 = arith.mulf %gather3A_637, %get3A_615 : vector<16xf32>
        %add3A_641 = arith.addf %scan3A_520, %mul3A_640 : vector<16xf32>
        %mul3A_642 = arith.mulf %gather3A_637, %get3A_619 : vector<16xf32>
        %add3A_643 = arith.addf %scan3A_521, %mul3A_642 : vector<16xf32>
        %mul3A_644 = arith.mulf %gather3A_637, %get3A_623 : vector<16xf32>
        %add3A_645 = arith.addf %scan3A_522, %mul3A_644 : vector<16xf32>
        %reshape3A_646 = vector.shape_cast %broadcast_in_dim3A_625 : vector<16xi32> to vector<16x1xi32>
        %gather3A_647 = vector.shape_cast %reshape3A_646 : vector<16x1xi32> to vector<16xi32>
        %gather3A_648 = tpu.dynamic_gather %get3A_568[%gather3A_647] in [0] : vector<16xf32>, vector<16xi32> -> vector<16xf32>
        %mul3A_649 = arith.mulf %gather3A_648, %get3A_611 : vector<16xf32>
        %add3A_650 = arith.addf %scan3A_523, %mul3A_649 : vector<16xf32>
        %mul3A_651 = arith.mulf %gather3A_648, %get3A_615 : vector<16xf32>
        %add3A_652 = arith.addf %scan3A_524, %mul3A_651 : vector<16xf32>
        %mul3A_653 = arith.mulf %gather3A_648, %get3A_619 : vector<16xf32>
        %add3A_654 = arith.addf %scan3A_525, %mul3A_653 : vector<16xf32>
        %mul3A_655 = arith.mulf %gather3A_648, %get3A_623 : vector<16xf32>
        %add3A_656 = arith.addf %scan3A_526, %mul3A_655 : vector<16xf32>
        %reshape3A_657 = vector.shape_cast %broadcast_in_dim3A_625 : vector<16xi32> to vector<16x1xi32>
        %gather3A_658 = vector.shape_cast %reshape3A_657 : vector<16x1xi32> to vector<16xi32>
        %gather3A_659 = tpu.dynamic_gather %get3A_575[%gather3A_658] in [0] : vector<16xf32>, vector<16xi32> -> vector<16xf32>
        %mul3A_660 = arith.mulf %gather3A_659, %get3A_611 : vector<16xf32>
        %add3A_661 = arith.addf %scan3A_527, %mul3A_660 : vector<16xf32>
        %mul3A_662 = arith.mulf %gather3A_659, %get3A_615 : vector<16xf32>
        %add3A_663 = arith.addf %scan3A_528, %mul3A_662 : vector<16xf32>
        %mul3A_664 = arith.mulf %gather3A_659, %get3A_619 : vector<16xf32>
        %add3A_665 = arith.addf %scan3A_529, %mul3A_664 : vector<16xf32>
        %mul3A_666 = arith.mulf %gather3A_659, %get3A_623 : vector<16xf32>
        %add3A_667 = arith.addf %scan3A_530, %mul3A_666 : vector<16xf32>
        %reshape3A_668 = vector.shape_cast %broadcast_in_dim3A_625 : vector<16xi32> to vector<16x1xi32>
        %gather3A_669 = vector.shape_cast %reshape3A_668 : vector<16x1xi32> to vector<16xi32>
        %gather3A_670 = tpu.dynamic_gather %get3A_582[%gather3A_669] in [0] : vector<16xf32>, vector<16xi32> -> vector<16xf32>
        %mul3A_671 = arith.mulf %gather3A_670, %get3A_611 : vector<16xf32>
        %add3A_672 = arith.addf %scan3A_531, %mul3A_671 : vector<16xf32>
        %mul3A_673 = arith.mulf %gather3A_670, %get3A_615 : vector<16xf32>
        %add3A_674 = arith.addf %scan3A_532, %mul3A_673 : vector<16xf32>
        %mul3A_675 = arith.mulf %gather3A_670, %get3A_619 : vector<16xf32>
        %add3A_676 = arith.addf %scan3A_533, %mul3A_675 : vector<16xf32>
        %mul3A_677 = arith.mulf %gather3A_670, %get3A_623 : vector<16xf32>
        %add3A_678 = arith.addf %scan3A_534, %mul3A_677 : vector<16xf32>
        %reshape3A_679 = vector.shape_cast %broadcast_in_dim3A_625 : vector<16xi32> to vector<16x1xi32>
        %gather3A_680 = vector.shape_cast %reshape3A_679 : vector<16x1xi32> to vector<16xi32>
        %gather3A_681 = tpu.dynamic_gather %get3A_589[%gather3A_680] in [0] : vector<16xf32>, vector<16xi32> -> vector<16xf32>
        %mul3A_682 = arith.mulf %gather3A_681, %get3A_611 : vector<16xf32>
        %add3A_683 = arith.addf %scan3A_535, %mul3A_682 : vector<16xf32>
        %mul3A_684 = arith.mulf %gather3A_681, %get3A_615 : vector<16xf32>
        %add3A_685 = arith.addf %scan3A_536, %mul3A_684 : vector<16xf32>
        %mul3A_686 = arith.mulf %gather3A_681, %get3A_619 : vector<16xf32>
        %add3A_687 = arith.addf %scan3A_537, %mul3A_686 : vector<16xf32>
        %mul3A_688 = arith.mulf %gather3A_681, %get3A_623 : vector<16xf32>
        %add3A_689 = arith.addf %scan3A_538, %mul3A_688 : vector<16xf32>
        %reshape3A_690 = vector.shape_cast %broadcast_in_dim3A_625 : vector<16xi32> to vector<16x1xi32>
        %gather3A_691 = vector.shape_cast %reshape3A_690 : vector<16x1xi32> to vector<16xi32>
        %gather3A_692 = tpu.dynamic_gather %get3A_596[%gather3A_691] in [0] : vector<16xf32>, vector<16xi32> -> vector<16xf32>
        %mul3A_693 = arith.mulf %gather3A_692, %get3A_611 : vector<16xf32>
        %add3A_694 = arith.addf %scan3A_539, %mul3A_693 : vector<16xf32>
        %mul3A_695 = arith.mulf %gather3A_692, %get3A_615 : vector<16xf32>
        %add3A_696 = arith.addf %scan3A_540, %mul3A_695 : vector<16xf32>
        %mul3A_697 = arith.mulf %gather3A_692, %get3A_619 : vector<16xf32>
        %add3A_698 = arith.addf %scan3A_541, %mul3A_697 : vector<16xf32>
        %mul3A_699 = arith.mulf %gather3A_692, %get3A_623 : vector<16xf32>
        %add3A_700 = arith.addf %scan3A_542, %mul3A_699 : vector<16xf32>
        %reshape3A_701 = vector.shape_cast %broadcast_in_dim3A_625 : vector<16xi32> to vector<16x1xi32>
        %gather3A_702 = vector.shape_cast %reshape3A_701 : vector<16x1xi32> to vector<16xi32>
        %gather3A_703 = tpu.dynamic_gather %get3A_603[%gather3A_702] in [0] : vector<16xf32>, vector<16xi32> -> vector<16xf32>
        %mul3A_704 = arith.mulf %gather3A_703, %get3A_611 : vector<16xf32>
        %add3A_705 = arith.addf %scan3A_543, %mul3A_704 : vector<16xf32>
        %mul3A_706 = arith.mulf %gather3A_703, %get3A_615 : vector<16xf32>
        %add3A_707 = arith.addf %scan3A_544, %mul3A_706 : vector<16xf32>
        %mul3A_708 = arith.mulf %gather3A_703, %get3A_619 : vector<16xf32>
        %add3A_709 = arith.addf %scan3A_545, %mul3A_708 : vector<16xf32>
        %mul3A_710 = arith.mulf %gather3A_703, %get3A_623 : vector<16xf32>
        %add3A_711 = arith.addf %scan3A_546, %mul3A_710 : vector<16xf32>
        %mul3A_712 = arith.constant 8 : i32
        %mul3A_713 = arith.muli %scan3A_514, %mul3A_712 : i32
        %add3A_714 = arith.constant 0 : i32
        %add3A_715 = arith.addi %mul3A_713, %add3A_714 : i32
        %get3A_716 = arith.index_cast %add3A_715 : i32 to index
        %get3A_717 = arith.constant 64 : index
        %get3A_718 = tpu.vector_load %arg5[%get3A_716, %get3A_717] {strides = array<i32>} : memref<512x128xf32, #tpu.memory_space<vmem>>, vector<1x16xf32>,
        %get3A_719 = vector.shape_cast %get3A_718 : vector<1x16xf32> to vector<16xf32>
        %get3A_720 = arith.index_cast %add3A_715 : i32 to index
        %get3A_721 = arith.constant 80 : index
        %get3A_722 = tpu.vector_load %arg5[%get3A_720, %get3A_721] {strides = array<i32>} : memref<512x128xf32, #tpu.memory_space<vmem>>, vector<1x16xf32>,
        %get3A_723 = vector.shape_cast %get3A_722 : vector<1x16xf32> to vector<16xf32>
        %get3A_724 = arith.index_cast %add3A_715 : i32 to index
        %get3A_725 = arith.constant 96 : index
        %get3A_726 = tpu.vector_load %arg5[%get3A_724, %get3A_725] {strides = array<i32>} : memref<512x128xf32, #tpu.memory_space<vmem>>, vector<1x16xf32>,
        %get3A_727 = vector.shape_cast %get3A_726 : vector<1x16xf32> to vector<16xf32>
        %get3A_728 = arith.index_cast %add3A_715 : i32 to index
        %get3A_729 = arith.constant 112 : index
        %get3A_730 = tpu.vector_load %arg5[%get3A_728, %get3A_729] {strides = array<i32>} : memref<512x128xf32, #tpu.memory_space<vmem>>, vector<1x16xf32>,
        %get3A_731 = vector.shape_cast %get3A_730 : vector<1x16xf32> to vector<16xf32>
        %broadcast_in_dim3A_732 = arith.constant 1 : i32
        %broadcast_in_dim3A_733 = vector.broadcast %broadcast_in_dim3A_732 : i32 to vector<16xi32>
        %reshape3A_734 = vector.shape_cast %broadcast_in_dim3A_733 : vector<16xi32> to vector<16x1xi32>
        %gather3A_735 = vector.shape_cast %reshape3A_734 : vector<16x1xi32> to vector<16xi32>
        %gather3A_736 = tpu.dynamic_gather %get3A_554[%gather3A_735] in [0] : vector<16xf32>, vector<16xi32> -> vector<16xf32>
        %mul3A_737 = arith.mulf %gather3A_736, %get3A_719 : vector<16xf32>
        %add3A_738 = arith.addf %add3A_628, %mul3A_737 : vector<16xf32>
        %mul3A_739 = arith.mulf %gather3A_736, %get3A_723 : vector<16xf32>
        %add3A_740 = arith.addf %add3A_630, %mul3A_739 : vector<16xf32>
        %mul3A_741 = arith.mulf %gather3A_736, %get3A_727 : vector<16xf32>
        %add3A_742 = arith.addf %add3A_632, %mul3A_741 : vector<16xf32>
        %mul3A_743 = arith.mulf %gather3A_736, %get3A_731 : vector<16xf32>
        %add3A_744 = arith.addf %add3A_634, %mul3A_743 : vector<16xf32>
        %reshape3A_745 = vector.shape_cast %broadcast_in_dim3A_733 : vector<16xi32> to vector<16x1xi32>
        %gather3A_746 = vector.shape_cast %reshape3A_745 : vector<16x1xi32> to vector<16xi32>
        %gather3A_747 = tpu.dynamic_gather %get3A_561[%gather3A_746] in [0] : vector<16xf32>, vector<16xi32> -> vector<16xf32>
        %mul3A_748 = arith.mulf %gather3A_747, %get3A_719 : vector<16xf32>
        %add3A_749 = arith.addf %add3A_639, %mul3A_748 : vector<16xf32>
        %mul3A_750 = arith.mulf %gather3A_747, %get3A_723 : vector<16xf32>
        %add3A_751 = arith.addf %add3A_641, %mul3A_750 : vector<16xf32>
        %mul3A_752 = arith.mulf %gather3A_747, %get3A_727 : vector<16xf32>
        %add3A_753 = arith.addf %add3A_643, %mul3A_752 : vector<16xf32>
        %mul3A_754 = arith.mulf %gather3A_747, %get3A_731 : vector<16xf32>
        %add3A_755 = arith.addf %add3A_645, %mul3A_754 : vector<16xf32>
        %reshape3A_756 = vector.shape_cast %broadcast_in_dim3A_733 : vector<16xi32> to vector<16x1xi32>
        %gather3A_757 = vector.shape_cast %reshape3A_756 : vector<16x1xi32> to vector<16xi32>
        %gather3A_758 = tpu.dynamic_gather %get3A_568[%gather3A_757] in [0] : vector<16xf32>, vector<16xi32> -> vector<16xf32>
        %mul3A_759 = arith.mulf %gather3A_758, %get3A_719 : vector<16xf32>
        %add3A_760 = arith.addf %add3A_650, %mul3A_759 : vector<16xf32>
        %mul3A_761 = arith.mulf %gather3A_758, %get3A_723 : vector<16xf32>
        %add3A_762 = arith.addf %add3A_652, %mul3A_761 : vector<16xf32>
        %mul3A_763 = arith.mulf %gather3A_758, %get3A_727 : vector<16xf32>
        %add3A_764 = arith.addf %add3A_654, %mul3A_763 : vector<16xf32>
        %mul3A_765 = arith.mulf %gather3A_758, %get3A_731 : vector<16xf32>
        %add3A_766 = arith.addf %add3A_656, %mul3A_765 : vector<16xf32>
        %reshape3A_767 = vector.shape_cast %broadcast_in_dim3A_733 : vector<16xi32> to vector<16x1xi32>
        %gather3A_768 = vector.shape_cast %reshape3A_767 : vector<16x1xi32> to vector<16xi32>
        %gather3A_769 = tpu.dynamic_gather %get3A_575[%gather3A_768] in [0] : vector<16xf32>, vector<16xi32> -> vector<16xf32>
        %mul3A_770 = arith.mulf %gather3A_769, %get3A_719 : vector<16xf32>
        %add3A_771 = arith.addf %add3A_661, %mul3A_770 : vector<16xf32>
        %mul3A_772 = arith.mulf %gather3A_769, %get3A_723 : vector<16xf32>
        %add3A_773 = arith.addf %add3A_663, %mul3A_772 : vector<16xf32>
        %mul3A_774 = arith.mulf %gather3A_769, %get3A_727 : vector<16xf32>
        %add3A_775 = arith.addf %add3A_665, %mul3A_774 : vector<16xf32>
        %mul3A_776 = arith.mulf %gather3A_769, %get3A_731 : vector<16xf32>
        %add3A_777 = arith.addf %add3A_667, %mul3A_776 : vector<16xf32>
        %reshape3A_778 = vector.shape_cast %broadcast_in_dim3A_733 : vector<16xi32> to vector<16x1xi32>
        %gather3A_779 = vector.shape_cast %reshape3A_778 : vector<16x1xi32> to vector<16xi32>
        %gather3A_780 = tpu.dynamic_gather %get3A_582[%gather3A_779] in [0] : vector<16xf32>, vector<16xi32> -> vector<16xf32>
        %mul3A_781 = arith.mulf %gather3A_780, %get3A_719 : vector<16xf32>
        %add3A_782 = arith.addf %add3A_672, %mul3A_781 : vector<16xf32>
        %mul3A_783 = arith.mulf %gather3A_780, %get3A_723 : vector<16xf32>
        %add3A_784 = arith.addf %add3A_674, %mul3A_783 : vector<16xf32>
        %mul3A_785 = arith.mulf %gather3A_780, %get3A_727 : vector<16xf32>
        %add3A_786 = arith.addf %add3A_676, %mul3A_785 : vector<16xf32>
        %mul3A_787 = arith.mulf %gather3A_780, %get3A_731 : vector<16xf32>
        %add3A_788 = arith.addf %add3A_678, %mul3A_787 : vector<16xf32>
        %reshape3A_789 = vector.shape_cast %broadcast_in_dim3A_733 : vector<16xi32> to vector<16x1xi32>
        %gather3A_790 = vector.shape_cast %reshape3A_789 : vector<16x1xi32> to vector<16xi32>
        %gather3A_791 = tpu.dynamic_gather %get3A_589[%gather3A_790] in [0] : vector<16xf32>, vector<16xi32> -> vector<16xf32>
        %mul3A_792 = arith.mulf %gather3A_791, %get3A_719 : vector<16xf32>
        %add3A_793 = arith.addf %add3A_683, %mul3A_792 : vector<16xf32>
        %mul3A_794 = arith.mulf %gather3A_791, %get3A_723 : vector<16xf32>
        %add3A_795 = arith.addf %add3A_685, %mul3A_794 : vector<16xf32>
        %mul3A_796 = arith.mulf %gather3A_791, %get3A_727 : vector<16xf32>
        %add3A_797 = arith.addf %add3A_687, %mul3A_796 : vector<16xf32>
        %mul3A_798 = arith.mulf %gather3A_791, %get3A_731 : vector<16xf32>
        %add3A_799 = arith.addf %add3A_689, %mul3A_798 : vector<16xf32>
        %reshape3A_800 = vector.shape_cast %broadcast_in_dim3A_733 : vector<16xi32> to vector<16x1xi32>
        %gather3A_801 = vector.shape_cast %reshape3A_800 : vector<16x1xi32> to vector<16xi32>
        %gather3A_802 = tpu.dynamic_gather %get3A_596[%gather3A_801] in [0] : vector<16xf32>, vector<16xi32> -> vector<16xf32>
        %mul3A_803 = arith.mulf %gather3A_802, %get3A_719 : vector<16xf32>
        %add3A_804 = arith.addf %add3A_694, %mul3A_803 : vector<16xf32>
        %mul3A_805 = arith.mulf %gather3A_802, %get3A_723 : vector<16xf32>
        %add3A_806 = arith.addf %add3A_696, %mul3A_805 : vector<16xf32>
        %mul3A_807 = arith.mulf %gather3A_802, %get3A_727 : vector<16xf32>
        %add3A_808 = arith.addf %add3A_698, %mul3A_807 : vector<16xf32>
        %mul3A_809 = arith.mulf %gather3A_802, %get3A_731 : vector<16xf32>
        %add3A_810 = arith.addf %add3A_700, %mul3A_809 : vector<16xf32>
        %reshape3A_811 = vector.shape_cast %broadcast_in_dim3A_733 : vector<16xi32> to vector<16x1xi32>
        %gather3A_812 = vector.shape_cast %reshape3A_811 : vector<16x1xi32> to vector<16xi32>
        %gather3A_813 = tpu.dynamic_gather %get3A_603[%gather3A_812] in [0] : vector<16xf32>, vector<16xi32> -> vector<16xf32>
        %mul3A_814 = arith.mulf %gather3A_813, %get3A_719 : vector<16xf32>
        %add3A_815 = arith.addf %add3A_705, %mul3A_814 : vector<16xf32>
        %mul3A_816 = arith.mulf %gather3A_813, %get3A_723 : vector<16xf32>
        %add3A_817 = arith.addf %add3A_707, %mul3A_816 : vector<16xf32>
        %mul3A_818 = arith.mulf %gather3A_813, %get3A_727 : vector<16xf32>
        %add3A_819 = arith.addf %add3A_709, %mul3A_818 : vector<16xf32>
        %mul3A_820 = arith.mulf %gather3A_813, %get3A_731 : vector<16xf32>
        %add3A_821 = arith.addf %add3A_711, %mul3A_820 : vector<16xf32>
        %mul3A_822 = arith.constant 8 : i32
        %mul3A_823 = arith.muli %scan3A_514, %mul3A_822 : i32
        %add3A_824 = arith.constant 1 : i32
        %add3A_825 = arith.addi %mul3A_823, %add3A_824 : i32
        %get3A_826 = arith.index_cast %add3A_825 : i32 to index
        %get3A_827 = arith.constant 0 : index
        %get3A_828 = tpu.vector_load %arg5[%get3A_826, %get3A_827] {strides = array<i32>} : memref<512x128xf32, #tpu.memory_space<vmem>>, vector<1x16xf32>,
        %get3A_829 = vector.shape_cast %get3A_828 : vector<1x16xf32> to vector<16xf32>
        %get3A_830 = arith.index_cast %add3A_825 : i32 to index
        %get3A_831 = arith.constant 16 : index
        %get3A_832 = tpu.vector_load %arg5[%get3A_830, %get3A_831] {strides = array<i32>} : memref<512x128xf32, #tpu.memory_space<vmem>>, vector<1x16xf32>,
        %get3A_833 = vector.shape_cast %get3A_832 : vector<1x16xf32> to vector<16xf32>
        %get3A_834 = arith.index_cast %add3A_825 : i32 to index
        %get3A_835 = arith.constant 32 : index
        %get3A_836 = tpu.vector_load %arg5[%get3A_834, %get3A_835] {strides = array<i32>} : memref<512x128xf32, #tpu.memory_space<vmem>>, vector<1x16xf32>,
        %get3A_837 = vector.shape_cast %get3A_836 : vector<1x16xf32> to vector<16xf32>
        %get3A_838 = arith.index_cast %add3A_825 : i32 to index
        %get3A_839 = arith.constant 48 : index
        %get3A_840 = tpu.vector_load %arg5[%get3A_838, %get3A_839] {strides = array<i32>} : memref<512x128xf32, #tpu.memory_space<vmem>>, vector<1x16xf32>,
        %get3A_841 = vector.shape_cast %get3A_840 : vector<1x16xf32> to vector<16xf32>
        %broadcast_in_dim3A_842 = arith.constant 2 : i32
        %broadcast_in_dim3A_843 = vector.broadcast %broadcast_in_dim3A_842 : i32 to vector<16xi32>
        %reshape3A_844 = vector.shape_cast %broadcast_in_dim3A_843 : vector<16xi32> to vector<16x1xi32>
        %gather3A_845 = vector.shape_cast %reshape3A_844 : vector<16x1xi32> to vector<16xi32>
        %gather3A_846 = tpu.dynamic_gather %get3A_554[%gather3A_845] in [0] : vector<16xf32>, vector<16xi32> -> vector<16xf32>
        %mul3A_847 = arith.mulf %gather3A_846, %get3A_829 : vector<16xf32>
        %add3A_848 = arith.addf %add3A_738, %mul3A_847 : vector<16xf32>
        %mul3A_849 = arith.mulf %gather3A_846, %get3A_833 : vector<16xf32>
        %add3A_850 = arith.addf %add3A_740, %mul3A_849 : vector<16xf32>
        %mul3A_851 = arith.mulf %gather3A_846, %get3A_837 : vector<16xf32>
        %add3A_852 = arith.addf %add3A_742, %mul3A_851 : vector<16xf32>
        %mul3A_853 = arith.mulf %gather3A_846, %get3A_841 : vector<16xf32>
        %add3A_854 = arith.addf %add3A_744, %mul3A_853 : vector<16xf32>
        %reshape3A_855 = vector.shape_cast %broadcast_in_dim3A_843 : vector<16xi32> to vector<16x1xi32>
        %gather3A_856 = vector.shape_cast %reshape3A_855 : vector<16x1xi32> to vector<16xi32>
        %gather3A_857 = tpu.dynamic_gather %get3A_561[%gather3A_856] in [0] : vector<16xf32>, vector<16xi32> -> vector<16xf32>
        %mul3A_858 = arith.mulf %gather3A_857, %get3A_829 : vector<16xf32>
        %add3A_859 = arith.addf %add3A_749, %mul3A_858 : vector<16xf32>
        %mul3A_860 = arith.mulf %gather3A_857, %get3A_833 : vector<16xf32>
        %add3A_861 = arith.addf %add3A_751, %mul3A_860 : vector<16xf32>
        %mul3A_862 = arith.mulf %gather3A_857, %get3A_837 : vector<16xf32>
        %add3A_863 = arith.addf %add3A_753, %mul3A_862 : vector<16xf32>
        %mul3A_864 = arith.mulf %gather3A_857, %get3A_841 : vector<16xf32>
        %add3A_865 = arith.addf %add3A_755, %mul3A_864 : vector<16xf32>
        %reshape3A_866 = vector.shape_cast %broadcast_in_dim3A_843 : vector<16xi32> to vector<16x1xi32>
        %gather3A_867 = vector.shape_cast %reshape3A_866 : vector<16x1xi32> to vector<16xi32>
        %gather3A_868 = tpu.dynamic_gather %get3A_568[%gather3A_867] in [0] : vector<16xf32>, vector<16xi32> -> vector<16xf32>
        %mul3A_869 = arith.mulf %gather3A_868, %get3A_829 : vector<16xf32>
        %add3A_870 = arith.addf %add3A_760, %mul3A_869 : vector<16xf32>
        %mul3A_871 = arith.mulf %gather3A_868, %get3A_833 : vector<16xf32>
        %add3A_872 = arith.addf %add3A_762, %mul3A_871 : vector<16xf32>
        %mul3A_873 = arith.mulf %gather3A_868, %get3A_837 : vector<16xf32>
        %add3A_874 = arith.addf %add3A_764, %mul3A_873 : vector<16xf32>
        %mul3A_875 = arith.mulf %gather3A_868, %get3A_841 : vector<16xf32>
        %add3A_876 = arith.addf %add3A_766, %mul3A_875 : vector<16xf32>
        %reshape3A_877 = vector.shape_cast %broadcast_in_dim3A_843 : vector<16xi32> to vector<16x1xi32>
        %gather3A_878 = vector.shape_cast %reshape3A_877 : vector<16x1xi32> to vector<16xi32>
        %gather3A_879 = tpu.dynamic_gather %get3A_575[%gather3A_878] in [0] : vector<16xf32>, vector<16xi32> -> vector<16xf32>
        %mul3A_880 = arith.mulf %gather3A_879, %get3A_829 : vector<16xf32>
        %add3A_881 = arith.addf %add3A_771, %mul3A_880 : vector<16xf32>
        %mul3A_882 = arith.mulf %gather3A_879, %get3A_833 : vector<16xf32>
        %add3A_883 = arith.addf %add3A_773, %mul3A_882 : vector<16xf32>
        %mul3A_884 = arith.mulf %gather3A_879, %get3A_837 : vector<16xf32>
        %add3A_885 = arith.addf %add3A_775, %mul3A_884 : vector<16xf32>
        %mul3A_886 = arith.mulf %gather3A_879, %get3A_841 : vector<16xf32>
        %add3A_887 = arith.addf %add3A_777, %mul3A_886 : vector<16xf32>
        %reshape3A_888 = vector.shape_cast %broadcast_in_dim3A_843 : vector<16xi32> to vector<16x1xi32>
        %gather3A_889 = vector.shape_cast %reshape3A_888 : vector<16x1xi32> to vector<16xi32>
        %gather3A_890 = tpu.dynamic_gather %get3A_582[%gather3A_889] in [0] : vector<16xf32>, vector<16xi32> -> vector<16xf32>
        %mul3A_891 = arith.mulf %gather3A_890, %get3A_829 : vector<16xf32>
        %add3A_892 = arith.addf %add3A_782, %mul3A_891 : vector<16xf32>
        %mul3A_893 = arith.mulf %gather3A_890, %get3A_833 : vector<16xf32>
        %add3A_894 = arith.addf %add3A_784, %mul3A_893 : vector<16xf32>
        %mul3A_895 = arith.mulf %gather3A_890, %get3A_837 : vector<16xf32>
        %add3A_896 = arith.addf %add3A_786, %mul3A_895 : vector<16xf32>
        %mul3A_897 = arith.mulf %gather3A_890, %get3A_841 : vector<16xf32>
        %add3A_898 = arith.addf %add3A_788, %mul3A_897 : vector<16xf32>
        %reshape3A_899 = vector.shape_cast %broadcast_in_dim3A_843 : vector<16xi32> to vector<16x1xi32>
        %gather3A_900 = vector.shape_cast %reshape3A_899 : vector<16x1xi32> to vector<16xi32>
        %gather3A_901 = tpu.dynamic_gather %get3A_589[%gather3A_900] in [0] : vector<16xf32>, vector<16xi32> -> vector<16xf32>
        %mul3A_902 = arith.mulf %gather3A_901, %get3A_829 : vector<16xf32>
        %add3A_903 = arith.addf %add3A_793, %mul3A_902 : vector<16xf32>
        %mul3A_904 = arith.mulf %gather3A_901, %get3A_833 : vector<16xf32>
        %add3A_905 = arith.addf %add3A_795, %mul3A_904 : vector<16xf32>
        %mul3A_906 = arith.mulf %gather3A_901, %get3A_837 : vector<16xf32>
        %add3A_907 = arith.addf %add3A_797, %mul3A_906 : vector<16xf32>
        %mul3A_908 = arith.mulf %gather3A_901, %get3A_841 : vector<16xf32>
        %add3A_909 = arith.addf %add3A_799, %mul3A_908 : vector<16xf32>
        %reshape3A_910 = vector.shape_cast %broadcast_in_dim3A_843 : vector<16xi32> to vector<16x1xi32>
        %gather3A_911 = vector.shape_cast %reshape3A_910 : vector<16x1xi32> to vector<16xi32>
        %gather3A_912 = tpu.dynamic_gather %get3A_596[%gather3A_911] in [0] : vector<16xf32>, vector<16xi32> -> vector<16xf32>
        %mul3A_913 = arith.mulf %gather3A_912, %get3A_829 : vector<16xf32>
        %add3A_914 = arith.addf %add3A_804, %mul3A_913 : vector<16xf32>
        %mul3A_915 = arith.mulf %gather3A_912, %get3A_833 : vector<16xf32>
        %add3A_916 = arith.addf %add3A_806, %mul3A_915 : vector<16xf32>
        %mul3A_917 = arith.mulf %gather3A_912, %get3A_837 : vector<16xf32>
        %add3A_918 = arith.addf %add3A_808, %mul3A_917 : vector<16xf32>
        %mul3A_919 = arith.mulf %gather3A_912, %get3A_841 : vector<16xf32>
        %add3A_920 = arith.addf %add3A_810, %mul3A_919 : vector<16xf32>
        %reshape3A_921 = vector.shape_cast %broadcast_in_dim3A_843 : vector<16xi32> to vector<16x1xi32>
        %gather3A_922 = vector.shape_cast %reshape3A_921 : vector<16x1xi32> to vector<16xi32>
        %gather3A_923 = tpu.dynamic_gather %get3A_603[%gather3A_922] in [0] : vector<16xf32>, vector<16xi32> -> vector<16xf32>
        %mul3A_924 = arith.mulf %gather3A_923, %get3A_829 : vector<16xf32>
        %add3A_925 = arith.addf %add3A_815, %mul3A_924 : vector<16xf32>
        %mul3A_926 = arith.mulf %gather3A_923, %get3A_833 : vector<16xf32>
        %add3A_927 = arith.addf %add3A_817, %mul3A_926 : vector<16xf32>
        %mul3A_928 = arith.mulf %gather3A_923, %get3A_837 : vector<16xf32>
        %add3A_929 = arith.addf %add3A_819, %mul3A_928 : vector<16xf32>
        %mul3A_930 = arith.mulf %gather3A_923, %get3A_841 : vector<16xf32>
        %add3A_931 = arith.addf %add3A_821, %mul3A_930 : vector<16xf32>
        %mul3A_932 = arith.constant 8 : i32
        %mul3A_933 = arith.muli %scan3A_514, %mul3A_932 : i32
        %add3A_934 = arith.constant 1 : i32
        %add3A_935 = arith.addi %mul3A_933, %add3A_934 : i32
        %get3A_936 = arith.index_cast %add3A_935 : i32 to index
        %get3A_937 = arith.constant 64 : index
        %get3A_938 = tpu.vector_load %arg5[%get3A_936, %get3A_937] {strides = array<i32>} : memref<512x128xf32, #tpu.memory_space<vmem>>, vector<1x16xf32>,
        %get3A_939 = vector.shape_cast %get3A_938 : vector<1x16xf32> to vector<16xf32>
        %get3A_940 = arith.index_cast %add3A_935 : i32 to index
        %get3A_941 = arith.constant 80 : index
        %get3A_942 = tpu.vector_load %arg5[%get3A_940, %get3A_941] {strides = array<i32>} : memref<512x128xf32, #tpu.memory_space<vmem>>, vector<1x16xf32>,
        %get3A_943 = vector.shape_cast %get3A_942 : vector<1x16xf32> to vector<16xf32>
        %get3A_944 = arith.index_cast %add3A_935 : i32 to index
        %get3A_945 = arith.constant 96 : index
        %get3A_946 = tpu.vector_load %arg5[%get3A_944, %get3A_945] {strides = array<i32>} : memref<512x128xf32, #tpu.memory_space<vmem>>, vector<1x16xf32>,
        %get3A_947 = vector.shape_cast %get3A_946 : vector<1x16xf32> to vector<16xf32>
        %get3A_948 = arith.index_cast %add3A_935 : i32 to index
        %get3A_949 = arith.constant 112 : index
        %get3A_950 = tpu.vector_load %arg5[%get3A_948, %get3A_949] {strides = array<i32>} : memref<512x128xf32, #tpu.memory_space<vmem>>, vector<1x16xf32>,
        %get3A_951 = vector.shape_cast %get3A_950 : vector<1x16xf32> to vector<16xf32>
        %broadcast_in_dim3A_952 = arith.constant 3 : i32
        %broadcast_in_dim3A_953 = vector.broadcast %broadcast_in_dim3A_952 : i32 to vector<16xi32>
        %reshape3A_954 = vector.shape_cast %broadcast_in_dim3A_953 : vector<16xi32> to vector<16x1xi32>
        %gather3A_955 = vector.shape_cast %reshape3A_954 : vector<16x1xi32> to vector<16xi32>
        %gather3A_956 = tpu.dynamic_gather %get3A_554[%gather3A_955] in [0] : vector<16xf32>, vector<16xi32> -> vector<16xf32>
        %mul3A_957 = arith.mulf %gather3A_956, %get3A_939 : vector<16xf32>
        %add3A_958 = arith.addf %add3A_848, %mul3A_957 : vector<16xf32>
        %mul3A_959 = arith.mulf %gather3A_956, %get3A_943 : vector<16xf32>
        %add3A_960 = arith.addf %add3A_850, %mul3A_959 : vector<16xf32>
        %mul3A_961 = arith.mulf %gather3A_956, %get3A_947 : vector<16xf32>
        %add3A_962 = arith.addf %add3A_852, %mul3A_961 : vector<16xf32>
        %mul3A_963 = arith.mulf %gather3A_956, %get3A_951 : vector<16xf32>
        %add3A_964 = arith.addf %add3A_854, %mul3A_963 : vector<16xf32>
        %reshape3A_965 = vector.shape_cast %broadcast_in_dim3A_953 : vector<16xi32> to vector<16x1xi32>
        %gather3A_966 = vector.shape_cast %reshape3A_965 : vector<16x1xi32> to vector<16xi32>
        %gather3A_967 = tpu.dynamic_gather %get3A_561[%gather3A_966] in [0] : vector<16xf32>, vector<16xi32> -> vector<16xf32>
        %mul3A_968 = arith.mulf %gather3A_967, %get3A_939 : vector<16xf32>
        %add3A_969 = arith.addf %add3A_859, %mul3A_968 : vector<16xf32>
        %mul3A_970 = arith.mulf %gather3A_967, %get3A_943 : vector<16xf32>
        %add3A_971 = arith.addf %add3A_861, %mul3A_970 : vector<16xf32>
        %mul3A_972 = arith.mulf %gather3A_967, %get3A_947 : vector<16xf32>
        %add3A_973 = arith.addf %add3A_863, %mul3A_972 : vector<16xf32>
        %mul3A_974 = arith.mulf %gather3A_967, %get3A_951 : vector<16xf32>
        %add3A_975 = arith.addf %add3A_865, %mul3A_974 : vector<16xf32>
        %reshape3A_976 = vector.shape_cast %broadcast_in_dim3A_953 : vector<16xi32> to vector<16x1xi32>
        %gather3A_977 = vector.shape_cast %reshape3A_976 : vector<16x1xi32> to vector<16xi32>
        %gather3A_978 = tpu.dynamic_gather %get3A_568[%gather3A_977] in [0] : vector<16xf32>, vector<16xi32> -> vector<16xf32>
        %mul3A_979 = arith.mulf %gather3A_978, %get3A_939 : vector<16xf32>
        %add3A_980 = arith.addf %add3A_870, %mul3A_979 : vector<16xf32>
        %mul3A_981 = arith.mulf %gather3A_978, %get3A_943 : vector<16xf32>
        %add3A_982 = arith.addf %add3A_872, %mul3A_981 : vector<16xf32>
        %mul3A_983 = arith.mulf %gather3A_978, %get3A_947 : vector<16xf32>
        %add3A_984 = arith.addf %add3A_874, %mul3A_983 : vector<16xf32>
        %mul3A_985 = arith.mulf %gather3A_978, %get3A_951 : vector<16xf32>
        %add3A_986 = arith.addf %add3A_876, %mul3A_985 : vector<16xf32>
        %reshape3A_987 = vector.shape_cast %broadcast_in_dim3A_953 : vector<16xi32> to vector<16x1xi32>
        %gather3A_988 = vector.shape_cast %reshape3A_987 : vector<16x1xi32> to vector<16xi32>
        %gather3A_989 = tpu.dynamic_gather %get3A_575[%gather3A_988] in [0] : vector<16xf32>, vector<16xi32> -> vector<16xf32>
        %mul3A_990 = arith.mulf %gather3A_989, %get3A_939 : vector<16xf32>
        %add3A_991 = arith.addf %add3A_881, %mul3A_990 : vector<16xf32>
        %mul3A_992 = arith.mulf %gather3A_989, %get3A_943 : vector<16xf32>
        %add3A_993 = arith.addf %add3A_883, %mul3A_992 : vector<16xf32>
        %mul3A_994 = arith.mulf %gather3A_989, %get3A_947 : vector<16xf32>
        %add3A_995 = arith.addf %add3A_885, %mul3A_994 : vector<16xf32>
        %mul3A_996 = arith.mulf %gather3A_989, %get3A_951 : vector<16xf32>
        %add3A_997 = arith.addf %add3A_887, %mul3A_996 : vector<16xf32>
        %reshape3A_998 = vector.shape_cast %broadcast_in_dim3A_953 : vector<16xi32> to vector<16x1xi32>
        %gather3A_999 = vector.shape_cast %reshape3A_998 : vector<16x1xi32> to vector<16xi32>
        %gather3A_1000 = tpu.dynamic_gather %get3A_582[%gather3A_999] in [0] : vector<16xf32>, vector<16xi32> -> vector<16xf32>
        %mul3A_1001 = arith.mulf %gather3A_1000, %get3A_939 : vector<16xf32>
        %add3A_1002 = arith.addf %add3A_892, %mul3A_1001 : vector<16xf32>
        %mul3A_1003 = arith.mulf %gather3A_1000, %get3A_943 : vector<16xf32>
        %add3A_1004 = arith.addf %add3A_894, %mul3A_1003 : vector<16xf32>
        %mul3A_1005 = arith.mulf %gather3A_1000, %get3A_947 : vector<16xf32>
        %add3A_1006 = arith.addf %add3A_896, %mul3A_1005 : vector<16xf32>
        %mul3A_1007 = arith.mulf %gather3A_1000, %get3A_951 : vector<16xf32>
        %add3A_1008 = arith.addf %add3A_898, %mul3A_1007 : vector<16xf32>
        %reshape3A_1009 = vector.shape_cast %broadcast_in_dim3A_953 : vector<16xi32> to vector<16x1xi32>
        %gather3A_1010 = vector.shape_cast %reshape3A_1009 : vector<16x1xi32> to vector<16xi32>
        %gather3A_1011 = tpu.dynamic_gather %get3A_589[%gather3A_1010] in [0] : vector<16xf32>, vector<16xi32> -> vector<16xf32>
        %mul3A_1012 = arith.mulf %gather3A_1011, %get3A_939 : vector<16xf32>
        %add3A_1013 = arith.addf %add3A_903, %mul3A_1012 : vector<16xf32>
        %mul3A_1014 = arith.mulf %gather3A_1011, %get3A_943 : vector<16xf32>
        %add3A_1015 = arith.addf %add3A_905, %mul3A_1014 : vector<16xf32>
        %mul3A_1016 = arith.mulf %gather3A_1011, %get3A_947 : vector<16xf32>
        %add3A_1017 = arith.addf %add3A_907, %mul3A_1016 : vector<16xf32>
        %mul3A_1018 = arith.mulf %gather3A_1011, %get3A_951 : vector<16xf32>
        %add3A_1019 = arith.addf %add3A_909, %mul3A_1018 : vector<16xf32>
        %reshape3A_1020 = vector.shape_cast %broadcast_in_dim3A_953 : vector<16xi32> to vector<16x1xi32>
        %gather3A_1021 = vector.shape_cast %reshape3A_1020 : vector<16x1xi32> to vector<16xi32>
        %gather3A_1022 = tpu.dynamic_gather %get3A_596[%gather3A_1021] in [0] : vector<16xf32>, vector<16xi32> -> vector<16xf32>
        %mul3A_1023 = arith.mulf %gather3A_1022, %get3A_939 : vector<16xf32>
        %add3A_1024 = arith.addf %add3A_914, %mul3A_1023 : vector<16xf32>
        %mul3A_1025 = arith.mulf %gather3A_1022, %get3A_943 : vector<16xf32>
        %add3A_1026 = arith.addf %add3A_916, %mul3A_1025 : vector<16xf32>
        %mul3A_1027 = arith.mulf %gather3A_1022, %get3A_947 : vector<16xf32>
        %add3A_1028 = arith.addf %add3A_918, %mul3A_1027 : vector<16xf32>
        %mul3A_1029 = arith.mulf %gather3A_1022, %get3A_951 : vector<16xf32>
        %add3A_1030 = arith.addf %add3A_920, %mul3A_1029 : vector<16xf32>
        %reshape3A_1031 = vector.shape_cast %broadcast_in_dim3A_953 : vector<16xi32> to vector<16x1xi32>
        %gather3A_1032 = vector.shape_cast %reshape3A_1031 : vector<16x1xi32> to vector<16xi32>
        %gather3A_1033 = tpu.dynamic_gather %get3A_603[%gather3A_1032] in [0] : vector<16xf32>, vector<16xi32> -> vector<16xf32>
        %mul3A_1034 = arith.mulf %gather3A_1033, %get3A_939 : vector<16xf32>
        %add3A_1035 = arith.addf %add3A_925, %mul3A_1034 : vector<16xf32>
        %mul3A_1036 = arith.mulf %gather3A_1033, %get3A_943 : vector<16xf32>
        %add3A_1037 = arith.addf %add3A_927, %mul3A_1036 : vector<16xf32>
        %mul3A_1038 = arith.mulf %gather3A_1033, %get3A_947 : vector<16xf32>
        %add3A_1039 = arith.addf %add3A_929, %mul3A_1038 : vector<16xf32>
        %mul3A_1040 = arith.mulf %gather3A_1033, %get3A_951 : vector<16xf32>
        %add3A_1041 = arith.addf %add3A_931, %mul3A_1040 : vector<16xf32>
        %mul3A_1042 = arith.constant 8 : i32
        %mul3A_1043 = arith.muli %scan3A_514, %mul3A_1042 : i32
        %add3A_1044 = arith.constant 2 : i32
        %add3A_1045 = arith.addi %mul3A_1043, %add3A_1044 : i32
        %get3A_1046 = arith.index_cast %add3A_1045 : i32 to index
        %get3A_1047 = arith.constant 0 : index
        %get3A_1048 = tpu.vector_load %arg5[%get3A_1046, %get3A_1047] {strides = array<i32>} : memref<512x128xf32, #tpu.memory_space<vmem>>, vector<1x16xf32>,
        %get3A_1049 = vector.shape_cast %get3A_1048 : vector<1x16xf32> to vector<16xf32>
        %get3A_1050 = arith.index_cast %add3A_1045 : i32 to index
        %get3A_1051 = arith.constant 16 : index
        %get3A_1052 = tpu.vector_load %arg5[%get3A_1050, %get3A_1051] {strides = array<i32>} : memref<512x128xf32, #tpu.memory_space<vmem>>, vector<1x16xf32>,
        %get3A_1053 = vector.shape_cast %get3A_1052 : vector<1x16xf32> to vector<16xf32>
        %get3A_1054 = arith.index_cast %add3A_1045 : i32 to index
        %get3A_1055 = arith.constant 32 : index
        %get3A_1056 = tpu.vector_load %arg5[%get3A_1054, %get3A_1055] {strides = array<i32>} : memref<512x128xf32, #tpu.memory_space<vmem>>, vector<1x16xf32>,
        %get3A_1057 = vector.shape_cast %get3A_1056 : vector<1x16xf32> to vector<16xf32>
        %get3A_1058 = arith.index_cast %add3A_1045 : i32 to index
        %get3A_1059 = arith.constant 48 : index
        %get3A_1060 = tpu.vector_load %arg5[%get3A_1058, %get3A_1059] {strides = array<i32>} : memref<512x128xf32, #tpu.memory_space<vmem>>, vector<1x16xf32>,
        %get3A_1061 = vector.shape_cast %get3A_1060 : vector<1x16xf32> to vector<16xf32>
        %broadcast_in_dim3A_1062 = arith.constant 4 : i32
        %broadcast_in_dim3A_1063 = vector.broadcast %broadcast_in_dim3A_1062 : i32 to vector<16xi32>
        %reshape3A_1064 = vector.shape_cast %broadcast_in_dim3A_1063 : vector<16xi32> to vector<16x1xi32>
        %gather3A_1065 = vector.shape_cast %reshape3A_1064 : vector<16x1xi32> to vector<16xi32>
        %gather3A_1066 = tpu.dynamic_gather %get3A_554[%gather3A_1065] in [0] : vector<16xf32>, vector<16xi32> -> vector<16xf32>
        %mul3A_1067 = arith.mulf %gather3A_1066, %get3A_1049 : vector<16xf32>
        %add3A_1068 = arith.addf %add3A_958, %mul3A_1067 : vector<16xf32>
        %mul3A_1069 = arith.mulf %gather3A_1066, %get3A_1053 : vector<16xf32>
        %add3A_1070 = arith.addf %add3A_960, %mul3A_1069 : vector<16xf32>
        %mul3A_1071 = arith.mulf %gather3A_1066, %get3A_1057 : vector<16xf32>
        %add3A_1072 = arith.addf %add3A_962, %mul3A_1071 : vector<16xf32>
        %mul3A_1073 = arith.mulf %gather3A_1066, %get3A_1061 : vector<16xf32>
        %add3A_1074 = arith.addf %add3A_964, %mul3A_1073 : vector<16xf32>
        %reshape3A_1075 = vector.shape_cast %broadcast_in_dim3A_1063 : vector<16xi32> to vector<16x1xi32>
        %gather3A_1076 = vector.shape_cast %reshape3A_1075 : vector<16x1xi32> to vector<16xi32>
        %gather3A_1077 = tpu.dynamic_gather %get3A_561[%gather3A_1076] in [0] : vector<16xf32>, vector<16xi32> -> vector<16xf32>
        %mul3A_1078 = arith.mulf %gather3A_1077, %get3A_1049 : vector<16xf32>
        %add3A_1079 = arith.addf %add3A_969, %mul3A_1078 : vector<16xf32>
        %mul3A_1080 = arith.mulf %gather3A_1077, %get3A_1053 : vector<16xf32>
        %add3A_1081 = arith.addf %add3A_971, %mul3A_1080 : vector<16xf32>
        %mul3A_1082 = arith.mulf %gather3A_1077, %get3A_1057 : vector<16xf32>
        %add3A_1083 = arith.addf %add3A_973, %mul3A_1082 : vector<16xf32>
        %mul3A_1084 = arith.mulf %gather3A_1077, %get3A_1061 : vector<16xf32>
        %add3A_1085 = arith.addf %add3A_975, %mul3A_1084 : vector<16xf32>
        %reshape3A_1086 = vector.shape_cast %broadcast_in_dim3A_1063 : vector<16xi32> to vector<16x1xi32>
        %gather3A_1087 = vector.shape_cast %reshape3A_1086 : vector<16x1xi32> to vector<16xi32>
        %gather3A_1088 = tpu.dynamic_gather %get3A_568[%gather3A_1087] in [0] : vector<16xf32>, vector<16xi32> -> vector<16xf32>
        %mul3A_1089 = arith.mulf %gather3A_1088, %get3A_1049 : vector<16xf32>
        %add3A_1090 = arith.addf %add3A_980, %mul3A_1089 : vector<16xf32>
        %mul3A_1091 = arith.mulf %gather3A_1088, %get3A_1053 : vector<16xf32>
        %add3A_1092 = arith.addf %add3A_982, %mul3A_1091 : vector<16xf32>
        %mul3A_1093 = arith.mulf %gather3A_1088, %get3A_1057 : vector<16xf32>
        %add3A_1094 = arith.addf %add3A_984, %mul3A_1093 : vector<16xf32>
        %mul3A_1095 = arith.mulf %gather3A_1088, %get3A_1061 : vector<16xf32>
        %add3A_1096 = arith.addf %add3A_986, %mul3A_1095 : vector<16xf32>
        %reshape3A_1097 = vector.shape_cast %broadcast_in_dim3A_1063 : vector<16xi32> to vector<16x1xi32>
        %gather3A_1098 = vector.shape_cast %reshape3A_1097 : vector<16x1xi32> to vector<16xi32>
        %gather3A_1099 = tpu.dynamic_gather %get3A_575[%gather3A_1098] in [0] : vector<16xf32>, vector<16xi32> -> vector<16xf32>
        %mul3A_1100 = arith.mulf %gather3A_1099, %get3A_1049 : vector<16xf32>
        %add3A_1101 = arith.addf %add3A_991, %mul3A_1100 : vector<16xf32>
        %mul3A_1102 = arith.mulf %gather3A_1099, %get3A_1053 : vector<16xf32>
        %add3A_1103 = arith.addf %add3A_993, %mul3A_1102 : vector<16xf32>
        %mul3A_1104 = arith.mulf %gather3A_1099, %get3A_1057 : vector<16xf32>
        %add3A_1105 = arith.addf %add3A_995, %mul3A_1104 : vector<16xf32>
        %mul3A_1106 = arith.mulf %gather3A_1099, %get3A_1061 : vector<16xf32>
        %add3A_1107 = arith.addf %add3A_997, %mul3A_1106 : vector<16xf32>
        %reshape3A_1108 = vector.shape_cast %broadcast_in_dim3A_1063 : vector<16xi32> to vector<16x1xi32>
        %gather3A_1109 = vector.shape_cast %reshape3A_1108 : vector<16x1xi32> to vector<16xi32>
        %gather3A_1110 = tpu.dynamic_gather %get3A_582[%gather3A_1109] in [0] : vector<16xf32>, vector<16xi32> -> vector<16xf32>
        %mul3A_1111 = arith.mulf %gather3A_1110, %get3A_1049 : vector<16xf32>
        %add3A_1112 = arith.addf %add3A_1002, %mul3A_1111 : vector<16xf32>
        %mul3A_1113 = arith.mulf %gather3A_1110, %get3A_1053 : vector<16xf32>
        %add3A_1114 = arith.addf %add3A_1004, %mul3A_1113 : vector<16xf32>
        %mul3A_1115 = arith.mulf %gather3A_1110, %get3A_1057 : vector<16xf32>
        %add3A_1116 = arith.addf %add3A_1006, %mul3A_1115 : vector<16xf32>
        %mul3A_1117 = arith.mulf %gather3A_1110, %get3A_1061 : vector<16xf32>
        %add3A_1118 = arith.addf %add3A_1008, %mul3A_1117 : vector<16xf32>
        %reshape3A_1119 = vector.shape_cast %broadcast_in_dim3A_1063 : vector<16xi32> to vector<16x1xi32>
        %gather3A_1120 = vector.shape_cast %reshape3A_1119 : vector<16x1xi32> to vector<16xi32>
        %gather3A_1121 = tpu.dynamic_gather %get3A_589[%gather3A_1120] in [0] : vector<16xf32>, vector<16xi32> -> vector<16xf32>
        %mul3A_1122 = arith.mulf %gather3A_1121, %get3A_1049 : vector<16xf32>
        %add3A_1123 = arith.addf %add3A_1013, %mul3A_1122 : vector<16xf32>
        %mul3A_1124 = arith.mulf %gather3A_1121, %get3A_1053 : vector<16xf32>
        %add3A_1125 = arith.addf %add3A_1015, %mul3A_1124 : vector<16xf32>
        %mul3A_1126 = arith.mulf %gather3A_1121, %get3A_1057 : vector<16xf32>
        %add3A_1127 = arith.addf %add3A_1017, %mul3A_1126 : vector<16xf32>
        %mul3A_1128 = arith.mulf %gather3A_1121, %get3A_1061 : vector<16xf32>
        %add3A_1129 = arith.addf %add3A_1019, %mul3A_1128 : vector<16xf32>
        %reshape3A_1130 = vector.shape_cast %broadcast_in_dim3A_1063 : vector<16xi32> to vector<16x1xi32>
        %gather3A_1131 = vector.shape_cast %reshape3A_1130 : vector<16x1xi32> to vector<16xi32>
        %gather3A_1132 = tpu.dynamic_gather %get3A_596[%gather3A_1131] in [0] : vector<16xf32>, vector<16xi32> -> vector<16xf32>
        %mul3A_1133 = arith.mulf %gather3A_1132, %get3A_1049 : vector<16xf32>
        %add3A_1134 = arith.addf %add3A_1024, %mul3A_1133 : vector<16xf32>
        %mul3A_1135 = arith.mulf %gather3A_1132, %get3A_1053 : vector<16xf32>
        %add3A_1136 = arith.addf %add3A_1026, %mul3A_1135 : vector<16xf32>
        %mul3A_1137 = arith.mulf %gather3A_1132, %get3A_1057 : vector<16xf32>
        %add3A_1138 = arith.addf %add3A_1028, %mul3A_1137 : vector<16xf32>
        %mul3A_1139 = arith.mulf %gather3A_1132, %get3A_1061 : vector<16xf32>
        %add3A_1140 = arith.addf %add3A_1030, %mul3A_1139 : vector<16xf32>
        %reshape3A_1141 = vector.shape_cast %broadcast_in_dim3A_1063 : vector<16xi32> to vector<16x1xi32>
        %gather3A_1142 = vector.shape_cast %reshape3A_1141 : vector<16x1xi32> to vector<16xi32>
        %gather3A_1143 = tpu.dynamic_gather %get3A_603[%gather3A_1142] in [0] : vector<16xf32>, vector<16xi32> -> vector<16xf32>
        %mul3A_1144 = arith.mulf %gather3A_1143, %get3A_1049 : vector<16xf32>
        %add3A_1145 = arith.addf %add3A_1035, %mul3A_1144 : vector<16xf32>
        %mul3A_1146 = arith.mulf %gather3A_1143, %get3A_1053 : vector<16xf32>
        %add3A_1147 = arith.addf %add3A_1037, %mul3A_1146 : vector<16xf32>
        %mul3A_1148 = arith.mulf %gather3A_1143, %get3A_1057 : vector<16xf32>
        %add3A_1149 = arith.addf %add3A_1039, %mul3A_1148 : vector<16xf32>
        %mul3A_1150 = arith.mulf %gather3A_1143, %get3A_1061 : vector<16xf32>
        %add3A_1151 = arith.addf %add3A_1041, %mul3A_1150 : vector<16xf32>
        %mul3A_1152 = arith.constant 8 : i32
        %mul3A_1153 = arith.muli %scan3A_514, %mul3A_1152 : i32
        %add3A_1154 = arith.constant 2 : i32
        %add3A_1155 = arith.addi %mul3A_1153, %add3A_1154 : i32
        %get3A_1156 = arith.index_cast %add3A_1155 : i32 to index
        %get3A_1157 = arith.constant 64 : index
        %get3A_1158 = tpu.vector_load %arg5[%get3A_1156, %get3A_1157] {strides = array<i32>} : memref<512x128xf32, #tpu.memory_space<vmem>>, vector<1x16xf32>,
        %get3A_1159 = vector.shape_cast %get3A_1158 : vector<1x16xf32> to vector<16xf32>
        %get3A_1160 = arith.index_cast %add3A_1155 : i32 to index
        %get3A_1161 = arith.constant 80 : index
        %get3A_1162 = tpu.vector_load %arg5[%get3A_1160, %get3A_1161] {strides = array<i32>} : memref<512x128xf32, #tpu.memory_space<vmem>>, vector<1x16xf32>,
        %get3A_1163 = vector.shape_cast %get3A_1162 : vector<1x16xf32> to vector<16xf32>
        %get3A_1164 = arith.index_cast %add3A_1155 : i32 to index
        %get3A_1165 = arith.constant 96 : index
        %get3A_1166 = tpu.vector_load %arg5[%get3A_1164, %get3A_1165] {strides = array<i32>} : memref<512x128xf32, #tpu.memory_space<vmem>>, vector<1x16xf32>,
        %get3A_1167 = vector.shape_cast %get3A_1166 : vector<1x16xf32> to vector<16xf32>
        %get3A_1168 = arith.index_cast %add3A_1155 : i32 to index
        %get3A_1169 = arith.constant 112 : index
        %get3A_1170 = tpu.vector_load %arg5[%get3A_1168, %get3A_1169] {strides = array<i32>} : memref<512x128xf32, #tpu.memory_space<vmem>>, vector<1x16xf32>,
        %get3A_1171 = vector.shape_cast %get3A_1170 : vector<1x16xf32> to vector<16xf32>
        %broadcast_in_dim3A_1172 = arith.constant 5 : i32
        %broadcast_in_dim3A_1173 = vector.broadcast %broadcast_in_dim3A_1172 : i32 to vector<16xi32>
        %reshape3A_1174 = vector.shape_cast %broadcast_in_dim3A_1173 : vector<16xi32> to vector<16x1xi32>
        %gather3A_1175 = vector.shape_cast %reshape3A_1174 : vector<16x1xi32> to vector<16xi32>
        %gather3A_1176 = tpu.dynamic_gather %get3A_554[%gather3A_1175] in [0] : vector<16xf32>, vector<16xi32> -> vector<16xf32>
        %mul3A_1177 = arith.mulf %gather3A_1176, %get3A_1159 : vector<16xf32>
        %add3A_1178 = arith.addf %add3A_1068, %mul3A_1177 : vector<16xf32>
        %mul3A_1179 = arith.mulf %gather3A_1176, %get3A_1163 : vector<16xf32>
        %add3A_1180 = arith.addf %add3A_1070, %mul3A_1179 : vector<16xf32>
        %mul3A_1181 = arith.mulf %gather3A_1176, %get3A_1167 : vector<16xf32>
        %add3A_1182 = arith.addf %add3A_1072, %mul3A_1181 : vector<16xf32>
        %mul3A_1183 = arith.mulf %gather3A_1176, %get3A_1171 : vector<16xf32>
        %add3A_1184 = arith.addf %add3A_1074, %mul3A_1183 : vector<16xf32>
        %reshape3A_1185 = vector.shape_cast %broadcast_in_dim3A_1173 : vector<16xi32> to vector<16x1xi32>
        %gather3A_1186 = vector.shape_cast %reshape3A_1185 : vector<16x1xi32> to vector<16xi32>
        %gather3A_1187 = tpu.dynamic_gather %get3A_561[%gather3A_1186] in [0] : vector<16xf32>, vector<16xi32> -> vector<16xf32>
        %mul3A_1188 = arith.mulf %gather3A_1187, %get3A_1159 : vector<16xf32>
        %add3A_1189 = arith.addf %add3A_1079, %mul3A_1188 : vector<16xf32>
        %mul3A_1190 = arith.mulf %gather3A_1187, %get3A_1163 : vector<16xf32>
        %add3A_1191 = arith.addf %add3A_1081, %mul3A_1190 : vector<16xf32>
        %mul3A_1192 = arith.mulf %gather3A_1187, %get3A_1167 : vector<16xf32>
        %add3A_1193 = arith.addf %add3A_1083, %mul3A_1192 : vector<16xf32>
        %mul3A_1194 = arith.mulf %gather3A_1187, %get3A_1171 : vector<16xf32>
        %add3A_1195 = arith.addf %add3A_1085, %mul3A_1194 : vector<16xf32>
        %reshape3A_1196 = vector.shape_cast %broadcast_in_dim3A_1173 : vector<16xi32> to vector<16x1xi32>
        %gather3A_1197 = vector.shape_cast %reshape3A_1196 : vector<16x1xi32> to vector<16xi32>
        %gather3A_1198 = tpu.dynamic_gather %get3A_568[%gather3A_1197] in [0] : vector<16xf32>, vector<16xi32> -> vector<16xf32>
        %mul3A_1199 = arith.mulf %gather3A_1198, %get3A_1159 : vector<16xf32>
        %add3A_1200 = arith.addf %add3A_1090, %mul3A_1199 : vector<16xf32>
        %mul3A_1201 = arith.mulf %gather3A_1198, %get3A_1163 : vector<16xf32>
        %add3A_1202 = arith.addf %add3A_1092, %mul3A_1201 : vector<16xf32>
        %mul3A_1203 = arith.mulf %gather3A_1198, %get3A_1167 : vector<16xf32>
        %add3A_1204 = arith.addf %add3A_1094, %mul3A_1203 : vector<16xf32>
        %mul3A_1205 = arith.mulf %gather3A_1198, %get3A_1171 : vector<16xf32>
        %add3A_1206 = arith.addf %add3A_1096, %mul3A_1205 : vector<16xf32>
        %reshape3A_1207 = vector.shape_cast %broadcast_in_dim3A_1173 : vector<16xi32> to vector<16x1xi32>
        %gather3A_1208 = vector.shape_cast %reshape3A_1207 : vector<16x1xi32> to vector<16xi32>
        %gather3A_1209 = tpu.dynamic_gather %get3A_575[%gather3A_1208] in [0] : vector<16xf32>, vector<16xi32> -> vector<16xf32>
        %mul3A_1210 = arith.mulf %gather3A_1209, %get3A_1159 : vector<16xf32>
        %add3A_1211 = arith.addf %add3A_1101, %mul3A_1210 : vector<16xf32>
        %mul3A_1212 = arith.mulf %gather3A_1209, %get3A_1163 : vector<16xf32>
        %add3A_1213 = arith.addf %add3A_1103, %mul3A_1212 : vector<16xf32>
        %mul3A_1214 = arith.mulf %gather3A_1209, %get3A_1167 : vector<16xf32>
        %add3A_1215 = arith.addf %add3A_1105, %mul3A_1214 : vector<16xf32>
        %mul3A_1216 = arith.mulf %gather3A_1209, %get3A_1171 : vector<16xf32>
        %add3A_1217 = arith.addf %add3A_1107, %mul3A_1216 : vector<16xf32>
        %reshape3A_1218 = vector.shape_cast %broadcast_in_dim3A_1173 : vector<16xi32> to vector<16x1xi32>
        %gather3A_1219 = vector.shape_cast %reshape3A_1218 : vector<16x1xi32> to vector<16xi32>
        %gather3A_1220 = tpu.dynamic_gather %get3A_582[%gather3A_1219] in [0] : vector<16xf32>, vector<16xi32> -> vector<16xf32>
        %mul3A_1221 = arith.mulf %gather3A_1220, %get3A_1159 : vector<16xf32>
        %add3A_1222 = arith.addf %add3A_1112, %mul3A_1221 : vector<16xf32>
        %mul3A_1223 = arith.mulf %gather3A_1220, %get3A_1163 : vector<16xf32>
        %add3A_1224 = arith.addf %add3A_1114, %mul3A_1223 : vector<16xf32>
        %mul3A_1225 = arith.mulf %gather3A_1220, %get3A_1167 : vector<16xf32>
        %add3A_1226 = arith.addf %add3A_1116, %mul3A_1225 : vector<16xf32>
        %mul3A_1227 = arith.mulf %gather3A_1220, %get3A_1171 : vector<16xf32>
        %add3A_1228 = arith.addf %add3A_1118, %mul3A_1227 : vector<16xf32>
        %reshape3A_1229 = vector.shape_cast %broadcast_in_dim3A_1173 : vector<16xi32> to vector<16x1xi32>
        %gather3A_1230 = vector.shape_cast %reshape3A_1229 : vector<16x1xi32> to vector<16xi32>
        %gather3A_1231 = tpu.dynamic_gather %get3A_589[%gather3A_1230] in [0] : vector<16xf32>, vector<16xi32> -> vector<16xf32>
        %mul3A_1232 = arith.mulf %gather3A_1231, %get3A_1159 : vector<16xf32>
        %add3A_1233 = arith.addf %add3A_1123, %mul3A_1232 : vector<16xf32>
        %mul3A_1234 = arith.mulf %gather3A_1231, %get3A_1163 : vector<16xf32>
        %add3A_1235 = arith.addf %add3A_1125, %mul3A_1234 : vector<16xf32>
        %mul3A_1236 = arith.mulf %gather3A_1231, %get3A_1167 : vector<16xf32>
        %add3A_1237 = arith.addf %add3A_1127, %mul3A_1236 : vector<16xf32>
        %mul3A_1238 = arith.mulf %gather3A_1231, %get3A_1171 : vector<16xf32>
        %add3A_1239 = arith.addf %add3A_1129, %mul3A_1238 : vector<16xf32>
        %reshape3A_1240 = vector.shape_cast %broadcast_in_dim3A_1173 : vector<16xi32> to vector<16x1xi32>
        %gather3A_1241 = vector.shape_cast %reshape3A_1240 : vector<16x1xi32> to vector<16xi32>
        %gather3A_1242 = tpu.dynamic_gather %get3A_596[%gather3A_1241] in [0] : vector<16xf32>, vector<16xi32> -> vector<16xf32>
        %mul3A_1243 = arith.mulf %gather3A_1242, %get3A_1159 : vector<16xf32>
        %add3A_1244 = arith.addf %add3A_1134, %mul3A_1243 : vector<16xf32>
        %mul3A_1245 = arith.mulf %gather3A_1242, %get3A_1163 : vector<16xf32>
        %add3A_1246 = arith.addf %add3A_1136, %mul3A_1245 : vector<16xf32>
        %mul3A_1247 = arith.mulf %gather3A_1242, %get3A_1167 : vector<16xf32>
        %add3A_1248 = arith.addf %add3A_1138, %mul3A_1247 : vector<16xf32>
        %mul3A_1249 = arith.mulf %gather3A_1242, %get3A_1171 : vector<16xf32>
        %add3A_1250 = arith.addf %add3A_1140, %mul3A_1249 : vector<16xf32>
        %reshape3A_1251 = vector.shape_cast %broadcast_in_dim3A_1173 : vector<16xi32> to vector<16x1xi32>
        %gather3A_1252 = vector.shape_cast %reshape3A_1251 : vector<16x1xi32> to vector<16xi32>
        %gather3A_1253 = tpu.dynamic_gather %get3A_603[%gather3A_1252] in [0] : vector<16xf32>, vector<16xi32> -> vector<16xf32>
        %mul3A_1254 = arith.mulf %gather3A_1253, %get3A_1159 : vector<16xf32>
        %add3A_1255 = arith.addf %add3A_1145, %mul3A_1254 : vector<16xf32>
        %mul3A_1256 = arith.mulf %gather3A_1253, %get3A_1163 : vector<16xf32>
        %add3A_1257 = arith.addf %add3A_1147, %mul3A_1256 : vector<16xf32>
        %mul3A_1258 = arith.mulf %gather3A_1253, %get3A_1167 : vector<16xf32>
        %add3A_1259 = arith.addf %add3A_1149, %mul3A_1258 : vector<16xf32>
        %mul3A_1260 = arith.mulf %gather3A_1253, %get3A_1171 : vector<16xf32>
        %add3A_1261 = arith.addf %add3A_1151, %mul3A_1260 : vector<16xf32>
        %mul3A_1262 = arith.constant 8 : i32
        %mul3A_1263 = arith.muli %scan3A_514, %mul3A_1262 : i32
        %add3A_1264 = arith.constant 3 : i32
        %add3A_1265 = arith.addi %mul3A_1263, %add3A_1264 : i32
        %get3A_1266 = arith.index_cast %add3A_1265 : i32 to index
        %get3A_1267 = arith.constant 0 : index
        %get3A_1268 = tpu.vector_load %arg5[%get3A_1266, %get3A_1267] {strides = array<i32>} : memref<512x128xf32, #tpu.memory_space<vmem>>, vector<1x16xf32>,
        %get3A_1269 = vector.shape_cast %get3A_1268 : vector<1x16xf32> to vector<16xf32>
        %get3A_1270 = arith.index_cast %add3A_1265 : i32 to index
        %get3A_1271 = arith.constant 16 : index
        %get3A_1272 = tpu.vector_load %arg5[%get3A_1270, %get3A_1271] {strides = array<i32>} : memref<512x128xf32, #tpu.memory_space<vmem>>, vector<1x16xf32>,
        %get3A_1273 = vector.shape_cast %get3A_1272 : vector<1x16xf32> to vector<16xf32>
        %get3A_1274 = arith.index_cast %add3A_1265 : i32 to index
        %get3A_1275 = arith.constant 32 : index
        %get3A_1276 = tpu.vector_load %arg5[%get3A_1274, %get3A_1275] {strides = array<i32>} : memref<512x128xf32, #tpu.memory_space<vmem>>, vector<1x16xf32>,
        %get3A_1277 = vector.shape_cast %get3A_1276 : vector<1x16xf32> to vector<16xf32>
        %get3A_1278 = arith.index_cast %add3A_1265 : i32 to index
        %get3A_1279 = arith.constant 48 : index
        %get3A_1280 = tpu.vector_load %arg5[%get3A_1278, %get3A_1279] {strides = array<i32>} : memref<512x128xf32, #tpu.memory_space<vmem>>, vector<1x16xf32>,
        %get3A_1281 = vector.shape_cast %get3A_1280 : vector<1x16xf32> to vector<16xf32>
        %broadcast_in_dim3A_1282 = arith.constant 6 : i32
        %broadcast_in_dim3A_1283 = vector.broadcast %broadcast_in_dim3A_1282 : i32 to vector<16xi32>
        %reshape3A_1284 = vector.shape_cast %broadcast_in_dim3A_1283 : vector<16xi32> to vector<16x1xi32>
        %gather3A_1285 = vector.shape_cast %reshape3A_1284 : vector<16x1xi32> to vector<16xi32>
        %gather3A_1286 = tpu.dynamic_gather %get3A_554[%gather3A_1285] in [0] : vector<16xf32>, vector<16xi32> -> vector<16xf32>
        %mul3A_1287 = arith.mulf %gather3A_1286, %get3A_1269 : vector<16xf32>
        %add3A_1288 = arith.addf %add3A_1178, %mul3A_1287 : vector<16xf32>
        %mul3A_1289 = arith.mulf %gather3A_1286, %get3A_1273 : vector<16xf32>
        %add3A_1290 = arith.addf %add3A_1180, %mul3A_1289 : vector<16xf32>
        %mul3A_1291 = arith.mulf %gather3A_1286, %get3A_1277 : vector<16xf32>
        %add3A_1292 = arith.addf %add3A_1182, %mul3A_1291 : vector<16xf32>
        %mul3A_1293 = arith.mulf %gather3A_1286, %get3A_1281 : vector<16xf32>
        %add3A_1294 = arith.addf %add3A_1184, %mul3A_1293 : vector<16xf32>
        %reshape3A_1295 = vector.shape_cast %broadcast_in_dim3A_1283 : vector<16xi32> to vector<16x1xi32>
        %gather3A_1296 = vector.shape_cast %reshape3A_1295 : vector<16x1xi32> to vector<16xi32>
        %gather3A_1297 = tpu.dynamic_gather %get3A_561[%gather3A_1296] in [0] : vector<16xf32>, vector<16xi32> -> vector<16xf32>
        %mul3A_1298 = arith.mulf %gather3A_1297, %get3A_1269 : vector<16xf32>
        %add3A_1299 = arith.addf %add3A_1189, %mul3A_1298 : vector<16xf32>
        %mul3A_1300 = arith.mulf %gather3A_1297, %get3A_1273 : vector<16xf32>
        %add3A_1301 = arith.addf %add3A_1191, %mul3A_1300 : vector<16xf32>
        %mul3A_1302 = arith.mulf %gather3A_1297, %get3A_1277 : vector<16xf32>
        %add3A_1303 = arith.addf %add3A_1193, %mul3A_1302 : vector<16xf32>
        %mul3A_1304 = arith.mulf %gather3A_1297, %get3A_1281 : vector<16xf32>
        %add3A_1305 = arith.addf %add3A_1195, %mul3A_1304 : vector<16xf32>
        %reshape3A_1306 = vector.shape_cast %broadcast_in_dim3A_1283 : vector<16xi32> to vector<16x1xi32>
        %gather3A_1307 = vector.shape_cast %reshape3A_1306 : vector<16x1xi32> to vector<16xi32>
        %gather3A_1308 = tpu.dynamic_gather %get3A_568[%gather3A_1307] in [0] : vector<16xf32>, vector<16xi32> -> vector<16xf32>
        %mul3A_1309 = arith.mulf %gather3A_1308, %get3A_1269 : vector<16xf32>
        %add3A_1310 = arith.addf %add3A_1200, %mul3A_1309 : vector<16xf32>
        %mul3A_1311 = arith.mulf %gather3A_1308, %get3A_1273 : vector<16xf32>
        %add3A_1312 = arith.addf %add3A_1202, %mul3A_1311 : vector<16xf32>
        %mul3A_1313 = arith.mulf %gather3A_1308, %get3A_1277 : vector<16xf32>
        %add3A_1314 = arith.addf %add3A_1204, %mul3A_1313 : vector<16xf32>
        %mul3A_1315 = arith.mulf %gather3A_1308, %get3A_1281 : vector<16xf32>
        %add3A_1316 = arith.addf %add3A_1206, %mul3A_1315 : vector<16xf32>
        %reshape3A_1317 = vector.shape_cast %broadcast_in_dim3A_1283 : vector<16xi32> to vector<16x1xi32>
        %gather3A_1318 = vector.shape_cast %reshape3A_1317 : vector<16x1xi32> to vector<16xi32>
        %gather3A_1319 = tpu.dynamic_gather %get3A_575[%gather3A_1318] in [0] : vector<16xf32>, vector<16xi32> -> vector<16xf32>
        %mul3A_1320 = arith.mulf %gather3A_1319, %get3A_1269 : vector<16xf32>
        %add3A_1321 = arith.addf %add3A_1211, %mul3A_1320 : vector<16xf32>
        %mul3A_1322 = arith.mulf %gather3A_1319, %get3A_1273 : vector<16xf32>
        %add3A_1323 = arith.addf %add3A_1213, %mul3A_1322 : vector<16xf32>
        %mul3A_1324 = arith.mulf %gather3A_1319, %get3A_1277 : vector<16xf32>
        %add3A_1325 = arith.addf %add3A_1215, %mul3A_1324 : vector<16xf32>
        %mul3A_1326 = arith.mulf %gather3A_1319, %get3A_1281 : vector<16xf32>
        %add3A_1327 = arith.addf %add3A_1217, %mul3A_1326 : vector<16xf32>
        %reshape3A_1328 = vector.shape_cast %broadcast_in_dim3A_1283 : vector<16xi32> to vector<16x1xi32>
        %gather3A_1329 = vector.shape_cast %reshape3A_1328 : vector<16x1xi32> to vector<16xi32>
        %gather3A_1330 = tpu.dynamic_gather %get3A_582[%gather3A_1329] in [0] : vector<16xf32>, vector<16xi32> -> vector<16xf32>
        %mul3A_1331 = arith.mulf %gather3A_1330, %get3A_1269 : vector<16xf32>
        %add3A_1332 = arith.addf %add3A_1222, %mul3A_1331 : vector<16xf32>
        %mul3A_1333 = arith.mulf %gather3A_1330, %get3A_1273 : vector<16xf32>
        %add3A_1334 = arith.addf %add3A_1224, %mul3A_1333 : vector<16xf32>
        %mul3A_1335 = arith.mulf %gather3A_1330, %get3A_1277 : vector<16xf32>
        %add3A_1336 = arith.addf %add3A_1226, %mul3A_1335 : vector<16xf32>
        %mul3A_1337 = arith.mulf %gather3A_1330, %get3A_1281 : vector<16xf32>
        %add3A_1338 = arith.addf %add3A_1228, %mul3A_1337 : vector<16xf32>
        %reshape3A_1339 = vector.shape_cast %broadcast_in_dim3A_1283 : vector<16xi32> to vector<16x1xi32>
        %gather3A_1340 = vector.shape_cast %reshape3A_1339 : vector<16x1xi32> to vector<16xi32>
        %gather3A_1341 = tpu.dynamic_gather %get3A_589[%gather3A_1340] in [0] : vector<16xf32>, vector<16xi32> -> vector<16xf32>
        %mul3A_1342 = arith.mulf %gather3A_1341, %get3A_1269 : vector<16xf32>
        %add3A_1343 = arith.addf %add3A_1233, %mul3A_1342 : vector<16xf32>
        %mul3A_1344 = arith.mulf %gather3A_1341, %get3A_1273 : vector<16xf32>
        %add3A_1345 = arith.addf %add3A_1235, %mul3A_1344 : vector<16xf32>
        %mul3A_1346 = arith.mulf %gather3A_1341, %get3A_1277 : vector<16xf32>
        %add3A_1347 = arith.addf %add3A_1237, %mul3A_1346 : vector<16xf32>
        %mul3A_1348 = arith.mulf %gather3A_1341, %get3A_1281 : vector<16xf32>
        %add3A_1349 = arith.addf %add3A_1239, %mul3A_1348 : vector<16xf32>
        %reshape3A_1350 = vector.shape_cast %broadcast_in_dim3A_1283 : vector<16xi32> to vector<16x1xi32>
        %gather3A_1351 = vector.shape_cast %reshape3A_1350 : vector<16x1xi32> to vector<16xi32>
        %gather3A_1352 = tpu.dynamic_gather %get3A_596[%gather3A_1351] in [0] : vector<16xf32>, vector<16xi32> -> vector<16xf32>
        %mul3A_1353 = arith.mulf %gather3A_1352, %get3A_1269 : vector<16xf32>
        %add3A_1354 = arith.addf %add3A_1244, %mul3A_1353 : vector<16xf32>
        %mul3A_1355 = arith.mulf %gather3A_1352, %get3A_1273 : vector<16xf32>
        %add3A_1356 = arith.addf %add3A_1246, %mul3A_1355 : vector<16xf32>
        %mul3A_1357 = arith.mulf %gather3A_1352, %get3A_1277 : vector<16xf32>
        %add3A_1358 = arith.addf %add3A_1248, %mul3A_1357 : vector<16xf32>
        %mul3A_1359 = arith.mulf %gather3A_1352, %get3A_1281 : vector<16xf32>
        %add3A_1360 = arith.addf %add3A_1250, %mul3A_1359 : vector<16xf32>
        %reshape3A_1361 = vector.shape_cast %broadcast_in_dim3A_1283 : vector<16xi32> to vector<16x1xi32>
        %gather3A_1362 = vector.shape_cast %reshape3A_1361 : vector<16x1xi32> to vector<16xi32>
        %gather3A_1363 = tpu.dynamic_gather %get3A_603[%gather3A_1362] in [0] : vector<16xf32>, vector<16xi32> -> vector<16xf32>
        %mul3A_1364 = arith.mulf %gather3A_1363, %get3A_1269 : vector<16xf32>
        %add3A_1365 = arith.addf %add3A_1255, %mul3A_1364 : vector<16xf32>
        %mul3A_1366 = arith.mulf %gather3A_1363, %get3A_1273 : vector<16xf32>
        %add3A_1367 = arith.addf %add3A_1257, %mul3A_1366 : vector<16xf32>
        %mul3A_1368 = arith.mulf %gather3A_1363, %get3A_1277 : vector<16xf32>
        %add3A_1369 = arith.addf %add3A_1259, %mul3A_1368 : vector<16xf32>
        %mul3A_1370 = arith.mulf %gather3A_1363, %get3A_1281 : vector<16xf32>
        %add3A_1371 = arith.addf %add3A_1261, %mul3A_1370 : vector<16xf32>
        %mul3A_1372 = arith.constant 8 : i32
        %mul3A_1373 = arith.muli %scan3A_514, %mul3A_1372 : i32
        %add3A_1374 = arith.constant 3 : i32
        %add3A_1375 = arith.addi %mul3A_1373, %add3A_1374 : i32
        %get3A_1376 = arith.index_cast %add3A_1375 : i32 to index
        %get3A_1377 = arith.constant 64 : index
        %get3A_1378 = tpu.vector_load %arg5[%get3A_1376, %get3A_1377] {strides = array<i32>} : memref<512x128xf32, #tpu.memory_space<vmem>>, vector<1x16xf32>,
        %get3A_1379 = vector.shape_cast %get3A_1378 : vector<1x16xf32> to vector<16xf32>
        %get3A_1380 = arith.index_cast %add3A_1375 : i32 to index
        %get3A_1381 = arith.constant 80 : index
        %get3A_1382 = tpu.vector_load %arg5[%get3A_1380, %get3A_1381] {strides = array<i32>} : memref<512x128xf32, #tpu.memory_space<vmem>>, vector<1x16xf32>,
        %get3A_1383 = vector.shape_cast %get3A_1382 : vector<1x16xf32> to vector<16xf32>
        %get3A_1384 = arith.index_cast %add3A_1375 : i32 to index
        %get3A_1385 = arith.constant 96 : index
        %get3A_1386 = tpu.vector_load %arg5[%get3A_1384, %get3A_1385] {strides = array<i32>} : memref<512x128xf32, #tpu.memory_space<vmem>>, vector<1x16xf32>,
        %get3A_1387 = vector.shape_cast %get3A_1386 : vector<1x16xf32> to vector<16xf32>
        %get3A_1388 = arith.index_cast %add3A_1375 : i32 to index
        %get3A_1389 = arith.constant 112 : index
        %get3A_1390 = tpu.vector_load %arg5[%get3A_1388, %get3A_1389] {strides = array<i32>} : memref<512x128xf32, #tpu.memory_space<vmem>>, vector<1x16xf32>,
        %get3A_1391 = vector.shape_cast %get3A_1390 : vector<1x16xf32> to vector<16xf32>
        %broadcast_in_dim3A_1392 = arith.constant 7 : i32
        %broadcast_in_dim3A_1393 = vector.broadcast %broadcast_in_dim3A_1392 : i32 to vector<16xi32>
        %reshape3A_1394 = vector.shape_cast %broadcast_in_dim3A_1393 : vector<16xi32> to vector<16x1xi32>
        %gather3A_1395 = vector.shape_cast %reshape3A_1394 : vector<16x1xi32> to vector<16xi32>
        %gather3A_1396 = tpu.dynamic_gather %get3A_554[%gather3A_1395] in [0] : vector<16xf32>, vector<16xi32> -> vector<16xf32>
        %mul3A_1397 = arith.mulf %gather3A_1396, %get3A_1379 : vector<16xf32>
        %add3A_1398 = arith.addf %add3A_1288, %mul3A_1397 : vector<16xf32>
        %mul3A_1399 = arith.mulf %gather3A_1396, %get3A_1383 : vector<16xf32>
        %add3A_1400 = arith.addf %add3A_1290, %mul3A_1399 : vector<16xf32>
        %mul3A_1401 = arith.mulf %gather3A_1396, %get3A_1387 : vector<16xf32>
        %add3A_1402 = arith.addf %add3A_1292, %mul3A_1401 : vector<16xf32>
        %mul3A_1403 = arith.mulf %gather3A_1396, %get3A_1391 : vector<16xf32>
        %add3A_1404 = arith.addf %add3A_1294, %mul3A_1403 : vector<16xf32>
        %reshape3A_1405 = vector.shape_cast %broadcast_in_dim3A_1393 : vector<16xi32> to vector<16x1xi32>
        %gather3A_1406 = vector.shape_cast %reshape3A_1405 : vector<16x1xi32> to vector<16xi32>
        %gather3A_1407 = tpu.dynamic_gather %get3A_561[%gather3A_1406] in [0] : vector<16xf32>, vector<16xi32> -> vector<16xf32>
        %mul3A_1408 = arith.mulf %gather3A_1407, %get3A_1379 : vector<16xf32>
        %add3A_1409 = arith.addf %add3A_1299, %mul3A_1408 : vector<16xf32>
        %mul3A_1410 = arith.mulf %gather3A_1407, %get3A_1383 : vector<16xf32>
        %add3A_1411 = arith.addf %add3A_1301, %mul3A_1410 : vector<16xf32>
        %mul3A_1412 = arith.mulf %gather3A_1407, %get3A_1387 : vector<16xf32>
        %add3A_1413 = arith.addf %add3A_1303, %mul3A_1412 : vector<16xf32>
        %mul3A_1414 = arith.mulf %gather3A_1407, %get3A_1391 : vector<16xf32>
        %add3A_1415 = arith.addf %add3A_1305, %mul3A_1414 : vector<16xf32>
        %reshape3A_1416 = vector.shape_cast %broadcast_in_dim3A_1393 : vector<16xi32> to vector<16x1xi32>
        %gather3A_1417 = vector.shape_cast %reshape3A_1416 : vector<16x1xi32> to vector<16xi32>
        %gather3A_1418 = tpu.dynamic_gather %get3A_568[%gather3A_1417] in [0] : vector<16xf32>, vector<16xi32> -> vector<16xf32>
        %mul3A_1419 = arith.mulf %gather3A_1418, %get3A_1379 : vector<16xf32>
        %add3A_1420 = arith.addf %add3A_1310, %mul3A_1419 : vector<16xf32>
        %mul3A_1421 = arith.mulf %gather3A_1418, %get3A_1383 : vector<16xf32>
        %add3A_1422 = arith.addf %add3A_1312, %mul3A_1421 : vector<16xf32>
        %mul3A_1423 = arith.mulf %gather3A_1418, %get3A_1387 : vector<16xf32>
        %add3A_1424 = arith.addf %add3A_1314, %mul3A_1423 : vector<16xf32>
        %mul3A_1425 = arith.mulf %gather3A_1418, %get3A_1391 : vector<16xf32>
        %add3A_1426 = arith.addf %add3A_1316, %mul3A_1425 : vector<16xf32>
        %reshape3A_1427 = vector.shape_cast %broadcast_in_dim3A_1393 : vector<16xi32> to vector<16x1xi32>
        %gather3A_1428 = vector.shape_cast %reshape3A_1427 : vector<16x1xi32> to vector<16xi32>
        %gather3A_1429 = tpu.dynamic_gather %get3A_575[%gather3A_1428] in [0] : vector<16xf32>, vector<16xi32> -> vector<16xf32>
        %mul3A_1430 = arith.mulf %gather3A_1429, %get3A_1379 : vector<16xf32>
        %add3A_1431 = arith.addf %add3A_1321, %mul3A_1430 : vector<16xf32>
        %mul3A_1432 = arith.mulf %gather3A_1429, %get3A_1383 : vector<16xf32>
        %add3A_1433 = arith.addf %add3A_1323, %mul3A_1432 : vector<16xf32>
        %mul3A_1434 = arith.mulf %gather3A_1429, %get3A_1387 : vector<16xf32>
        %add3A_1435 = arith.addf %add3A_1325, %mul3A_1434 : vector<16xf32>
        %mul3A_1436 = arith.mulf %gather3A_1429, %get3A_1391 : vector<16xf32>
        %add3A_1437 = arith.addf %add3A_1327, %mul3A_1436 : vector<16xf32>
        %reshape3A_1438 = vector.shape_cast %broadcast_in_dim3A_1393 : vector<16xi32> to vector<16x1xi32>
        %gather3A_1439 = vector.shape_cast %reshape3A_1438 : vector<16x1xi32> to vector<16xi32>
        %gather3A_1440 = tpu.dynamic_gather %get3A_582[%gather3A_1439] in [0] : vector<16xf32>, vector<16xi32> -> vector<16xf32>
        %mul3A_1441 = arith.mulf %gather3A_1440, %get3A_1379 : vector<16xf32>
        %add3A_1442 = arith.addf %add3A_1332, %mul3A_1441 : vector<16xf32>
        %mul3A_1443 = arith.mulf %gather3A_1440, %get3A_1383 : vector<16xf32>
        %add3A_1444 = arith.addf %add3A_1334, %mul3A_1443 : vector<16xf32>
        %mul3A_1445 = arith.mulf %gather3A_1440, %get3A_1387 : vector<16xf32>
        %add3A_1446 = arith.addf %add3A_1336, %mul3A_1445 : vector<16xf32>
        %mul3A_1447 = arith.mulf %gather3A_1440, %get3A_1391 : vector<16xf32>
        %add3A_1448 = arith.addf %add3A_1338, %mul3A_1447 : vector<16xf32>
        %reshape3A_1449 = vector.shape_cast %broadcast_in_dim3A_1393 : vector<16xi32> to vector<16x1xi32>
        %gather3A_1450 = vector.shape_cast %reshape3A_1449 : vector<16x1xi32> to vector<16xi32>
        %gather3A_1451 = tpu.dynamic_gather %get3A_589[%gather3A_1450] in [0] : vector<16xf32>, vector<16xi32> -> vector<16xf32>
        %mul3A_1452 = arith.mulf %gather3A_1451, %get3A_1379 : vector<16xf32>
        %add3A_1453 = arith.addf %add3A_1343, %mul3A_1452 : vector<16xf32>
        %mul3A_1454 = arith.mulf %gather3A_1451, %get3A_1383 : vector<16xf32>
        %add3A_1455 = arith.addf %add3A_1345, %mul3A_1454 : vector<16xf32>
        %mul3A_1456 = arith.mulf %gather3A_1451, %get3A_1387 : vector<16xf32>
        %add3A_1457 = arith.addf %add3A_1347, %mul3A_1456 : vector<16xf32>
        %mul3A_1458 = arith.mulf %gather3A_1451, %get3A_1391 : vector<16xf32>
        %add3A_1459 = arith.addf %add3A_1349, %mul3A_1458 : vector<16xf32>
        %reshape3A_1460 = vector.shape_cast %broadcast_in_dim3A_1393 : vector<16xi32> to vector<16x1xi32>
        %gather3A_1461 = vector.shape_cast %reshape3A_1460 : vector<16x1xi32> to vector<16xi32>
        %gather3A_1462 = tpu.dynamic_gather %get3A_596[%gather3A_1461] in [0] : vector<16xf32>, vector<16xi32> -> vector<16xf32>
        %mul3A_1463 = arith.mulf %gather3A_1462, %get3A_1379 : vector<16xf32>
        %add3A_1464 = arith.addf %add3A_1354, %mul3A_1463 : vector<16xf32>
        %mul3A_1465 = arith.mulf %gather3A_1462, %get3A_1383 : vector<16xf32>
        %add3A_1466 = arith.addf %add3A_1356, %mul3A_1465 : vector<16xf32>
        %mul3A_1467 = arith.mulf %gather3A_1462, %get3A_1387 : vector<16xf32>
        %add3A_1468 = arith.addf %add3A_1358, %mul3A_1467 : vector<16xf32>
        %mul3A_1469 = arith.mulf %gather3A_1462, %get3A_1391 : vector<16xf32>
        %add3A_1470 = arith.addf %add3A_1360, %mul3A_1469 : vector<16xf32>
        %reshape3A_1471 = vector.shape_cast %broadcast_in_dim3A_1393 : vector<16xi32> to vector<16x1xi32>
        %gather3A_1472 = vector.shape_cast %reshape3A_1471 : vector<16x1xi32> to vector<16xi32>
        %gather3A_1473 = tpu.dynamic_gather %get3A_603[%gather3A_1472] in [0] : vector<16xf32>, vector<16xi32> -> vector<16xf32>
        %mul3A_1474 = arith.mulf %gather3A_1473, %get3A_1379 : vector<16xf32>
        %add3A_1475 = arith.addf %add3A_1365, %mul3A_1474 : vector<16xf32>
        %mul3A_1476 = arith.mulf %gather3A_1473, %get3A_1383 : vector<16xf32>
        %add3A_1477 = arith.addf %add3A_1367, %mul3A_1476 : vector<16xf32>
        %mul3A_1478 = arith.mulf %gather3A_1473, %get3A_1387 : vector<16xf32>
        %add3A_1479 = arith.addf %add3A_1369, %mul3A_1478 : vector<16xf32>
        %mul3A_1480 = arith.mulf %gather3A_1473, %get3A_1391 : vector<16xf32>
        %add3A_1481 = arith.addf %add3A_1371, %mul3A_1480 : vector<16xf32>
        %mul3A_1482 = arith.constant 8 : i32
        %mul3A_1483 = arith.muli %scan3A_514, %mul3A_1482 : i32
        %add3A_1484 = arith.constant 4 : i32
        %add3A_1485 = arith.addi %mul3A_1483, %add3A_1484 : i32
        %get3A_1486 = arith.index_cast %add3A_1485 : i32 to index
        %get3A_1487 = arith.constant 0 : index
        %get3A_1488 = tpu.vector_load %arg5[%get3A_1486, %get3A_1487] {strides = array<i32>} : memref<512x128xf32, #tpu.memory_space<vmem>>, vector<1x16xf32>,
        %get3A_1489 = vector.shape_cast %get3A_1488 : vector<1x16xf32> to vector<16xf32>
        %get3A_1490 = arith.index_cast %add3A_1485 : i32 to index
        %get3A_1491 = arith.constant 16 : index
        %get3A_1492 = tpu.vector_load %arg5[%get3A_1490, %get3A_1491] {strides = array<i32>} : memref<512x128xf32, #tpu.memory_space<vmem>>, vector<1x16xf32>,
        %get3A_1493 = vector.shape_cast %get3A_1492 : vector<1x16xf32> to vector<16xf32>
        %get3A_1494 = arith.index_cast %add3A_1485 : i32 to index
        %get3A_1495 = arith.constant 32 : index
        %get3A_1496 = tpu.vector_load %arg5[%get3A_1494, %get3A_1495] {strides = array<i32>} : memref<512x128xf32, #tpu.memory_space<vmem>>, vector<1x16xf32>,
        %get3A_1497 = vector.shape_cast %get3A_1496 : vector<1x16xf32> to vector<16xf32>
        %get3A_1498 = arith.index_cast %add3A_1485 : i32 to index
        %get3A_1499 = arith.constant 48 : index
        %get3A_1500 = tpu.vector_load %arg5[%get3A_1498, %get3A_1499] {strides = array<i32>} : memref<512x128xf32, #tpu.memory_space<vmem>>, vector<1x16xf32>,
        %get3A_1501 = vector.shape_cast %get3A_1500 : vector<1x16xf32> to vector<16xf32>
        %broadcast_in_dim3A_1502 = arith.constant 8 : i32
        %broadcast_in_dim3A_1503 = vector.broadcast %broadcast_in_dim3A_1502 : i32 to vector<16xi32>
        %reshape3A_1504 = vector.shape_cast %broadcast_in_dim3A_1503 : vector<16xi32> to vector<16x1xi32>
        %gather3A_1505 = vector.shape_cast %reshape3A_1504 : vector<16x1xi32> to vector<16xi32>
        %gather3A_1506 = tpu.dynamic_gather %get3A_554[%gather3A_1505] in [0] : vector<16xf32>, vector<16xi32> -> vector<16xf32>
        %mul3A_1507 = arith.mulf %gather3A_1506, %get3A_1489 : vector<16xf32>
        %add3A_1508 = arith.addf %add3A_1398, %mul3A_1507 : vector<16xf32>
        %mul3A_1509 = arith.mulf %gather3A_1506, %get3A_1493 : vector<16xf32>
        %add3A_1510 = arith.addf %add3A_1400, %mul3A_1509 : vector<16xf32>
        %mul3A_1511 = arith.mulf %gather3A_1506, %get3A_1497 : vector<16xf32>
        %add3A_1512 = arith.addf %add3A_1402, %mul3A_1511 : vector<16xf32>
        %mul3A_1513 = arith.mulf %gather3A_1506, %get3A_1501 : vector<16xf32>
        %add3A_1514 = arith.addf %add3A_1404, %mul3A_1513 : vector<16xf32>
        %reshape3A_1515 = vector.shape_cast %broadcast_in_dim3A_1503 : vector<16xi32> to vector<16x1xi32>
        %gather3A_1516 = vector.shape_cast %reshape3A_1515 : vector<16x1xi32> to vector<16xi32>
        %gather3A_1517 = tpu.dynamic_gather %get3A_561[%gather3A_1516] in [0] : vector<16xf32>, vector<16xi32> -> vector<16xf32>
        %mul3A_1518 = arith.mulf %gather3A_1517, %get3A_1489 : vector<16xf32>
        %add3A_1519 = arith.addf %add3A_1409, %mul3A_1518 : vector<16xf32>
        %mul3A_1520 = arith.mulf %gather3A_1517, %get3A_1493 : vector<16xf32>
        %add3A_1521 = arith.addf %add3A_1411, %mul3A_1520 : vector<16xf32>
        %mul3A_1522 = arith.mulf %gather3A_1517, %get3A_1497 : vector<16xf32>
        %add3A_1523 = arith.addf %add3A_1413, %mul3A_1522 : vector<16xf32>
        %mul3A_1524 = arith.mulf %gather3A_1517, %get3A_1501 : vector<16xf32>
        %add3A_1525 = arith.addf %add3A_1415, %mul3A_1524 : vector<16xf32>
        %reshape3A_1526 = vector.shape_cast %broadcast_in_dim3A_1503 : vector<16xi32> to vector<16x1xi32>
        %gather3A_1527 = vector.shape_cast %reshape3A_1526 : vector<16x1xi32> to vector<16xi32>
        %gather3A_1528 = tpu.dynamic_gather %get3A_568[%gather3A_1527] in [0] : vector<16xf32>, vector<16xi32> -> vector<16xf32>
        %mul3A_1529 = arith.mulf %gather3A_1528, %get3A_1489 : vector<16xf32>
        %add3A_1530 = arith.addf %add3A_1420, %mul3A_1529 : vector<16xf32>
        %mul3A_1531 = arith.mulf %gather3A_1528, %get3A_1493 : vector<16xf32>
        %add3A_1532 = arith.addf %add3A_1422, %mul3A_1531 : vector<16xf32>
        %mul3A_1533 = arith.mulf %gather3A_1528, %get3A_1497 : vector<16xf32>
        %add3A_1534 = arith.addf %add3A_1424, %mul3A_1533 : vector<16xf32>
        %mul3A_1535 = arith.mulf %gather3A_1528, %get3A_1501 : vector<16xf32>
        %add3A_1536 = arith.addf %add3A_1426, %mul3A_1535 : vector<16xf32>
        %reshape3A_1537 = vector.shape_cast %broadcast_in_dim3A_1503 : vector<16xi32> to vector<16x1xi32>
        %gather3A_1538 = vector.shape_cast %reshape3A_1537 : vector<16x1xi32> to vector<16xi32>
        %gather3A_1539 = tpu.dynamic_gather %get3A_575[%gather3A_1538] in [0] : vector<16xf32>, vector<16xi32> -> vector<16xf32>
        %mul3A_1540 = arith.mulf %gather3A_1539, %get3A_1489 : vector<16xf32>
        %add3A_1541 = arith.addf %add3A_1431, %mul3A_1540 : vector<16xf32>
        %mul3A_1542 = arith.mulf %gather3A_1539, %get3A_1493 : vector<16xf32>
        %add3A_1543 = arith.addf %add3A_1433, %mul3A_1542 : vector<16xf32>
        %mul3A_1544 = arith.mulf %gather3A_1539, %get3A_1497 : vector<16xf32>
        %add3A_1545 = arith.addf %add3A_1435, %mul3A_1544 : vector<16xf32>
        %mul3A_1546 = arith.mulf %gather3A_1539, %get3A_1501 : vector<16xf32>
        %add3A_1547 = arith.addf %add3A_1437, %mul3A_1546 : vector<16xf32>
        %reshape3A_1548 = vector.shape_cast %broadcast_in_dim3A_1503 : vector<16xi32> to vector<16x1xi32>
        %gather3A_1549 = vector.shape_cast %reshape3A_1548 : vector<16x1xi32> to vector<16xi32>
        %gather3A_1550 = tpu.dynamic_gather %get3A_582[%gather3A_1549] in [0] : vector<16xf32>, vector<16xi32> -> vector<16xf32>
        %mul3A_1551 = arith.mulf %gather3A_1550, %get3A_1489 : vector<16xf32>
        %add3A_1552 = arith.addf %add3A_1442, %mul3A_1551 : vector<16xf32>
        %mul3A_1553 = arith.mulf %gather3A_1550, %get3A_1493 : vector<16xf32>
        %add3A_1554 = arith.addf %add3A_1444, %mul3A_1553 : vector<16xf32>
        %mul3A_1555 = arith.mulf %gather3A_1550, %get3A_1497 : vector<16xf32>
        %add3A_1556 = arith.addf %add3A_1446, %mul3A_1555 : vector<16xf32>
        %mul3A_1557 = arith.mulf %gather3A_1550, %get3A_1501 : vector<16xf32>
        %add3A_1558 = arith.addf %add3A_1448, %mul3A_1557 : vector<16xf32>
        %reshape3A_1559 = vector.shape_cast %broadcast_in_dim3A_1503 : vector<16xi32> to vector<16x1xi32>
        %gather3A_1560 = vector.shape_cast %reshape3A_1559 : vector<16x1xi32> to vector<16xi32>
        %gather3A_1561 = tpu.dynamic_gather %get3A_589[%gather3A_1560] in [0] : vector<16xf32>, vector<16xi32> -> vector<16xf32>
        %mul3A_1562 = arith.mulf %gather3A_1561, %get3A_1489 : vector<16xf32>
        %add3A_1563 = arith.addf %add3A_1453, %mul3A_1562 : vector<16xf32>
        %mul3A_1564 = arith.mulf %gather3A_1561, %get3A_1493 : vector<16xf32>
        %add3A_1565 = arith.addf %add3A_1455, %mul3A_1564 : vector<16xf32>
        %mul3A_1566 = arith.mulf %gather3A_1561, %get3A_1497 : vector<16xf32>
        %add3A_1567 = arith.addf %add3A_1457, %mul3A_1566 : vector<16xf32>
        %mul3A_1568 = arith.mulf %gather3A_1561, %get3A_1501 : vector<16xf32>
        %add3A_1569 = arith.addf %add3A_1459, %mul3A_1568 : vector<16xf32>
        %reshape3A_1570 = vector.shape_cast %broadcast_in_dim3A_1503 : vector<16xi32> to vector<16x1xi32>
        %gather3A_1571 = vector.shape_cast %reshape3A_1570 : vector<16x1xi32> to vector<16xi32>
        %gather3A_1572 = tpu.dynamic_gather %get3A_596[%gather3A_1571] in [0] : vector<16xf32>, vector<16xi32> -> vector<16xf32>
        %mul3A_1573 = arith.mulf %gather3A_1572, %get3A_1489 : vector<16xf32>
        %add3A_1574 = arith.addf %add3A_1464, %mul3A_1573 : vector<16xf32>
        %mul3A_1575 = arith.mulf %gather3A_1572, %get3A_1493 : vector<16xf32>
        %add3A_1576 = arith.addf %add3A_1466, %mul3A_1575 : vector<16xf32>
        %mul3A_1577 = arith.mulf %gather3A_1572, %get3A_1497 : vector<16xf32>
        %add3A_1578 = arith.addf %add3A_1468, %mul3A_1577 : vector<16xf32>
        %mul3A_1579 = arith.mulf %gather3A_1572, %get3A_1501 : vector<16xf32>
        %add3A_1580 = arith.addf %add3A_1470, %mul3A_1579 : vector<16xf32>
        %reshape3A_1581 = vector.shape_cast %broadcast_in_dim3A_1503 : vector<16xi32> to vector<16x1xi32>
        %gather3A_1582 = vector.shape_cast %reshape3A_1581 : vector<16x1xi32> to vector<16xi32>
        %gather3A_1583 = tpu.dynamic_gather %get3A_603[%gather3A_1582] in [0] : vector<16xf32>, vector<16xi32> -> vector<16xf32>
        %mul3A_1584 = arith.mulf %gather3A_1583, %get3A_1489 : vector<16xf32>
        %add3A_1585 = arith.addf %add3A_1475, %mul3A_1584 : vector<16xf32>
        %mul3A_1586 = arith.mulf %gather3A_1583, %get3A_1493 : vector<16xf32>
        %add3A_1587 = arith.addf %add3A_1477, %mul3A_1586 : vector<16xf32>
        %mul3A_1588 = arith.mulf %gather3A_1583, %get3A_1497 : vector<16xf32>
        %add3A_1589 = arith.addf %add3A_1479, %mul3A_1588 : vector<16xf32>
        %mul3A_1590 = arith.mulf %gather3A_1583, %get3A_1501 : vector<16xf32>
        %add3A_1591 = arith.addf %add3A_1481, %mul3A_1590 : vector<16xf32>
        %mul3A_1592 = arith.constant 8 : i32
        %mul3A_1593 = arith.muli %scan3A_514, %mul3A_1592 : i32
        %add3A_1594 = arith.constant 4 : i32
        %add3A_1595 = arith.addi %mul3A_1593, %add3A_1594 : i32
        %get3A_1596 = arith.index_cast %add3A_1595 : i32 to index
        %get3A_1597 = arith.constant 64 : index
        %get3A_1598 = tpu.vector_load %arg5[%get3A_1596, %get3A_1597] {strides = array<i32>} : memref<512x128xf32, #tpu.memory_space<vmem>>, vector<1x16xf32>,
        %get3A_1599 = vector.shape_cast %get3A_1598 : vector<1x16xf32> to vector<16xf32>
        %get3A_1600 = arith.index_cast %add3A_1595 : i32 to index
        %get3A_1601 = arith.constant 80 : index
        %get3A_1602 = tpu.vector_load %arg5[%get3A_1600, %get3A_1601] {strides = array<i32>} : memref<512x128xf32, #tpu.memory_space<vmem>>, vector<1x16xf32>,
        %get3A_1603 = vector.shape_cast %get3A_1602 : vector<1x16xf32> to vector<16xf32>
        %get3A_1604 = arith.index_cast %add3A_1595 : i32 to index
        %get3A_1605 = arith.constant 96 : index
        %get3A_1606 = tpu.vector_load %arg5[%get3A_1604, %get3A_1605] {strides = array<i32>} : memref<512x128xf32, #tpu.memory_space<vmem>>, vector<1x16xf32>,
        %get3A_1607 = vector.shape_cast %get3A_1606 : vector<1x16xf32> to vector<16xf32>
        %get3A_1608 = arith.index_cast %add3A_1595 : i32 to index
        %get3A_1609 = arith.constant 112 : index
        %get3A_1610 = tpu.vector_load %arg5[%get3A_1608, %get3A_1609] {strides = array<i32>} : memref<512x128xf32, #tpu.memory_space<vmem>>, vector<1x16xf32>,
        %get3A_1611 = vector.shape_cast %get3A_1610 : vector<1x16xf32> to vector<16xf32>
        %broadcast_in_dim3A_1612 = arith.constant 9 : i32
        %broadcast_in_dim3A_1613 = vector.broadcast %broadcast_in_dim3A_1612 : i32 to vector<16xi32>
        %reshape3A_1614 = vector.shape_cast %broadcast_in_dim3A_1613 : vector<16xi32> to vector<16x1xi32>
        %gather3A_1615 = vector.shape_cast %reshape3A_1614 : vector<16x1xi32> to vector<16xi32>
        %gather3A_1616 = tpu.dynamic_gather %get3A_554[%gather3A_1615] in [0] : vector<16xf32>, vector<16xi32> -> vector<16xf32>
        %mul3A_1617 = arith.mulf %gather3A_1616, %get3A_1599 : vector<16xf32>
        %add3A_1618 = arith.addf %add3A_1508, %mul3A_1617 : vector<16xf32>
        %mul3A_1619 = arith.mulf %gather3A_1616, %get3A_1603 : vector<16xf32>
        %add3A_1620 = arith.addf %add3A_1510, %mul3A_1619 : vector<16xf32>
        %mul3A_1621 = arith.mulf %gather3A_1616, %get3A_1607 : vector<16xf32>
        %add3A_1622 = arith.addf %add3A_1512, %mul3A_1621 : vector<16xf32>
        %mul3A_1623 = arith.mulf %gather3A_1616, %get3A_1611 : vector<16xf32>
        %add3A_1624 = arith.addf %add3A_1514, %mul3A_1623 : vector<16xf32>
        %reshape3A_1625 = vector.shape_cast %broadcast_in_dim3A_1613 : vector<16xi32> to vector<16x1xi32>
        %gather3A_1626 = vector.shape_cast %reshape3A_1625 : vector<16x1xi32> to vector<16xi32>
        %gather3A_1627 = tpu.dynamic_gather %get3A_561[%gather3A_1626] in [0] : vector<16xf32>, vector<16xi32> -> vector<16xf32>
        %mul3A_1628 = arith.mulf %gather3A_1627, %get3A_1599 : vector<16xf32>
        %add3A_1629 = arith.addf %add3A_1519, %mul3A_1628 : vector<16xf32>
        %mul3A_1630 = arith.mulf %gather3A_1627, %get3A_1603 : vector<16xf32>
        %add3A_1631 = arith.addf %add3A_1521, %mul3A_1630 : vector<16xf32>
        %mul3A_1632 = arith.mulf %gather3A_1627, %get3A_1607 : vector<16xf32>
        %add3A_1633 = arith.addf %add3A_1523, %mul3A_1632 : vector<16xf32>
        %mul3A_1634 = arith.mulf %gather3A_1627, %get3A_1611 : vector<16xf32>
        %add3A_1635 = arith.addf %add3A_1525, %mul3A_1634 : vector<16xf32>
        %reshape3A_1636 = vector.shape_cast %broadcast_in_dim3A_1613 : vector<16xi32> to vector<16x1xi32>
        %gather3A_1637 = vector.shape_cast %reshape3A_1636 : vector<16x1xi32> to vector<16xi32>
        %gather3A_1638 = tpu.dynamic_gather %get3A_568[%gather3A_1637] in [0] : vector<16xf32>, vector<16xi32> -> vector<16xf32>
        %mul3A_1639 = arith.mulf %gather3A_1638, %get3A_1599 : vector<16xf32>
        %add3A_1640 = arith.addf %add3A_1530, %mul3A_1639 : vector<16xf32>
        %mul3A_1641 = arith.mulf %gather3A_1638, %get3A_1603 : vector<16xf32>
        %add3A_1642 = arith.addf %add3A_1532, %mul3A_1641 : vector<16xf32>
        %mul3A_1643 = arith.mulf %gather3A_1638, %get3A_1607 : vector<16xf32>
        %add3A_1644 = arith.addf %add3A_1534, %mul3A_1643 : vector<16xf32>
        %mul3A_1645 = arith.mulf %gather3A_1638, %get3A_1611 : vector<16xf32>
        %add3A_1646 = arith.addf %add3A_1536, %mul3A_1645 : vector<16xf32>
        %reshape3A_1647 = vector.shape_cast %broadcast_in_dim3A_1613 : vector<16xi32> to vector<16x1xi32>
        %gather3A_1648 = vector.shape_cast %reshape3A_1647 : vector<16x1xi32> to vector<16xi32>
        %gather3A_1649 = tpu.dynamic_gather %get3A_575[%gather3A_1648] in [0] : vector<16xf32>, vector<16xi32> -> vector<16xf32>
        %mul3A_1650 = arith.mulf %gather3A_1649, %get3A_1599 : vector<16xf32>
        %add3A_1651 = arith.addf %add3A_1541, %mul3A_1650 : vector<16xf32>
        %mul3A_1652 = arith.mulf %gather3A_1649, %get3A_1603 : vector<16xf32>
        %add3A_1653 = arith.addf %add3A_1543, %mul3A_1652 : vector<16xf32>
        %mul3A_1654 = arith.mulf %gather3A_1649, %get3A_1607 : vector<16xf32>
        %add3A_1655 = arith.addf %add3A_1545, %mul3A_1654 : vector<16xf32>
        %mul3A_1656 = arith.mulf %gather3A_1649, %get3A_1611 : vector<16xf32>
        %add3A_1657 = arith.addf %add3A_1547, %mul3A_1656 : vector<16xf32>
        %reshape3A_1658 = vector.shape_cast %broadcast_in_dim3A_1613 : vector<16xi32> to vector<16x1xi32>
        %gather3A_1659 = vector.shape_cast %reshape3A_1658 : vector<16x1xi32> to vector<16xi32>
        %gather3A_1660 = tpu.dynamic_gather %get3A_582[%gather3A_1659] in [0] : vector<16xf32>, vector<16xi32> -> vector<16xf32>
        %mul3A_1661 = arith.mulf %gather3A_1660, %get3A_1599 : vector<16xf32>
        %add3A_1662 = arith.addf %add3A_1552, %mul3A_1661 : vector<16xf32>
        %mul3A_1663 = arith.mulf %gather3A_1660, %get3A_1603 : vector<16xf32>
        %add3A_1664 = arith.addf %add3A_1554, %mul3A_1663 : vector<16xf32>
        %mul3A_1665 = arith.mulf %gather3A_1660, %get3A_1607 : vector<16xf32>
        %add3A_1666 = arith.addf %add3A_1556, %mul3A_1665 : vector<16xf32>
        %mul3A_1667 = arith.mulf %gather3A_1660, %get3A_1611 : vector<16xf32>
        %add3A_1668 = arith.addf %add3A_1558, %mul3A_1667 : vector<16xf32>
        %reshape3A_1669 = vector.shape_cast %broadcast_in_dim3A_1613 : vector<16xi32> to vector<16x1xi32>
        %gather3A_1670 = vector.shape_cast %reshape3A_1669 : vector<16x1xi32> to vector<16xi32>
        %gather3A_1671 = tpu.dynamic_gather %get3A_589[%gather3A_1670] in [0] : vector<16xf32>, vector<16xi32> -> vector<16xf32>
        %mul3A_1672 = arith.mulf %gather3A_1671, %get3A_1599 : vector<16xf32>
        %add3A_1673 = arith.addf %add3A_1563, %mul3A_1672 : vector<16xf32>
        %mul3A_1674 = arith.mulf %gather3A_1671, %get3A_1603 : vector<16xf32>
        %add3A_1675 = arith.addf %add3A_1565, %mul3A_1674 : vector<16xf32>
        %mul3A_1676 = arith.mulf %gather3A_1671, %get3A_1607 : vector<16xf32>
        %add3A_1677 = arith.addf %add3A_1567, %mul3A_1676 : vector<16xf32>
        %mul3A_1678 = arith.mulf %gather3A_1671, %get3A_1611 : vector<16xf32>
        %add3A_1679 = arith.addf %add3A_1569, %mul3A_1678 : vector<16xf32>
        %reshape3A_1680 = vector.shape_cast %broadcast_in_dim3A_1613 : vector<16xi32> to vector<16x1xi32>
        %gather3A_1681 = vector.shape_cast %reshape3A_1680 : vector<16x1xi32> to vector<16xi32>
        %gather3A_1682 = tpu.dynamic_gather %get3A_596[%gather3A_1681] in [0] : vector<16xf32>, vector<16xi32> -> vector<16xf32>
        %mul3A_1683 = arith.mulf %gather3A_1682, %get3A_1599 : vector<16xf32>
        %add3A_1684 = arith.addf %add3A_1574, %mul3A_1683 : vector<16xf32>
        %mul3A_1685 = arith.mulf %gather3A_1682, %get3A_1603 : vector<16xf32>
        %add3A_1686 = arith.addf %add3A_1576, %mul3A_1685 : vector<16xf32>
        %mul3A_1687 = arith.mulf %gather3A_1682, %get3A_1607 : vector<16xf32>
        %add3A_1688 = arith.addf %add3A_1578, %mul3A_1687 : vector<16xf32>
        %mul3A_1689 = arith.mulf %gather3A_1682, %get3A_1611 : vector<16xf32>
        %add3A_1690 = arith.addf %add3A_1580, %mul3A_1689 : vector<16xf32>
        %reshape3A_1691 = vector.shape_cast %broadcast_in_dim3A_1613 : vector<16xi32> to vector<16x1xi32>
        %gather3A_1692 = vector.shape_cast %reshape3A_1691 : vector<16x1xi32> to vector<16xi32>
        %gather3A_1693 = tpu.dynamic_gather %get3A_603[%gather3A_1692] in [0] : vector<16xf32>, vector<16xi32> -> vector<16xf32>
        %mul3A_1694 = arith.mulf %gather3A_1693, %get3A_1599 : vector<16xf32>
        %add3A_1695 = arith.addf %add3A_1585, %mul3A_1694 : vector<16xf32>
        %mul3A_1696 = arith.mulf %gather3A_1693, %get3A_1603 : vector<16xf32>
        %add3A_1697 = arith.addf %add3A_1587, %mul3A_1696 : vector<16xf32>
        %mul3A_1698 = arith.mulf %gather3A_1693, %get3A_1607 : vector<16xf32>
        %add3A_1699 = arith.addf %add3A_1589, %mul3A_1698 : vector<16xf32>
        %mul3A_1700 = arith.mulf %gather3A_1693, %get3A_1611 : vector<16xf32>
        %add3A_1701 = arith.addf %add3A_1591, %mul3A_1700 : vector<16xf32>
        %mul3A_1702 = arith.constant 8 : i32
        %mul3A_1703 = arith.muli %scan3A_514, %mul3A_1702 : i32
        %add3A_1704 = arith.constant 5 : i32
        %add3A_1705 = arith.addi %mul3A_1703, %add3A_1704 : i32
        %get3A_1706 = arith.index_cast %add3A_1705 : i32 to index
        %get3A_1707 = arith.constant 0 : index
        %get3A_1708 = tpu.vector_load %arg5[%get3A_1706, %get3A_1707] {strides = array<i32>} : memref<512x128xf32, #tpu.memory_space<vmem>>, vector<1x16xf32>,
        %get3A_1709 = vector.shape_cast %get3A_1708 : vector<1x16xf32> to vector<16xf32>
        %get3A_1710 = arith.index_cast %add3A_1705 : i32 to index
        %get3A_1711 = arith.constant 16 : index
        %get3A_1712 = tpu.vector_load %arg5[%get3A_1710, %get3A_1711] {strides = array<i32>} : memref<512x128xf32, #tpu.memory_space<vmem>>, vector<1x16xf32>,
        %get3A_1713 = vector.shape_cast %get3A_1712 : vector<1x16xf32> to vector<16xf32>
        %get3A_1714 = arith.index_cast %add3A_1705 : i32 to index
        %get3A_1715 = arith.constant 32 : index
        %get3A_1716 = tpu.vector_load %arg5[%get3A_1714, %get3A_1715] {strides = array<i32>} : memref<512x128xf32, #tpu.memory_space<vmem>>, vector<1x16xf32>,
        %get3A_1717 = vector.shape_cast %get3A_1716 : vector<1x16xf32> to vector<16xf32>
        %get3A_1718 = arith.index_cast %add3A_1705 : i32 to index
        %get3A_1719 = arith.constant 48 : index
        %get3A_1720 = tpu.vector_load %arg5[%get3A_1718, %get3A_1719] {strides = array<i32>} : memref<512x128xf32, #tpu.memory_space<vmem>>, vector<1x16xf32>,
        %get3A_1721 = vector.shape_cast %get3A_1720 : vector<1x16xf32> to vector<16xf32>
        %broadcast_in_dim3A_1722 = arith.constant 10 : i32
        %broadcast_in_dim3A_1723 = vector.broadcast %broadcast_in_dim3A_1722 : i32 to vector<16xi32>
        %reshape3A_1724 = vector.shape_cast %broadcast_in_dim3A_1723 : vector<16xi32> to vector<16x1xi32>
        %gather3A_1725 = vector.shape_cast %reshape3A_1724 : vector<16x1xi32> to vector<16xi32>
        %gather3A_1726 = tpu.dynamic_gather %get3A_554[%gather3A_1725] in [0] : vector<16xf32>, vector<16xi32> -> vector<16xf32>
        %mul3A_1727 = arith.mulf %gather3A_1726, %get3A_1709 : vector<16xf32>
        %add3A_1728 = arith.addf %add3A_1618, %mul3A_1727 : vector<16xf32>
        %mul3A_1729 = arith.mulf %gather3A_1726, %get3A_1713 : vector<16xf32>
        %add3A_1730 = arith.addf %add3A_1620, %mul3A_1729 : vector<16xf32>
        %mul3A_1731 = arith.mulf %gather3A_1726, %get3A_1717 : vector<16xf32>
        %add3A_1732 = arith.addf %add3A_1622, %mul3A_1731 : vector<16xf32>
        %mul3A_1733 = arith.mulf %gather3A_1726, %get3A_1721 : vector<16xf32>
        %add3A_1734 = arith.addf %add3A_1624, %mul3A_1733 : vector<16xf32>
        %reshape3A_1735 = vector.shape_cast %broadcast_in_dim3A_1723 : vector<16xi32> to vector<16x1xi32>
        %gather3A_1736 = vector.shape_cast %reshape3A_1735 : vector<16x1xi32> to vector<16xi32>
        %gather3A_1737 = tpu.dynamic_gather %get3A_561[%gather3A_1736] in [0] : vector<16xf32>, vector<16xi32> -> vector<16xf32>
        %mul3A_1738 = arith.mulf %gather3A_1737, %get3A_1709 : vector<16xf32>
        %add3A_1739 = arith.addf %add3A_1629, %mul3A_1738 : vector<16xf32>
        %mul3A_1740 = arith.mulf %gather3A_1737, %get3A_1713 : vector<16xf32>
        %add3A_1741 = arith.addf %add3A_1631, %mul3A_1740 : vector<16xf32>
        %mul3A_1742 = arith.mulf %gather3A_1737, %get3A_1717 : vector<16xf32>
        %add3A_1743 = arith.addf %add3A_1633, %mul3A_1742 : vector<16xf32>
        %mul3A_1744 = arith.mulf %gather3A_1737, %get3A_1721 : vector<16xf32>
        %add3A_1745 = arith.addf %add3A_1635, %mul3A_1744 : vector<16xf32>
        %reshape3A_1746 = vector.shape_cast %broadcast_in_dim3A_1723 : vector<16xi32> to vector<16x1xi32>
        %gather3A_1747 = vector.shape_cast %reshape3A_1746 : vector<16x1xi32> to vector<16xi32>
        %gather3A_1748 = tpu.dynamic_gather %get3A_568[%gather3A_1747] in [0] : vector<16xf32>, vector<16xi32> -> vector<16xf32>
        %mul3A_1749 = arith.mulf %gather3A_1748, %get3A_1709 : vector<16xf32>
        %add3A_1750 = arith.addf %add3A_1640, %mul3A_1749 : vector<16xf32>
        %mul3A_1751 = arith.mulf %gather3A_1748, %get3A_1713 : vector<16xf32>
        %add3A_1752 = arith.addf %add3A_1642, %mul3A_1751 : vector<16xf32>
        %mul3A_1753 = arith.mulf %gather3A_1748, %get3A_1717 : vector<16xf32>
        %add3A_1754 = arith.addf %add3A_1644, %mul3A_1753 : vector<16xf32>
        %mul3A_1755 = arith.mulf %gather3A_1748, %get3A_1721 : vector<16xf32>
        %add3A_1756 = arith.addf %add3A_1646, %mul3A_1755 : vector<16xf32>
        %reshape3A_1757 = vector.shape_cast %broadcast_in_dim3A_1723 : vector<16xi32> to vector<16x1xi32>
        %gather3A_1758 = vector.shape_cast %reshape3A_1757 : vector<16x1xi32> to vector<16xi32>
        %gather3A_1759 = tpu.dynamic_gather %get3A_575[%gather3A_1758] in [0] : vector<16xf32>, vector<16xi32> -> vector<16xf32>
        %mul3A_1760 = arith.mulf %gather3A_1759, %get3A_1709 : vector<16xf32>
        %add3A_1761 = arith.addf %add3A_1651, %mul3A_1760 : vector<16xf32>
        %mul3A_1762 = arith.mulf %gather3A_1759, %get3A_1713 : vector<16xf32>
        %add3A_1763 = arith.addf %add3A_1653, %mul3A_1762 : vector<16xf32>
        %mul3A_1764 = arith.mulf %gather3A_1759, %get3A_1717 : vector<16xf32>
        %add3A_1765 = arith.addf %add3A_1655, %mul3A_1764 : vector<16xf32>
        %mul3A_1766 = arith.mulf %gather3A_1759, %get3A_1721 : vector<16xf32>
        %add3A_1767 = arith.addf %add3A_1657, %mul3A_1766 : vector<16xf32>
        %reshape3A_1768 = vector.shape_cast %broadcast_in_dim3A_1723 : vector<16xi32> to vector<16x1xi32>
        %gather3A_1769 = vector.shape_cast %reshape3A_1768 : vector<16x1xi32> to vector<16xi32>
        %gather3A_1770 = tpu.dynamic_gather %get3A_582[%gather3A_1769] in [0] : vector<16xf32>, vector<16xi32> -> vector<16xf32>
        %mul3A_1771 = arith.mulf %gather3A_1770, %get3A_1709 : vector<16xf32>
        %add3A_1772 = arith.addf %add3A_1662, %mul3A_1771 : vector<16xf32>
        %mul3A_1773 = arith.mulf %gather3A_1770, %get3A_1713 : vector<16xf32>
        %add3A_1774 = arith.addf %add3A_1664, %mul3A_1773 : vector<16xf32>
        %mul3A_1775 = arith.mulf %gather3A_1770, %get3A_1717 : vector<16xf32>
        %add3A_1776 = arith.addf %add3A_1666, %mul3A_1775 : vector<16xf32>
        %mul3A_1777 = arith.mulf %gather3A_1770, %get3A_1721 : vector<16xf32>
        %add3A_1778 = arith.addf %add3A_1668, %mul3A_1777 : vector<16xf32>
        %reshape3A_1779 = vector.shape_cast %broadcast_in_dim3A_1723 : vector<16xi32> to vector<16x1xi32>
        %gather3A_1780 = vector.shape_cast %reshape3A_1779 : vector<16x1xi32> to vector<16xi32>
        %gather3A_1781 = tpu.dynamic_gather %get3A_589[%gather3A_1780] in [0] : vector<16xf32>, vector<16xi32> -> vector<16xf32>
        %mul3A_1782 = arith.mulf %gather3A_1781, %get3A_1709 : vector<16xf32>
        %add3A_1783 = arith.addf %add3A_1673, %mul3A_1782 : vector<16xf32>
        %mul3A_1784 = arith.mulf %gather3A_1781, %get3A_1713 : vector<16xf32>
        %add3A_1785 = arith.addf %add3A_1675, %mul3A_1784 : vector<16xf32>
        %mul3A_1786 = arith.mulf %gather3A_1781, %get3A_1717 : vector<16xf32>
        %add3A_1787 = arith.addf %add3A_1677, %mul3A_1786 : vector<16xf32>
        %mul3A_1788 = arith.mulf %gather3A_1781, %get3A_1721 : vector<16xf32>
        %add3A_1789 = arith.addf %add3A_1679, %mul3A_1788 : vector<16xf32>
        %reshape3A_1790 = vector.shape_cast %broadcast_in_dim3A_1723 : vector<16xi32> to vector<16x1xi32>
        %gather3A_1791 = vector.shape_cast %reshape3A_1790 : vector<16x1xi32> to vector<16xi32>
        %gather3A_1792 = tpu.dynamic_gather %get3A_596[%gather3A_1791] in [0] : vector<16xf32>, vector<16xi32> -> vector<16xf32>
        %mul3A_1793 = arith.mulf %gather3A_1792, %get3A_1709 : vector<16xf32>
        %add3A_1794 = arith.addf %add3A_1684, %mul3A_1793 : vector<16xf32>
        %mul3A_1795 = arith.mulf %gather3A_1792, %get3A_1713 : vector<16xf32>
        %add3A_1796 = arith.addf %add3A_1686, %mul3A_1795 : vector<16xf32>
        %mul3A_1797 = arith.mulf %gather3A_1792, %get3A_1717 : vector<16xf32>
        %add3A_1798 = arith.addf %add3A_1688, %mul3A_1797 : vector<16xf32>
        %mul3A_1799 = arith.mulf %gather3A_1792, %get3A_1721 : vector<16xf32>
        %add3A_1800 = arith.addf %add3A_1690, %mul3A_1799 : vector<16xf32>
        %reshape3A_1801 = vector.shape_cast %broadcast_in_dim3A_1723 : vector<16xi32> to vector<16x1xi32>
        %gather3A_1802 = vector.shape_cast %reshape3A_1801 : vector<16x1xi32> to vector<16xi32>
        %gather3A_1803 = tpu.dynamic_gather %get3A_603[%gather3A_1802] in [0] : vector<16xf32>, vector<16xi32> -> vector<16xf32>
        %mul3A_1804 = arith.mulf %gather3A_1803, %get3A_1709 : vector<16xf32>
        %add3A_1805 = arith.addf %add3A_1695, %mul3A_1804 : vector<16xf32>
        %mul3A_1806 = arith.mulf %gather3A_1803, %get3A_1713 : vector<16xf32>
        %add3A_1807 = arith.addf %add3A_1697, %mul3A_1806 : vector<16xf32>
        %mul3A_1808 = arith.mulf %gather3A_1803, %get3A_1717 : vector<16xf32>
        %add3A_1809 = arith.addf %add3A_1699, %mul3A_1808 : vector<16xf32>
        %mul3A_1810 = arith.mulf %gather3A_1803, %get3A_1721 : vector<16xf32>
        %add3A_1811 = arith.addf %add3A_1701, %mul3A_1810 : vector<16xf32>
        %mul3A_1812 = arith.constant 8 : i32
        %mul3A_1813 = arith.muli %scan3A_514, %mul3A_1812 : i32
        %add3A_1814 = arith.constant 5 : i32
        %add3A_1815 = arith.addi %mul3A_1813, %add3A_1814 : i32
        %get3A_1816 = arith.index_cast %add3A_1815 : i32 to index
        %get3A_1817 = arith.constant 64 : index
        %get3A_1818 = tpu.vector_load %arg5[%get3A_1816, %get3A_1817] {strides = array<i32>} : memref<512x128xf32, #tpu.memory_space<vmem>>, vector<1x16xf32>,
        %get3A_1819 = vector.shape_cast %get3A_1818 : vector<1x16xf32> to vector<16xf32>
        %get3A_1820 = arith.index_cast %add3A_1815 : i32 to index
        %get3A_1821 = arith.constant 80 : index
        %get3A_1822 = tpu.vector_load %arg5[%get3A_1820, %get3A_1821] {strides = array<i32>} : memref<512x128xf32, #tpu.memory_space<vmem>>, vector<1x16xf32>,
        %get3A_1823 = vector.shape_cast %get3A_1822 : vector<1x16xf32> to vector<16xf32>
        %get3A_1824 = arith.index_cast %add3A_1815 : i32 to index
        %get3A_1825 = arith.constant 96 : index
        %get3A_1826 = tpu.vector_load %arg5[%get3A_1824, %get3A_1825] {strides = array<i32>} : memref<512x128xf32, #tpu.memory_space<vmem>>, vector<1x16xf32>,
        %get3A_1827 = vector.shape_cast %get3A_1826 : vector<1x16xf32> to vector<16xf32>
        %get3A_1828 = arith.index_cast %add3A_1815 : i32 to index
        %get3A_1829 = arith.constant 112 : index
        %get3A_1830 = tpu.vector_load %arg5[%get3A_1828, %get3A_1829] {strides = array<i32>} : memref<512x128xf32, #tpu.memory_space<vmem>>, vector<1x16xf32>,
        %get3A_1831 = vector.shape_cast %get3A_1830 : vector<1x16xf32> to vector<16xf32>
        %broadcast_in_dim3A_1832 = arith.constant 11 : i32
        %broadcast_in_dim3A_1833 = vector.broadcast %broadcast_in_dim3A_1832 : i32 to vector<16xi32>
        %reshape3A_1834 = vector.shape_cast %broadcast_in_dim3A_1833 : vector<16xi32> to vector<16x1xi32>
        %gather3A_1835 = vector.shape_cast %reshape3A_1834 : vector<16x1xi32> to vector<16xi32>
        %gather3A_1836 = tpu.dynamic_gather %get3A_554[%gather3A_1835] in [0] : vector<16xf32>, vector<16xi32> -> vector<16xf32>
        %mul3A_1837 = arith.mulf %gather3A_1836, %get3A_1819 : vector<16xf32>
        %add3A_1838 = arith.addf %add3A_1728, %mul3A_1837 : vector<16xf32>
        %mul3A_1839 = arith.mulf %gather3A_1836, %get3A_1823 : vector<16xf32>
        %add3A_1840 = arith.addf %add3A_1730, %mul3A_1839 : vector<16xf32>
        %mul3A_1841 = arith.mulf %gather3A_1836, %get3A_1827 : vector<16xf32>
        %add3A_1842 = arith.addf %add3A_1732, %mul3A_1841 : vector<16xf32>
        %mul3A_1843 = arith.mulf %gather3A_1836, %get3A_1831 : vector<16xf32>
        %add3A_1844 = arith.addf %add3A_1734, %mul3A_1843 : vector<16xf32>
        %reshape3A_1845 = vector.shape_cast %broadcast_in_dim3A_1833 : vector<16xi32> to vector<16x1xi32>
        %gather3A_1846 = vector.shape_cast %reshape3A_1845 : vector<16x1xi32> to vector<16xi32>
        %gather3A_1847 = tpu.dynamic_gather %get3A_561[%gather3A_1846] in [0] : vector<16xf32>, vector<16xi32> -> vector<16xf32>
        %mul3A_1848 = arith.mulf %gather3A_1847, %get3A_1819 : vector<16xf32>
        %add3A_1849 = arith.addf %add3A_1739, %mul3A_1848 : vector<16xf32>
        %mul3A_1850 = arith.mulf %gather3A_1847, %get3A_1823 : vector<16xf32>
        %add3A_1851 = arith.addf %add3A_1741, %mul3A_1850 : vector<16xf32>
        %mul3A_1852 = arith.mulf %gather3A_1847, %get3A_1827 : vector<16xf32>
        %add3A_1853 = arith.addf %add3A_1743, %mul3A_1852 : vector<16xf32>
        %mul3A_1854 = arith.mulf %gather3A_1847, %get3A_1831 : vector<16xf32>
        %add3A_1855 = arith.addf %add3A_1745, %mul3A_1854 : vector<16xf32>
        %reshape3A_1856 = vector.shape_cast %broadcast_in_dim3A_1833 : vector<16xi32> to vector<16x1xi32>
        %gather3A_1857 = vector.shape_cast %reshape3A_1856 : vector<16x1xi32> to vector<16xi32>
        %gather3A_1858 = tpu.dynamic_gather %get3A_568[%gather3A_1857] in [0] : vector<16xf32>, vector<16xi32> -> vector<16xf32>
        %mul3A_1859 = arith.mulf %gather3A_1858, %get3A_1819 : vector<16xf32>
        %add3A_1860 = arith.addf %add3A_1750, %mul3A_1859 : vector<16xf32>
        %mul3A_1861 = arith.mulf %gather3A_1858, %get3A_1823 : vector<16xf32>
        %add3A_1862 = arith.addf %add3A_1752, %mul3A_1861 : vector<16xf32>
        %mul3A_1863 = arith.mulf %gather3A_1858, %get3A_1827 : vector<16xf32>
        %add3A_1864 = arith.addf %add3A_1754, %mul3A_1863 : vector<16xf32>
        %mul3A_1865 = arith.mulf %gather3A_1858, %get3A_1831 : vector<16xf32>
        %add3A_1866 = arith.addf %add3A_1756, %mul3A_1865 : vector<16xf32>
        %reshape3A_1867 = vector.shape_cast %broadcast_in_dim3A_1833 : vector<16xi32> to vector<16x1xi32>
        %gather3A_1868 = vector.shape_cast %reshape3A_1867 : vector<16x1xi32> to vector<16xi32>
        %gather3A_1869 = tpu.dynamic_gather %get3A_575[%gather3A_1868] in [0] : vector<16xf32>, vector<16xi32> -> vector<16xf32>
        %mul3A_1870 = arith.mulf %gather3A_1869, %get3A_1819 : vector<16xf32>
        %add3A_1871 = arith.addf %add3A_1761, %mul3A_1870 : vector<16xf32>
        %mul3A_1872 = arith.mulf %gather3A_1869, %get3A_1823 : vector<16xf32>
        %add3A_1873 = arith.addf %add3A_1763, %mul3A_1872 : vector<16xf32>
        %mul3A_1874 = arith.mulf %gather3A_1869, %get3A_1827 : vector<16xf32>
        %add3A_1875 = arith.addf %add3A_1765, %mul3A_1874 : vector<16xf32>
        %mul3A_1876 = arith.mulf %gather3A_1869, %get3A_1831 : vector<16xf32>
        %add3A_1877 = arith.addf %add3A_1767, %mul3A_1876 : vector<16xf32>
        %reshape3A_1878 = vector.shape_cast %broadcast_in_dim3A_1833 : vector<16xi32> to vector<16x1xi32>
        %gather3A_1879 = vector.shape_cast %reshape3A_1878 : vector<16x1xi32> to vector<16xi32>
        %gather3A_1880 = tpu.dynamic_gather %get3A_582[%gather3A_1879] in [0] : vector<16xf32>, vector<16xi32> -> vector<16xf32>
        %mul3A_1881 = arith.mulf %gather3A_1880, %get3A_1819 : vector<16xf32>
        %add3A_1882 = arith.addf %add3A_1772, %mul3A_1881 : vector<16xf32>
        %mul3A_1883 = arith.mulf %gather3A_1880, %get3A_1823 : vector<16xf32>
        %add3A_1884 = arith.addf %add3A_1774, %mul3A_1883 : vector<16xf32>
        %mul3A_1885 = arith.mulf %gather3A_1880, %get3A_1827 : vector<16xf32>
        %add3A_1886 = arith.addf %add3A_1776, %mul3A_1885 : vector<16xf32>
        %mul3A_1887 = arith.mulf %gather3A_1880, %get3A_1831 : vector<16xf32>
        %add3A_1888 = arith.addf %add3A_1778, %mul3A_1887 : vector<16xf32>
        %reshape3A_1889 = vector.shape_cast %broadcast_in_dim3A_1833 : vector<16xi32> to vector<16x1xi32>
        %gather3A_1890 = vector.shape_cast %reshape3A_1889 : vector<16x1xi32> to vector<16xi32>
        %gather3A_1891 = tpu.dynamic_gather %get3A_589[%gather3A_1890] in [0] : vector<16xf32>, vector<16xi32> -> vector<16xf32>
        %mul3A_1892 = arith.mulf %gather3A_1891, %get3A_1819 : vector<16xf32>
        %add3A_1893 = arith.addf %add3A_1783, %mul3A_1892 : vector<16xf32>
        %mul3A_1894 = arith.mulf %gather3A_1891, %get3A_1823 : vector<16xf32>
        %add3A_1895 = arith.addf %add3A_1785, %mul3A_1894 : vector<16xf32>
        %mul3A_1896 = arith.mulf %gather3A_1891, %get3A_1827 : vector<16xf32>
        %add3A_1897 = arith.addf %add3A_1787, %mul3A_1896 : vector<16xf32>
        %mul3A_1898 = arith.mulf %gather3A_1891, %get3A_1831 : vector<16xf32>
        %add3A_1899 = arith.addf %add3A_1789, %mul3A_1898 : vector<16xf32>
        %reshape3A_1900 = vector.shape_cast %broadcast_in_dim3A_1833 : vector<16xi32> to vector<16x1xi32>
        %gather3A_1901 = vector.shape_cast %reshape3A_1900 : vector<16x1xi32> to vector<16xi32>
        %gather3A_1902 = tpu.dynamic_gather %get3A_596[%gather3A_1901] in [0] : vector<16xf32>, vector<16xi32> -> vector<16xf32>
        %mul3A_1903 = arith.mulf %gather3A_1902, %get3A_1819 : vector<16xf32>
        %add3A_1904 = arith.addf %add3A_1794, %mul3A_1903 : vector<16xf32>
        %mul3A_1905 = arith.mulf %gather3A_1902, %get3A_1823 : vector<16xf32>
        %add3A_1906 = arith.addf %add3A_1796, %mul3A_1905 : vector<16xf32>
        %mul3A_1907 = arith.mulf %gather3A_1902, %get3A_1827 : vector<16xf32>
        %add3A_1908 = arith.addf %add3A_1798, %mul3A_1907 : vector<16xf32>
        %mul3A_1909 = arith.mulf %gather3A_1902, %get3A_1831 : vector<16xf32>
        %add3A_1910 = arith.addf %add3A_1800, %mul3A_1909 : vector<16xf32>
        %reshape3A_1911 = vector.shape_cast %broadcast_in_dim3A_1833 : vector<16xi32> to vector<16x1xi32>
        %gather3A_1912 = vector.shape_cast %reshape3A_1911 : vector<16x1xi32> to vector<16xi32>
        %gather3A_1913 = tpu.dynamic_gather %get3A_603[%gather3A_1912] in [0] : vector<16xf32>, vector<16xi32> -> vector<16xf32>
        %mul3A_1914 = arith.mulf %gather3A_1913, %get3A_1819 : vector<16xf32>
        %add3A_1915 = arith.addf %add3A_1805, %mul3A_1914 : vector<16xf32>
        %mul3A_1916 = arith.mulf %gather3A_1913, %get3A_1823 : vector<16xf32>
        %add3A_1917 = arith.addf %add3A_1807, %mul3A_1916 : vector<16xf32>
        %mul3A_1918 = arith.mulf %gather3A_1913, %get3A_1827 : vector<16xf32>
        %add3A_1919 = arith.addf %add3A_1809, %mul3A_1918 : vector<16xf32>
        %mul3A_1920 = arith.mulf %gather3A_1913, %get3A_1831 : vector<16xf32>
        %add3A_1921 = arith.addf %add3A_1811, %mul3A_1920 : vector<16xf32>
        %mul3A_1922 = arith.constant 8 : i32
        %mul3A_1923 = arith.muli %scan3A_514, %mul3A_1922 : i32
        %add3A_1924 = arith.constant 6 : i32
        %add3A_1925 = arith.addi %mul3A_1923, %add3A_1924 : i32
        %get3A_1926 = arith.index_cast %add3A_1925 : i32 to index
        %get3A_1927 = arith.constant 0 : index
        %get3A_1928 = tpu.vector_load %arg5[%get3A_1926, %get3A_1927] {strides = array<i32>} : memref<512x128xf32, #tpu.memory_space<vmem>>, vector<1x16xf32>,
        %get3A_1929 = vector.shape_cast %get3A_1928 : vector<1x16xf32> to vector<16xf32>
        %get3A_1930 = arith.index_cast %add3A_1925 : i32 to index
        %get3A_1931 = arith.constant 16 : index
        %get3A_1932 = tpu.vector_load %arg5[%get3A_1930, %get3A_1931] {strides = array<i32>} : memref<512x128xf32, #tpu.memory_space<vmem>>, vector<1x16xf32>,
        %get3A_1933 = vector.shape_cast %get3A_1932 : vector<1x16xf32> to vector<16xf32>
        %get3A_1934 = arith.index_cast %add3A_1925 : i32 to index
        %get3A_1935 = arith.constant 32 : index
        %get3A_1936 = tpu.vector_load %arg5[%get3A_1934, %get3A_1935] {strides = array<i32>} : memref<512x128xf32, #tpu.memory_space<vmem>>, vector<1x16xf32>,
        %get3A_1937 = vector.shape_cast %get3A_1936 : vector<1x16xf32> to vector<16xf32>
        %get3A_1938 = arith.index_cast %add3A_1925 : i32 to index
        %get3A_1939 = arith.constant 48 : index
        %get3A_1940 = tpu.vector_load %arg5[%get3A_1938, %get3A_1939] {strides = array<i32>} : memref<512x128xf32, #tpu.memory_space<vmem>>, vector<1x16xf32>,
        %get3A_1941 = vector.shape_cast %get3A_1940 : vector<1x16xf32> to vector<16xf32>
        %broadcast_in_dim3A_1942 = arith.constant 12 : i32
        %broadcast_in_dim3A_1943 = vector.broadcast %broadcast_in_dim3A_1942 : i32 to vector<16xi32>
        %reshape3A_1944 = vector.shape_cast %broadcast_in_dim3A_1943 : vector<16xi32> to vector<16x1xi32>
        %gather3A_1945 = vector.shape_cast %reshape3A_1944 : vector<16x1xi32> to vector<16xi32>
        %gather3A_1946 = tpu.dynamic_gather %get3A_554[%gather3A_1945] in [0] : vector<16xf32>, vector<16xi32> -> vector<16xf32>
        %mul3A_1947 = arith.mulf %gather3A_1946, %get3A_1929 : vector<16xf32>
        %add3A_1948 = arith.addf %add3A_1838, %mul3A_1947 : vector<16xf32>
        %mul3A_1949 = arith.mulf %gather3A_1946, %get3A_1933 : vector<16xf32>
        %add3A_1950 = arith.addf %add3A_1840, %mul3A_1949 : vector<16xf32>
        %mul3A_1951 = arith.mulf %gather3A_1946, %get3A_1937 : vector<16xf32>
        %add3A_1952 = arith.addf %add3A_1842, %mul3A_1951 : vector<16xf32>
        %mul3A_1953 = arith.mulf %gather3A_1946, %get3A_1941 : vector<16xf32>
        %add3A_1954 = arith.addf %add3A_1844, %mul3A_1953 : vector<16xf32>
        %reshape3A_1955 = vector.shape_cast %broadcast_in_dim3A_1943 : vector<16xi32> to vector<16x1xi32>
        %gather3A_1956 = vector.shape_cast %reshape3A_1955 : vector<16x1xi32> to vector<16xi32>
        %gather3A_1957 = tpu.dynamic_gather %get3A_561[%gather3A_1956] in [0] : vector<16xf32>, vector<16xi32> -> vector<16xf32>
        %mul3A_1958 = arith.mulf %gather3A_1957, %get3A_1929 : vector<16xf32>
        %add3A_1959 = arith.addf %add3A_1849, %mul3A_1958 : vector<16xf32>
        %mul3A_1960 = arith.mulf %gather3A_1957, %get3A_1933 : vector<16xf32>
        %add3A_1961 = arith.addf %add3A_1851, %mul3A_1960 : vector<16xf32>
        %mul3A_1962 = arith.mulf %gather3A_1957, %get3A_1937 : vector<16xf32>
        %add3A_1963 = arith.addf %add3A_1853, %mul3A_1962 : vector<16xf32>
        %mul3A_1964 = arith.mulf %gather3A_1957, %get3A_1941 : vector<16xf32>
        %add3A_1965 = arith.addf %add3A_1855, %mul3A_1964 : vector<16xf32>
        %reshape3A_1966 = vector.shape_cast %broadcast_in_dim3A_1943 : vector<16xi32> to vector<16x1xi32>
        %gather3A_1967 = vector.shape_cast %reshape3A_1966 : vector<16x1xi32> to vector<16xi32>
        %gather3A_1968 = tpu.dynamic_gather %get3A_568[%gather3A_1967] in [0] : vector<16xf32>, vector<16xi32> -> vector<16xf32>
        %mul3A_1969 = arith.mulf %gather3A_1968, %get3A_1929 : vector<16xf32>
        %add3A_1970 = arith.addf %add3A_1860, %mul3A_1969 : vector<16xf32>
        %mul3A_1971 = arith.mulf %gather3A_1968, %get3A_1933 : vector<16xf32>
        %add3A_1972 = arith.addf %add3A_1862, %mul3A_1971 : vector<16xf32>
        %mul3A_1973 = arith.mulf %gather3A_1968, %get3A_1937 : vector<16xf32>
        %add3A_1974 = arith.addf %add3A_1864, %mul3A_1973 : vector<16xf32>
        %mul3A_1975 = arith.mulf %gather3A_1968, %get3A_1941 : vector<16xf32>
        %add3A_1976 = arith.addf %add3A_1866, %mul3A_1975 : vector<16xf32>
        %reshape3A_1977 = vector.shape_cast %broadcast_in_dim3A_1943 : vector<16xi32> to vector<16x1xi32>
        %gather3A_1978 = vector.shape_cast %reshape3A_1977 : vector<16x1xi32> to vector<16xi32>
        %gather3A_1979 = tpu.dynamic_gather %get3A_575[%gather3A_1978] in [0] : vector<16xf32>, vector<16xi32> -> vector<16xf32>
        %mul3A_1980 = arith.mulf %gather3A_1979, %get3A_1929 : vector<16xf32>
        %add3A_1981 = arith.addf %add3A_1871, %mul3A_1980 : vector<16xf32>
        %mul3A_1982 = arith.mulf %gather3A_1979, %get3A_1933 : vector<16xf32>
        %add3A_1983 = arith.addf %add3A_1873, %mul3A_1982 : vector<16xf32>
        %mul3A_1984 = arith.mulf %gather3A_1979, %get3A_1937 : vector<16xf32>
        %add3A_1985 = arith.addf %add3A_1875, %mul3A_1984 : vector<16xf32>
        %mul3A_1986 = arith.mulf %gather3A_1979, %get3A_1941 : vector<16xf32>
        %add3A_1987 = arith.addf %add3A_1877, %mul3A_1986 : vector<16xf32>
        %reshape3A_1988 = vector.shape_cast %broadcast_in_dim3A_1943 : vector<16xi32> to vector<16x1xi32>
        %gather3A_1989 = vector.shape_cast %reshape3A_1988 : vector<16x1xi32> to vector<16xi32>
        %gather3A_1990 = tpu.dynamic_gather %get3A_582[%gather3A_1989] in [0] : vector<16xf32>, vector<16xi32> -> vector<16xf32>
        %mul3A_1991 = arith.mulf %gather3A_1990, %get3A_1929 : vector<16xf32>
        %add3A_1992 = arith.addf %add3A_1882, %mul3A_1991 : vector<16xf32>
        %mul3A_1993 = arith.mulf %gather3A_1990, %get3A_1933 : vector<16xf32>
        %add3A_1994 = arith.addf %add3A_1884, %mul3A_1993 : vector<16xf32>
        %mul3A_1995 = arith.mulf %gather3A_1990, %get3A_1937 : vector<16xf32>
        %add3A_1996 = arith.addf %add3A_1886, %mul3A_1995 : vector<16xf32>
        %mul3A_1997 = arith.mulf %gather3A_1990, %get3A_1941 : vector<16xf32>
        %add3A_1998 = arith.addf %add3A_1888, %mul3A_1997 : vector<16xf32>
        %reshape3A_1999 = vector.shape_cast %broadcast_in_dim3A_1943 : vector<16xi32> to vector<16x1xi32>
        %gather3A_2000 = vector.shape_cast %reshape3A_1999 : vector<16x1xi32> to vector<16xi32>
        %gather3A_2001 = tpu.dynamic_gather %get3A_589[%gather3A_2000] in [0] : vector<16xf32>, vector<16xi32> -> vector<16xf32>
        %mul3A_2002 = arith.mulf %gather3A_2001, %get3A_1929 : vector<16xf32>
        %add3A_2003 = arith.addf %add3A_1893, %mul3A_2002 : vector<16xf32>
        %mul3A_2004 = arith.mulf %gather3A_2001, %get3A_1933 : vector<16xf32>
        %add3A_2005 = arith.addf %add3A_1895, %mul3A_2004 : vector<16xf32>
        %mul3A_2006 = arith.mulf %gather3A_2001, %get3A_1937 : vector<16xf32>
        %add3A_2007 = arith.addf %add3A_1897, %mul3A_2006 : vector<16xf32>
        %mul3A_2008 = arith.mulf %gather3A_2001, %get3A_1941 : vector<16xf32>
        %add3A_2009 = arith.addf %add3A_1899, %mul3A_2008 : vector<16xf32>
        %reshape3A_2010 = vector.shape_cast %broadcast_in_dim3A_1943 : vector<16xi32> to vector<16x1xi32>
        %gather3A_2011 = vector.shape_cast %reshape3A_2010 : vector<16x1xi32> to vector<16xi32>
        %gather3A_2012 = tpu.dynamic_gather %get3A_596[%gather3A_2011] in [0] : vector<16xf32>, vector<16xi32> -> vector<16xf32>
        %mul3A_2013 = arith.mulf %gather3A_2012, %get3A_1929 : vector<16xf32>
        %add3A_2014 = arith.addf %add3A_1904, %mul3A_2013 : vector<16xf32>
        %mul3A_2015 = arith.mulf %gather3A_2012, %get3A_1933 : vector<16xf32>
        %add3A_2016 = arith.addf %add3A_1906, %mul3A_2015 : vector<16xf32>
        %mul3A_2017 = arith.mulf %gather3A_2012, %get3A_1937 : vector<16xf32>
        %add3A_2018 = arith.addf %add3A_1908, %mul3A_2017 : vector<16xf32>
        %mul3A_2019 = arith.mulf %gather3A_2012, %get3A_1941 : vector<16xf32>
        %add3A_2020 = arith.addf %add3A_1910, %mul3A_2019 : vector<16xf32>
        %reshape3A_2021 = vector.shape_cast %broadcast_in_dim3A_1943 : vector<16xi32> to vector<16x1xi32>
        %gather3A_2022 = vector.shape_cast %reshape3A_2021 : vector<16x1xi32> to vector<16xi32>
        %gather3A_2023 = tpu.dynamic_gather %get3A_603[%gather3A_2022] in [0] : vector<16xf32>, vector<16xi32> -> vector<16xf32>
        %mul3A_2024 = arith.mulf %gather3A_2023, %get3A_1929 : vector<16xf32>
        %add3A_2025 = arith.addf %add3A_1915, %mul3A_2024 : vector<16xf32>
        %mul3A_2026 = arith.mulf %gather3A_2023, %get3A_1933 : vector<16xf32>
        %add3A_2027 = arith.addf %add3A_1917, %mul3A_2026 : vector<16xf32>
        %mul3A_2028 = arith.mulf %gather3A_2023, %get3A_1937 : vector<16xf32>
        %add3A_2029 = arith.addf %add3A_1919, %mul3A_2028 : vector<16xf32>
        %mul3A_2030 = arith.mulf %gather3A_2023, %get3A_1941 : vector<16xf32>
        %add3A_2031 = arith.addf %add3A_1921, %mul3A_2030 : vector<16xf32>
        %mul3A_2032 = arith.constant 8 : i32
        %mul3A_2033 = arith.muli %scan3A_514, %mul3A_2032 : i32
        %add3A_2034 = arith.constant 6 : i32
        %add3A_2035 = arith.addi %mul3A_2033, %add3A_2034 : i32
        %get3A_2036 = arith.index_cast %add3A_2035 : i32 to index
        %get3A_2037 = arith.constant 64 : index
        %get3A_2038 = tpu.vector_load %arg5[%get3A_2036, %get3A_2037] {strides = array<i32>} : memref<512x128xf32, #tpu.memory_space<vmem>>, vector<1x16xf32>,
        %get3A_2039 = vector.shape_cast %get3A_2038 : vector<1x16xf32> to vector<16xf32>
        %get3A_2040 = arith.index_cast %add3A_2035 : i32 to index
        %get3A_2041 = arith.constant 80 : index
        %get3A_2042 = tpu.vector_load %arg5[%get3A_2040, %get3A_2041] {strides = array<i32>} : memref<512x128xf32, #tpu.memory_space<vmem>>, vector<1x16xf32>,
        %get3A_2043 = vector.shape_cast %get3A_2042 : vector<1x16xf32> to vector<16xf32>
        %get3A_2044 = arith.index_cast %add3A_2035 : i32 to index
        %get3A_2045 = arith.constant 96 : index
        %get3A_2046 = tpu.vector_load %arg5[%get3A_2044, %get3A_2045] {strides = array<i32>} : memref<512x128xf32, #tpu.memory_space<vmem>>, vector<1x16xf32>,
        %get3A_2047 = vector.shape_cast %get3A_2046 : vector<1x16xf32> to vector<16xf32>
        %get3A_2048 = arith.index_cast %add3A_2035 : i32 to index
        %get3A_2049 = arith.constant 112 : index
        %get3A_2050 = tpu.vector_load %arg5[%get3A_2048, %get3A_2049] {strides = array<i32>} : memref<512x128xf32, #tpu.memory_space<vmem>>, vector<1x16xf32>,
        %get3A_2051 = vector.shape_cast %get3A_2050 : vector<1x16xf32> to vector<16xf32>
        %broadcast_in_dim3A_2052 = arith.constant 13 : i32
        %broadcast_in_dim3A_2053 = vector.broadcast %broadcast_in_dim3A_2052 : i32 to vector<16xi32>
        %reshape3A_2054 = vector.shape_cast %broadcast_in_dim3A_2053 : vector<16xi32> to vector<16x1xi32>
        %gather3A_2055 = vector.shape_cast %reshape3A_2054 : vector<16x1xi32> to vector<16xi32>
        %gather3A_2056 = tpu.dynamic_gather %get3A_554[%gather3A_2055] in [0] : vector<16xf32>, vector<16xi32> -> vector<16xf32>
        %mul3A_2057 = arith.mulf %gather3A_2056, %get3A_2039 : vector<16xf32>
        %add3A_2058 = arith.addf %add3A_1948, %mul3A_2057 : vector<16xf32>
        %mul3A_2059 = arith.mulf %gather3A_2056, %get3A_2043 : vector<16xf32>
        %add3A_2060 = arith.addf %add3A_1950, %mul3A_2059 : vector<16xf32>
        %mul3A_2061 = arith.mulf %gather3A_2056, %get3A_2047 : vector<16xf32>
        %add3A_2062 = arith.addf %add3A_1952, %mul3A_2061 : vector<16xf32>
        %mul3A_2063 = arith.mulf %gather3A_2056, %get3A_2051 : vector<16xf32>
        %add3A_2064 = arith.addf %add3A_1954, %mul3A_2063 : vector<16xf32>
        %reshape3A_2065 = vector.shape_cast %broadcast_in_dim3A_2053 : vector<16xi32> to vector<16x1xi32>
        %gather3A_2066 = vector.shape_cast %reshape3A_2065 : vector<16x1xi32> to vector<16xi32>
        %gather3A_2067 = tpu.dynamic_gather %get3A_561[%gather3A_2066] in [0] : vector<16xf32>, vector<16xi32> -> vector<16xf32>
        %mul3A_2068 = arith.mulf %gather3A_2067, %get3A_2039 : vector<16xf32>
        %add3A_2069 = arith.addf %add3A_1959, %mul3A_2068 : vector<16xf32>
        %mul3A_2070 = arith.mulf %gather3A_2067, %get3A_2043 : vector<16xf32>
        %add3A_2071 = arith.addf %add3A_1961, %mul3A_2070 : vector<16xf32>
        %mul3A_2072 = arith.mulf %gather3A_2067, %get3A_2047 : vector<16xf32>
        %add3A_2073 = arith.addf %add3A_1963, %mul3A_2072 : vector<16xf32>
        %mul3A_2074 = arith.mulf %gather3A_2067, %get3A_2051 : vector<16xf32>
        %add3A_2075 = arith.addf %add3A_1965, %mul3A_2074 : vector<16xf32>
        %reshape3A_2076 = vector.shape_cast %broadcast_in_dim3A_2053 : vector<16xi32> to vector<16x1xi32>
        %gather3A_2077 = vector.shape_cast %reshape3A_2076 : vector<16x1xi32> to vector<16xi32>
        %gather3A_2078 = tpu.dynamic_gather %get3A_568[%gather3A_2077] in [0] : vector<16xf32>, vector<16xi32> -> vector<16xf32>
        %mul3A_2079 = arith.mulf %gather3A_2078, %get3A_2039 : vector<16xf32>
        %add3A_2080 = arith.addf %add3A_1970, %mul3A_2079 : vector<16xf32>
        %mul3A_2081 = arith.mulf %gather3A_2078, %get3A_2043 : vector<16xf32>
        %add3A_2082 = arith.addf %add3A_1972, %mul3A_2081 : vector<16xf32>
        %mul3A_2083 = arith.mulf %gather3A_2078, %get3A_2047 : vector<16xf32>
        %add3A_2084 = arith.addf %add3A_1974, %mul3A_2083 : vector<16xf32>
        %mul3A_2085 = arith.mulf %gather3A_2078, %get3A_2051 : vector<16xf32>
        %add3A_2086 = arith.addf %add3A_1976, %mul3A_2085 : vector<16xf32>
        %reshape3A_2087 = vector.shape_cast %broadcast_in_dim3A_2053 : vector<16xi32> to vector<16x1xi32>
        %gather3A_2088 = vector.shape_cast %reshape3A_2087 : vector<16x1xi32> to vector<16xi32>
        %gather3A_2089 = tpu.dynamic_gather %get3A_575[%gather3A_2088] in [0] : vector<16xf32>, vector<16xi32> -> vector<16xf32>
        %mul3A_2090 = arith.mulf %gather3A_2089, %get3A_2039 : vector<16xf32>
        %add3A_2091 = arith.addf %add3A_1981, %mul3A_2090 : vector<16xf32>
        %mul3A_2092 = arith.mulf %gather3A_2089, %get3A_2043 : vector<16xf32>
        %add3A_2093 = arith.addf %add3A_1983, %mul3A_2092 : vector<16xf32>
        %mul3A_2094 = arith.mulf %gather3A_2089, %get3A_2047 : vector<16xf32>
        %add3A_2095 = arith.addf %add3A_1985, %mul3A_2094 : vector<16xf32>
        %mul3A_2096 = arith.mulf %gather3A_2089, %get3A_2051 : vector<16xf32>
        %add3A_2097 = arith.addf %add3A_1987, %mul3A_2096 : vector<16xf32>
        %reshape3A_2098 = vector.shape_cast %broadcast_in_dim3A_2053 : vector<16xi32> to vector<16x1xi32>
        %gather3A_2099 = vector.shape_cast %reshape3A_2098 : vector<16x1xi32> to vector<16xi32>
        %gather3A_2100 = tpu.dynamic_gather %get3A_582[%gather3A_2099] in [0] : vector<16xf32>, vector<16xi32> -> vector<16xf32>
        %mul3A_2101 = arith.mulf %gather3A_2100, %get3A_2039 : vector<16xf32>
        %add3A_2102 = arith.addf %add3A_1992, %mul3A_2101 : vector<16xf32>
        %mul3A_2103 = arith.mulf %gather3A_2100, %get3A_2043 : vector<16xf32>
        %add3A_2104 = arith.addf %add3A_1994, %mul3A_2103 : vector<16xf32>
        %mul3A_2105 = arith.mulf %gather3A_2100, %get3A_2047 : vector<16xf32>
        %add3A_2106 = arith.addf %add3A_1996, %mul3A_2105 : vector<16xf32>
        %mul3A_2107 = arith.mulf %gather3A_2100, %get3A_2051 : vector<16xf32>
        %add3A_2108 = arith.addf %add3A_1998, %mul3A_2107 : vector<16xf32>
        %reshape3A_2109 = vector.shape_cast %broadcast_in_dim3A_2053 : vector<16xi32> to vector<16x1xi32>
        %gather3A_2110 = vector.shape_cast %reshape3A_2109 : vector<16x1xi32> to vector<16xi32>
        %gather3A_2111 = tpu.dynamic_gather %get3A_589[%gather3A_2110] in [0] : vector<16xf32>, vector<16xi32> -> vector<16xf32>
        %mul3A_2112 = arith.mulf %gather3A_2111, %get3A_2039 : vector<16xf32>
        %add3A_2113 = arith.addf %add3A_2003, %mul3A_2112 : vector<16xf32>
        %mul3A_2114 = arith.mulf %gather3A_2111, %get3A_2043 : vector<16xf32>
        %add3A_2115 = arith.addf %add3A_2005, %mul3A_2114 : vector<16xf32>
        %mul3A_2116 = arith.mulf %gather3A_2111, %get3A_2047 : vector<16xf32>
        %add3A_2117 = arith.addf %add3A_2007, %mul3A_2116 : vector<16xf32>
        %mul3A_2118 = arith.mulf %gather3A_2111, %get3A_2051 : vector<16xf32>
        %add3A_2119 = arith.addf %add3A_2009, %mul3A_2118 : vector<16xf32>
        %reshape3A_2120 = vector.shape_cast %broadcast_in_dim3A_2053 : vector<16xi32> to vector<16x1xi32>
        %gather3A_2121 = vector.shape_cast %reshape3A_2120 : vector<16x1xi32> to vector<16xi32>
        %gather3A_2122 = tpu.dynamic_gather %get3A_596[%gather3A_2121] in [0] : vector<16xf32>, vector<16xi32> -> vector<16xf32>
        %mul3A_2123 = arith.mulf %gather3A_2122, %get3A_2039 : vector<16xf32>
        %add3A_2124 = arith.addf %add3A_2014, %mul3A_2123 : vector<16xf32>
        %mul3A_2125 = arith.mulf %gather3A_2122, %get3A_2043 : vector<16xf32>
        %add3A_2126 = arith.addf %add3A_2016, %mul3A_2125 : vector<16xf32>
        %mul3A_2127 = arith.mulf %gather3A_2122, %get3A_2047 : vector<16xf32>
        %add3A_2128 = arith.addf %add3A_2018, %mul3A_2127 : vector<16xf32>
        %mul3A_2129 = arith.mulf %gather3A_2122, %get3A_2051 : vector<16xf32>
        %add3A_2130 = arith.addf %add3A_2020, %mul3A_2129 : vector<16xf32>
        %reshape3A_2131 = vector.shape_cast %broadcast_in_dim3A_2053 : vector<16xi32> to vector<16x1xi32>
        %gather3A_2132 = vector.shape_cast %reshape3A_2131 : vector<16x1xi32> to vector<16xi32>
        %gather3A_2133 = tpu.dynamic_gather %get3A_603[%gather3A_2132] in [0] : vector<16xf32>, vector<16xi32> -> vector<16xf32>
        %mul3A_2134 = arith.mulf %gather3A_2133, %get3A_2039 : vector<16xf32>
        %add3A_2135 = arith.addf %add3A_2025, %mul3A_2134 : vector<16xf32>
        %mul3A_2136 = arith.mulf %gather3A_2133, %get3A_2043 : vector<16xf32>
        %add3A_2137 = arith.addf %add3A_2027, %mul3A_2136 : vector<16xf32>
        %mul3A_2138 = arith.mulf %gather3A_2133, %get3A_2047 : vector<16xf32>
        %add3A_2139 = arith.addf %add3A_2029, %mul3A_2138 : vector<16xf32>
        %mul3A_2140 = arith.mulf %gather3A_2133, %get3A_2051 : vector<16xf32>
        %add3A_2141 = arith.addf %add3A_2031, %mul3A_2140 : vector<16xf32>
        %mul3A_2142 = arith.constant 8 : i32
        %mul3A_2143 = arith.muli %scan3A_514, %mul3A_2142 : i32
        %add3A_2144 = arith.constant 7 : i32
        %add3A_2145 = arith.addi %mul3A_2143, %add3A_2144 : i32
        %get3A_2146 = arith.index_cast %add3A_2145 : i32 to index
        %get3A_2147 = arith.constant 0 : index
        %get3A_2148 = tpu.vector_load %arg5[%get3A_2146, %get3A_2147] {strides = array<i32>} : memref<512x128xf32, #tpu.memory_space<vmem>>, vector<1x16xf32>,
        %get3A_2149 = vector.shape_cast %get3A_2148 : vector<1x16xf32> to vector<16xf32>
        %get3A_2150 = arith.index_cast %add3A_2145 : i32 to index
        %get3A_2151 = arith.constant 16 : index
        %get3A_2152 = tpu.vector_load %arg5[%get3A_2150, %get3A_2151] {strides = array<i32>} : memref<512x128xf32, #tpu.memory_space<vmem>>, vector<1x16xf32>,
        %get3A_2153 = vector.shape_cast %get3A_2152 : vector<1x16xf32> to vector<16xf32>
        %get3A_2154 = arith.index_cast %add3A_2145 : i32 to index
        %get3A_2155 = arith.constant 32 : index
        %get3A_2156 = tpu.vector_load %arg5[%get3A_2154, %get3A_2155] {strides = array<i32>} : memref<512x128xf32, #tpu.memory_space<vmem>>, vector<1x16xf32>,
        %get3A_2157 = vector.shape_cast %get3A_2156 : vector<1x16xf32> to vector<16xf32>
        %get3A_2158 = arith.index_cast %add3A_2145 : i32 to index
        %get3A_2159 = arith.constant 48 : index
        %get3A_2160 = tpu.vector_load %arg5[%get3A_2158, %get3A_2159] {strides = array<i32>} : memref<512x128xf32, #tpu.memory_space<vmem>>, vector<1x16xf32>,
        %get3A_2161 = vector.shape_cast %get3A_2160 : vector<1x16xf32> to vector<16xf32>
        %broadcast_in_dim3A_2162 = arith.constant 14 : i32
        %broadcast_in_dim3A_2163 = vector.broadcast %broadcast_in_dim3A_2162 : i32 to vector<16xi32>
        %reshape3A_2164 = vector.shape_cast %broadcast_in_dim3A_2163 : vector<16xi32> to vector<16x1xi32>
        %gather3A_2165 = vector.shape_cast %reshape3A_2164 : vector<16x1xi32> to vector<16xi32>
        %gather3A_2166 = tpu.dynamic_gather %get3A_554[%gather3A_2165] in [0] : vector<16xf32>, vector<16xi32> -> vector<16xf32>
        %mul3A_2167 = arith.mulf %gather3A_2166, %get3A_2149 : vector<16xf32>
        %add3A_2168 = arith.addf %add3A_2058, %mul3A_2167 : vector<16xf32>
        %mul3A_2169 = arith.mulf %gather3A_2166, %get3A_2153 : vector<16xf32>
        %add3A_2170 = arith.addf %add3A_2060, %mul3A_2169 : vector<16xf32>
        %mul3A_2171 = arith.mulf %gather3A_2166, %get3A_2157 : vector<16xf32>
        %add3A_2172 = arith.addf %add3A_2062, %mul3A_2171 : vector<16xf32>
        %mul3A_2173 = arith.mulf %gather3A_2166, %get3A_2161 : vector<16xf32>
        %add3A_2174 = arith.addf %add3A_2064, %mul3A_2173 : vector<16xf32>
        %reshape3A_2175 = vector.shape_cast %broadcast_in_dim3A_2163 : vector<16xi32> to vector<16x1xi32>
        %gather3A_2176 = vector.shape_cast %reshape3A_2175 : vector<16x1xi32> to vector<16xi32>
        %gather3A_2177 = tpu.dynamic_gather %get3A_561[%gather3A_2176] in [0] : vector<16xf32>, vector<16xi32> -> vector<16xf32>
        %mul3A_2178 = arith.mulf %gather3A_2177, %get3A_2149 : vector<16xf32>
        %add3A_2179 = arith.addf %add3A_2069, %mul3A_2178 : vector<16xf32>
        %mul3A_2180 = arith.mulf %gather3A_2177, %get3A_2153 : vector<16xf32>
        %add3A_2181 = arith.addf %add3A_2071, %mul3A_2180 : vector<16xf32>
        %mul3A_2182 = arith.mulf %gather3A_2177, %get3A_2157 : vector<16xf32>
        %add3A_2183 = arith.addf %add3A_2073, %mul3A_2182 : vector<16xf32>
        %mul3A_2184 = arith.mulf %gather3A_2177, %get3A_2161 : vector<16xf32>
        %add3A_2185 = arith.addf %add3A_2075, %mul3A_2184 : vector<16xf32>
        %reshape3A_2186 = vector.shape_cast %broadcast_in_dim3A_2163 : vector<16xi32> to vector<16x1xi32>
        %gather3A_2187 = vector.shape_cast %reshape3A_2186 : vector<16x1xi32> to vector<16xi32>
        %gather3A_2188 = tpu.dynamic_gather %get3A_568[%gather3A_2187] in [0] : vector<16xf32>, vector<16xi32> -> vector<16xf32>
        %mul3A_2189 = arith.mulf %gather3A_2188, %get3A_2149 : vector<16xf32>
        %add3A_2190 = arith.addf %add3A_2080, %mul3A_2189 : vector<16xf32>
        %mul3A_2191 = arith.mulf %gather3A_2188, %get3A_2153 : vector<16xf32>
        %add3A_2192 = arith.addf %add3A_2082, %mul3A_2191 : vector<16xf32>
        %mul3A_2193 = arith.mulf %gather3A_2188, %get3A_2157 : vector<16xf32>
        %add3A_2194 = arith.addf %add3A_2084, %mul3A_2193 : vector<16xf32>
        %mul3A_2195 = arith.mulf %gather3A_2188, %get3A_2161 : vector<16xf32>
        %add3A_2196 = arith.addf %add3A_2086, %mul3A_2195 : vector<16xf32>
        %reshape3A_2197 = vector.shape_cast %broadcast_in_dim3A_2163 : vector<16xi32> to vector<16x1xi32>
        %gather3A_2198 = vector.shape_cast %reshape3A_2197 : vector<16x1xi32> to vector<16xi32>
        %gather3A_2199 = tpu.dynamic_gather %get3A_575[%gather3A_2198] in [0] : vector<16xf32>, vector<16xi32> -> vector<16xf32>
        %mul3A_2200 = arith.mulf %gather3A_2199, %get3A_2149 : vector<16xf32>
        %add3A_2201 = arith.addf %add3A_2091, %mul3A_2200 : vector<16xf32>
        %mul3A_2202 = arith.mulf %gather3A_2199, %get3A_2153 : vector<16xf32>
        %add3A_2203 = arith.addf %add3A_2093, %mul3A_2202 : vector<16xf32>
        %mul3A_2204 = arith.mulf %gather3A_2199, %get3A_2157 : vector<16xf32>
        %add3A_2205 = arith.addf %add3A_2095, %mul3A_2204 : vector<16xf32>
        %mul3A_2206 = arith.mulf %gather3A_2199, %get3A_2161 : vector<16xf32>
        %add3A_2207 = arith.addf %add3A_2097, %mul3A_2206 : vector<16xf32>
        %reshape3A_2208 = vector.shape_cast %broadcast_in_dim3A_2163 : vector<16xi32> to vector<16x1xi32>
        %gather3A_2209 = vector.shape_cast %reshape3A_2208 : vector<16x1xi32> to vector<16xi32>
        %gather3A_2210 = tpu.dynamic_gather %get3A_582[%gather3A_2209] in [0] : vector<16xf32>, vector<16xi32> -> vector<16xf32>
        %mul3A_2211 = arith.mulf %gather3A_2210, %get3A_2149 : vector<16xf32>
        %add3A_2212 = arith.addf %add3A_2102, %mul3A_2211 : vector<16xf32>
        %mul3A_2213 = arith.mulf %gather3A_2210, %get3A_2153 : vector<16xf32>
        %add3A_2214 = arith.addf %add3A_2104, %mul3A_2213 : vector<16xf32>
        %mul3A_2215 = arith.mulf %gather3A_2210, %get3A_2157 : vector<16xf32>
        %add3A_2216 = arith.addf %add3A_2106, %mul3A_2215 : vector<16xf32>
        %mul3A_2217 = arith.mulf %gather3A_2210, %get3A_2161 : vector<16xf32>
        %add3A_2218 = arith.addf %add3A_2108, %mul3A_2217 : vector<16xf32>
        %reshape3A_2219 = vector.shape_cast %broadcast_in_dim3A_2163 : vector<16xi32> to vector<16x1xi32>
        %gather3A_2220 = vector.shape_cast %reshape3A_2219 : vector<16x1xi32> to vector<16xi32>
        %gather3A_2221 = tpu.dynamic_gather %get3A_589[%gather3A_2220] in [0] : vector<16xf32>, vector<16xi32> -> vector<16xf32>
        %mul3A_2222 = arith.mulf %gather3A_2221, %get3A_2149 : vector<16xf32>
        %add3A_2223 = arith.addf %add3A_2113, %mul3A_2222 : vector<16xf32>
        %mul3A_2224 = arith.mulf %gather3A_2221, %get3A_2153 : vector<16xf32>
        %add3A_2225 = arith.addf %add3A_2115, %mul3A_2224 : vector<16xf32>
        %mul3A_2226 = arith.mulf %gather3A_2221, %get3A_2157 : vector<16xf32>
        %add3A_2227 = arith.addf %add3A_2117, %mul3A_2226 : vector<16xf32>
        %mul3A_2228 = arith.mulf %gather3A_2221, %get3A_2161 : vector<16xf32>
        %add3A_2229 = arith.addf %add3A_2119, %mul3A_2228 : vector<16xf32>
        %reshape3A_2230 = vector.shape_cast %broadcast_in_dim3A_2163 : vector<16xi32> to vector<16x1xi32>
        %gather3A_2231 = vector.shape_cast %reshape3A_2230 : vector<16x1xi32> to vector<16xi32>
        %gather3A_2232 = tpu.dynamic_gather %get3A_596[%gather3A_2231] in [0] : vector<16xf32>, vector<16xi32> -> vector<16xf32>
        %mul3A_2233 = arith.mulf %gather3A_2232, %get3A_2149 : vector<16xf32>
        %add3A_2234 = arith.addf %add3A_2124, %mul3A_2233 : vector<16xf32>
        %mul3A_2235 = arith.mulf %gather3A_2232, %get3A_2153 : vector<16xf32>
        %add3A_2236 = arith.addf %add3A_2126, %mul3A_2235 : vector<16xf32>
        %mul3A_2237 = arith.mulf %gather3A_2232, %get3A_2157 : vector<16xf32>
        %add3A_2238 = arith.addf %add3A_2128, %mul3A_2237 : vector<16xf32>
        %mul3A_2239 = arith.mulf %gather3A_2232, %get3A_2161 : vector<16xf32>
        %add3A_2240 = arith.addf %add3A_2130, %mul3A_2239 : vector<16xf32>
        %reshape3A_2241 = vector.shape_cast %broadcast_in_dim3A_2163 : vector<16xi32> to vector<16x1xi32>
        %gather3A_2242 = vector.shape_cast %reshape3A_2241 : vector<16x1xi32> to vector<16xi32>
        %gather3A_2243 = tpu.dynamic_gather %get3A_603[%gather3A_2242] in [0] : vector<16xf32>, vector<16xi32> -> vector<16xf32>
        %mul3A_2244 = arith.mulf %gather3A_2243, %get3A_2149 : vector<16xf32>
        %add3A_2245 = arith.addf %add3A_2135, %mul3A_2244 : vector<16xf32>
        %mul3A_2246 = arith.mulf %gather3A_2243, %get3A_2153 : vector<16xf32>
        %add3A_2247 = arith.addf %add3A_2137, %mul3A_2246 : vector<16xf32>
        %mul3A_2248 = arith.mulf %gather3A_2243, %get3A_2157 : vector<16xf32>
        %add3A_2249 = arith.addf %add3A_2139, %mul3A_2248 : vector<16xf32>
        %mul3A_2250 = arith.mulf %gather3A_2243, %get3A_2161 : vector<16xf32>
        %add3A_2251 = arith.addf %add3A_2141, %mul3A_2250 : vector<16xf32>
        %mul3A_2252 = arith.constant 8 : i32
        %mul3A_2253 = arith.muli %scan3A_514, %mul3A_2252 : i32
        %add3A_2254 = arith.constant 7 : i32
        %add3A_2255 = arith.addi %mul3A_2253, %add3A_2254 : i32
        %get3A_2256 = arith.index_cast %add3A_2255 : i32 to index
        %get3A_2257 = arith.constant 64 : index
        %get3A_2258 = tpu.vector_load %arg5[%get3A_2256, %get3A_2257] {strides = array<i32>} : memref<512x128xf32, #tpu.memory_space<vmem>>, vector<1x16xf32>,
        %get3A_2259 = vector.shape_cast %get3A_2258 : vector<1x16xf32> to vector<16xf32>
        %get3A_2260 = arith.index_cast %add3A_2255 : i32 to index
        %get3A_2261 = arith.constant 80 : index
        %get3A_2262 = tpu.vector_load %arg5[%get3A_2260, %get3A_2261] {strides = array<i32>} : memref<512x128xf32, #tpu.memory_space<vmem>>, vector<1x16xf32>,
        %get3A_2263 = vector.shape_cast %get3A_2262 : vector<1x16xf32> to vector<16xf32>
        %get3A_2264 = arith.index_cast %add3A_2255 : i32 to index
        %get3A_2265 = arith.constant 96 : index
        %get3A_2266 = tpu.vector_load %arg5[%get3A_2264, %get3A_2265] {strides = array<i32>} : memref<512x128xf32, #tpu.memory_space<vmem>>, vector<1x16xf32>,
        %get3A_2267 = vector.shape_cast %get3A_2266 : vector<1x16xf32> to vector<16xf32>
        %get3A_2268 = arith.index_cast %add3A_2255 : i32 to index
        %get3A_2269 = arith.constant 112 : index
        %get3A_2270 = tpu.vector_load %arg5[%get3A_2268, %get3A_2269] {strides = array<i32>} : memref<512x128xf32, #tpu.memory_space<vmem>>, vector<1x16xf32>,
        %get3A_2271 = vector.shape_cast %get3A_2270 : vector<1x16xf32> to vector<16xf32>
        %broadcast_in_dim3A_2272 = arith.constant 15 : i32
        %broadcast_in_dim3A_2273 = vector.broadcast %broadcast_in_dim3A_2272 : i32 to vector<16xi32>
        %reshape3A_2274 = vector.shape_cast %broadcast_in_dim3A_2273 : vector<16xi32> to vector<16x1xi32>
        %gather3A_2275 = vector.shape_cast %reshape3A_2274 : vector<16x1xi32> to vector<16xi32>
        %gather3A_2276 = tpu.dynamic_gather %get3A_554[%gather3A_2275] in [0] : vector<16xf32>, vector<16xi32> -> vector<16xf32>
        %mul3A_2277 = arith.mulf %gather3A_2276, %get3A_2259 : vector<16xf32>
        %add3A_2278 = arith.addf %add3A_2168, %mul3A_2277 : vector<16xf32>
        %mul3A_2279 = arith.mulf %gather3A_2276, %get3A_2263 : vector<16xf32>
        %add3A_2280 = arith.addf %add3A_2170, %mul3A_2279 : vector<16xf32>
        %mul3A_2281 = arith.mulf %gather3A_2276, %get3A_2267 : vector<16xf32>
        %add3A_2282 = arith.addf %add3A_2172, %mul3A_2281 : vector<16xf32>
        %mul3A_2283 = arith.mulf %gather3A_2276, %get3A_2271 : vector<16xf32>
        %add3A_2284 = arith.addf %add3A_2174, %mul3A_2283 : vector<16xf32>
        %reshape3A_2285 = vector.shape_cast %broadcast_in_dim3A_2273 : vector<16xi32> to vector<16x1xi32>
        %gather3A_2286 = vector.shape_cast %reshape3A_2285 : vector<16x1xi32> to vector<16xi32>
        %gather3A_2287 = tpu.dynamic_gather %get3A_561[%gather3A_2286] in [0] : vector<16xf32>, vector<16xi32> -> vector<16xf32>
        %mul3A_2288 = arith.mulf %gather3A_2287, %get3A_2259 : vector<16xf32>
        %add3A_2289 = arith.addf %add3A_2179, %mul3A_2288 : vector<16xf32>
        %mul3A_2290 = arith.mulf %gather3A_2287, %get3A_2263 : vector<16xf32>
        %add3A_2291 = arith.addf %add3A_2181, %mul3A_2290 : vector<16xf32>
        %mul3A_2292 = arith.mulf %gather3A_2287, %get3A_2267 : vector<16xf32>
        %add3A_2293 = arith.addf %add3A_2183, %mul3A_2292 : vector<16xf32>
        %mul3A_2294 = arith.mulf %gather3A_2287, %get3A_2271 : vector<16xf32>
        %add3A_2295 = arith.addf %add3A_2185, %mul3A_2294 : vector<16xf32>
        %reshape3A_2296 = vector.shape_cast %broadcast_in_dim3A_2273 : vector<16xi32> to vector<16x1xi32>
        %gather3A_2297 = vector.shape_cast %reshape3A_2296 : vector<16x1xi32> to vector<16xi32>
        %gather3A_2298 = tpu.dynamic_gather %get3A_568[%gather3A_2297] in [0] : vector<16xf32>, vector<16xi32> -> vector<16xf32>
        %mul3A_2299 = arith.mulf %gather3A_2298, %get3A_2259 : vector<16xf32>
        %add3A_2300 = arith.addf %add3A_2190, %mul3A_2299 : vector<16xf32>
        %mul3A_2301 = arith.mulf %gather3A_2298, %get3A_2263 : vector<16xf32>
        %add3A_2302 = arith.addf %add3A_2192, %mul3A_2301 : vector<16xf32>
        %mul3A_2303 = arith.mulf %gather3A_2298, %get3A_2267 : vector<16xf32>
        %add3A_2304 = arith.addf %add3A_2194, %mul3A_2303 : vector<16xf32>
        %mul3A_2305 = arith.mulf %gather3A_2298, %get3A_2271 : vector<16xf32>
        %add3A_2306 = arith.addf %add3A_2196, %mul3A_2305 : vector<16xf32>
        %reshape3A_2307 = vector.shape_cast %broadcast_in_dim3A_2273 : vector<16xi32> to vector<16x1xi32>
        %gather3A_2308 = vector.shape_cast %reshape3A_2307 : vector<16x1xi32> to vector<16xi32>
        %gather3A_2309 = tpu.dynamic_gather %get3A_575[%gather3A_2308] in [0] : vector<16xf32>, vector<16xi32> -> vector<16xf32>
        %mul3A_2310 = arith.mulf %gather3A_2309, %get3A_2259 : vector<16xf32>
        %add3A_2311 = arith.addf %add3A_2201, %mul3A_2310 : vector<16xf32>
        %mul3A_2312 = arith.mulf %gather3A_2309, %get3A_2263 : vector<16xf32>
        %add3A_2313 = arith.addf %add3A_2203, %mul3A_2312 : vector<16xf32>
        %mul3A_2314 = arith.mulf %gather3A_2309, %get3A_2267 : vector<16xf32>
        %add3A_2315 = arith.addf %add3A_2205, %mul3A_2314 : vector<16xf32>
        %mul3A_2316 = arith.mulf %gather3A_2309, %get3A_2271 : vector<16xf32>
        %add3A_2317 = arith.addf %add3A_2207, %mul3A_2316 : vector<16xf32>
        %reshape3A_2318 = vector.shape_cast %broadcast_in_dim3A_2273 : vector<16xi32> to vector<16x1xi32>
        %gather3A_2319 = vector.shape_cast %reshape3A_2318 : vector<16x1xi32> to vector<16xi32>
        %gather3A_2320 = tpu.dynamic_gather %get3A_582[%gather3A_2319] in [0] : vector<16xf32>, vector<16xi32> -> vector<16xf32>
        %mul3A_2321 = arith.mulf %gather3A_2320, %get3A_2259 : vector<16xf32>
        %add3A_2322 = arith.addf %add3A_2212, %mul3A_2321 : vector<16xf32>
        %mul3A_2323 = arith.mulf %gather3A_2320, %get3A_2263 : vector<16xf32>
        %add3A_2324 = arith.addf %add3A_2214, %mul3A_2323 : vector<16xf32>
        %mul3A_2325 = arith.mulf %gather3A_2320, %get3A_2267 : vector<16xf32>
        %add3A_2326 = arith.addf %add3A_2216, %mul3A_2325 : vector<16xf32>
        %mul3A_2327 = arith.mulf %gather3A_2320, %get3A_2271 : vector<16xf32>
        %add3A_2328 = arith.addf %add3A_2218, %mul3A_2327 : vector<16xf32>
        %reshape3A_2329 = vector.shape_cast %broadcast_in_dim3A_2273 : vector<16xi32> to vector<16x1xi32>
        %gather3A_2330 = vector.shape_cast %reshape3A_2329 : vector<16x1xi32> to vector<16xi32>
        %gather3A_2331 = tpu.dynamic_gather %get3A_589[%gather3A_2330] in [0] : vector<16xf32>, vector<16xi32> -> vector<16xf32>
        %mul3A_2332 = arith.mulf %gather3A_2331, %get3A_2259 : vector<16xf32>
        %add3A_2333 = arith.addf %add3A_2223, %mul3A_2332 : vector<16xf32>
        %mul3A_2334 = arith.mulf %gather3A_2331, %get3A_2263 : vector<16xf32>
        %add3A_2335 = arith.addf %add3A_2225, %mul3A_2334 : vector<16xf32>
        %mul3A_2336 = arith.mulf %gather3A_2331, %get3A_2267 : vector<16xf32>
        %add3A_2337 = arith.addf %add3A_2227, %mul3A_2336 : vector<16xf32>
        %mul3A_2338 = arith.mulf %gather3A_2331, %get3A_2271 : vector<16xf32>
        %add3A_2339 = arith.addf %add3A_2229, %mul3A_2338 : vector<16xf32>
        %reshape3A_2340 = vector.shape_cast %broadcast_in_dim3A_2273 : vector<16xi32> to vector<16x1xi32>
        %gather3A_2341 = vector.shape_cast %reshape3A_2340 : vector<16x1xi32> to vector<16xi32>
        %gather3A_2342 = tpu.dynamic_gather %get3A_596[%gather3A_2341] in [0] : vector<16xf32>, vector<16xi32> -> vector<16xf32>
        %mul3A_2343 = arith.mulf %gather3A_2342, %get3A_2259 : vector<16xf32>
        %add3A_2344 = arith.addf %add3A_2234, %mul3A_2343 : vector<16xf32>
        %mul3A_2345 = arith.mulf %gather3A_2342, %get3A_2263 : vector<16xf32>
        %add3A_2346 = arith.addf %add3A_2236, %mul3A_2345 : vector<16xf32>
        %mul3A_2347 = arith.mulf %gather3A_2342, %get3A_2267 : vector<16xf32>
        %add3A_2348 = arith.addf %add3A_2238, %mul3A_2347 : vector<16xf32>
        %mul3A_2349 = arith.mulf %gather3A_2342, %get3A_2271 : vector<16xf32>
        %add3A_2350 = arith.addf %add3A_2240, %mul3A_2349 : vector<16xf32>
        %reshape3A_2351 = vector.shape_cast %broadcast_in_dim3A_2273 : vector<16xi32> to vector<16x1xi32>
        %gather3A_2352 = vector.shape_cast %reshape3A_2351 : vector<16x1xi32> to vector<16xi32>
        %gather3A_2353 = tpu.dynamic_gather %get3A_603[%gather3A_2352] in [0] : vector<16xf32>, vector<16xi32> -> vector<16xf32>
        %mul3A_2354 = arith.mulf %gather3A_2353, %get3A_2259 : vector<16xf32>
        %add3A_2355 = arith.addf %add3A_2245, %mul3A_2354 : vector<16xf32>
        %mul3A_2356 = arith.mulf %gather3A_2353, %get3A_2263 : vector<16xf32>
        %add3A_2357 = arith.addf %add3A_2247, %mul3A_2356 : vector<16xf32>
        %mul3A_2358 = arith.mulf %gather3A_2353, %get3A_2267 : vector<16xf32>
        %add3A_2359 = arith.addf %add3A_2249, %mul3A_2358 : vector<16xf32>
        %mul3A_2360 = arith.mulf %gather3A_2353, %get3A_2271 : vector<16xf32>
        %add3A_2361 = arith.addf %add3A_2251, %mul3A_2360 : vector<16xf32>
        scf.yield %add3A_2278, %add3A_2280, %add3A_2282, %add3A_2284, %add3A_2289, %add3A_2291, %add3A_2293, %add3A_2295, %add3A_2300, %add3A_2302, %add3A_2304, %add3A_2306, %add3A_2311, %add3A_2313, %add3A_2315, %add3A_2317, %add3A_2322, %add3A_2324, %add3A_2326, %add3A_2328, %add3A_2333, %add3A_2335, %add3A_2337, %add3A_2339, %add3A_2344, %add3A_2346, %add3A_2348, %add3A_2350, %add3A_2355, %add3A_2357, %add3A_2359, %add3A_2361 : vector<16xf32>, vector<16xf32>, vector<16xf32>, vector<16xf32>, vector<16xf32>, vector<16xf32>, vector<16xf32>, vector<16xf32>, vector<16xf32>, vector<16xf32>, vector<16xf32>, vector<16xf32>, vector<16xf32>, vector<16xf32>, vector<16xf32>, vector<16xf32>, vector<16xf32>, vector<16xf32>, vector<16xf32>, vector<16xf32>, vector<16xf32>, vector<16xf32>, vector<16xf32>, vector<16xf32>, vector<16xf32>, vector<16xf32>, vector<16xf32>, vector<16xf32>, vector<16xf32>, vector<16xf32>, vector<16xf32>, vector<16xf32>
      }
      %scan3A_90 = arith.constant 64 : i32
      %swap3A = arith.constant 0 : i32
      %swap3A_91 = arith.index_cast %swap3A : i32 to index
      %swap3A_92 = arith.constant 0 : index
      %swap3A_93 = tpu.vector_load %arg7[%swap3A_91, %swap3A_92] {strides = array<i32>} : memref<8x64xf32, #tpu.memory_space<vmem>>, vector<1x16xf32>,
      %swap3A_94 = vector.shape_cast %swap3A_93 : vector<1x16xf32> to vector<16xf32>
      %swap3A_95 = vector.shape_cast %scan3A_89#0 : vector<16xf32> to vector<1x16xf32>
      tpu.vector_store %arg7[%swap3A_91, %swap3A_92], %swap3A_95 {strides = array<i32>} : memref<8x64xf32, #tpu.memory_space<vmem>>, vector<1x16xf32>,
      %swap3A_96 = arith.constant 0 : i32
      %swap3A_97 = arith.index_cast %swap3A_96 : i32 to index
      %swap3A_98 = arith.constant 16 : index
      %swap3A_99 = tpu.vector_load %arg7[%swap3A_97, %swap3A_98] {strides = array<i32>} : memref<8x64xf32, #tpu.memory_space<vmem>>, vector<1x16xf32>,
      %swap3A_100 = vector.shape_cast %swap3A_99 : vector<1x16xf32> to vector<16xf32>
      %swap3A_101 = vector.shape_cast %scan3A_89#1 : vector<16xf32> to vector<1x16xf32>
      tpu.vector_store %arg7[%swap3A_97, %swap3A_98], %swap3A_101 {strides = array<i32>} : memref<8x64xf32, #tpu.memory_space<vmem>>, vector<1x16xf32>,
      %swap3A_102 = arith.constant 0 : i32
      %swap3A_103 = arith.index_cast %swap3A_102 : i32 to index
      %swap3A_104 = arith.constant 32 : index
      %swap3A_105 = tpu.vector_load %arg7[%swap3A_103, %swap3A_104] {strides = array<i32>} : memref<8x64xf32, #tpu.memory_space<vmem>>, vector<1x16xf32>,
      %swap3A_106 = vector.shape_cast %swap3A_105 : vector<1x16xf32> to vector<16xf32>
      %swap3A_107 = vector.shape_cast %scan3A_89#2 : vector<16xf32> to vector<1x16xf32>
      tpu.vector_store %arg7[%swap3A_103, %swap3A_104], %swap3A_107 {strides = array<i32>} : memref<8x64xf32, #tpu.memory_space<vmem>>, vector<1x16xf32>,
      %swap3A_108 = arith.constant 0 : i32
      %swap3A_109 = arith.index_cast %swap3A_108 : i32 to index
      %swap3A_110 = arith.constant 48 : index
      %swap3A_111 = tpu.vector_load %arg7[%swap3A_109, %swap3A_110] {strides = array<i32>} : memref<8x64xf32, #tpu.memory_space<vmem>>, vector<1x16xf32>,
      %swap3A_112 = vector.shape_cast %swap3A_111 : vector<1x16xf32> to vector<16xf32>
      %swap3A_113 = vector.shape_cast %scan3A_89#3 : vector<16xf32> to vector<1x16xf32>
      tpu.vector_store %arg7[%swap3A_109, %swap3A_110], %swap3A_113 {strides = array<i32>} : memref<8x64xf32, #tpu.memory_space<vmem>>, vector<1x16xf32>,
      %swap3A_114 = arith.constant 1 : i32
      %swap3A_115 = arith.index_cast %swap3A_114 : i32 to index
      %swap3A_116 = arith.constant 0 : index
      %swap3A_117 = tpu.vector_load %arg7[%swap3A_115, %swap3A_116] {strides = array<i32>} : memref<8x64xf32, #tpu.memory_space<vmem>>, vector<1x16xf32>,
      %swap3A_118 = vector.shape_cast %swap3A_117 : vector<1x16xf32> to vector<16xf32>
      %swap3A_119 = vector.shape_cast %scan3A_89#4 : vector<16xf32> to vector<1x16xf32>
      tpu.vector_store %arg7[%swap3A_115, %swap3A_116], %swap3A_119 {strides = array<i32>} : memref<8x64xf32, #tpu.memory_space<vmem>>, vector<1x16xf32>,
      %swap3A_120 = arith.constant 1 : i32
      %swap3A_121 = arith.index_cast %swap3A_120 : i32 to index
      %swap3A_122 = arith.constant 16 : index
      %swap3A_123 = tpu.vector_load %arg7[%swap3A_121, %swap3A_122] {strides = array<i32>} : memref<8x64xf32, #tpu.memory_space<vmem>>, vector<1x16xf32>,
      %swap3A_124 = vector.shape_cast %swap3A_123 : vector<1x16xf32> to vector<16xf32>
      %swap3A_125 = vector.shape_cast %scan3A_89#5 : vector<16xf32> to vector<1x16xf32>
      tpu.vector_store %arg7[%swap3A_121, %swap3A_122], %swap3A_125 {strides = array<i32>} : memref<8x64xf32, #tpu.memory_space<vmem>>, vector<1x16xf32>,
      %swap3A_126 = arith.constant 1 : i32
      %swap3A_127 = arith.index_cast %swap3A_126 : i32 to index
      %swap3A_128 = arith.constant 32 : index
      %swap3A_129 = tpu.vector_load %arg7[%swap3A_127, %swap3A_128] {strides = array<i32>} : memref<8x64xf32, #tpu.memory_space<vmem>>, vector<1x16xf32>,
      %swap3A_130 = vector.shape_cast %swap3A_129 : vector<1x16xf32> to vector<16xf32>
      %swap3A_131 = vector.shape_cast %scan3A_89#6 : vector<16xf32> to vector<1x16xf32>
      tpu.vector_store %arg7[%swap3A_127, %swap3A_128], %swap3A_131 {strides = array<i32>} : memref<8x64xf32, #tpu.memory_space<vmem>>, vector<1x16xf32>,
      %swap3A_132 = arith.constant 1 : i32
      %swap3A_133 = arith.index_cast %swap3A_132 : i32 to index
      %swap3A_134 = arith.constant 48 : index
      %swap3A_135 = tpu.vector_load %arg7[%swap3A_133, %swap3A_134] {strides = array<i32>} : memref<8x64xf32, #tpu.memory_space<vmem>>, vector<1x16xf32>,
      %swap3A_136 = vector.shape_cast %swap3A_135 : vector<1x16xf32> to vector<16xf32>
      %swap3A_137 = vector.shape_cast %scan3A_89#7 : vector<16xf32> to vector<1x16xf32>
      tpu.vector_store %arg7[%swap3A_133, %swap3A_134], %swap3A_137 {strides = array<i32>} : memref<8x64xf32, #tpu.memory_space<vmem>>, vector<1x16xf32>,
      %swap3A_138 = arith.constant 2 : i32
      %swap3A_139 = arith.index_cast %swap3A_138 : i32 to index
      %swap3A_140 = arith.constant 0 : index
      %swap3A_141 = tpu.vector_load %arg7[%swap3A_139, %swap3A_140] {strides = array<i32>} : memref<8x64xf32, #tpu.memory_space<vmem>>, vector<1x16xf32>,
      %swap3A_142 = vector.shape_cast %swap3A_141 : vector<1x16xf32> to vector<16xf32>
      %swap3A_143 = vector.shape_cast %scan3A_89#8 : vector<16xf32> to vector<1x16xf32>
      tpu.vector_store %arg7[%swap3A_139, %swap3A_140], %swap3A_143 {strides = array<i32>} : memref<8x64xf32, #tpu.memory_space<vmem>>, vector<1x16xf32>,
      %swap3A_144 = arith.constant 2 : i32
      %swap3A_145 = arith.index_cast %swap3A_144 : i32 to index
      %swap3A_146 = arith.constant 16 : index
      %swap3A_147 = tpu.vector_load %arg7[%swap3A_145, %swap3A_146] {strides = array<i32>} : memref<8x64xf32, #tpu.memory_space<vmem>>, vector<1x16xf32>,
      %swap3A_148 = vector.shape_cast %swap3A_147 : vector<1x16xf32> to vector<16xf32>
      %swap3A_149 = vector.shape_cast %scan3A_89#9 : vector<16xf32> to vector<1x16xf32>
      tpu.vector_store %arg7[%swap3A_145, %swap3A_146], %swap3A_149 {strides = array<i32>} : memref<8x64xf32, #tpu.memory_space<vmem>>, vector<1x16xf32>,
      %swap3A_150 = arith.constant 2 : i32
      %swap3A_151 = arith.index_cast %swap3A_150 : i32 to index
      %swap3A_152 = arith.constant 32 : index
      %swap3A_153 = tpu.vector_load %arg7[%swap3A_151, %swap3A_152] {strides = array<i32>} : memref<8x64xf32, #tpu.memory_space<vmem>>, vector<1x16xf32>,
      %swap3A_154 = vector.shape_cast %swap3A_153 : vector<1x16xf32> to vector<16xf32>
      %swap3A_155 = vector.shape_cast %scan3A_89#10 : vector<16xf32> to vector<1x16xf32>
      tpu.vector_store %arg7[%swap3A_151, %swap3A_152], %swap3A_155 {strides = array<i32>} : memref<8x64xf32, #tpu.memory_space<vmem>>, vector<1x16xf32>,
      %swap3A_156 = arith.constant 2 : i32
      %swap3A_157 = arith.index_cast %swap3A_156 : i32 to index
      %swap3A_158 = arith.constant 48 : index
      %swap3A_159 = tpu.vector_load %arg7[%swap3A_157, %swap3A_158] {strides = array<i32>} : memref<8x64xf32, #tpu.memory_space<vmem>>, vector<1x16xf32>,
      %swap3A_160 = vector.shape_cast %swap3A_159 : vector<1x16xf32> to vector<16xf32>
      %swap3A_161 = vector.shape_cast %scan3A_89#11 : vector<16xf32> to vector<1x16xf32>
      tpu.vector_store %arg7[%swap3A_157, %swap3A_158], %swap3A_161 {strides = array<i32>} : memref<8x64xf32, #tpu.memory_space<vmem>>, vector<1x16xf32>,
      %swap3A_162 = arith.constant 3 : i32
      %swap3A_163 = arith.index_cast %swap3A_162 : i32 to index
      %swap3A_164 = arith.constant 0 : index
      %swap3A_165 = tpu.vector_load %arg7[%swap3A_163, %swap3A_164] {strides = array<i32>} : memref<8x64xf32, #tpu.memory_space<vmem>>, vector<1x16xf32>,
      %swap3A_166 = vector.shape_cast %swap3A_165 : vector<1x16xf32> to vector<16xf32>
      %swap3A_167 = vector.shape_cast %scan3A_89#12 : vector<16xf32> to vector<1x16xf32>
      tpu.vector_store %arg7[%swap3A_163, %swap3A_164], %swap3A_167 {strides = array<i32>} : memref<8x64xf32, #tpu.memory_space<vmem>>, vector<1x16xf32>,
      %swap3A_168 = arith.constant 3 : i32
      %swap3A_169 = arith.index_cast %swap3A_168 : i32 to index
      %swap3A_170 = arith.constant 16 : index
      %swap3A_171 = tpu.vector_load %arg7[%swap3A_169, %swap3A_170] {strides = array<i32>} : memref<8x64xf32, #tpu.memory_space<vmem>>, vector<1x16xf32>,
      %swap3A_172 = vector.shape_cast %swap3A_171 : vector<1x16xf32> to vector<16xf32>
      %swap3A_173 = vector.shape_cast %scan3A_89#13 : vector<16xf32> to vector<1x16xf32>
      tpu.vector_store %arg7[%swap3A_169, %swap3A_170], %swap3A_173 {strides = array<i32>} : memref<8x64xf32, #tpu.memory_space<vmem>>, vector<1x16xf32>,
      %swap3A_174 = arith.constant 3 : i32
      %swap3A_175 = arith.index_cast %swap3A_174 : i32 to index
      %swap3A_176 = arith.constant 32 : index
      %swap3A_177 = tpu.vector_load %arg7[%swap3A_175, %swap3A_176] {strides = array<i32>} : memref<8x64xf32, #tpu.memory_space<vmem>>, vector<1x16xf32>,
      %swap3A_178 = vector.shape_cast %swap3A_177 : vector<1x16xf32> to vector<16xf32>
      %swap3A_179 = vector.shape_cast %scan3A_89#14 : vector<16xf32> to vector<1x16xf32>
      tpu.vector_store %arg7[%swap3A_175, %swap3A_176], %swap3A_179 {strides = array<i32>} : memref<8x64xf32, #tpu.memory_space<vmem>>, vector<1x16xf32>,
      %swap3A_180 = arith.constant 3 : i32
      %swap3A_181 = arith.index_cast %swap3A_180 : i32 to index
      %swap3A_182 = arith.constant 48 : index
      %swap3A_183 = tpu.vector_load %arg7[%swap3A_181, %swap3A_182] {strides = array<i32>} : memref<8x64xf32, #tpu.memory_space<vmem>>, vector<1x16xf32>,
      %swap3A_184 = vector.shape_cast %swap3A_183 : vector<1x16xf32> to vector<16xf32>
      %swap3A_185 = vector.shape_cast %scan3A_89#15 : vector<16xf32> to vector<1x16xf32>
      tpu.vector_store %arg7[%swap3A_181, %swap3A_182], %swap3A_185 {strides = array<i32>} : memref<8x64xf32, #tpu.memory_space<vmem>>, vector<1x16xf32>,
      %swap3A_186 = arith.constant 4 : i32
      %swap3A_187 = arith.index_cast %swap3A_186 : i32 to index
      %swap3A_188 = arith.constant 0 : index
      %swap3A_189 = tpu.vector_load %arg7[%swap3A_187, %swap3A_188] {strides = array<i32>} : memref<8x64xf32, #tpu.memory_space<vmem>>, vector<1x16xf32>,
      %swap3A_190 = vector.shape_cast %swap3A_189 : vector<1x16xf32> to vector<16xf32>
      %swap3A_191 = vector.shape_cast %scan3A_89#16 : vector<16xf32> to vector<1x16xf32>
      tpu.vector_store %arg7[%swap3A_187, %swap3A_188], %swap3A_191 {strides = array<i32>} : memref<8x64xf32, #tpu.memory_space<vmem>>, vector<1x16xf32>,
      %swap3A_192 = arith.constant 4 : i32
      %swap3A_193 = arith.index_cast %swap3A_192 : i32 to index
      %swap3A_194 = arith.constant 16 : index
      %swap3A_195 = tpu.vector_load %arg7[%swap3A_193, %swap3A_194] {strides = array<i32>} : memref<8x64xf32, #tpu.memory_space<vmem>>, vector<1x16xf32>,
      %swap3A_196 = vector.shape_cast %swap3A_195 : vector<1x16xf32> to vector<16xf32>
      %swap3A_197 = vector.shape_cast %scan3A_89#17 : vector<16xf32> to vector<1x16xf32>
      tpu.vector_store %arg7[%swap3A_193, %swap3A_194], %swap3A_197 {strides = array<i32>} : memref<8x64xf32, #tpu.memory_space<vmem>>, vector<1x16xf32>,
      %swap3A_198 = arith.constant 4 : i32
      %swap3A_199 = arith.index_cast %swap3A_198 : i32 to index
      %swap3A_200 = arith.constant 32 : index
      %swap3A_201 = tpu.vector_load %arg7[%swap3A_199, %swap3A_200] {strides = array<i32>} : memref<8x64xf32, #tpu.memory_space<vmem>>, vector<1x16xf32>,
      %swap3A_202 = vector.shape_cast %swap3A_201 : vector<1x16xf32> to vector<16xf32>
      %swap3A_203 = vector.shape_cast %scan3A_89#18 : vector<16xf32> to vector<1x16xf32>
      tpu.vector_store %arg7[%swap3A_199, %swap3A_200], %swap3A_203 {strides = array<i32>} : memref<8x64xf32, #tpu.memory_space<vmem>>, vector<1x16xf32>,
      %swap3A_204 = arith.constant 4 : i32
      %swap3A_205 = arith.index_cast %swap3A_204 : i32 to index
      %swap3A_206 = arith.constant 48 : index
      %swap3A_207 = tpu.vector_load %arg7[%swap3A_205, %swap3A_206] {strides = array<i32>} : memref<8x64xf32, #tpu.memory_space<vmem>>, vector<1x16xf32>,
      %swap3A_208 = vector.shape_cast %swap3A_207 : vector<1x16xf32> to vector<16xf32>
      %swap3A_209 = vector.shape_cast %scan3A_89#19 : vector<16xf32> to vector<1x16xf32>
      tpu.vector_store %arg7[%swap3A_205, %swap3A_206], %swap3A_209 {strides = array<i32>} : memref<8x64xf32, #tpu.memory_space<vmem>>, vector<1x16xf32>,
      %swap3A_210 = arith.constant 5 : i32
      %swap3A_211 = arith.index_cast %swap3A_210 : i32 to index
      %swap3A_212 = arith.constant 0 : index
      %swap3A_213 = tpu.vector_load %arg7[%swap3A_211, %swap3A_212] {strides = array<i32>} : memref<8x64xf32, #tpu.memory_space<vmem>>, vector<1x16xf32>,
      %swap3A_214 = vector.shape_cast %swap3A_213 : vector<1x16xf32> to vector<16xf32>
      %swap3A_215 = vector.shape_cast %scan3A_89#20 : vector<16xf32> to vector<1x16xf32>
      tpu.vector_store %arg7[%swap3A_211, %swap3A_212], %swap3A_215 {strides = array<i32>} : memref<8x64xf32, #tpu.memory_space<vmem>>, vector<1x16xf32>,
      %swap3A_216 = arith.constant 5 : i32
      %swap3A_217 = arith.index_cast %swap3A_216 : i32 to index
      %swap3A_218 = arith.constant 16 : index
      %swap3A_219 = tpu.vector_load %arg7[%swap3A_217, %swap3A_218] {strides = array<i32>} : memref<8x64xf32, #tpu.memory_space<vmem>>, vector<1x16xf32>,
      %swap3A_220 = vector.shape_cast %swap3A_219 : vector<1x16xf32> to vector<16xf32>
      %swap3A_221 = vector.shape_cast %scan3A_89#21 : vector<16xf32> to vector<1x16xf32>
      tpu.vector_store %arg7[%swap3A_217, %swap3A_218], %swap3A_221 {strides = array<i32>} : memref<8x64xf32, #tpu.memory_space<vmem>>, vector<1x16xf32>,
      %swap3A_222 = arith.constant 5 : i32
      %swap3A_223 = arith.index_cast %swap3A_222 : i32 to index
      %swap3A_224 = arith.constant 32 : index
      %swap3A_225 = tpu.vector_load %arg7[%swap3A_223, %swap3A_224] {strides = array<i32>} : memref<8x64xf32, #tpu.memory_space<vmem>>, vector<1x16xf32>,
      %swap3A_226 = vector.shape_cast %swap3A_225 : vector<1x16xf32> to vector<16xf32>
      %swap3A_227 = vector.shape_cast %scan3A_89#22 : vector<16xf32> to vector<1x16xf32>
      tpu.vector_store %arg7[%swap3A_223, %swap3A_224], %swap3A_227 {strides = array<i32>} : memref<8x64xf32, #tpu.memory_space<vmem>>, vector<1x16xf32>,
      %swap3A_228 = arith.constant 5 : i32
      %swap3A_229 = arith.index_cast %swap3A_228 : i32 to index
      %swap3A_230 = arith.constant 48 : index
      %swap3A_231 = tpu.vector_load %arg7[%swap3A_229, %swap3A_230] {strides = array<i32>} : memref<8x64xf32, #tpu.memory_space<vmem>>, vector<1x16xf32>,
      %swap3A_232 = vector.shape_cast %swap3A_231 : vector<1x16xf32> to vector<16xf32>
      %swap3A_233 = vector.shape_cast %scan3A_89#23 : vector<16xf32> to vector<1x16xf32>
      tpu.vector_store %arg7[%swap3A_229, %swap3A_230], %swap3A_233 {strides = array<i32>} : memref<8x64xf32, #tpu.memory_space<vmem>>, vector<1x16xf32>,
      %swap3A_234 = arith.constant 6 : i32
      %swap3A_235 = arith.index_cast %swap3A_234 : i32 to index
      %swap3A_236 = arith.constant 0 : index
      %swap3A_237 = tpu.vector_load %arg7[%swap3A_235, %swap3A_236] {strides = array<i32>} : memref<8x64xf32, #tpu.memory_space<vmem>>, vector<1x16xf32>,
      %swap3A_238 = vector.shape_cast %swap3A_237 : vector<1x16xf32> to vector<16xf32>
      %swap3A_239 = vector.shape_cast %scan3A_89#24 : vector<16xf32> to vector<1x16xf32>
      tpu.vector_store %arg7[%swap3A_235, %swap3A_236], %swap3A_239 {strides = array<i32>} : memref<8x64xf32, #tpu.memory_space<vmem>>, vector<1x16xf32>,
      %swap3A_240 = arith.constant 6 : i32
      %swap3A_241 = arith.index_cast %swap3A_240 : i32 to index
      %swap3A_242 = arith.constant 16 : index
      %swap3A_243 = tpu.vector_load %arg7[%swap3A_241, %swap3A_242] {strides = array<i32>} : memref<8x64xf32, #tpu.memory_space<vmem>>, vector<1x16xf32>,
      %swap3A_244 = vector.shape_cast %swap3A_243 : vector<1x16xf32> to vector<16xf32>
      %swap3A_245 = vector.shape_cast %scan3A_89#25 : vector<16xf32> to vector<1x16xf32>
      tpu.vector_store %arg7[%swap3A_241, %swap3A_242], %swap3A_245 {strides = array<i32>} : memref<8x64xf32, #tpu.memory_space<vmem>>, vector<1x16xf32>,
      %swap3A_246 = arith.constant 6 : i32
      %swap3A_247 = arith.index_cast %swap3A_246 : i32 to index
      %swap3A_248 = arith.constant 32 : index
      %swap3A_249 = tpu.vector_load %arg7[%swap3A_247, %swap3A_248] {strides = array<i32>} : memref<8x64xf32, #tpu.memory_space<vmem>>, vector<1x16xf32>,
      %swap3A_250 = vector.shape_cast %swap3A_249 : vector<1x16xf32> to vector<16xf32>
      %swap3A_251 = vector.shape_cast %scan3A_89#26 : vector<16xf32> to vector<1x16xf32>
      tpu.vector_store %arg7[%swap3A_247, %swap3A_248], %swap3A_251 {strides = array<i32>} : memref<8x64xf32, #tpu.memory_space<vmem>>, vector<1x16xf32>,
      %swap3A_252 = arith.constant 6 : i32
      %swap3A_253 = arith.index_cast %swap3A_252 : i32 to index
      %swap3A_254 = arith.constant 48 : index
      %swap3A_255 = tpu.vector_load %arg7[%swap3A_253, %swap3A_254] {strides = array<i32>} : memref<8x64xf32, #tpu.memory_space<vmem>>, vector<1x16xf32>,
      %swap3A_256 = vector.shape_cast %swap3A_255 : vector<1x16xf32> to vector<16xf32>
      %swap3A_257 = vector.shape_cast %scan3A_89#27 : vector<16xf32> to vector<1x16xf32>
      tpu.vector_store %arg7[%swap3A_253, %swap3A_254], %swap3A_257 {strides = array<i32>} : memref<8x64xf32, #tpu.memory_space<vmem>>, vector<1x16xf32>,
      %swap3A_258 = arith.constant 7 : i32
      %swap3A_259 = arith.index_cast %swap3A_258 : i32 to index
      %swap3A_260 = arith.constant 0 : index
      %swap3A_261 = tpu.vector_load %arg7[%swap3A_259, %swap3A_260] {strides = array<i32>} : memref<8x64xf32, #tpu.memory_space<vmem>>, vector<1x16xf32>,
      %swap3A_262 = vector.shape_cast %swap3A_261 : vector<1x16xf32> to vector<16xf32>
      %swap3A_263 = vector.shape_cast %scan3A_89#28 : vector<16xf32> to vector<1x16xf32>
      tpu.vector_store %arg7[%swap3A_259, %swap3A_260], %swap3A_263 {strides = array<i32>} : memref<8x64xf32, #tpu.memory_space<vmem>>, vector<1x16xf32>,
      %swap3A_264 = arith.constant 7 : i32
      %swap3A_265 = arith.index_cast %swap3A_264 : i32 to index
      %swap3A_266 = arith.constant 16 : index
      %swap3A_267 = tpu.vector_load %arg7[%swap3A_265, %swap3A_266] {strides = array<i32>} : memref<8x64xf32, #tpu.memory_space<vmem>>, vector<1x16xf32>,
      %swap3A_268 = vector.shape_cast %swap3A_267 : vector<1x16xf32> to vector<16xf32>
      %swap3A_269 = vector.shape_cast %scan3A_89#29 : vector<16xf32> to vector<1x16xf32>
      tpu.vector_store %arg7[%swap3A_265, %swap3A_266], %swap3A_269 {strides = array<i32>} : memref<8x64xf32, #tpu.memory_space<vmem>>, vector<1x16xf32>,
      %swap3A_270 = arith.constant 7 : i32
      %swap3A_271 = arith.index_cast %swap3A_270 : i32 to index
      %swap3A_272 = arith.constant 32 : index
      %swap3A_273 = tpu.vector_load %arg7[%swap3A_271, %swap3A_272] {strides = array<i32>} : memref<8x64xf32, #tpu.memory_space<vmem>>, vector<1x16xf32>,
      %swap3A_274 = vector.shape_cast %swap3A_273 : vector<1x16xf32> to vector<16xf32>
      %swap3A_275 = vector.shape_cast %scan3A_89#30 : vector<16xf32> to vector<1x16xf32>
      tpu.vector_store %arg7[%swap3A_271, %swap3A_272], %swap3A_275 {strides = array<i32>} : memref<8x64xf32, #tpu.memory_space<vmem>>, vector<1x16xf32>,
      %swap3A_276 = arith.constant 7 : i32
      %swap3A_277 = arith.index_cast %swap3A_276 : i32 to index
      %swap3A_278 = arith.constant 48 : index
      %swap3A_279 = tpu.vector_load %arg7[%swap3A_277, %swap3A_278] {strides = array<i32>} : memref<8x64xf32, #tpu.memory_space<vmem>>, vector<1x16xf32>,
      %swap3A_280 = vector.shape_cast %swap3A_279 : vector<1x16xf32> to vector<16xf32>
      %swap3A_281 = vector.shape_cast %scan3A_89#31 : vector<16xf32> to vector<1x16xf32>
      tpu.vector_store %arg7[%swap3A_277, %swap3A_278], %swap3A_281 {strides = array<i32>} : memref<8x64xf32, #tpu.memory_space<vmem>>, vector<1x16xf32>,
      %mul3A_282 = arith.constant 8 : i32
      %mul3A_283 = arith.muli %add3A_62, %mul3A_282 : i32
      %add3A_284 = arith.addi %mul3A_34, %mul3A_283 : i32
      "tpu.region"() ({
        %run_scoped3A = tpu.sem_alloc : memref<!tpu.dma_semaphore, #tpu.memory_space<semaphore_mem>>
        %dma_start3A_514 = arith.constant 0 : i32
        %dma_start3A_515 = tpu.memref_slice %arg4[%select_n3A_9, %add3A_284, %dma_start3A_514] : memref<4x1024x64xf32, #tpu.memory_space<hbm>> -> memref<1x8x64xf32, #tpu.memory_space<hbm>>
        %dma_start3A_516 = tpu.memref_squeeze %dma_start3A_515 : memref<1x8x64xf32, #tpu.memory_space<hbm>> -> memref<8x64xf32, #tpu.memory_space<hbm>>
        %dma_start3A_517 = arith.constant 0 : i32
        %dma_start3A_518 = tpu.memref_slice %arg4[%select_n3A_9, %add3A_284, %dma_start3A_517] : memref<4x1024x64xf32, #tpu.memory_space<hbm>> -> memref<1x8x64xf32, #tpu.memory_space<hbm>>
        %dma_start3A_519 = tpu.memref_squeeze %dma_start3A_518 : memref<1x8x64xf32, #tpu.memory_space<hbm>> -> memref<8x64xf32, #tpu.memory_space<hbm>>
        tpu.enqueue_dma source(%arg7 : memref<8x64xf32, #tpu.memory_space<vmem>>) target(%dma_start3A_519 : memref<8x64xf32, #tpu.memory_space<hbm>>) target_semaphore(%run_scoped3A : memref<!tpu.dma_semaphore, #tpu.memory_space<semaphore_mem>>)
        %dma_wait3A_520 = arith.constant 0 : i32
        %dma_wait3A_521 = tpu.memref_slice %arg4[%select_n3A_9, %add3A_284, %dma_wait3A_520] : memref<4x1024x64xf32, #tpu.memory_space<hbm>> -> memref<1x8x64xf32, #tpu.memory_space<hbm>>
        %dma_wait3A_522 = tpu.memref_squeeze %dma_wait3A_521 : memref<1x8x64xf32, #tpu.memory_space<hbm>> -> memref<8x64xf32, #tpu.memory_space<hbm>>
        %dma_wait3A_523 = arith.constant 0 : i32
        %dma_wait3A_524 = tpu.memref_slice %arg4[%select_n3A_9, %add3A_284, %dma_wait3A_523] : memref<4x1024x64xf32, #tpu.memory_space<hbm>> -> memref<1x8x64xf32, #tpu.memory_space<hbm>>
        %dma_wait3A_525 = tpu.memref_squeeze %dma_wait3A_524 : memref<1x8x64xf32, #tpu.memory_space<hbm>> -> memref<8x64xf32, #tpu.memory_space<hbm>>
        tpu.wait_dma2 semaphore(%run_scoped3A : memref<!tpu.dma_semaphore, #tpu.memory_space<semaphore_mem>>) src(%arg7 : memref<8x64xf32, #tpu.memory_space<vmem>>) dst(%dma_wait3A_525 : memref<8x64xf32, #tpu.memory_space<hbm>>)
        tpu.yield
      }) : () -> ()
      %add3A_285 = arith.constant 1 : i32
      %add3A_286 = arith.addi %add3A_60, %add3A_285 : i32
      %add3A_287 = arith.constant 1 : i32
      %add3A_288 = arith.addi %add3A_286, %add3A_287 : i32
      %lt3A_289 = arith.constant 16 : i32
      %lt3A_290 = arith.cmpi slt, %add3A_288, %lt3A_289 : i32
      %convert_element_type3A_291 = arith.extui %lt3A_290 : i1 to i32
      %cond3A_292 = arith.constant 0 : i32
      %cond3A_293 = arith.cmpi ne, %convert_element_type3A_291, %cond3A_292 : i32
      scf.if %cond3A_293 {
        %add3A_514 = arith.constant 1 : i32
        %add3A_515 = arith.addi %add3A_286, %add3A_514 : i32
        %mul3A_516 = arith.constant 8 : i32
        %mul3A_517 = arith.muli %add3A_515, %mul3A_516 : i32
        %add3A_518 = arith.addi %mul3A_34, %mul3A_517 : i32
        %dma_start3A_519 = arith.constant 0 : i32
        %dma_start3A_520 = arith.constant 0 : i32
        %dma_start3A_521 = arith.constant 0 : i32
        %dma_start3A_522 = arith.constant 0 : i32
        %dma_start3A_523 = tpu.memref_slice %arg6[%dma_start3A_519, %dma_start3A_521, %dma_start3A_522] : memref<2x8x1024xf32, #tpu.memory_space<vmem>> -> memref<1x8x1024xf32, #tpu.memory_space<vmem>>
        %dma_start3A_524 = tpu.memref_squeeze %dma_start3A_523 : memref<1x8x1024xf32, #tpu.memory_space<vmem>> -> memref<8x1024xf32, #tpu.memory_space<vmem>>
        %dma_start3A_525 = tpu.memref_slice %arg3[%add3A_518, %mul3A_32] : memref<16384x4096xf32, #tpu.memory_space<hbm>> -> memref<8x1024xf32, #tpu.memory_space<hbm>>
        %dma_start3A_526 = tpu.memref_slice %arg8[%dma_start3A_520] : memref<2x!tpu.dma_semaphore, #tpu.memory_space<semaphore_mem>> -> memref<1x!tpu.dma_semaphore, #tpu.memory_space<semaphore_mem>>
        %dma_start3A_527 = tpu.memref_squeeze %dma_start3A_526 : memref<1x!tpu.dma_semaphore, #tpu.memory_space<semaphore_mem>> -> memref<!tpu.dma_semaphore, #tpu.memory_space<semaphore_mem>>
        %dma_start3A_528 = arith.constant 0 : i32
        %dma_start3A_529 = arith.constant 0 : i32
        %dma_start3A_530 = tpu.memref_slice %arg6[%dma_start3A_519, %dma_start3A_528, %dma_start3A_529] : memref<2x8x1024xf32, #tpu.memory_space<vmem>> -> memref<1x8x1024xf32, #tpu.memory_space<vmem>>
        %dma_start3A_531 = tpu.memref_squeeze %dma_start3A_530 : memref<1x8x1024xf32, #tpu.memory_space<vmem>> -> memref<8x1024xf32, #tpu.memory_space<vmem>>
        %dma_start3A_532 = tpu.memref_slice %arg3[%add3A_518, %mul3A_32] : memref<16384x4096xf32, #tpu.memory_space<hbm>> -> memref<8x1024xf32, #tpu.memory_space<hbm>>
        tpu.enqueue_dma source(%dma_start3A_532 : memref<8x1024xf32, #tpu.memory_space<hbm>>) target(%dma_start3A_531 : memref<8x1024xf32, #tpu.memory_space<vmem>>) target_semaphore(%dma_start3A_527 : memref<!tpu.dma_semaphore, #tpu.memory_space<semaphore_mem>>)
      } else {
      }
      %mul3A_294 = arith.constant 8 : i32
      %mul3A_295 = arith.muli %add3A_286, %mul3A_294 : i32
      %add3A_296 = arith.addi %mul3A_34, %mul3A_295 : i32
      %dma_wait3A_297 = arith.constant 1 : i32
      %dma_wait3A_298 = arith.constant 1 : i32
      %dma_wait3A_299 = arith.constant 0 : i32
      %dma_wait3A_300 = arith.constant 0 : i32
      %dma_wait3A_301 = tpu.memref_slice %arg6[%dma_wait3A_297, %dma_wait3A_299, %dma_wait3A_300] : memref<2x8x1024xf32, #tpu.memory_space<vmem>> -> memref<1x8x1024xf32, #tpu.memory_space<vmem>>
      %dma_wait3A_302 = tpu.memref_squeeze %dma_wait3A_301 : memref<1x8x1024xf32, #tpu.memory_space<vmem>> -> memref<8x1024xf32, #tpu.memory_space<vmem>>
      %dma_wait3A_303 = tpu.memref_slice %arg3[%add3A_296, %mul3A_32] : memref<16384x4096xf32, #tpu.memory_space<hbm>> -> memref<8x1024xf32, #tpu.memory_space<hbm>>
      %dma_wait3A_304 = tpu.memref_slice %arg8[%dma_wait3A_298] : memref<2x!tpu.dma_semaphore, #tpu.memory_space<semaphore_mem>> -> memref<1x!tpu.dma_semaphore, #tpu.memory_space<semaphore_mem>>
      %dma_wait3A_305 = tpu.memref_squeeze %dma_wait3A_304 : memref<1x!tpu.dma_semaphore, #tpu.memory_space<semaphore_mem>> -> memref<!tpu.dma_semaphore, #tpu.memory_space<semaphore_mem>>
      %dma_wait3A_306 = arith.constant 0 : i32
      %dma_wait3A_307 = arith.constant 0 : i32
      %dma_wait3A_308 = tpu.memref_slice %arg6[%dma_wait3A_297, %dma_wait3A_306, %dma_wait3A_307] : memref<2x8x1024xf32, #tpu.memory_space<vmem>> -> memref<1x8x1024xf32, #tpu.memory_space<vmem>>
      %dma_wait3A_309 = tpu.memref_squeeze %dma_wait3A_308 : memref<1x8x1024xf32, #tpu.memory_space<vmem>> -> memref<8x1024xf32, #tpu.memory_space<vmem>>
      %dma_wait3A_310 = tpu.memref_slice %arg3[%add3A_296, %mul3A_32] : memref<16384x4096xf32, #tpu.memory_space<hbm>> -> memref<8x1024xf32, #tpu.memory_space<hbm>>
      tpu.wait_dma2 semaphore(%dma_wait3A_305 : memref<!tpu.dma_semaphore, #tpu.memory_space<semaphore_mem>>) src(%dma_wait3A_310 : memref<8x1024xf32, #tpu.memory_space<hbm>>) dst(%dma_wait3A_309 : memref<8x1024xf32, #tpu.memory_space<vmem>>)
      %broadcast_in_dim3A_311 = arith.constant 0.000000e+00 : f32
      %broadcast_in_dim3A_312 = vector.broadcast %broadcast_in_dim3A_311 : f32 to vector<16xf32>
      %scan3A_313 = arith.constant 0 : i32
      %scan3A_314 = arith.constant 64 : i32
      %scan3A_315 = arith.addi %scan3A_313, %scan3A_314 : i32
      %scan3A_316 = arith.constant 1 : i32
      %scan3A_317:32 = scf.for %scan3A_514 = %scan3A_313 to %scan3A_315 step %scan3A_316 iter_args(%scan3A_515 = %broadcast_in_dim3A_312, %scan3A_516 = %broadcast_in_dim3A_312, %scan3A_517 = %broadcast_in_dim3A_312, %scan3A_518 = %broadcast_in_dim3A_312, %scan3A_519 = %broadcast_in_dim3A_312, %scan3A_520 = %broadcast_in_dim3A_312, %scan3A_521 = %broadcast_in_dim3A_312, %scan3A_522 = %broadcast_in_dim3A_312, %scan3A_523 = %broadcast_in_dim3A_312, %scan3A_524 = %broadcast_in_dim3A_312, %scan3A_525 = %broadcast_in_dim3A_312, %scan3A_526 = %broadcast_in_dim3A_312, %scan3A_527 = %broadcast_in_dim3A_312, %scan3A_528 = %broadcast_in_dim3A_312, %scan3A_529 = %broadcast_in_dim3A_312, %scan3A_530 = %broadcast_in_dim3A_312, %scan3A_531 = %broadcast_in_dim3A_312, %scan3A_532 = %broadcast_in_dim3A_312, %scan3A_533 = %broadcast_in_dim3A_312, %scan3A_534 = %broadcast_in_dim3A_312, %scan3A_535 = %broadcast_in_dim3A_312, %scan3A_536 = %broadcast_in_dim3A_312, %scan3A_537 = %broadcast_in_dim3A_312, %scan3A_538 = %broadcast_in_dim3A_312, %scan3A_539 = %broadcast_in_dim3A_312, %scan3A_540 = %broadcast_in_dim3A_312, %scan3A_541 = %broadcast_in_dim3A_312, %scan3A_542 = %broadcast_in_dim3A_312, %scan3A_543 = %broadcast_in_dim3A_312, %scan3A_544 = %broadcast_in_dim3A_312, %scan3A_545 = %broadcast_in_dim3A_312, %scan3A_546 = %broadcast_in_dim3A_312) -> (vector<16xf32>, vector<16xf32>, vector<16xf32>, vector<16xf32>, vector<16xf32>, vector<16xf32>, vector<16xf32>, vector<16xf32>, vector<16xf32>, vector<16xf32>, vector<16xf32>, vector<16xf32>, vector<16xf32>, vector<16xf32>, vector<16xf32>, vector<16xf32>, vector<16xf32>, vector<16xf32>, vector<16xf32>, vector<16xf32>, vector<16xf32>, vector<16xf32>, vector<16xf32>, vector<16xf32>, vector<16xf32>, vector<16xf32>, vector<16xf32>, vector<16xf32>, vector<16xf32>, vector<16xf32>, vector<16xf32>, vector<16xf32>)  : i32 {
        %mul3A_547 = arith.constant 16 : i32
        %mul3A_548 = arith.muli %scan3A_514, %mul3A_547 : i32
        %get3A = arith.constant 1 : i32
        %get3A_549 = arith.constant 0 : i32
        %get3A_550 = arith.index_cast %get3A : i32 to index
        %get3A_551 = arith.index_cast %get3A_549 : i32 to index
        %get3A_552 = arith.index_cast %mul3A_548 : i32 to index
        %get3A_553 = tpu.vector_load %arg6[%get3A_550, %get3A_551, %get3A_552] {strides = array<i32>} : memref<2x8x1024xf32, #tpu.memory_space<vmem>>, vector<1x1x16xf32>,
        %get3A_554 = vector.shape_cast %get3A_553 : vector<1x1x16xf32> to vector<16xf32>
        %get3A_555 = arith.constant 1 : i32
        %get3A_556 = arith.constant 1 : i32
        %get3A_557 = arith.index_cast %get3A_555 : i32 to index
        %get3A_558 = arith.index_cast %get3A_556 : i32 to index
        %get3A_559 = arith.index_cast %mul3A_548 : i32 to index
        %get3A_560 = tpu.vector_load %arg6[%get3A_557, %get3A_558, %get3A_559] {strides = array<i32>} : memref<2x8x1024xf32, #tpu.memory_space<vmem>>, vector<1x1x16xf32>,
        %get3A_561 = vector.shape_cast %get3A_560 : vector<1x1x16xf32> to vector<16xf32>
        %get3A_562 = arith.constant 1 : i32
        %get3A_563 = arith.constant 2 : i32
        %get3A_564 = arith.index_cast %get3A_562 : i32 to index
        %get3A_565 = arith.index_cast %get3A_563 : i32 to index
        %get3A_566 = arith.index_cast %mul3A_548 : i32 to index
        %get3A_567 = tpu.vector_load %arg6[%get3A_564, %get3A_565, %get3A_566] {strides = array<i32>} : memref<2x8x1024xf32, #tpu.memory_space<vmem>>, vector<1x1x16xf32>,
        %get3A_568 = vector.shape_cast %get3A_567 : vector<1x1x16xf32> to vector<16xf32>
        %get3A_569 = arith.constant 1 : i32
        %get3A_570 = arith.constant 3 : i32
        %get3A_571 = arith.index_cast %get3A_569 : i32 to index
        %get3A_572 = arith.index_cast %get3A_570 : i32 to index
        %get3A_573 = arith.index_cast %mul3A_548 : i32 to index
        %get3A_574 = tpu.vector_load %arg6[%get3A_571, %get3A_572, %get3A_573] {strides = array<i32>} : memref<2x8x1024xf32, #tpu.memory_space<vmem>>, vector<1x1x16xf32>,
        %get3A_575 = vector.shape_cast %get3A_574 : vector<1x1x16xf32> to vector<16xf32>
        %get3A_576 = arith.constant 1 : i32
        %get3A_577 = arith.constant 4 : i32
        %get3A_578 = arith.index_cast %get3A_576 : i32 to index
        %get3A_579 = arith.index_cast %get3A_577 : i32 to index
        %get3A_580 = arith.index_cast %mul3A_548 : i32 to index
        %get3A_581 = tpu.vector_load %arg6[%get3A_578, %get3A_579, %get3A_580] {strides = array<i32>} : memref<2x8x1024xf32, #tpu.memory_space<vmem>>, vector<1x1x16xf32>,
        %get3A_582 = vector.shape_cast %get3A_581 : vector<1x1x16xf32> to vector<16xf32>
        %get3A_583 = arith.constant 1 : i32
        %get3A_584 = arith.constant 5 : i32
        %get3A_585 = arith.index_cast %get3A_583 : i32 to index
        %get3A_586 = arith.index_cast %get3A_584 : i32 to index
        %get3A_587 = arith.index_cast %mul3A_548 : i32 to index
        %get3A_588 = tpu.vector_load %arg6[%get3A_585, %get3A_586, %get3A_587] {strides = array<i32>} : memref<2x8x1024xf32, #tpu.memory_space<vmem>>, vector<1x1x16xf32>,
        %get3A_589 = vector.shape_cast %get3A_588 : vector<1x1x16xf32> to vector<16xf32>
        %get3A_590 = arith.constant 1 : i32
        %get3A_591 = arith.constant 6 : i32
        %get3A_592 = arith.index_cast %get3A_590 : i32 to index
        %get3A_593 = arith.index_cast %get3A_591 : i32 to index
        %get3A_594 = arith.index_cast %mul3A_548 : i32 to index
        %get3A_595 = tpu.vector_load %arg6[%get3A_592, %get3A_593, %get3A_594] {strides = array<i32>} : memref<2x8x1024xf32, #tpu.memory_space<vmem>>, vector<1x1x16xf32>,
        %get3A_596 = vector.shape_cast %get3A_595 : vector<1x1x16xf32> to vector<16xf32>
        %get3A_597 = arith.constant 1 : i32
        %get3A_598 = arith.constant 7 : i32
        %get3A_599 = arith.index_cast %get3A_597 : i32 to index
        %get3A_600 = arith.index_cast %get3A_598 : i32 to index
        %get3A_601 = arith.index_cast %mul3A_548 : i32 to index
        %get3A_602 = tpu.vector_load %arg6[%get3A_599, %get3A_600, %get3A_601] {strides = array<i32>} : memref<2x8x1024xf32, #tpu.memory_space<vmem>>, vector<1x1x16xf32>,
        %get3A_603 = vector.shape_cast %get3A_602 : vector<1x1x16xf32> to vector<16xf32>
        %mul3A_604 = arith.constant 8 : i32
        %mul3A_605 = arith.muli %scan3A_514, %mul3A_604 : i32
        %add3A_606 = arith.constant 0 : i32
        %add3A_607 = arith.addi %mul3A_605, %add3A_606 : i32
        %get3A_608 = arith.index_cast %add3A_607 : i32 to index
        %get3A_609 = arith.constant 0 : index
        %get3A_610 = tpu.vector_load %arg5[%get3A_608, %get3A_609] {strides = array<i32>} : memref<512x128xf32, #tpu.memory_space<vmem>>, vector<1x16xf32>,
        %get3A_611 = vector.shape_cast %get3A_610 : vector<1x16xf32> to vector<16xf32>
        %get3A_612 = arith.index_cast %add3A_607 : i32 to index
        %get3A_613 = arith.constant 16 : index
        %get3A_614 = tpu.vector_load %arg5[%get3A_612, %get3A_613] {strides = array<i32>} : memref<512x128xf32, #tpu.memory_space<vmem>>, vector<1x16xf32>,
        %get3A_615 = vector.shape_cast %get3A_614 : vector<1x16xf32> to vector<16xf32>
        %get3A_616 = arith.index_cast %add3A_607 : i32 to index
        %get3A_617 = arith.constant 32 : index
        %get3A_618 = tpu.vector_load %arg5[%get3A_616, %get3A_617] {strides = array<i32>} : memref<512x128xf32, #tpu.memory_space<vmem>>, vector<1x16xf32>,
        %get3A_619 = vector.shape_cast %get3A_618 : vector<1x16xf32> to vector<16xf32>
        %get3A_620 = arith.index_cast %add3A_607 : i32 to index
        %get3A_621 = arith.constant 48 : index
        %get3A_622 = tpu.vector_load %arg5[%get3A_620, %get3A_621] {strides = array<i32>} : memref<512x128xf32, #tpu.memory_space<vmem>>, vector<1x16xf32>,
        %get3A_623 = vector.shape_cast %get3A_622 : vector<1x16xf32> to vector<16xf32>
        %broadcast_in_dim3A_624 = arith.constant 0 : i32
        %broadcast_in_dim3A_625 = vector.broadcast %broadcast_in_dim3A_624 : i32 to vector<16xi32>
        %reshape3A = vector.shape_cast %broadcast_in_dim3A_625 : vector<16xi32> to vector<16x1xi32>
        %gather3A = vector.shape_cast %reshape3A : vector<16x1xi32> to vector<16xi32>
        %gather3A_626 = tpu.dynamic_gather %get3A_554[%gather3A] in [0] : vector<16xf32>, vector<16xi32> -> vector<16xf32>
        %mul3A_627 = arith.mulf %gather3A_626, %get3A_611 : vector<16xf32>
        %add3A_628 = arith.addf %scan3A_515, %mul3A_627 : vector<16xf32>
        %mul3A_629 = arith.mulf %gather3A_626, %get3A_615 : vector<16xf32>
        %add3A_630 = arith.addf %scan3A_516, %mul3A_629 : vector<16xf32>
        %mul3A_631 = arith.mulf %gather3A_626, %get3A_619 : vector<16xf32>
        %add3A_632 = arith.addf %scan3A_517, %mul3A_631 : vector<16xf32>
        %mul3A_633 = arith.mulf %gather3A_626, %get3A_623 : vector<16xf32>
        %add3A_634 = arith.addf %scan3A_518, %mul3A_633 : vector<16xf32>
        %reshape3A_635 = vector.shape_cast %broadcast_in_dim3A_625 : vector<16xi32> to vector<16x1xi32>
        %gather3A_636 = vector.shape_cast %reshape3A_635 : vector<16x1xi32> to vector<16xi32>
        %gather3A_637 = tpu.dynamic_gather %get3A_561[%gather3A_636] in [0] : vector<16xf32>, vector<16xi32> -> vector<16xf32>
        %mul3A_638 = arith.mulf %gather3A_637, %get3A_611 : vector<16xf32>
        %add3A_639 = arith.addf %scan3A_519, %mul3A_638 : vector<16xf32>
        %mul3A_640 = arith.mulf %gather3A_637, %get3A_615 : vector<16xf32>
        %add3A_641 = arith.addf %scan3A_520, %mul3A_640 : vector<16xf32>
        %mul3A_642 = arith.mulf %gather3A_637, %get3A_619 : vector<16xf32>
        %add3A_643 = arith.addf %scan3A_521, %mul3A_642 : vector<16xf32>
        %mul3A_644 = arith.mulf %gather3A_637, %get3A_623 : vector<16xf32>
        %add3A_645 = arith.addf %scan3A_522, %mul3A_644 : vector<16xf32>
        %reshape3A_646 = vector.shape_cast %broadcast_in_dim3A_625 : vector<16xi32> to vector<16x1xi32>
        %gather3A_647 = vector.shape_cast %reshape3A_646 : vector<16x1xi32> to vector<16xi32>
        %gather3A_648 = tpu.dynamic_gather %get3A_568[%gather3A_647] in [0] : vector<16xf32>, vector<16xi32> -> vector<16xf32>
        %mul3A_649 = arith.mulf %gather3A_648, %get3A_611 : vector<16xf32>
        %add3A_650 = arith.addf %scan3A_523, %mul3A_649 : vector<16xf32>
        %mul3A_651 = arith.mulf %gather3A_648, %get3A_615 : vector<16xf32>
        %add3A_652 = arith.addf %scan3A_524, %mul3A_651 : vector<16xf32>
        %mul3A_653 = arith.mulf %gather3A_648, %get3A_619 : vector<16xf32>
        %add3A_654 = arith.addf %scan3A_525, %mul3A_653 : vector<16xf32>
        %mul3A_655 = arith.mulf %gather3A_648, %get3A_623 : vector<16xf32>
        %add3A_656 = arith.addf %scan3A_526, %mul3A_655 : vector<16xf32>
        %reshape3A_657 = vector.shape_cast %broadcast_in_dim3A_625 : vector<16xi32> to vector<16x1xi32>
        %gather3A_658 = vector.shape_cast %reshape3A_657 : vector<16x1xi32> to vector<16xi32>
        %gather3A_659 = tpu.dynamic_gather %get3A_575[%gather3A_658] in [0] : vector<16xf32>, vector<16xi32> -> vector<16xf32>
        %mul3A_660 = arith.mulf %gather3A_659, %get3A_611 : vector<16xf32>
        %add3A_661 = arith.addf %scan3A_527, %mul3A_660 : vector<16xf32>
        %mul3A_662 = arith.mulf %gather3A_659, %get3A_615 : vector<16xf32>
        %add3A_663 = arith.addf %scan3A_528, %mul3A_662 : vector<16xf32>
        %mul3A_664 = arith.mulf %gather3A_659, %get3A_619 : vector<16xf32>
        %add3A_665 = arith.addf %scan3A_529, %mul3A_664 : vector<16xf32>
        %mul3A_666 = arith.mulf %gather3A_659, %get3A_623 : vector<16xf32>
        %add3A_667 = arith.addf %scan3A_530, %mul3A_666 : vector<16xf32>
        %reshape3A_668 = vector.shape_cast %broadcast_in_dim3A_625 : vector<16xi32> to vector<16x1xi32>
        %gather3A_669 = vector.shape_cast %reshape3A_668 : vector<16x1xi32> to vector<16xi32>
        %gather3A_670 = tpu.dynamic_gather %get3A_582[%gather3A_669] in [0] : vector<16xf32>, vector<16xi32> -> vector<16xf32>
        %mul3A_671 = arith.mulf %gather3A_670, %get3A_611 : vector<16xf32>
        %add3A_672 = arith.addf %scan3A_531, %mul3A_671 : vector<16xf32>
        %mul3A_673 = arith.mulf %gather3A_670, %get3A_615 : vector<16xf32>
        %add3A_674 = arith.addf %scan3A_532, %mul3A_673 : vector<16xf32>
        %mul3A_675 = arith.mulf %gather3A_670, %get3A_619 : vector<16xf32>
        %add3A_676 = arith.addf %scan3A_533, %mul3A_675 : vector<16xf32>
        %mul3A_677 = arith.mulf %gather3A_670, %get3A_623 : vector<16xf32>
        %add3A_678 = arith.addf %scan3A_534, %mul3A_677 : vector<16xf32>
        %reshape3A_679 = vector.shape_cast %broadcast_in_dim3A_625 : vector<16xi32> to vector<16x1xi32>
        %gather3A_680 = vector.shape_cast %reshape3A_679 : vector<16x1xi32> to vector<16xi32>
        %gather3A_681 = tpu.dynamic_gather %get3A_589[%gather3A_680] in [0] : vector<16xf32>, vector<16xi32> -> vector<16xf32>
        %mul3A_682 = arith.mulf %gather3A_681, %get3A_611 : vector<16xf32>
        %add3A_683 = arith.addf %scan3A_535, %mul3A_682 : vector<16xf32>
        %mul3A_684 = arith.mulf %gather3A_681, %get3A_615 : vector<16xf32>
        %add3A_685 = arith.addf %scan3A_536, %mul3A_684 : vector<16xf32>
        %mul3A_686 = arith.mulf %gather3A_681, %get3A_619 : vector<16xf32>
        %add3A_687 = arith.addf %scan3A_537, %mul3A_686 : vector<16xf32>
        %mul3A_688 = arith.mulf %gather3A_681, %get3A_623 : vector<16xf32>
        %add3A_689 = arith.addf %scan3A_538, %mul3A_688 : vector<16xf32>
        %reshape3A_690 = vector.shape_cast %broadcast_in_dim3A_625 : vector<16xi32> to vector<16x1xi32>
        %gather3A_691 = vector.shape_cast %reshape3A_690 : vector<16x1xi32> to vector<16xi32>
        %gather3A_692 = tpu.dynamic_gather %get3A_596[%gather3A_691] in [0] : vector<16xf32>, vector<16xi32> -> vector<16xf32>
        %mul3A_693 = arith.mulf %gather3A_692, %get3A_611 : vector<16xf32>
        %add3A_694 = arith.addf %scan3A_539, %mul3A_693 : vector<16xf32>
        %mul3A_695 = arith.mulf %gather3A_692, %get3A_615 : vector<16xf32>
        %add3A_696 = arith.addf %scan3A_540, %mul3A_695 : vector<16xf32>
        %mul3A_697 = arith.mulf %gather3A_692, %get3A_619 : vector<16xf32>
        %add3A_698 = arith.addf %scan3A_541, %mul3A_697 : vector<16xf32>
        %mul3A_699 = arith.mulf %gather3A_692, %get3A_623 : vector<16xf32>
        %add3A_700 = arith.addf %scan3A_542, %mul3A_699 : vector<16xf32>
        %reshape3A_701 = vector.shape_cast %broadcast_in_dim3A_625 : vector<16xi32> to vector<16x1xi32>
        %gather3A_702 = vector.shape_cast %reshape3A_701 : vector<16x1xi32> to vector<16xi32>
        %gather3A_703 = tpu.dynamic_gather %get3A_603[%gather3A_702] in [0] : vector<16xf32>, vector<16xi32> -> vector<16xf32>
        %mul3A_704 = arith.mulf %gather3A_703, %get3A_611 : vector<16xf32>
        %add3A_705 = arith.addf %scan3A_543, %mul3A_704 : vector<16xf32>
        %mul3A_706 = arith.mulf %gather3A_703, %get3A_615 : vector<16xf32>
        %add3A_707 = arith.addf %scan3A_544, %mul3A_706 : vector<16xf32>
        %mul3A_708 = arith.mulf %gather3A_703, %get3A_619 : vector<16xf32>
        %add3A_709 = arith.addf %scan3A_545, %mul3A_708 : vector<16xf32>
        %mul3A_710 = arith.mulf %gather3A_703, %get3A_623 : vector<16xf32>
        %add3A_711 = arith.addf %scan3A_546, %mul3A_710 : vector<16xf32>
        %mul3A_712 = arith.constant 8 : i32
        %mul3A_713 = arith.muli %scan3A_514, %mul3A_712 : i32
        %add3A_714 = arith.constant 0 : i32
        %add3A_715 = arith.addi %mul3A_713, %add3A_714 : i32
        %get3A_716 = arith.index_cast %add3A_715 : i32 to index
        %get3A_717 = arith.constant 64 : index
        %get3A_718 = tpu.vector_load %arg5[%get3A_716, %get3A_717] {strides = array<i32>} : memref<512x128xf32, #tpu.memory_space<vmem>>, vector<1x16xf32>,
        %get3A_719 = vector.shape_cast %get3A_718 : vector<1x16xf32> to vector<16xf32>
        %get3A_720 = arith.index_cast %add3A_715 : i32 to index
        %get3A_721 = arith.constant 80 : index
        %get3A_722 = tpu.vector_load %arg5[%get3A_720, %get3A_721] {strides = array<i32>} : memref<512x128xf32, #tpu.memory_space<vmem>>, vector<1x16xf32>,
        %get3A_723 = vector.shape_cast %get3A_722 : vector<1x16xf32> to vector<16xf32>
        %get3A_724 = arith.index_cast %add3A_715 : i32 to index
        %get3A_725 = arith.constant 96 : index
        %get3A_726 = tpu.vector_load %arg5[%get3A_724, %get3A_725] {strides = array<i32>} : memref<512x128xf32, #tpu.memory_space<vmem>>, vector<1x16xf32>,
        %get3A_727 = vector.shape_cast %get3A_726 : vector<1x16xf32> to vector<16xf32>
        %get3A_728 = arith.index_cast %add3A_715 : i32 to index
        %get3A_729 = arith.constant 112 : index
        %get3A_730 = tpu.vector_load %arg5[%get3A_728, %get3A_729] {strides = array<i32>} : memref<512x128xf32, #tpu.memory_space<vmem>>, vector<1x16xf32>,
        %get3A_731 = vector.shape_cast %get3A_730 : vector<1x16xf32> to vector<16xf32>
        %broadcast_in_dim3A_732 = arith.constant 1 : i32
        %broadcast_in_dim3A_733 = vector.broadcast %broadcast_in_dim3A_732 : i32 to vector<16xi32>
        %reshape3A_734 = vector.shape_cast %broadcast_in_dim3A_733 : vector<16xi32> to vector<16x1xi32>
        %gather3A_735 = vector.shape_cast %reshape3A_734 : vector<16x1xi32> to vector<16xi32>
        %gather3A_736 = tpu.dynamic_gather %get3A_554[%gather3A_735] in [0] : vector<16xf32>, vector<16xi32> -> vector<16xf32>
        %mul3A_737 = arith.mulf %gather3A_736, %get3A_719 : vector<16xf32>
        %add3A_738 = arith.addf %add3A_628, %mul3A_737 : vector<16xf32>
        %mul3A_739 = arith.mulf %gather3A_736, %get3A_723 : vector<16xf32>
        %add3A_740 = arith.addf %add3A_630, %mul3A_739 : vector<16xf32>
        %mul3A_741 = arith.mulf %gather3A_736, %get3A_727 : vector<16xf32>
        %add3A_742 = arith.addf %add3A_632, %mul3A_741 : vector<16xf32>
        %mul3A_743 = arith.mulf %gather3A_736, %get3A_731 : vector<16xf32>
        %add3A_744 = arith.addf %add3A_634, %mul3A_743 : vector<16xf32>
        %reshape3A_745 = vector.shape_cast %broadcast_in_dim3A_733 : vector<16xi32> to vector<16x1xi32>
        %gather3A_746 = vector.shape_cast %reshape3A_745 : vector<16x1xi32> to vector<16xi32>
        %gather3A_747 = tpu.dynamic_gather %get3A_561[%gather3A_746] in [0] : vector<16xf32>, vector<16xi32> -> vector<16xf32>
        %mul3A_748 = arith.mulf %gather3A_747, %get3A_719 : vector<16xf32>
        %add3A_749 = arith.addf %add3A_639, %mul3A_748 : vector<16xf32>
        %mul3A_750 = arith.mulf %gather3A_747, %get3A_723 : vector<16xf32>
        %add3A_751 = arith.addf %add3A_641, %mul3A_750 : vector<16xf32>
        %mul3A_752 = arith.mulf %gather3A_747, %get3A_727 : vector<16xf32>
        %add3A_753 = arith.addf %add3A_643, %mul3A_752 : vector<16xf32>
        %mul3A_754 = arith.mulf %gather3A_747, %get3A_731 : vector<16xf32>
        %add3A_755 = arith.addf %add3A_645, %mul3A_754 : vector<16xf32>
        %reshape3A_756 = vector.shape_cast %broadcast_in_dim3A_733 : vector<16xi32> to vector<16x1xi32>
        %gather3A_757 = vector.shape_cast %reshape3A_756 : vector<16x1xi32> to vector<16xi32>
        %gather3A_758 = tpu.dynamic_gather %get3A_568[%gather3A_757] in [0] : vector<16xf32>, vector<16xi32> -> vector<16xf32>
        %mul3A_759 = arith.mulf %gather3A_758, %get3A_719 : vector<16xf32>
        %add3A_760 = arith.addf %add3A_650, %mul3A_759 : vector<16xf32>
        %mul3A_761 = arith.mulf %gather3A_758, %get3A_723 : vector<16xf32>
        %add3A_762 = arith.addf %add3A_652, %mul3A_761 : vector<16xf32>
        %mul3A_763 = arith.mulf %gather3A_758, %get3A_727 : vector<16xf32>
        %add3A_764 = arith.addf %add3A_654, %mul3A_763 : vector<16xf32>
        %mul3A_765 = arith.mulf %gather3A_758, %get3A_731 : vector<16xf32>
        %add3A_766 = arith.addf %add3A_656, %mul3A_765 : vector<16xf32>
        %reshape3A_767 = vector.shape_cast %broadcast_in_dim3A_733 : vector<16xi32> to vector<16x1xi32>
        %gather3A_768 = vector.shape_cast %reshape3A_767 : vector<16x1xi32> to vector<16xi32>
        %gather3A_769 = tpu.dynamic_gather %get3A_575[%gather3A_768] in [0] : vector<16xf32>, vector<16xi32> -> vector<16xf32>
        %mul3A_770 = arith.mulf %gather3A_769, %get3A_719 : vector<16xf32>
        %add3A_771 = arith.addf %add3A_661, %mul3A_770 : vector<16xf32>
        %mul3A_772 = arith.mulf %gather3A_769, %get3A_723 : vector<16xf32>
        %add3A_773 = arith.addf %add3A_663, %mul3A_772 : vector<16xf32>
        %mul3A_774 = arith.mulf %gather3A_769, %get3A_727 : vector<16xf32>
        %add3A_775 = arith.addf %add3A_665, %mul3A_774 : vector<16xf32>
        %mul3A_776 = arith.mulf %gather3A_769, %get3A_731 : vector<16xf32>
        %add3A_777 = arith.addf %add3A_667, %mul3A_776 : vector<16xf32>
        %reshape3A_778 = vector.shape_cast %broadcast_in_dim3A_733 : vector<16xi32> to vector<16x1xi32>
        %gather3A_779 = vector.shape_cast %reshape3A_778 : vector<16x1xi32> to vector<16xi32>
        %gather3A_780 = tpu.dynamic_gather %get3A_582[%gather3A_779] in [0] : vector<16xf32>, vector<16xi32> -> vector<16xf32>
        %mul3A_781 = arith.mulf %gather3A_780, %get3A_719 : vector<16xf32>
        %add3A_782 = arith.addf %add3A_672, %mul3A_781 : vector<16xf32>
        %mul3A_783 = arith.mulf %gather3A_780, %get3A_723 : vector<16xf32>
        %add3A_784 = arith.addf %add3A_674, %mul3A_783 : vector<16xf32>
        %mul3A_785 = arith.mulf %gather3A_780, %get3A_727 : vector<16xf32>
        %add3A_786 = arith.addf %add3A_676, %mul3A_785 : vector<16xf32>
        %mul3A_787 = arith.mulf %gather3A_780, %get3A_731 : vector<16xf32>
        %add3A_788 = arith.addf %add3A_678, %mul3A_787 : vector<16xf32>
        %reshape3A_789 = vector.shape_cast %broadcast_in_dim3A_733 : vector<16xi32> to vector<16x1xi32>
        %gather3A_790 = vector.shape_cast %reshape3A_789 : vector<16x1xi32> to vector<16xi32>
        %gather3A_791 = tpu.dynamic_gather %get3A_589[%gather3A_790] in [0] : vector<16xf32>, vector<16xi32> -> vector<16xf32>
        %mul3A_792 = arith.mulf %gather3A_791, %get3A_719 : vector<16xf32>
        %add3A_793 = arith.addf %add3A_683, %mul3A_792 : vector<16xf32>
        %mul3A_794 = arith.mulf %gather3A_791, %get3A_723 : vector<16xf32>
        %add3A_795 = arith.addf %add3A_685, %mul3A_794 : vector<16xf32>
        %mul3A_796 = arith.mulf %gather3A_791, %get3A_727 : vector<16xf32>
        %add3A_797 = arith.addf %add3A_687, %mul3A_796 : vector<16xf32>
        %mul3A_798 = arith.mulf %gather3A_791, %get3A_731 : vector<16xf32>
        %add3A_799 = arith.addf %add3A_689, %mul3A_798 : vector<16xf32>
        %reshape3A_800 = vector.shape_cast %broadcast_in_dim3A_733 : vector<16xi32> to vector<16x1xi32>
        %gather3A_801 = vector.shape_cast %reshape3A_800 : vector<16x1xi32> to vector<16xi32>
        %gather3A_802 = tpu.dynamic_gather %get3A_596[%gather3A_801] in [0] : vector<16xf32>, vector<16xi32> -> vector<16xf32>
        %mul3A_803 = arith.mulf %gather3A_802, %get3A_719 : vector<16xf32>
        %add3A_804 = arith.addf %add3A_694, %mul3A_803 : vector<16xf32>
        %mul3A_805 = arith.mulf %gather3A_802, %get3A_723 : vector<16xf32>
        %add3A_806 = arith.addf %add3A_696, %mul3A_805 : vector<16xf32>
        %mul3A_807 = arith.mulf %gather3A_802, %get3A_727 : vector<16xf32>
        %add3A_808 = arith.addf %add3A_698, %mul3A_807 : vector<16xf32>
        %mul3A_809 = arith.mulf %gather3A_802, %get3A_731 : vector<16xf32>
        %add3A_810 = arith.addf %add3A_700, %mul3A_809 : vector<16xf32>
        %reshape3A_811 = vector.shape_cast %broadcast_in_dim3A_733 : vector<16xi32> to vector<16x1xi32>
        %gather3A_812 = vector.shape_cast %reshape3A_811 : vector<16x1xi32> to vector<16xi32>
        %gather3A_813 = tpu.dynamic_gather %get3A_603[%gather3A_812] in [0] : vector<16xf32>, vector<16xi32> -> vector<16xf32>
        %mul3A_814 = arith.mulf %gather3A_813, %get3A_719 : vector<16xf32>
        %add3A_815 = arith.addf %add3A_705, %mul3A_814 : vector<16xf32>
        %mul3A_816 = arith.mulf %gather3A_813, %get3A_723 : vector<16xf32>
        %add3A_817 = arith.addf %add3A_707, %mul3A_816 : vector<16xf32>
        %mul3A_818 = arith.mulf %gather3A_813, %get3A_727 : vector<16xf32>
        %add3A_819 = arith.addf %add3A_709, %mul3A_818 : vector<16xf32>
        %mul3A_820 = arith.mulf %gather3A_813, %get3A_731 : vector<16xf32>
        %add3A_821 = arith.addf %add3A_711, %mul3A_820 : vector<16xf32>
        %mul3A_822 = arith.constant 8 : i32
        %mul3A_823 = arith.muli %scan3A_514, %mul3A_822 : i32
        %add3A_824 = arith.constant 1 : i32
        %add3A_825 = arith.addi %mul3A_823, %add3A_824 : i32
        %get3A_826 = arith.index_cast %add3A_825 : i32 to index
        %get3A_827 = arith.constant 0 : index
        %get3A_828 = tpu.vector_load %arg5[%get3A_826, %get3A_827] {strides = array<i32>} : memref<512x128xf32, #tpu.memory_space<vmem>>, vector<1x16xf32>,
        %get3A_829 = vector.shape_cast %get3A_828 : vector<1x16xf32> to vector<16xf32>
        %get3A_830 = arith.index_cast %add3A_825 : i32 to index
        %get3A_831 = arith.constant 16 : index
        %get3A_832 = tpu.vector_load %arg5[%get3A_830, %get3A_831] {strides = array<i32>} : memref<512x128xf32, #tpu.memory_space<vmem>>, vector<1x16xf32>,
        %get3A_833 = vector.shape_cast %get3A_832 : vector<1x16xf32> to vector<16xf32>
        %get3A_834 = arith.index_cast %add3A_825 : i32 to index
        %get3A_835 = arith.constant 32 : index
        %get3A_836 = tpu.vector_load %arg5[%get3A_834, %get3A_835] {strides = array<i32>} : memref<512x128xf32, #tpu.memory_space<vmem>>, vector<1x16xf32>,
        %get3A_837 = vector.shape_cast %get3A_836 : vector<1x16xf32> to vector<16xf32>
        %get3A_838 = arith.index_cast %add3A_825 : i32 to index
        %get3A_839 = arith.constant 48 : index
        %get3A_840 = tpu.vector_load %arg5[%get3A_838, %get3A_839] {strides = array<i32>} : memref<512x128xf32, #tpu.memory_space<vmem>>, vector<1x16xf32>,
        %get3A_841 = vector.shape_cast %get3A_840 : vector<1x16xf32> to vector<16xf32>
        %broadcast_in_dim3A_842 = arith.constant 2 : i32
        %broadcast_in_dim3A_843 = vector.broadcast %broadcast_in_dim3A_842 : i32 to vector<16xi32>
        %reshape3A_844 = vector.shape_cast %broadcast_in_dim3A_843 : vector<16xi32> to vector<16x1xi32>
        %gather3A_845 = vector.shape_cast %reshape3A_844 : vector<16x1xi32> to vector<16xi32>
        %gather3A_846 = tpu.dynamic_gather %get3A_554[%gather3A_845] in [0] : vector<16xf32>, vector<16xi32> -> vector<16xf32>
        %mul3A_847 = arith.mulf %gather3A_846, %get3A_829 : vector<16xf32>
        %add3A_848 = arith.addf %add3A_738, %mul3A_847 : vector<16xf32>
        %mul3A_849 = arith.mulf %gather3A_846, %get3A_833 : vector<16xf32>
        %add3A_850 = arith.addf %add3A_740, %mul3A_849 : vector<16xf32>
        %mul3A_851 = arith.mulf %gather3A_846, %get3A_837 : vector<16xf32>
        %add3A_852 = arith.addf %add3A_742, %mul3A_851 : vector<16xf32>
        %mul3A_853 = arith.mulf %gather3A_846, %get3A_841 : vector<16xf32>
        %add3A_854 = arith.addf %add3A_744, %mul3A_853 : vector<16xf32>
        %reshape3A_855 = vector.shape_cast %broadcast_in_dim3A_843 : vector<16xi32> to vector<16x1xi32>
        %gather3A_856 = vector.shape_cast %reshape3A_855 : vector<16x1xi32> to vector<16xi32>
        %gather3A_857 = tpu.dynamic_gather %get3A_561[%gather3A_856] in [0] : vector<16xf32>, vector<16xi32> -> vector<16xf32>
        %mul3A_858 = arith.mulf %gather3A_857, %get3A_829 : vector<16xf32>
        %add3A_859 = arith.addf %add3A_749, %mul3A_858 : vector<16xf32>
        %mul3A_860 = arith.mulf %gather3A_857, %get3A_833 : vector<16xf32>
        %add3A_861 = arith.addf %add3A_751, %mul3A_860 : vector<16xf32>
        %mul3A_862 = arith.mulf %gather3A_857, %get3A_837 : vector<16xf32>
        %add3A_863 = arith.addf %add3A_753, %mul3A_862 : vector<16xf32>
        %mul3A_864 = arith.mulf %gather3A_857, %get3A_841 : vector<16xf32>
        %add3A_865 = arith.addf %add3A_755, %mul3A_864 : vector<16xf32>
        %reshape3A_866 = vector.shape_cast %broadcast_in_dim3A_843 : vector<16xi32> to vector<16x1xi32>
        %gather3A_867 = vector.shape_cast %reshape3A_866 : vector<16x1xi32> to vector<16xi32>
        %gather3A_868 = tpu.dynamic_gather %get3A_568[%gather3A_867] in [0] : vector<16xf32>, vector<16xi32> -> vector<16xf32>
        %mul3A_869 = arith.mulf %gather3A_868, %get3A_829 : vector<16xf32>
        %add3A_870 = arith.addf %add3A_760, %mul3A_869 : vector<16xf32>
        %mul3A_871 = arith.mulf %gather3A_868, %get3A_833 : vector<16xf32>
        %add3A_872 = arith.addf %add3A_762, %mul3A_871 : vector<16xf32>
        %mul3A_873 = arith.mulf %gather3A_868, %get3A_837 : vector<16xf32>
        %add3A_874 = arith.addf %add3A_764, %mul3A_873 : vector<16xf32>
        %mul3A_875 = arith.mulf %gather3A_868, %get3A_841 : vector<16xf32>
        %add3A_876 = arith.addf %add3A_766, %mul3A_875 : vector<16xf32>
        %reshape3A_877 = vector.shape_cast %broadcast_in_dim3A_843 : vector<16xi32> to vector<16x1xi32>
        %gather3A_878 = vector.shape_cast %reshape3A_877 : vector<16x1xi32> to vector<16xi32>
        %gather3A_879 = tpu.dynamic_gather %get3A_575[%gather3A_878] in [0] : vector<16xf32>, vector<16xi32> -> vector<16xf32>
        %mul3A_880 = arith.mulf %gather3A_879, %get3A_829 : vector<16xf32>
        %add3A_881 = arith.addf %add3A_771, %mul3A_880 : vector<16xf32>
        %mul3A_882 = arith.mulf %gather3A_879, %get3A_833 : vector<16xf32>
        %add3A_883 = arith.addf %add3A_773, %mul3A_882 : vector<16xf32>
        %mul3A_884 = arith.mulf %gather3A_879, %get3A_837 : vector<16xf32>
        %add3A_885 = arith.addf %add3A_775, %mul3A_884 : vector<16xf32>
        %mul3A_886 = arith.mulf %gather3A_879, %get3A_841 : vector<16xf32>
        %add3A_887 = arith.addf %add3A_777, %mul3A_886 : vector<16xf32>
        %reshape3A_888 = vector.shape_cast %broadcast_in_dim3A_843 : vector<16xi32> to vector<16x1xi32>
        %gather3A_889 = vector.shape_cast %reshape3A_888 : vector<16x1xi32> to vector<16xi32>
        %gather3A_890 = tpu.dynamic_gather %get3A_582[%gather3A_889] in [0] : vector<16xf32>, vector<16xi32> -> vector<16xf32>
        %mul3A_891 = arith.mulf %gather3A_890, %get3A_829 : vector<16xf32>
        %add3A_892 = arith.addf %add3A_782, %mul3A_891 : vector<16xf32>
        %mul3A_893 = arith.mulf %gather3A_890, %get3A_833 : vector<16xf32>
        %add3A_894 = arith.addf %add3A_784, %mul3A_893 : vector<16xf32>
        %mul3A_895 = arith.mulf %gather3A_890, %get3A_837 : vector<16xf32>
        %add3A_896 = arith.addf %add3A_786, %mul3A_895 : vector<16xf32>
        %mul3A_897 = arith.mulf %gather3A_890, %get3A_841 : vector<16xf32>
        %add3A_898 = arith.addf %add3A_788, %mul3A_897 : vector<16xf32>
        %reshape3A_899 = vector.shape_cast %broadcast_in_dim3A_843 : vector<16xi32> to vector<16x1xi32>
        %gather3A_900 = vector.shape_cast %reshape3A_899 : vector<16x1xi32> to vector<16xi32>
        %gather3A_901 = tpu.dynamic_gather %get3A_589[%gather3A_900] in [0] : vector<16xf32>, vector<16xi32> -> vector<16xf32>
        %mul3A_902 = arith.mulf %gather3A_901, %get3A_829 : vector<16xf32>
        %add3A_903 = arith.addf %add3A_793, %mul3A_902 : vector<16xf32>
        %mul3A_904 = arith.mulf %gather3A_901, %get3A_833 : vector<16xf32>
        %add3A_905 = arith.addf %add3A_795, %mul3A_904 : vector<16xf32>
        %mul3A_906 = arith.mulf %gather3A_901, %get3A_837 : vector<16xf32>
        %add3A_907 = arith.addf %add3A_797, %mul3A_906 : vector<16xf32>
        %mul3A_908 = arith.mulf %gather3A_901, %get3A_841 : vector<16xf32>
        %add3A_909 = arith.addf %add3A_799, %mul3A_908 : vector<16xf32>
        %reshape3A_910 = vector.shape_cast %broadcast_in_dim3A_843 : vector<16xi32> to vector<16x1xi32>
        %gather3A_911 = vector.shape_cast %reshape3A_910 : vector<16x1xi32> to vector<16xi32>
        %gather3A_912 = tpu.dynamic_gather %get3A_596[%gather3A_911] in [0] : vector<16xf32>, vector<16xi32> -> vector<16xf32>
        %mul3A_913 = arith.mulf %gather3A_912, %get3A_829 : vector<16xf32>
        %add3A_914 = arith.addf %add3A_804, %mul3A_913 : vector<16xf32>
        %mul3A_915 = arith.mulf %gather3A_912, %get3A_833 : vector<16xf32>
        %add3A_916 = arith.addf %add3A_806, %mul3A_915 : vector<16xf32>
        %mul3A_917 = arith.mulf %gather3A_912, %get3A_837 : vector<16xf32>
        %add3A_918 = arith.addf %add3A_808, %mul3A_917 : vector<16xf32>
        %mul3A_919 = arith.mulf %gather3A_912, %get3A_841 : vector<16xf32>
        %add3A_920 = arith.addf %add3A_810, %mul3A_919 : vector<16xf32>
        %reshape3A_921 = vector.shape_cast %broadcast_in_dim3A_843 : vector<16xi32> to vector<16x1xi32>
        %gather3A_922 = vector.shape_cast %reshape3A_921 : vector<16x1xi32> to vector<16xi32>
        %gather3A_923 = tpu.dynamic_gather %get3A_603[%gather3A_922] in [0] : vector<16xf32>, vector<16xi32> -> vector<16xf32>
        %mul3A_924 = arith.mulf %gather3A_923, %get3A_829 : vector<16xf32>
        %add3A_925 = arith.addf %add3A_815, %mul3A_924 : vector<16xf32>
        %mul3A_926 = arith.mulf %gather3A_923, %get3A_833 : vector<16xf32>
        %add3A_927 = arith.addf %add3A_817, %mul3A_926 : vector<16xf32>
        %mul3A_928 = arith.mulf %gather3A_923, %get3A_837 : vector<16xf32>
        %add3A_929 = arith.addf %add3A_819, %mul3A_928 : vector<16xf32>
        %mul3A_930 = arith.mulf %gather3A_923, %get3A_841 : vector<16xf32>
        %add3A_931 = arith.addf %add3A_821, %mul3A_930 : vector<16xf32>
        %mul3A_932 = arith.constant 8 : i32
        %mul3A_933 = arith.muli %scan3A_514, %mul3A_932 : i32
        %add3A_934 = arith.constant 1 : i32
        %add3A_935 = arith.addi %mul3A_933, %add3A_934 : i32
        %get3A_936 = arith.index_cast %add3A_935 : i32 to index
        %get3A_937 = arith.constant 64 : index
        %get3A_938 = tpu.vector_load %arg5[%get3A_936, %get3A_937] {strides = array<i32>} : memref<512x128xf32, #tpu.memory_space<vmem>>, vector<1x16xf32>,
        %get3A_939 = vector.shape_cast %get3A_938 : vector<1x16xf32> to vector<16xf32>
        %get3A_940 = arith.index_cast %add3A_935 : i32 to index
        %get3A_941 = arith.constant 80 : index
        %get3A_942 = tpu.vector_load %arg5[%get3A_940, %get3A_941] {strides = array<i32>} : memref<512x128xf32, #tpu.memory_space<vmem>>, vector<1x16xf32>,
        %get3A_943 = vector.shape_cast %get3A_942 : vector<1x16xf32> to vector<16xf32>
        %get3A_944 = arith.index_cast %add3A_935 : i32 to index
        %get3A_945 = arith.constant 96 : index
        %get3A_946 = tpu.vector_load %arg5[%get3A_944, %get3A_945] {strides = array<i32>} : memref<512x128xf32, #tpu.memory_space<vmem>>, vector<1x16xf32>,
        %get3A_947 = vector.shape_cast %get3A_946 : vector<1x16xf32> to vector<16xf32>
        %get3A_948 = arith.index_cast %add3A_935 : i32 to index
        %get3A_949 = arith.constant 112 : index
        %get3A_950 = tpu.vector_load %arg5[%get3A_948, %get3A_949] {strides = array<i32>} : memref<512x128xf32, #tpu.memory_space<vmem>>, vector<1x16xf32>,
        %get3A_951 = vector.shape_cast %get3A_950 : vector<1x16xf32> to vector<16xf32>
        %broadcast_in_dim3A_952 = arith.constant 3 : i32
        %broadcast_in_dim3A_953 = vector.broadcast %broadcast_in_dim3A_952 : i32 to vector<16xi32>
        %reshape3A_954 = vector.shape_cast %broadcast_in_dim3A_953 : vector<16xi32> to vector<16x1xi32>
        %gather3A_955 = vector.shape_cast %reshape3A_954 : vector<16x1xi32> to vector<16xi32>
        %gather3A_956 = tpu.dynamic_gather %get3A_554[%gather3A_955] in [0] : vector<16xf32>, vector<16xi32> -> vector<16xf32>
        %mul3A_957 = arith.mulf %gather3A_956, %get3A_939 : vector<16xf32>
        %add3A_958 = arith.addf %add3A_848, %mul3A_957 : vector<16xf32>
        %mul3A_959 = arith.mulf %gather3A_956, %get3A_943 : vector<16xf32>
        %add3A_960 = arith.addf %add3A_850, %mul3A_959 : vector<16xf32>
        %mul3A_961 = arith.mulf %gather3A_956, %get3A_947 : vector<16xf32>
        %add3A_962 = arith.addf %add3A_852, %mul3A_961 : vector<16xf32>
        %mul3A_963 = arith.mulf %gather3A_956, %get3A_951 : vector<16xf32>
        %add3A_964 = arith.addf %add3A_854, %mul3A_963 : vector<16xf32>
        %reshape3A_965 = vector.shape_cast %broadcast_in_dim3A_953 : vector<16xi32> to vector<16x1xi32>
        %gather3A_966 = vector.shape_cast %reshape3A_965 : vector<16x1xi32> to vector<16xi32>
        %gather3A_967 = tpu.dynamic_gather %get3A_561[%gather3A_966] in [0] : vector<16xf32>, vector<16xi32> -> vector<16xf32>
        %mul3A_968 = arith.mulf %gather3A_967, %get3A_939 : vector<16xf32>
        %add3A_969 = arith.addf %add3A_859, %mul3A_968 : vector<16xf32>
        %mul3A_970 = arith.mulf %gather3A_967, %get3A_943 : vector<16xf32>
        %add3A_971 = arith.addf %add3A_861, %mul3A_970 : vector<16xf32>
        %mul3A_972 = arith.mulf %gather3A_967, %get3A_947 : vector<16xf32>
        %add3A_973 = arith.addf %add3A_863, %mul3A_972 : vector<16xf32>
        %mul3A_974 = arith.mulf %gather3A_967, %get3A_951 : vector<16xf32>
        %add3A_975 = arith.addf %add3A_865, %mul3A_974 : vector<16xf32>
        %reshape3A_976 = vector.shape_cast %broadcast_in_dim3A_953 : vector<16xi32> to vector<16x1xi32>
        %gather3A_977 = vector.shape_cast %reshape3A_976 : vector<16x1xi32> to vector<16xi32>
        %gather3A_978 = tpu.dynamic_gather %get3A_568[%gather3A_977] in [0] : vector<16xf32>, vector<16xi32> -> vector<16xf32>
        %mul3A_979 = arith.mulf %gather3A_978, %get3A_939 : vector<16xf32>
        %add3A_980 = arith.addf %add3A_870, %mul3A_979 : vector<16xf32>
        %mul3A_981 = arith.mulf %gather3A_978, %get3A_943 : vector<16xf32>
        %add3A_982 = arith.addf %add3A_872, %mul3A_981 : vector<16xf32>
        %mul3A_983 = arith.mulf %gather3A_978, %get3A_947 : vector<16xf32>
        %add3A_984 = arith.addf %add3A_874, %mul3A_983 : vector<16xf32>
        %mul3A_985 = arith.mulf %gather3A_978, %get3A_951 : vector<16xf32>
        %add3A_986 = arith.addf %add3A_876, %mul3A_985 : vector<16xf32>
        %reshape3A_987 = vector.shape_cast %broadcast_in_dim3A_953 : vector<16xi32> to vector<16x1xi32>
        %gather3A_988 = vector.shape_cast %reshape3A_987 : vector<16x1xi32> to vector<16xi32>
        %gather3A_989 = tpu.dynamic_gather %get3A_575[%gather3A_988] in [0] : vector<16xf32>, vector<16xi32> -> vector<16xf32>
        %mul3A_990 = arith.mulf %gather3A_989, %get3A_939 : vector<16xf32>
        %add3A_991 = arith.addf %add3A_881, %mul3A_990 : vector<16xf32>
        %mul3A_992 = arith.mulf %gather3A_989, %get3A_943 : vector<16xf32>
        %add3A_993 = arith.addf %add3A_883, %mul3A_992 : vector<16xf32>
        %mul3A_994 = arith.mulf %gather3A_989, %get3A_947 : vector<16xf32>
        %add3A_995 = arith.addf %add3A_885, %mul3A_994 : vector<16xf32>
        %mul3A_996 = arith.mulf %gather3A_989, %get3A_951 : vector<16xf32>
        %add3A_997 = arith.addf %add3A_887, %mul3A_996 : vector<16xf32>
        %reshape3A_998 = vector.shape_cast %broadcast_in_dim3A_953 : vector<16xi32> to vector<16x1xi32>
        %gather3A_999 = vector.shape_cast %reshape3A_998 : vector<16x1xi32> to vector<16xi32>
        %gather3A_1000 = tpu.dynamic_gather %get3A_582[%gather3A_999] in [0] : vector<16xf32>, vector<16xi32> -> vector<16xf32>
        %mul3A_1001 = arith.mulf %gather3A_1000, %get3A_939 : vector<16xf32>
        %add3A_1002 = arith.addf %add3A_892, %mul3A_1001 : vector<16xf32>
        %mul3A_1003 = arith.mulf %gather3A_1000, %get3A_943 : vector<16xf32>
        %add3A_1004 = arith.addf %add3A_894, %mul3A_1003 : vector<16xf32>
        %mul3A_1005 = arith.mulf %gather3A_1000, %get3A_947 : vector<16xf32>
        %add3A_1006 = arith.addf %add3A_896, %mul3A_1005 : vector<16xf32>
        %mul3A_1007 = arith.mulf %gather3A_1000, %get3A_951 : vector<16xf32>
        %add3A_1008 = arith.addf %add3A_898, %mul3A_1007 : vector<16xf32>
        %reshape3A_1009 = vector.shape_cast %broadcast_in_dim3A_953 : vector<16xi32> to vector<16x1xi32>
        %gather3A_1010 = vector.shape_cast %reshape3A_1009 : vector<16x1xi32> to vector<16xi32>
        %gather3A_1011 = tpu.dynamic_gather %get3A_589[%gather3A_1010] in [0] : vector<16xf32>, vector<16xi32> -> vector<16xf32>
        %mul3A_1012 = arith.mulf %gather3A_1011, %get3A_939 : vector<16xf32>
        %add3A_1013 = arith.addf %add3A_903, %mul3A_1012 : vector<16xf32>
        %mul3A_1014 = arith.mulf %gather3A_1011, %get3A_943 : vector<16xf32>
        %add3A_1015 = arith.addf %add3A_905, %mul3A_1014 : vector<16xf32>
        %mul3A_1016 = arith.mulf %gather3A_1011, %get3A_947 : vector<16xf32>
        %add3A_1017 = arith.addf %add3A_907, %mul3A_1016 : vector<16xf32>
        %mul3A_1018 = arith.mulf %gather3A_1011, %get3A_951 : vector<16xf32>
        %add3A_1019 = arith.addf %add3A_909, %mul3A_1018 : vector<16xf32>
        %reshape3A_1020 = vector.shape_cast %broadcast_in_dim3A_953 : vector<16xi32> to vector<16x1xi32>
        %gather3A_1021 = vector.shape_cast %reshape3A_1020 : vector<16x1xi32> to vector<16xi32>
        %gather3A_1022 = tpu.dynamic_gather %get3A_596[%gather3A_1021] in [0] : vector<16xf32>, vector<16xi32> -> vector<16xf32>
        %mul3A_1023 = arith.mulf %gather3A_1022, %get3A_939 : vector<16xf32>
        %add3A_1024 = arith.addf %add3A_914, %mul3A_1023 : vector<16xf32>
        %mul3A_1025 = arith.mulf %gather3A_1022, %get3A_943 : vector<16xf32>
        %add3A_1026 = arith.addf %add3A_916, %mul3A_1025 : vector<16xf32>
        %mul3A_1027 = arith.mulf %gather3A_1022, %get3A_947 : vector<16xf32>
        %add3A_1028 = arith.addf %add3A_918, %mul3A_1027 : vector<16xf32>
        %mul3A_1029 = arith.mulf %gather3A_1022, %get3A_951 : vector<16xf32>
        %add3A_1030 = arith.addf %add3A_920, %mul3A_1029 : vector<16xf32>
        %reshape3A_1031 = vector.shape_cast %broadcast_in_dim3A_953 : vector<16xi32> to vector<16x1xi32>
        %gather3A_1032 = vector.shape_cast %reshape3A_1031 : vector<16x1xi32> to vector<16xi32>
        %gather3A_1033 = tpu.dynamic_gather %get3A_603[%gather3A_1032] in [0] : vector<16xf32>, vector<16xi32> -> vector<16xf32>
        %mul3A_1034 = arith.mulf %gather3A_1033, %get3A_939 : vector<16xf32>
        %add3A_1035 = arith.addf %add3A_925, %mul3A_1034 : vector<16xf32>
        %mul3A_1036 = arith.mulf %gather3A_1033, %get3A_943 : vector<16xf32>
        %add3A_1037 = arith.addf %add3A_927, %mul3A_1036 : vector<16xf32>
        %mul3A_1038 = arith.mulf %gather3A_1033, %get3A_947 : vector<16xf32>
        %add3A_1039 = arith.addf %add3A_929, %mul3A_1038 : vector<16xf32>
        %mul3A_1040 = arith.mulf %gather3A_1033, %get3A_951 : vector<16xf32>
        %add3A_1041 = arith.addf %add3A_931, %mul3A_1040 : vector<16xf32>
        %mul3A_1042 = arith.constant 8 : i32
        %mul3A_1043 = arith.muli %scan3A_514, %mul3A_1042 : i32
        %add3A_1044 = arith.constant 2 : i32
        %add3A_1045 = arith.addi %mul3A_1043, %add3A_1044 : i32
        %get3A_1046 = arith.index_cast %add3A_1045 : i32 to index
        %get3A_1047 = arith.constant 0 : index
        %get3A_1048 = tpu.vector_load %arg5[%get3A_1046, %get3A_1047] {strides = array<i32>} : memref<512x128xf32, #tpu.memory_space<vmem>>, vector<1x16xf32>,
        %get3A_1049 = vector.shape_cast %get3A_1048 : vector<1x16xf32> to vector<16xf32>
        %get3A_1050 = arith.index_cast %add3A_1045 : i32 to index
        %get3A_1051 = arith.constant 16 : index
        %get3A_1052 = tpu.vector_load %arg5[%get3A_1050, %get3A_1051] {strides = array<i32>} : memref<512x128xf32, #tpu.memory_space<vmem>>, vector<1x16xf32>,
        %get3A_1053 = vector.shape_cast %get3A_1052 : vector<1x16xf32> to vector<16xf32>
        %get3A_1054 = arith.index_cast %add3A_1045 : i32 to index
        %get3A_1055 = arith.constant 32 : index
        %get3A_1056 = tpu.vector_load %arg5[%get3A_1054, %get3A_1055] {strides = array<i32>} : memref<512x128xf32, #tpu.memory_space<vmem>>, vector<1x16xf32>,
        %get3A_1057 = vector.shape_cast %get3A_1056 : vector<1x16xf32> to vector<16xf32>
        %get3A_1058 = arith.index_cast %add3A_1045 : i32 to index
        %get3A_1059 = arith.constant 48 : index
        %get3A_1060 = tpu.vector_load %arg5[%get3A_1058, %get3A_1059] {strides = array<i32>} : memref<512x128xf32, #tpu.memory_space<vmem>>, vector<1x16xf32>,
        %get3A_1061 = vector.shape_cast %get3A_1060 : vector<1x16xf32> to vector<16xf32>
        %broadcast_in_dim3A_1062 = arith.constant 4 : i32
        %broadcast_in_dim3A_1063 = vector.broadcast %broadcast_in_dim3A_1062 : i32 to vector<16xi32>
        %reshape3A_1064 = vector.shape_cast %broadcast_in_dim3A_1063 : vector<16xi32> to vector<16x1xi32>
        %gather3A_1065 = vector.shape_cast %reshape3A_1064 : vector<16x1xi32> to vector<16xi32>
        %gather3A_1066 = tpu.dynamic_gather %get3A_554[%gather3A_1065] in [0] : vector<16xf32>, vector<16xi32> -> vector<16xf32>
        %mul3A_1067 = arith.mulf %gather3A_1066, %get3A_1049 : vector<16xf32>
        %add3A_1068 = arith.addf %add3A_958, %mul3A_1067 : vector<16xf32>
        %mul3A_1069 = arith.mulf %gather3A_1066, %get3A_1053 : vector<16xf32>
        %add3A_1070 = arith.addf %add3A_960, %mul3A_1069 : vector<16xf32>
        %mul3A_1071 = arith.mulf %gather3A_1066, %get3A_1057 : vector<16xf32>
        %add3A_1072 = arith.addf %add3A_962, %mul3A_1071 : vector<16xf32>
        %mul3A_1073 = arith.mulf %gather3A_1066, %get3A_1061 : vector<16xf32>
        %add3A_1074 = arith.addf %add3A_964, %mul3A_1073 : vector<16xf32>
        %reshape3A_1075 = vector.shape_cast %broadcast_in_dim3A_1063 : vector<16xi32> to vector<16x1xi32>
        %gather3A_1076 = vector.shape_cast %reshape3A_1075 : vector<16x1xi32> to vector<16xi32>
        %gather3A_1077 = tpu.dynamic_gather %get3A_561[%gather3A_1076] in [0] : vector<16xf32>, vector<16xi32> -> vector<16xf32>
        %mul3A_1078 = arith.mulf %gather3A_1077, %get3A_1049 : vector<16xf32>
        %add3A_1079 = arith.addf %add3A_969, %mul3A_1078 : vector<16xf32>
        %mul3A_1080 = arith.mulf %gather3A_1077, %get3A_1053 : vector<16xf32>
        %add3A_1081 = arith.addf %add3A_971, %mul3A_1080 : vector<16xf32>
        %mul3A_1082 = arith.mulf %gather3A_1077, %get3A_1057 : vector<16xf32>
        %add3A_1083 = arith.addf %add3A_973, %mul3A_1082 : vector<16xf32>
        %mul3A_1084 = arith.mulf %gather3A_1077, %get3A_1061 : vector<16xf32>
        %add3A_1085 = arith.addf %add3A_975, %mul3A_1084 : vector<16xf32>
        %reshape3A_1086 = vector.shape_cast %broadcast_in_dim3A_1063 : vector<16xi32> to vector<16x1xi32>
        %gather3A_1087 = vector.shape_cast %reshape3A_1086 : vector<16x1xi32> to vector<16xi32>
        %gather3A_1088 = tpu.dynamic_gather %get3A_568[%gather3A_1087] in [0] : vector<16xf32>, vector<16xi32> -> vector<16xf32>
        %mul3A_1089 = arith.mulf %gather3A_1088, %get3A_1049 : vector<16xf32>
        %add3A_1090 = arith.addf %add3A_980, %mul3A_1089 : vector<16xf32>
        %mul3A_1091 = arith.mulf %gather3A_1088, %get3A_1053 : vector<16xf32>
        %add3A_1092 = arith.addf %add3A_982, %mul3A_1091 : vector<16xf32>
        %mul3A_1093 = arith.mulf %gather3A_1088, %get3A_1057 : vector<16xf32>
        %add3A_1094 = arith.addf %add3A_984, %mul3A_1093 : vector<16xf32>
        %mul3A_1095 = arith.mulf %gather3A_1088, %get3A_1061 : vector<16xf32>
        %add3A_1096 = arith.addf %add3A_986, %mul3A_1095 : vector<16xf32>
        %reshape3A_1097 = vector.shape_cast %broadcast_in_dim3A_1063 : vector<16xi32> to vector<16x1xi32>
        %gather3A_1098 = vector.shape_cast %reshape3A_1097 : vector<16x1xi32> to vector<16xi32>
        %gather3A_1099 = tpu.dynamic_gather %get3A_575[%gather3A_1098] in [0] : vector<16xf32>, vector<16xi32> -> vector<16xf32>
        %mul3A_1100 = arith.mulf %gather3A_1099, %get3A_1049 : vector<16xf32>
        %add3A_1101 = arith.addf %add3A_991, %mul3A_1100 : vector<16xf32>
        %mul3A_1102 = arith.mulf %gather3A_1099, %get3A_1053 : vector<16xf32>
        %add3A_1103 = arith.addf %add3A_993, %mul3A_1102 : vector<16xf32>
        %mul3A_1104 = arith.mulf %gather3A_1099, %get3A_1057 : vector<16xf32>
        %add3A_1105 = arith.addf %add3A_995, %mul3A_1104 : vector<16xf32>
        %mul3A_1106 = arith.mulf %gather3A_1099, %get3A_1061 : vector<16xf32>
        %add3A_1107 = arith.addf %add3A_997, %mul3A_1106 : vector<16xf32>
        %reshape3A_1108 = vector.shape_cast %broadcast_in_dim3A_1063 : vector<16xi32> to vector<16x1xi32>
        %gather3A_1109 = vector.shape_cast %reshape3A_1108 : vector<16x1xi32> to vector<16xi32>
        %gather3A_1110 = tpu.dynamic_gather %get3A_582[%gather3A_1109] in [0] : vector<16xf32>, vector<16xi32> -> vector<16xf32>
        %mul3A_1111 = arith.mulf %gather3A_1110, %get3A_1049 : vector<16xf32>
        %add3A_1112 = arith.addf %add3A_1002, %mul3A_1111 : vector<16xf32>
        %mul3A_1113 = arith.mulf %gather3A_1110, %get3A_1053 : vector<16xf32>
        %add3A_1114 = arith.addf %add3A_1004, %mul3A_1113 : vector<16xf32>
        %mul3A_1115 = arith.mulf %gather3A_1110, %get3A_1057 : vector<16xf32>
        %add3A_1116 = arith.addf %add3A_1006, %mul3A_1115 : vector<16xf32>
        %mul3A_1117 = arith.mulf %gather3A_1110, %get3A_1061 : vector<16xf32>
        %add3A_1118 = arith.addf %add3A_1008, %mul3A_1117 : vector<16xf32>
        %reshape3A_1119 = vector.shape_cast %broadcast_in_dim3A_1063 : vector<16xi32> to vector<16x1xi32>
        %gather3A_1120 = vector.shape_cast %reshape3A_1119 : vector<16x1xi32> to vector<16xi32>
        %gather3A_1121 = tpu.dynamic_gather %get3A_589[%gather3A_1120] in [0] : vector<16xf32>, vector<16xi32> -> vector<16xf32>
        %mul3A_1122 = arith.mulf %gather3A_1121, %get3A_1049 : vector<16xf32>
        %add3A_1123 = arith.addf %add3A_1013, %mul3A_1122 : vector<16xf32>
        %mul3A_1124 = arith.mulf %gather3A_1121, %get3A_1053 : vector<16xf32>
        %add3A_1125 = arith.addf %add3A_1015, %mul3A_1124 : vector<16xf32>
        %mul3A_1126 = arith.mulf %gather3A_1121, %get3A_1057 : vector<16xf32>
        %add3A_1127 = arith.addf %add3A_1017, %mul3A_1126 : vector<16xf32>
        %mul3A_1128 = arith.mulf %gather3A_1121, %get3A_1061 : vector<16xf32>
        %add3A_1129 = arith.addf %add3A_1019, %mul3A_1128 : vector<16xf32>
        %reshape3A_1130 = vector.shape_cast %broadcast_in_dim3A_1063 : vector<16xi32> to vector<16x1xi32>
        %gather3A_1131 = vector.shape_cast %reshape3A_1130 : vector<16x1xi32> to vector<16xi32>
        %gather3A_1132 = tpu.dynamic_gather %get3A_596[%gather3A_1131] in [0] : vector<16xf32>, vector<16xi32> -> vector<16xf32>
        %mul3A_1133 = arith.mulf %gather3A_1132, %get3A_1049 : vector<16xf32>
        %add3A_1134 = arith.addf %add3A_1024, %mul3A_1133 : vector<16xf32>
        %mul3A_1135 = arith.mulf %gather3A_1132, %get3A_1053 : vector<16xf32>
        %add3A_1136 = arith.addf %add3A_1026, %mul3A_1135 : vector<16xf32>
        %mul3A_1137 = arith.mulf %gather3A_1132, %get3A_1057 : vector<16xf32>
        %add3A_1138 = arith.addf %add3A_1028, %mul3A_1137 : vector<16xf32>
        %mul3A_1139 = arith.mulf %gather3A_1132, %get3A_1061 : vector<16xf32>
        %add3A_1140 = arith.addf %add3A_1030, %mul3A_1139 : vector<16xf32>
        %reshape3A_1141 = vector.shape_cast %broadcast_in_dim3A_1063 : vector<16xi32> to vector<16x1xi32>
        %gather3A_1142 = vector.shape_cast %reshape3A_1141 : vector<16x1xi32> to vector<16xi32>
        %gather3A_1143 = tpu.dynamic_gather %get3A_603[%gather3A_1142] in [0] : vector<16xf32>, vector<16xi32> -> vector<16xf32>
        %mul3A_1144 = arith.mulf %gather3A_1143, %get3A_1049 : vector<16xf32>
        %add3A_1145 = arith.addf %add3A_1035, %mul3A_1144 : vector<16xf32>
        %mul3A_1146 = arith.mulf %gather3A_1143, %get3A_1053 : vector<16xf32>
        %add3A_1147 = arith.addf %add3A_1037, %mul3A_1146 : vector<16xf32>
        %mul3A_1148 = arith.mulf %gather3A_1143, %get3A_1057 : vector<16xf32>
        %add3A_1149 = arith.addf %add3A_1039, %mul3A_1148 : vector<16xf32>
        %mul3A_1150 = arith.mulf %gather3A_1143, %get3A_1061 : vector<16xf32>
        %add3A_1151 = arith.addf %add3A_1041, %mul3A_1150 : vector<16xf32>
        %mul3A_1152 = arith.constant 8 : i32
        %mul3A_1153 = arith.muli %scan3A_514, %mul3A_1152 : i32
        %add3A_1154 = arith.constant 2 : i32
        %add3A_1155 = arith.addi %mul3A_1153, %add3A_1154 : i32
        %get3A_1156 = arith.index_cast %add3A_1155 : i32 to index
        %get3A_1157 = arith.constant 64 : index
        %get3A_1158 = tpu.vector_load %arg5[%get3A_1156, %get3A_1157] {strides = array<i32>} : memref<512x128xf32, #tpu.memory_space<vmem>>, vector<1x16xf32>,
        %get3A_1159 = vector.shape_cast %get3A_1158 : vector<1x16xf32> to vector<16xf32>
        %get3A_1160 = arith.index_cast %add3A_1155 : i32 to index
        %get3A_1161 = arith.constant 80 : index
        %get3A_1162 = tpu.vector_load %arg5[%get3A_1160, %get3A_1161] {strides = array<i32>} : memref<512x128xf32, #tpu.memory_space<vmem>>, vector<1x16xf32>,
        %get3A_1163 = vector.shape_cast %get3A_1162 : vector<1x16xf32> to vector<16xf32>
        %get3A_1164 = arith.index_cast %add3A_1155 : i32 to index
        %get3A_1165 = arith.constant 96 : index
        %get3A_1166 = tpu.vector_load %arg5[%get3A_1164, %get3A_1165] {strides = array<i32>} : memref<512x128xf32, #tpu.memory_space<vmem>>, vector<1x16xf32>,
        %get3A_1167 = vector.shape_cast %get3A_1166 : vector<1x16xf32> to vector<16xf32>
        %get3A_1168 = arith.index_cast %add3A_1155 : i32 to index
        %get3A_1169 = arith.constant 112 : index
        %get3A_1170 = tpu.vector_load %arg5[%get3A_1168, %get3A_1169] {strides = array<i32>} : memref<512x128xf32, #tpu.memory_space<vmem>>, vector<1x16xf32>,
        %get3A_1171 = vector.shape_cast %get3A_1170 : vector<1x16xf32> to vector<16xf32>
        %broadcast_in_dim3A_1172 = arith.constant 5 : i32
        %broadcast_in_dim3A_1173 = vector.broadcast %broadcast_in_dim3A_1172 : i32 to vector<16xi32>
        %reshape3A_1174 = vector.shape_cast %broadcast_in_dim3A_1173 : vector<16xi32> to vector<16x1xi32>
        %gather3A_1175 = vector.shape_cast %reshape3A_1174 : vector<16x1xi32> to vector<16xi32>
        %gather3A_1176 = tpu.dynamic_gather %get3A_554[%gather3A_1175] in [0] : vector<16xf32>, vector<16xi32> -> vector<16xf32>
        %mul3A_1177 = arith.mulf %gather3A_1176, %get3A_1159 : vector<16xf32>
        %add3A_1178 = arith.addf %add3A_1068, %mul3A_1177 : vector<16xf32>
        %mul3A_1179 = arith.mulf %gather3A_1176, %get3A_1163 : vector<16xf32>
        %add3A_1180 = arith.addf %add3A_1070, %mul3A_1179 : vector<16xf32>
        %mul3A_1181 = arith.mulf %gather3A_1176, %get3A_1167 : vector<16xf32>
        %add3A_1182 = arith.addf %add3A_1072, %mul3A_1181 : vector<16xf32>
        %mul3A_1183 = arith.mulf %gather3A_1176, %get3A_1171 : vector<16xf32>
        %add3A_1184 = arith.addf %add3A_1074, %mul3A_1183 : vector<16xf32>
        %reshape3A_1185 = vector.shape_cast %broadcast_in_dim3A_1173 : vector<16xi32> to vector<16x1xi32>
        %gather3A_1186 = vector.shape_cast %reshape3A_1185 : vector<16x1xi32> to vector<16xi32>
        %gather3A_1187 = tpu.dynamic_gather %get3A_561[%gather3A_1186] in [0] : vector<16xf32>, vector<16xi32> -> vector<16xf32>
        %mul3A_1188 = arith.mulf %gather3A_1187, %get3A_1159 : vector<16xf32>
        %add3A_1189 = arith.addf %add3A_1079, %mul3A_1188 : vector<16xf32>
        %mul3A_1190 = arith.mulf %gather3A_1187, %get3A_1163 : vector<16xf32>
        %add3A_1191 = arith.addf %add3A_1081, %mul3A_1190 : vector<16xf32>
        %mul3A_1192 = arith.mulf %gather3A_1187, %get3A_1167 : vector<16xf32>
        %add3A_1193 = arith.addf %add3A_1083, %mul3A_1192 : vector<16xf32>
        %mul3A_1194 = arith.mulf %gather3A_1187, %get3A_1171 : vector<16xf32>
        %add3A_1195 = arith.addf %add3A_1085, %mul3A_1194 : vector<16xf32>
        %reshape3A_1196 = vector.shape_cast %broadcast_in_dim3A_1173 : vector<16xi32> to vector<16x1xi32>
        %gather3A_1197 = vector.shape_cast %reshape3A_1196 : vector<16x1xi32> to vector<16xi32>
        %gather3A_1198 = tpu.dynamic_gather %get3A_568[%gather3A_1197] in [0] : vector<16xf32>, vector<16xi32> -> vector<16xf32>
        %mul3A_1199 = arith.mulf %gather3A_1198, %get3A_1159 : vector<16xf32>
        %add3A_1200 = arith.addf %add3A_1090, %mul3A_1199 : vector<16xf32>
        %mul3A_1201 = arith.mulf %gather3A_1198, %get3A_1163 : vector<16xf32>
        %add3A_1202 = arith.addf %add3A_1092, %mul3A_1201 : vector<16xf32>
        %mul3A_1203 = arith.mulf %gather3A_1198, %get3A_1167 : vector<16xf32>
        %add3A_1204 = arith.addf %add3A_1094, %mul3A_1203 : vector<16xf32>
        %mul3A_1205 = arith.mulf %gather3A_1198, %get3A_1171 : vector<16xf32>
        %add3A_1206 = arith.addf %add3A_1096, %mul3A_1205 : vector<16xf32>
        %reshape3A_1207 = vector.shape_cast %broadcast_in_dim3A_1173 : vector<16xi32> to vector<16x1xi32>
        %gather3A_1208 = vector.shape_cast %reshape3A_1207 : vector<16x1xi32> to vector<16xi32>
        %gather3A_1209 = tpu.dynamic_gather %get3A_575[%gather3A_1208] in [0] : vector<16xf32>, vector<16xi32> -> vector<16xf32>
        %mul3A_1210 = arith.mulf %gather3A_1209, %get3A_1159 : vector<16xf32>
        %add3A_1211 = arith.addf %add3A_1101, %mul3A_1210 : vector<16xf32>
        %mul3A_1212 = arith.mulf %gather3A_1209, %get3A_1163 : vector<16xf32>
        %add3A_1213 = arith.addf %add3A_1103, %mul3A_1212 : vector<16xf32>
        %mul3A_1214 = arith.mulf %gather3A_1209, %get3A_1167 : vector<16xf32>
        %add3A_1215 = arith.addf %add3A_1105, %mul3A_1214 : vector<16xf32>
        %mul3A_1216 = arith.mulf %gather3A_1209, %get3A_1171 : vector<16xf32>
        %add3A_1217 = arith.addf %add3A_1107, %mul3A_1216 : vector<16xf32>
        %reshape3A_1218 = vector.shape_cast %broadcast_in_dim3A_1173 : vector<16xi32> to vector<16x1xi32>
        %gather3A_1219 = vector.shape_cast %reshape3A_1218 : vector<16x1xi32> to vector<16xi32>
        %gather3A_1220 = tpu.dynamic_gather %get3A_582[%gather3A_1219] in [0] : vector<16xf32>, vector<16xi32> -> vector<16xf32>
        %mul3A_1221 = arith.mulf %gather3A_1220, %get3A_1159 : vector<16xf32>
        %add3A_1222 = arith.addf %add3A_1112, %mul3A_1221 : vector<16xf32>
        %mul3A_1223 = arith.mulf %gather3A_1220, %get3A_1163 : vector<16xf32>
        %add3A_1224 = arith.addf %add3A_1114, %mul3A_1223 : vector<16xf32>
        %mul3A_1225 = arith.mulf %gather3A_1220, %get3A_1167 : vector<16xf32>
        %add3A_1226 = arith.addf %add3A_1116, %mul3A_1225 : vector<16xf32>
        %mul3A_1227 = arith.mulf %gather3A_1220, %get3A_1171 : vector<16xf32>
        %add3A_1228 = arith.addf %add3A_1118, %mul3A_1227 : vector<16xf32>
        %reshape3A_1229 = vector.shape_cast %broadcast_in_dim3A_1173 : vector<16xi32> to vector<16x1xi32>
        %gather3A_1230 = vector.shape_cast %reshape3A_1229 : vector<16x1xi32> to vector<16xi32>
        %gather3A_1231 = tpu.dynamic_gather %get3A_589[%gather3A_1230] in [0] : vector<16xf32>, vector<16xi32> -> vector<16xf32>
        %mul3A_1232 = arith.mulf %gather3A_1231, %get3A_1159 : vector<16xf32>
        %add3A_1233 = arith.addf %add3A_1123, %mul3A_1232 : vector<16xf32>
        %mul3A_1234 = arith.mulf %gather3A_1231, %get3A_1163 : vector<16xf32>
        %add3A_1235 = arith.addf %add3A_1125, %mul3A_1234 : vector<16xf32>
        %mul3A_1236 = arith.mulf %gather3A_1231, %get3A_1167 : vector<16xf32>
        %add3A_1237 = arith.addf %add3A_1127, %mul3A_1236 : vector<16xf32>
        %mul3A_1238 = arith.mulf %gather3A_1231, %get3A_1171 : vector<16xf32>
        %add3A_1239 = arith.addf %add3A_1129, %mul3A_1238 : vector<16xf32>
        %reshape3A_1240 = vector.shape_cast %broadcast_in_dim3A_1173 : vector<16xi32> to vector<16x1xi32>
        %gather3A_1241 = vector.shape_cast %reshape3A_1240 : vector<16x1xi32> to vector<16xi32>
        %gather3A_1242 = tpu.dynamic_gather %get3A_596[%gather3A_1241] in [0] : vector<16xf32>, vector<16xi32> -> vector<16xf32>
        %mul3A_1243 = arith.mulf %gather3A_1242, %get3A_1159 : vector<16xf32>
        %add3A_1244 = arith.addf %add3A_1134, %mul3A_1243 : vector<16xf32>
        %mul3A_1245 = arith.mulf %gather3A_1242, %get3A_1163 : vector<16xf32>
        %add3A_1246 = arith.addf %add3A_1136, %mul3A_1245 : vector<16xf32>
        %mul3A_1247 = arith.mulf %gather3A_1242, %get3A_1167 : vector<16xf32>
        %add3A_1248 = arith.addf %add3A_1138, %mul3A_1247 : vector<16xf32>
        %mul3A_1249 = arith.mulf %gather3A_1242, %get3A_1171 : vector<16xf32>
        %add3A_1250 = arith.addf %add3A_1140, %mul3A_1249 : vector<16xf32>
        %reshape3A_1251 = vector.shape_cast %broadcast_in_dim3A_1173 : vector<16xi32> to vector<16x1xi32>
        %gather3A_1252 = vector.shape_cast %reshape3A_1251 : vector<16x1xi32> to vector<16xi32>
        %gather3A_1253 = tpu.dynamic_gather %get3A_603[%gather3A_1252] in [0] : vector<16xf32>, vector<16xi32> -> vector<16xf32>
        %mul3A_1254 = arith.mulf %gather3A_1253, %get3A_1159 : vector<16xf32>
        %add3A_1255 = arith.addf %add3A_1145, %mul3A_1254 : vector<16xf32>
        %mul3A_1256 = arith.mulf %gather3A_1253, %get3A_1163 : vector<16xf32>
        %add3A_1257 = arith.addf %add3A_1147, %mul3A_1256 : vector<16xf32>
        %mul3A_1258 = arith.mulf %gather3A_1253, %get3A_1167 : vector<16xf32>
        %add3A_1259 = arith.addf %add3A_1149, %mul3A_1258 : vector<16xf32>
        %mul3A_1260 = arith.mulf %gather3A_1253, %get3A_1171 : vector<16xf32>
        %add3A_1261 = arith.addf %add3A_1151, %mul3A_1260 : vector<16xf32>
        %mul3A_1262 = arith.constant 8 : i32
        %mul3A_1263 = arith.muli %scan3A_514, %mul3A_1262 : i32
        %add3A_1264 = arith.constant 3 : i32
        %add3A_1265 = arith.addi %mul3A_1263, %add3A_1264 : i32
        %get3A_1266 = arith.index_cast %add3A_1265 : i32 to index
        %get3A_1267 = arith.constant 0 : index
        %get3A_1268 = tpu.vector_load %arg5[%get3A_1266, %get3A_1267] {strides = array<i32>} : memref<512x128xf32, #tpu.memory_space<vmem>>, vector<1x16xf32>,
        %get3A_1269 = vector.shape_cast %get3A_1268 : vector<1x16xf32> to vector<16xf32>
        %get3A_1270 = arith.index_cast %add3A_1265 : i32 to index
        %get3A_1271 = arith.constant 16 : index
        %get3A_1272 = tpu.vector_load %arg5[%get3A_1270, %get3A_1271] {strides = array<i32>} : memref<512x128xf32, #tpu.memory_space<vmem>>, vector<1x16xf32>,
        %get3A_1273 = vector.shape_cast %get3A_1272 : vector<1x16xf32> to vector<16xf32>
        %get3A_1274 = arith.index_cast %add3A_1265 : i32 to index
        %get3A_1275 = arith.constant 32 : index
        %get3A_1276 = tpu.vector_load %arg5[%get3A_1274, %get3A_1275] {strides = array<i32>} : memref<512x128xf32, #tpu.memory_space<vmem>>, vector<1x16xf32>,
        %get3A_1277 = vector.shape_cast %get3A_1276 : vector<1x16xf32> to vector<16xf32>
        %get3A_1278 = arith.index_cast %add3A_1265 : i32 to index
        %get3A_1279 = arith.constant 48 : index
        %get3A_1280 = tpu.vector_load %arg5[%get3A_1278, %get3A_1279] {strides = array<i32>} : memref<512x128xf32, #tpu.memory_space<vmem>>, vector<1x16xf32>,
        %get3A_1281 = vector.shape_cast %get3A_1280 : vector<1x16xf32> to vector<16xf32>
        %broadcast_in_dim3A_1282 = arith.constant 6 : i32
        %broadcast_in_dim3A_1283 = vector.broadcast %broadcast_in_dim3A_1282 : i32 to vector<16xi32>
        %reshape3A_1284 = vector.shape_cast %broadcast_in_dim3A_1283 : vector<16xi32> to vector<16x1xi32>
        %gather3A_1285 = vector.shape_cast %reshape3A_1284 : vector<16x1xi32> to vector<16xi32>
        %gather3A_1286 = tpu.dynamic_gather %get3A_554[%gather3A_1285] in [0] : vector<16xf32>, vector<16xi32> -> vector<16xf32>
        %mul3A_1287 = arith.mulf %gather3A_1286, %get3A_1269 : vector<16xf32>
        %add3A_1288 = arith.addf %add3A_1178, %mul3A_1287 : vector<16xf32>
        %mul3A_1289 = arith.mulf %gather3A_1286, %get3A_1273 : vector<16xf32>
        %add3A_1290 = arith.addf %add3A_1180, %mul3A_1289 : vector<16xf32>
        %mul3A_1291 = arith.mulf %gather3A_1286, %get3A_1277 : vector<16xf32>
        %add3A_1292 = arith.addf %add3A_1182, %mul3A_1291 : vector<16xf32>
        %mul3A_1293 = arith.mulf %gather3A_1286, %get3A_1281 : vector<16xf32>
        %add3A_1294 = arith.addf %add3A_1184, %mul3A_1293 : vector<16xf32>
        %reshape3A_1295 = vector.shape_cast %broadcast_in_dim3A_1283 : vector<16xi32> to vector<16x1xi32>
        %gather3A_1296 = vector.shape_cast %reshape3A_1295 : vector<16x1xi32> to vector<16xi32>
        %gather3A_1297 = tpu.dynamic_gather %get3A_561[%gather3A_1296] in [0] : vector<16xf32>, vector<16xi32> -> vector<16xf32>
        %mul3A_1298 = arith.mulf %gather3A_1297, %get3A_1269 : vector<16xf32>
        %add3A_1299 = arith.addf %add3A_1189, %mul3A_1298 : vector<16xf32>
        %mul3A_1300 = arith.mulf %gather3A_1297, %get3A_1273 : vector<16xf32>
        %add3A_1301 = arith.addf %add3A_1191, %mul3A_1300 : vector<16xf32>
        %mul3A_1302 = arith.mulf %gather3A_1297, %get3A_1277 : vector<16xf32>
        %add3A_1303 = arith.addf %add3A_1193, %mul3A_1302 : vector<16xf32>
        %mul3A_1304 = arith.mulf %gather3A_1297, %get3A_1281 : vector<16xf32>
        %add3A_1305 = arith.addf %add3A_1195, %mul3A_1304 : vector<16xf32>
        %reshape3A_1306 = vector.shape_cast %broadcast_in_dim3A_1283 : vector<16xi32> to vector<16x1xi32>
        %gather3A_1307 = vector.shape_cast %reshape3A_1306 : vector<16x1xi32> to vector<16xi32>
        %gather3A_1308 = tpu.dynamic_gather %get3A_568[%gather3A_1307] in [0] : vector<16xf32>, vector<16xi32> -> vector<16xf32>
        %mul3A_1309 = arith.mulf %gather3A_1308, %get3A_1269 : vector<16xf32>
        %add3A_1310 = arith.addf %add3A_1200, %mul3A_1309 : vector<16xf32>
        %mul3A_1311 = arith.mulf %gather3A_1308, %get3A_1273 : vector<16xf32>
        %add3A_1312 = arith.addf %add3A_1202, %mul3A_1311 : vector<16xf32>
        %mul3A_1313 = arith.mulf %gather3A_1308, %get3A_1277 : vector<16xf32>
        %add3A_1314 = arith.addf %add3A_1204, %mul3A_1313 : vector<16xf32>
        %mul3A_1315 = arith.mulf %gather3A_1308, %get3A_1281 : vector<16xf32>
        %add3A_1316 = arith.addf %add3A_1206, %mul3A_1315 : vector<16xf32>
        %reshape3A_1317 = vector.shape_cast %broadcast_in_dim3A_1283 : vector<16xi32> to vector<16x1xi32>
        %gather3A_1318 = vector.shape_cast %reshape3A_1317 : vector<16x1xi32> to vector<16xi32>
        %gather3A_1319 = tpu.dynamic_gather %get3A_575[%gather3A_1318] in [0] : vector<16xf32>, vector<16xi32> -> vector<16xf32>
        %mul3A_1320 = arith.mulf %gather3A_1319, %get3A_1269 : vector<16xf32>
        %add3A_1321 = arith.addf %add3A_1211, %mul3A_1320 : vector<16xf32>
        %mul3A_1322 = arith.mulf %gather3A_1319, %get3A_1273 : vector<16xf32>
        %add3A_1323 = arith.addf %add3A_1213, %mul3A_1322 : vector<16xf32>
        %mul3A_1324 = arith.mulf %gather3A_1319, %get3A_1277 : vector<16xf32>
        %add3A_1325 = arith.addf %add3A_1215, %mul3A_1324 : vector<16xf32>
        %mul3A_1326 = arith.mulf %gather3A_1319, %get3A_1281 : vector<16xf32>
        %add3A_1327 = arith.addf %add3A_1217, %mul3A_1326 : vector<16xf32>
        %reshape3A_1328 = vector.shape_cast %broadcast_in_dim3A_1283 : vector<16xi32> to vector<16x1xi32>
        %gather3A_1329 = vector.shape_cast %reshape3A_1328 : vector<16x1xi32> to vector<16xi32>
        %gather3A_1330 = tpu.dynamic_gather %get3A_582[%gather3A_1329] in [0] : vector<16xf32>, vector<16xi32> -> vector<16xf32>
        %mul3A_1331 = arith.mulf %gather3A_1330, %get3A_1269 : vector<16xf32>
        %add3A_1332 = arith.addf %add3A_1222, %mul3A_1331 : vector<16xf32>
        %mul3A_1333 = arith.mulf %gather3A_1330, %get3A_1273 : vector<16xf32>
        %add3A_1334 = arith.addf %add3A_1224, %mul3A_1333 : vector<16xf32>
        %mul3A_1335 = arith.mulf %gather3A_1330, %get3A_1277 : vector<16xf32>
        %add3A_1336 = arith.addf %add3A_1226, %mul3A_1335 : vector<16xf32>
        %mul3A_1337 = arith.mulf %gather3A_1330, %get3A_1281 : vector<16xf32>
        %add3A_1338 = arith.addf %add3A_1228, %mul3A_1337 : vector<16xf32>
        %reshape3A_1339 = vector.shape_cast %broadcast_in_dim3A_1283 : vector<16xi32> to vector<16x1xi32>
        %gather3A_1340 = vector.shape_cast %reshape3A_1339 : vector<16x1xi32> to vector<16xi32>
        %gather3A_1341 = tpu.dynamic_gather %get3A_589[%gather3A_1340] in [0] : vector<16xf32>, vector<16xi32> -> vector<16xf32>
        %mul3A_1342 = arith.mulf %gather3A_1341, %get3A_1269 : vector<16xf32>
        %add3A_1343 = arith.addf %add3A_1233, %mul3A_1342 : vector<16xf32>
        %mul3A_1344 = arith.mulf %gather3A_1341, %get3A_1273 : vector<16xf32>
        %add3A_1345 = arith.addf %add3A_1235, %mul3A_1344 : vector<16xf32>
        %mul3A_1346 = arith.mulf %gather3A_1341, %get3A_1277 : vector<16xf32>
        %add3A_1347 = arith.addf %add3A_1237, %mul3A_1346 : vector<16xf32>
        %mul3A_1348 = arith.mulf %gather3A_1341, %get3A_1281 : vector<16xf32>
        %add3A_1349 = arith.addf %add3A_1239, %mul3A_1348 : vector<16xf32>
        %reshape3A_1350 = vector.shape_cast %broadcast_in_dim3A_1283 : vector<16xi32> to vector<16x1xi32>
        %gather3A_1351 = vector.shape_cast %reshape3A_1350 : vector<16x1xi32> to vector<16xi32>
        %gather3A_1352 = tpu.dynamic_gather %get3A_596[%gather3A_1351] in [0] : vector<16xf32>, vector<16xi32> -> vector<16xf32>
        %mul3A_1353 = arith.mulf %gather3A_1352, %get3A_1269 : vector<16xf32>
        %add3A_1354 = arith.addf %add3A_1244, %mul3A_1353 : vector<16xf32>
        %mul3A_1355 = arith.mulf %gather3A_1352, %get3A_1273 : vector<16xf32>
        %add3A_1356 = arith.addf %add3A_1246, %mul3A_1355 : vector<16xf32>
        %mul3A_1357 = arith.mulf %gather3A_1352, %get3A_1277 : vector<16xf32>
        %add3A_1358 = arith.addf %add3A_1248, %mul3A_1357 : vector<16xf32>
        %mul3A_1359 = arith.mulf %gather3A_1352, %get3A_1281 : vector<16xf32>
        %add3A_1360 = arith.addf %add3A_1250, %mul3A_1359 : vector<16xf32>
        %reshape3A_1361 = vector.shape_cast %broadcast_in_dim3A_1283 : vector<16xi32> to vector<16x1xi32>
        %gather3A_1362 = vector.shape_cast %reshape3A_1361 : vector<16x1xi32> to vector<16xi32>
        %gather3A_1363 = tpu.dynamic_gather %get3A_603[%gather3A_1362] in [0] : vector<16xf32>, vector<16xi32> -> vector<16xf32>
        %mul3A_1364 = arith.mulf %gather3A_1363, %get3A_1269 : vector<16xf32>
        %add3A_1365 = arith.addf %add3A_1255, %mul3A_1364 : vector<16xf32>
        %mul3A_1366 = arith.mulf %gather3A_1363, %get3A_1273 : vector<16xf32>
        %add3A_1367 = arith.addf %add3A_1257, %mul3A_1366 : vector<16xf32>
        %mul3A_1368 = arith.mulf %gather3A_1363, %get3A_1277 : vector<16xf32>
        %add3A_1369 = arith.addf %add3A_1259, %mul3A_1368 : vector<16xf32>
        %mul3A_1370 = arith.mulf %gather3A_1363, %get3A_1281 : vector<16xf32>
        %add3A_1371 = arith.addf %add3A_1261, %mul3A_1370 : vector<16xf32>
        %mul3A_1372 = arith.constant 8 : i32
        %mul3A_1373 = arith.muli %scan3A_514, %mul3A_1372 : i32
        %add3A_1374 = arith.constant 3 : i32
        %add3A_1375 = arith.addi %mul3A_1373, %add3A_1374 : i32
        %get3A_1376 = arith.index_cast %add3A_1375 : i32 to index
        %get3A_1377 = arith.constant 64 : index
        %get3A_1378 = tpu.vector_load %arg5[%get3A_1376, %get3A_1377] {strides = array<i32>} : memref<512x128xf32, #tpu.memory_space<vmem>>, vector<1x16xf32>,
        %get3A_1379 = vector.shape_cast %get3A_1378 : vector<1x16xf32> to vector<16xf32>
        %get3A_1380 = arith.index_cast %add3A_1375 : i32 to index
        %get3A_1381 = arith.constant 80 : index
        %get3A_1382 = tpu.vector_load %arg5[%get3A_1380, %get3A_1381] {strides = array<i32>} : memref<512x128xf32, #tpu.memory_space<vmem>>, vector<1x16xf32>,
        %get3A_1383 = vector.shape_cast %get3A_1382 : vector<1x16xf32> to vector<16xf32>
        %get3A_1384 = arith.index_cast %add3A_1375 : i32 to index
        %get3A_1385 = arith.constant 96 : index
        %get3A_1386 = tpu.vector_load %arg5[%get3A_1384, %get3A_1385] {strides = array<i32>} : memref<512x128xf32, #tpu.memory_space<vmem>>, vector<1x16xf32>,
        %get3A_1387 = vector.shape_cast %get3A_1386 : vector<1x16xf32> to vector<16xf32>
        %get3A_1388 = arith.index_cast %add3A_1375 : i32 to index
        %get3A_1389 = arith.constant 112 : index
        %get3A_1390 = tpu.vector_load %arg5[%get3A_1388, %get3A_1389] {strides = array<i32>} : memref<512x128xf32, #tpu.memory_space<vmem>>, vector<1x16xf32>,
        %get3A_1391 = vector.shape_cast %get3A_1390 : vector<1x16xf32> to vector<16xf32>
        %broadcast_in_dim3A_1392 = arith.constant 7 : i32
        %broadcast_in_dim3A_1393 = vector.broadcast %broadcast_in_dim3A_1392 : i32 to vector<16xi32>
        %reshape3A_1394 = vector.shape_cast %broadcast_in_dim3A_1393 : vector<16xi32> to vector<16x1xi32>
        %gather3A_1395 = vector.shape_cast %reshape3A_1394 : vector<16x1xi32> to vector<16xi32>
        %gather3A_1396 = tpu.dynamic_gather %get3A_554[%gather3A_1395] in [0] : vector<16xf32>, vector<16xi32> -> vector<16xf32>
        %mul3A_1397 = arith.mulf %gather3A_1396, %get3A_1379 : vector<16xf32>
        %add3A_1398 = arith.addf %add3A_1288, %mul3A_1397 : vector<16xf32>
        %mul3A_1399 = arith.mulf %gather3A_1396, %get3A_1383 : vector<16xf32>
        %add3A_1400 = arith.addf %add3A_1290, %mul3A_1399 : vector<16xf32>
        %mul3A_1401 = arith.mulf %gather3A_1396, %get3A_1387 : vector<16xf32>
        %add3A_1402 = arith.addf %add3A_1292, %mul3A_1401 : vector<16xf32>
        %mul3A_1403 = arith.mulf %gather3A_1396, %get3A_1391 : vector<16xf32>
        %add3A_1404 = arith.addf %add3A_1294, %mul3A_1403 : vector<16xf32>
        %reshape3A_1405 = vector.shape_cast %broadcast_in_dim3A_1393 : vector<16xi32> to vector<16x1xi32>
        %gather3A_1406 = vector.shape_cast %reshape3A_1405 : vector<16x1xi32> to vector<16xi32>
        %gather3A_1407 = tpu.dynamic_gather %get3A_561[%gather3A_1406] in [0] : vector<16xf32>, vector<16xi32> -> vector<16xf32>
        %mul3A_1408 = arith.mulf %gather3A_1407, %get3A_1379 : vector<16xf32>
        %add3A_1409 = arith.addf %add3A_1299, %mul3A_1408 : vector<16xf32>
        %mul3A_1410 = arith.mulf %gather3A_1407, %get3A_1383 : vector<16xf32>
        %add3A_1411 = arith.addf %add3A_1301, %mul3A_1410 : vector<16xf32>
        %mul3A_1412 = arith.mulf %gather3A_1407, %get3A_1387 : vector<16xf32>
        %add3A_1413 = arith.addf %add3A_1303, %mul3A_1412 : vector<16xf32>
        %mul3A_1414 = arith.mulf %gather3A_1407, %get3A_1391 : vector<16xf32>
        %add3A_1415 = arith.addf %add3A_1305, %mul3A_1414 : vector<16xf32>
        %reshape3A_1416 = vector.shape_cast %broadcast_in_dim3A_1393 : vector<16xi32> to vector<16x1xi32>
        %gather3A_1417 = vector.shape_cast %reshape3A_1416 : vector<16x1xi32> to vector<16xi32>
        %gather3A_1418 = tpu.dynamic_gather %get3A_568[%gather3A_1417] in [0] : vector<16xf32>, vector<16xi32> -> vector<16xf32>
        %mul3A_1419 = arith.mulf %gather3A_1418, %get3A_1379 : vector<16xf32>
        %add3A_1420 = arith.addf %add3A_1310, %mul3A_1419 : vector<16xf32>
        %mul3A_1421 = arith.mulf %gather3A_1418, %get3A_1383 : vector<16xf32>
        %add3A_1422 = arith.addf %add3A_1312, %mul3A_1421 : vector<16xf32>
        %mul3A_1423 = arith.mulf %gather3A_1418, %get3A_1387 : vector<16xf32>
        %add3A_1424 = arith.addf %add3A_1314, %mul3A_1423 : vector<16xf32>
        %mul3A_1425 = arith.mulf %gather3A_1418, %get3A_1391 : vector<16xf32>
        %add3A_1426 = arith.addf %add3A_1316, %mul3A_1425 : vector<16xf32>
        %reshape3A_1427 = vector.shape_cast %broadcast_in_dim3A_1393 : vector<16xi32> to vector<16x1xi32>
        %gather3A_1428 = vector.shape_cast %reshape3A_1427 : vector<16x1xi32> to vector<16xi32>
        %gather3A_1429 = tpu.dynamic_gather %get3A_575[%gather3A_1428] in [0] : vector<16xf32>, vector<16xi32> -> vector<16xf32>
        %mul3A_1430 = arith.mulf %gather3A_1429, %get3A_1379 : vector<16xf32>
        %add3A_1431 = arith.addf %add3A_1321, %mul3A_1430 : vector<16xf32>
        %mul3A_1432 = arith.mulf %gather3A_1429, %get3A_1383 : vector<16xf32>
        %add3A_1433 = arith.addf %add3A_1323, %mul3A_1432 : vector<16xf32>
        %mul3A_1434 = arith.mulf %gather3A_1429, %get3A_1387 : vector<16xf32>
        %add3A_1435 = arith.addf %add3A_1325, %mul3A_1434 : vector<16xf32>
        %mul3A_1436 = arith.mulf %gather3A_1429, %get3A_1391 : vector<16xf32>
        %add3A_1437 = arith.addf %add3A_1327, %mul3A_1436 : vector<16xf32>
        %reshape3A_1438 = vector.shape_cast %broadcast_in_dim3A_1393 : vector<16xi32> to vector<16x1xi32>
        %gather3A_1439 = vector.shape_cast %reshape3A_1438 : vector<16x1xi32> to vector<16xi32>
        %gather3A_1440 = tpu.dynamic_gather %get3A_582[%gather3A_1439] in [0] : vector<16xf32>, vector<16xi32> -> vector<16xf32>
        %mul3A_1441 = arith.mulf %gather3A_1440, %get3A_1379 : vector<16xf32>
        %add3A_1442 = arith.addf %add3A_1332, %mul3A_1441 : vector<16xf32>
        %mul3A_1443 = arith.mulf %gather3A_1440, %get3A_1383 : vector<16xf32>
        %add3A_1444 = arith.addf %add3A_1334, %mul3A_1443 : vector<16xf32>
        %mul3A_1445 = arith.mulf %gather3A_1440, %get3A_1387 : vector<16xf32>
        %add3A_1446 = arith.addf %add3A_1336, %mul3A_1445 : vector<16xf32>
        %mul3A_1447 = arith.mulf %gather3A_1440, %get3A_1391 : vector<16xf32>
        %add3A_1448 = arith.addf %add3A_1338, %mul3A_1447 : vector<16xf32>
        %reshape3A_1449 = vector.shape_cast %broadcast_in_dim3A_1393 : vector<16xi32> to vector<16x1xi32>
        %gather3A_1450 = vector.shape_cast %reshape3A_1449 : vector<16x1xi32> to vector<16xi32>
        %gather3A_1451 = tpu.dynamic_gather %get3A_589[%gather3A_1450] in [0] : vector<16xf32>, vector<16xi32> -> vector<16xf32>
        %mul3A_1452 = arith.mulf %gather3A_1451, %get3A_1379 : vector<16xf32>
        %add3A_1453 = arith.addf %add3A_1343, %mul3A_1452 : vector<16xf32>
        %mul3A_1454 = arith.mulf %gather3A_1451, %get3A_1383 : vector<16xf32>
        %add3A_1455 = arith.addf %add3A_1345, %mul3A_1454 : vector<16xf32>
        %mul3A_1456 = arith.mulf %gather3A_1451, %get3A_1387 : vector<16xf32>
        %add3A_1457 = arith.addf %add3A_1347, %mul3A_1456 : vector<16xf32>
        %mul3A_1458 = arith.mulf %gather3A_1451, %get3A_1391 : vector<16xf32>
        %add3A_1459 = arith.addf %add3A_1349, %mul3A_1458 : vector<16xf32>
        %reshape3A_1460 = vector.shape_cast %broadcast_in_dim3A_1393 : vector<16xi32> to vector<16x1xi32>
        %gather3A_1461 = vector.shape_cast %reshape3A_1460 : vector<16x1xi32> to vector<16xi32>
        %gather3A_1462 = tpu.dynamic_gather %get3A_596[%gather3A_1461] in [0] : vector<16xf32>, vector<16xi32> -> vector<16xf32>
        %mul3A_1463 = arith.mulf %gather3A_1462, %get3A_1379 : vector<16xf32>
        %add3A_1464 = arith.addf %add3A_1354, %mul3A_1463 : vector<16xf32>
        %mul3A_1465 = arith.mulf %gather3A_1462, %get3A_1383 : vector<16xf32>
        %add3A_1466 = arith.addf %add3A_1356, %mul3A_1465 : vector<16xf32>
        %mul3A_1467 = arith.mulf %gather3A_1462, %get3A_1387 : vector<16xf32>
        %add3A_1468 = arith.addf %add3A_1358, %mul3A_1467 : vector<16xf32>
        %mul3A_1469 = arith.mulf %gather3A_1462, %get3A_1391 : vector<16xf32>
        %add3A_1470 = arith.addf %add3A_1360, %mul3A_1469 : vector<16xf32>
        %reshape3A_1471 = vector.shape_cast %broadcast_in_dim3A_1393 : vector<16xi32> to vector<16x1xi32>
        %gather3A_1472 = vector.shape_cast %reshape3A_1471 : vector<16x1xi32> to vector<16xi32>
        %gather3A_1473 = tpu.dynamic_gather %get3A_603[%gather3A_1472] in [0] : vector<16xf32>, vector<16xi32> -> vector<16xf32>
        %mul3A_1474 = arith.mulf %gather3A_1473, %get3A_1379 : vector<16xf32>
        %add3A_1475 = arith.addf %add3A_1365, %mul3A_1474 : vector<16xf32>
        %mul3A_1476 = arith.mulf %gather3A_1473, %get3A_1383 : vector<16xf32>
        %add3A_1477 = arith.addf %add3A_1367, %mul3A_1476 : vector<16xf32>
        %mul3A_1478 = arith.mulf %gather3A_1473, %get3A_1387 : vector<16xf32>
        %add3A_1479 = arith.addf %add3A_1369, %mul3A_1478 : vector<16xf32>
        %mul3A_1480 = arith.mulf %gather3A_1473, %get3A_1391 : vector<16xf32>
        %add3A_1481 = arith.addf %add3A_1371, %mul3A_1480 : vector<16xf32>
        %mul3A_1482 = arith.constant 8 : i32
        %mul3A_1483 = arith.muli %scan3A_514, %mul3A_1482 : i32
        %add3A_1484 = arith.constant 4 : i32
        %add3A_1485 = arith.addi %mul3A_1483, %add3A_1484 : i32
        %get3A_1486 = arith.index_cast %add3A_1485 : i32 to index
        %get3A_1487 = arith.constant 0 : index
        %get3A_1488 = tpu.vector_load %arg5[%get3A_1486, %get3A_1487] {strides = array<i32>} : memref<512x128xf32, #tpu.memory_space<vmem>>, vector<1x16xf32>,
        %get3A_1489 = vector.shape_cast %get3A_1488 : vector<1x16xf32> to vector<16xf32>
        %get3A_1490 = arith.index_cast %add3A_1485 : i32 to index
        %get3A_1491 = arith.constant 16 : index
        %get3A_1492 = tpu.vector_load %arg5[%get3A_1490, %get3A_1491] {strides = array<i32>} : memref<512x128xf32, #tpu.memory_space<vmem>>, vector<1x16xf32>,
        %get3A_1493 = vector.shape_cast %get3A_1492 : vector<1x16xf32> to vector<16xf32>
        %get3A_1494 = arith.index_cast %add3A_1485 : i32 to index
        %get3A_1495 = arith.constant 32 : index
        %get3A_1496 = tpu.vector_load %arg5[%get3A_1494, %get3A_1495] {strides = array<i32>} : memref<512x128xf32, #tpu.memory_space<vmem>>, vector<1x16xf32>,
        %get3A_1497 = vector.shape_cast %get3A_1496 : vector<1x16xf32> to vector<16xf32>
        %get3A_1498 = arith.index_cast %add3A_1485 : i32 to index
        %get3A_1499 = arith.constant 48 : index
        %get3A_1500 = tpu.vector_load %arg5[%get3A_1498, %get3A_1499] {strides = array<i32>} : memref<512x128xf32, #tpu.memory_space<vmem>>, vector<1x16xf32>,
        %get3A_1501 = vector.shape_cast %get3A_1500 : vector<1x16xf32> to vector<16xf32>
        %broadcast_in_dim3A_1502 = arith.constant 8 : i32
        %broadcast_in_dim3A_1503 = vector.broadcast %broadcast_in_dim3A_1502 : i32 to vector<16xi32>
        %reshape3A_1504 = vector.shape_cast %broadcast_in_dim3A_1503 : vector<16xi32> to vector<16x1xi32>
        %gather3A_1505 = vector.shape_cast %reshape3A_1504 : vector<16x1xi32> to vector<16xi32>
        %gather3A_1506 = tpu.dynamic_gather %get3A_554[%gather3A_1505] in [0] : vector<16xf32>, vector<16xi32> -> vector<16xf32>
        %mul3A_1507 = arith.mulf %gather3A_1506, %get3A_1489 : vector<16xf32>
        %add3A_1508 = arith.addf %add3A_1398, %mul3A_1507 : vector<16xf32>
        %mul3A_1509 = arith.mulf %gather3A_1506, %get3A_1493 : vector<16xf32>
        %add3A_1510 = arith.addf %add3A_1400, %mul3A_1509 : vector<16xf32>
        %mul3A_1511 = arith.mulf %gather3A_1506, %get3A_1497 : vector<16xf32>
        %add3A_1512 = arith.addf %add3A_1402, %mul3A_1511 : vector<16xf32>
        %mul3A_1513 = arith.mulf %gather3A_1506, %get3A_1501 : vector<16xf32>
        %add3A_1514 = arith.addf %add3A_1404, %mul3A_1513 : vector<16xf32>
        %reshape3A_1515 = vector.shape_cast %broadcast_in_dim3A_1503 : vector<16xi32> to vector<16x1xi32>
        %gather3A_1516 = vector.shape_cast %reshape3A_1515 : vector<16x1xi32> to vector<16xi32>
        %gather3A_1517 = tpu.dynamic_gather %get3A_561[%gather3A_1516] in [0] : vector<16xf32>, vector<16xi32> -> vector<16xf32>
        %mul3A_1518 = arith.mulf %gather3A_1517, %get3A_1489 : vector<16xf32>
        %add3A_1519 = arith.addf %add3A_1409, %mul3A_1518 : vector<16xf32>
        %mul3A_1520 = arith.mulf %gather3A_1517, %get3A_1493 : vector<16xf32>
        %add3A_1521 = arith.addf %add3A_1411, %mul3A_1520 : vector<16xf32>
        %mul3A_1522 = arith.mulf %gather3A_1517, %get3A_1497 : vector<16xf32>
        %add3A_1523 = arith.addf %add3A_1413, %mul3A_1522 : vector<16xf32>
        %mul3A_1524 = arith.mulf %gather3A_1517, %get3A_1501 : vector<16xf32>
        %add3A_1525 = arith.addf %add3A_1415, %mul3A_1524 : vector<16xf32>
        %reshape3A_1526 = vector.shape_cast %broadcast_in_dim3A_1503 : vector<16xi32> to vector<16x1xi32>
        %gather3A_1527 = vector.shape_cast %reshape3A_1526 : vector<16x1xi32> to vector<16xi32>
        %gather3A_1528 = tpu.dynamic_gather %get3A_568[%gather3A_1527] in [0] : vector<16xf32>, vector<16xi32> -> vector<16xf32>
        %mul3A_1529 = arith.mulf %gather3A_1528, %get3A_1489 : vector<16xf32>
        %add3A_1530 = arith.addf %add3A_1420, %mul3A_1529 : vector<16xf32>
        %mul3A_1531 = arith.mulf %gather3A_1528, %get3A_1493 : vector<16xf32>
        %add3A_1532 = arith.addf %add3A_1422, %mul3A_1531 : vector<16xf32>
        %mul3A_1533 = arith.mulf %gather3A_1528, %get3A_1497 : vector<16xf32>
        %add3A_1534 = arith.addf %add3A_1424, %mul3A_1533 : vector<16xf32>
        %mul3A_1535 = arith.mulf %gather3A_1528, %get3A_1501 : vector<16xf32>
        %add3A_1536 = arith.addf %add3A_1426, %mul3A_1535 : vector<16xf32>
        %reshape3A_1537 = vector.shape_cast %broadcast_in_dim3A_1503 : vector<16xi32> to vector<16x1xi32>
        %gather3A_1538 = vector.shape_cast %reshape3A_1537 : vector<16x1xi32> to vector<16xi32>
        %gather3A_1539 = tpu.dynamic_gather %get3A_575[%gather3A_1538] in [0] : vector<16xf32>, vector<16xi32> -> vector<16xf32>
        %mul3A_1540 = arith.mulf %gather3A_1539, %get3A_1489 : vector<16xf32>
        %add3A_1541 = arith.addf %add3A_1431, %mul3A_1540 : vector<16xf32>
        %mul3A_1542 = arith.mulf %gather3A_1539, %get3A_1493 : vector<16xf32>
        %add3A_1543 = arith.addf %add3A_1433, %mul3A_1542 : vector<16xf32>
        %mul3A_1544 = arith.mulf %gather3A_1539, %get3A_1497 : vector<16xf32>
        %add3A_1545 = arith.addf %add3A_1435, %mul3A_1544 : vector<16xf32>
        %mul3A_1546 = arith.mulf %gather3A_1539, %get3A_1501 : vector<16xf32>
        %add3A_1547 = arith.addf %add3A_1437, %mul3A_1546 : vector<16xf32>
        %reshape3A_1548 = vector.shape_cast %broadcast_in_dim3A_1503 : vector<16xi32> to vector<16x1xi32>
        %gather3A_1549 = vector.shape_cast %reshape3A_1548 : vector<16x1xi32> to vector<16xi32>
        %gather3A_1550 = tpu.dynamic_gather %get3A_582[%gather3A_1549] in [0] : vector<16xf32>, vector<16xi32> -> vector<16xf32>
        %mul3A_1551 = arith.mulf %gather3A_1550, %get3A_1489 : vector<16xf32>
        %add3A_1552 = arith.addf %add3A_1442, %mul3A_1551 : vector<16xf32>
        %mul3A_1553 = arith.mulf %gather3A_1550, %get3A_1493 : vector<16xf32>
        %add3A_1554 = arith.addf %add3A_1444, %mul3A_1553 : vector<16xf32>
        %mul3A_1555 = arith.mulf %gather3A_1550, %get3A_1497 : vector<16xf32>
        %add3A_1556 = arith.addf %add3A_1446, %mul3A_1555 : vector<16xf32>
        %mul3A_1557 = arith.mulf %gather3A_1550, %get3A_1501 : vector<16xf32>
        %add3A_1558 = arith.addf %add3A_1448, %mul3A_1557 : vector<16xf32>
        %reshape3A_1559 = vector.shape_cast %broadcast_in_dim3A_1503 : vector<16xi32> to vector<16x1xi32>
        %gather3A_1560 = vector.shape_cast %reshape3A_1559 : vector<16x1xi32> to vector<16xi32>
        %gather3A_1561 = tpu.dynamic_gather %get3A_589[%gather3A_1560] in [0] : vector<16xf32>, vector<16xi32> -> vector<16xf32>
        %mul3A_1562 = arith.mulf %gather3A_1561, %get3A_1489 : vector<16xf32>
        %add3A_1563 = arith.addf %add3A_1453, %mul3A_1562 : vector<16xf32>
        %mul3A_1564 = arith.mulf %gather3A_1561, %get3A_1493 : vector<16xf32>
        %add3A_1565 = arith.addf %add3A_1455, %mul3A_1564 : vector<16xf32>
        %mul3A_1566 = arith.mulf %gather3A_1561, %get3A_1497 : vector<16xf32>
        %add3A_1567 = arith.addf %add3A_1457, %mul3A_1566 : vector<16xf32>
        %mul3A_1568 = arith.mulf %gather3A_1561, %get3A_1501 : vector<16xf32>
        %add3A_1569 = arith.addf %add3A_1459, %mul3A_1568 : vector<16xf32>
        %reshape3A_1570 = vector.shape_cast %broadcast_in_dim3A_1503 : vector<16xi32> to vector<16x1xi32>
        %gather3A_1571 = vector.shape_cast %reshape3A_1570 : vector<16x1xi32> to vector<16xi32>
        %gather3A_1572 = tpu.dynamic_gather %get3A_596[%gather3A_1571] in [0] : vector<16xf32>, vector<16xi32> -> vector<16xf32>
        %mul3A_1573 = arith.mulf %gather3A_1572, %get3A_1489 : vector<16xf32>
        %add3A_1574 = arith.addf %add3A_1464, %mul3A_1573 : vector<16xf32>
        %mul3A_1575 = arith.mulf %gather3A_1572, %get3A_1493 : vector<16xf32>
        %add3A_1576 = arith.addf %add3A_1466, %mul3A_1575 : vector<16xf32>
        %mul3A_1577 = arith.mulf %gather3A_1572, %get3A_1497 : vector<16xf32>
        %add3A_1578 = arith.addf %add3A_1468, %mul3A_1577 : vector<16xf32>
        %mul3A_1579 = arith.mulf %gather3A_1572, %get3A_1501 : vector<16xf32>
        %add3A_1580 = arith.addf %add3A_1470, %mul3A_1579 : vector<16xf32>
        %reshape3A_1581 = vector.shape_cast %broadcast_in_dim3A_1503 : vector<16xi32> to vector<16x1xi32>
        %gather3A_1582 = vector.shape_cast %reshape3A_1581 : vector<16x1xi32> to vector<16xi32>
        %gather3A_1583 = tpu.dynamic_gather %get3A_603[%gather3A_1582] in [0] : vector<16xf32>, vector<16xi32> -> vector<16xf32>
        %mul3A_1584 = arith.mulf %gather3A_1583, %get3A_1489 : vector<16xf32>
        %add3A_1585 = arith.addf %add3A_1475, %mul3A_1584 : vector<16xf32>
        %mul3A_1586 = arith.mulf %gather3A_1583, %get3A_1493 : vector<16xf32>
        %add3A_1587 = arith.addf %add3A_1477, %mul3A_1586 : vector<16xf32>
        %mul3A_1588 = arith.mulf %gather3A_1583, %get3A_1497 : vector<16xf32>
        %add3A_1589 = arith.addf %add3A_1479, %mul3A_1588 : vector<16xf32>
        %mul3A_1590 = arith.mulf %gather3A_1583, %get3A_1501 : vector<16xf32>
        %add3A_1591 = arith.addf %add3A_1481, %mul3A_1590 : vector<16xf32>
        %mul3A_1592 = arith.constant 8 : i32
        %mul3A_1593 = arith.muli %scan3A_514, %mul3A_1592 : i32
        %add3A_1594 = arith.constant 4 : i32
        %add3A_1595 = arith.addi %mul3A_1593, %add3A_1594 : i32
        %get3A_1596 = arith.index_cast %add3A_1595 : i32 to index
        %get3A_1597 = arith.constant 64 : index
        %get3A_1598 = tpu.vector_load %arg5[%get3A_1596, %get3A_1597] {strides = array<i32>} : memref<512x128xf32, #tpu.memory_space<vmem>>, vector<1x16xf32>,
        %get3A_1599 = vector.shape_cast %get3A_1598 : vector<1x16xf32> to vector<16xf32>
        %get3A_1600 = arith.index_cast %add3A_1595 : i32 to index
        %get3A_1601 = arith.constant 80 : index
        %get3A_1602 = tpu.vector_load %arg5[%get3A_1600, %get3A_1601] {strides = array<i32>} : memref<512x128xf32, #tpu.memory_space<vmem>>, vector<1x16xf32>,
        %get3A_1603 = vector.shape_cast %get3A_1602 : vector<1x16xf32> to vector<16xf32>
        %get3A_1604 = arith.index_cast %add3A_1595 : i32 to index
        %get3A_1605 = arith.constant 96 : index
        %get3A_1606 = tpu.vector_load %arg5[%get3A_1604, %get3A_1605] {strides = array<i32>} : memref<512x128xf32, #tpu.memory_space<vmem>>, vector<1x16xf32>,
        %get3A_1607 = vector.shape_cast %get3A_1606 : vector<1x16xf32> to vector<16xf32>
        %get3A_1608 = arith.index_cast %add3A_1595 : i32 to index
        %get3A_1609 = arith.constant 112 : index
        %get3A_1610 = tpu.vector_load %arg5[%get3A_1608, %get3A_1609] {strides = array<i32>} : memref<512x128xf32, #tpu.memory_space<vmem>>, vector<1x16xf32>,
        %get3A_1611 = vector.shape_cast %get3A_1610 : vector<1x16xf32> to vector<16xf32>
        %broadcast_in_dim3A_1612 = arith.constant 9 : i32
        %broadcast_in_dim3A_1613 = vector.broadcast %broadcast_in_dim3A_1612 : i32 to vector<16xi32>
        %reshape3A_1614 = vector.shape_cast %broadcast_in_dim3A_1613 : vector<16xi32> to vector<16x1xi32>
        %gather3A_1615 = vector.shape_cast %reshape3A_1614 : vector<16x1xi32> to vector<16xi32>
        %gather3A_1616 = tpu.dynamic_gather %get3A_554[%gather3A_1615] in [0] : vector<16xf32>, vector<16xi32> -> vector<16xf32>
        %mul3A_1617 = arith.mulf %gather3A_1616, %get3A_1599 : vector<16xf32>
        %add3A_1618 = arith.addf %add3A_1508, %mul3A_1617 : vector<16xf32>
        %mul3A_1619 = arith.mulf %gather3A_1616, %get3A_1603 : vector<16xf32>
        %add3A_1620 = arith.addf %add3A_1510, %mul3A_1619 : vector<16xf32>
        %mul3A_1621 = arith.mulf %gather3A_1616, %get3A_1607 : vector<16xf32>
        %add3A_1622 = arith.addf %add3A_1512, %mul3A_1621 : vector<16xf32>
        %mul3A_1623 = arith.mulf %gather3A_1616, %get3A_1611 : vector<16xf32>
        %add3A_1624 = arith.addf %add3A_1514, %mul3A_1623 : vector<16xf32>
        %reshape3A_1625 = vector.shape_cast %broadcast_in_dim3A_1613 : vector<16xi32> to vector<16x1xi32>
        %gather3A_1626 = vector.shape_cast %reshape3A_1625 : vector<16x1xi32> to vector<16xi32>
        %gather3A_1627 = tpu.dynamic_gather %get3A_561[%gather3A_1626] in [0] : vector<16xf32>, vector<16xi32> -> vector<16xf32>
        %mul3A_1628 = arith.mulf %gather3A_1627, %get3A_1599 : vector<16xf32>
        %add3A_1629 = arith.addf %add3A_1519, %mul3A_1628 : vector<16xf32>
        %mul3A_1630 = arith.mulf %gather3A_1627, %get3A_1603 : vector<16xf32>
        %add3A_1631 = arith.addf %add3A_1521, %mul3A_1630 : vector<16xf32>
        %mul3A_1632 = arith.mulf %gather3A_1627, %get3A_1607 : vector<16xf32>
        %add3A_1633 = arith.addf %add3A_1523, %mul3A_1632 : vector<16xf32>
        %mul3A_1634 = arith.mulf %gather3A_1627, %get3A_1611 : vector<16xf32>
        %add3A_1635 = arith.addf %add3A_1525, %mul3A_1634 : vector<16xf32>
        %reshape3A_1636 = vector.shape_cast %broadcast_in_dim3A_1613 : vector<16xi32> to vector<16x1xi32>
        %gather3A_1637 = vector.shape_cast %reshape3A_1636 : vector<16x1xi32> to vector<16xi32>
        %gather3A_1638 = tpu.dynamic_gather %get3A_568[%gather3A_1637] in [0] : vector<16xf32>, vector<16xi32> -> vector<16xf32>
        %mul3A_1639 = arith.mulf %gather3A_1638, %get3A_1599 : vector<16xf32>
        %add3A_1640 = arith.addf %add3A_1530, %mul3A_1639 : vector<16xf32>
        %mul3A_1641 = arith.mulf %gather3A_1638, %get3A_1603 : vector<16xf32>
        %add3A_1642 = arith.addf %add3A_1532, %mul3A_1641 : vector<16xf32>
        %mul3A_1643 = arith.mulf %gather3A_1638, %get3A_1607 : vector<16xf32>
        %add3A_1644 = arith.addf %add3A_1534, %mul3A_1643 : vector<16xf32>
        %mul3A_1645 = arith.mulf %gather3A_1638, %get3A_1611 : vector<16xf32>
        %add3A_1646 = arith.addf %add3A_1536, %mul3A_1645 : vector<16xf32>
        %reshape3A_1647 = vector.shape_cast %broadcast_in_dim3A_1613 : vector<16xi32> to vector<16x1xi32>
        %gather3A_1648 = vector.shape_cast %reshape3A_1647 : vector<16x1xi32> to vector<16xi32>
        %gather3A_1649 = tpu.dynamic_gather %get3A_575[%gather3A_1648] in [0] : vector<16xf32>, vector<16xi32> -> vector<16xf32>
        %mul3A_1650 = arith.mulf %gather3A_1649, %get3A_1599 : vector<16xf32>
        %add3A_1651 = arith.addf %add3A_1541, %mul3A_1650 : vector<16xf32>
        %mul3A_1652 = arith.mulf %gather3A_1649, %get3A_1603 : vector<16xf32>
        %add3A_1653 = arith.addf %add3A_1543, %mul3A_1652 : vector<16xf32>
        %mul3A_1654 = arith.mulf %gather3A_1649, %get3A_1607 : vector<16xf32>
        %add3A_1655 = arith.addf %add3A_1545, %mul3A_1654 : vector<16xf32>
        %mul3A_1656 = arith.mulf %gather3A_1649, %get3A_1611 : vector<16xf32>
        %add3A_1657 = arith.addf %add3A_1547, %mul3A_1656 : vector<16xf32>
        %reshape3A_1658 = vector.shape_cast %broadcast_in_dim3A_1613 : vector<16xi32> to vector<16x1xi32>
        %gather3A_1659 = vector.shape_cast %reshape3A_1658 : vector<16x1xi32> to vector<16xi32>
        %gather3A_1660 = tpu.dynamic_gather %get3A_582[%gather3A_1659] in [0] : vector<16xf32>, vector<16xi32> -> vector<16xf32>
        %mul3A_1661 = arith.mulf %gather3A_1660, %get3A_1599 : vector<16xf32>
        %add3A_1662 = arith.addf %add3A_1552, %mul3A_1661 : vector<16xf32>
        %mul3A_1663 = arith.mulf %gather3A_1660, %get3A_1603 : vector<16xf32>
        %add3A_1664 = arith.addf %add3A_1554, %mul3A_1663 : vector<16xf32>
        %mul3A_1665 = arith.mulf %gather3A_1660, %get3A_1607 : vector<16xf32>
        %add3A_1666 = arith.addf %add3A_1556, %mul3A_1665 : vector<16xf32>
        %mul3A_1667 = arith.mulf %gather3A_1660, %get3A_1611 : vector<16xf32>
        %add3A_1668 = arith.addf %add3A_1558, %mul3A_1667 : vector<16xf32>
        %reshape3A_1669 = vector.shape_cast %broadcast_in_dim3A_1613 : vector<16xi32> to vector<16x1xi32>
        %gather3A_1670 = vector.shape_cast %reshape3A_1669 : vector<16x1xi32> to vector<16xi32>
        %gather3A_1671 = tpu.dynamic_gather %get3A_589[%gather3A_1670] in [0] : vector<16xf32>, vector<16xi32> -> vector<16xf32>
        %mul3A_1672 = arith.mulf %gather3A_1671, %get3A_1599 : vector<16xf32>
        %add3A_1673 = arith.addf %add3A_1563, %mul3A_1672 : vector<16xf32>
        %mul3A_1674 = arith.mulf %gather3A_1671, %get3A_1603 : vector<16xf32>
        %add3A_1675 = arith.addf %add3A_1565, %mul3A_1674 : vector<16xf32>
        %mul3A_1676 = arith.mulf %gather3A_1671, %get3A_1607 : vector<16xf32>
        %add3A_1677 = arith.addf %add3A_1567, %mul3A_1676 : vector<16xf32>
        %mul3A_1678 = arith.mulf %gather3A_1671, %get3A_1611 : vector<16xf32>
        %add3A_1679 = arith.addf %add3A_1569, %mul3A_1678 : vector<16xf32>
        %reshape3A_1680 = vector.shape_cast %broadcast_in_dim3A_1613 : vector<16xi32> to vector<16x1xi32>
        %gather3A_1681 = vector.shape_cast %reshape3A_1680 : vector<16x1xi32> to vector<16xi32>
        %gather3A_1682 = tpu.dynamic_gather %get3A_596[%gather3A_1681] in [0] : vector<16xf32>, vector<16xi32> -> vector<16xf32>
        %mul3A_1683 = arith.mulf %gather3A_1682, %get3A_1599 : vector<16xf32>
        %add3A_1684 = arith.addf %add3A_1574, %mul3A_1683 : vector<16xf32>
        %mul3A_1685 = arith.mulf %gather3A_1682, %get3A_1603 : vector<16xf32>
        %add3A_1686 = arith.addf %add3A_1576, %mul3A_1685 : vector<16xf32>
        %mul3A_1687 = arith.mulf %gather3A_1682, %get3A_1607 : vector<16xf32>
        %add3A_1688 = arith.addf %add3A_1578, %mul3A_1687 : vector<16xf32>
        %mul3A_1689 = arith.mulf %gather3A_1682, %get3A_1611 : vector<16xf32>
        %add3A_1690 = arith.addf %add3A_1580, %mul3A_1689 : vector<16xf32>
        %reshape3A_1691 = vector.shape_cast %broadcast_in_dim3A_1613 : vector<16xi32> to vector<16x1xi32>
        %gather3A_1692 = vector.shape_cast %reshape3A_1691 : vector<16x1xi32> to vector<16xi32>
        %gather3A_1693 = tpu.dynamic_gather %get3A_603[%gather3A_1692] in [0] : vector<16xf32>, vector<16xi32> -> vector<16xf32>
        %mul3A_1694 = arith.mulf %gather3A_1693, %get3A_1599 : vector<16xf32>
        %add3A_1695 = arith.addf %add3A_1585, %mul3A_1694 : vector<16xf32>
        %mul3A_1696 = arith.mulf %gather3A_1693, %get3A_1603 : vector<16xf32>
        %add3A_1697 = arith.addf %add3A_1587, %mul3A_1696 : vector<16xf32>
        %mul3A_1698 = arith.mulf %gather3A_1693, %get3A_1607 : vector<16xf32>
        %add3A_1699 = arith.addf %add3A_1589, %mul3A_1698 : vector<16xf32>
        %mul3A_1700 = arith.mulf %gather3A_1693, %get3A_1611 : vector<16xf32>
        %add3A_1701 = arith.addf %add3A_1591, %mul3A_1700 : vector<16xf32>
        %mul3A_1702 = arith.constant 8 : i32
        %mul3A_1703 = arith.muli %scan3A_514, %mul3A_1702 : i32
        %add3A_1704 = arith.constant 5 : i32
        %add3A_1705 = arith.addi %mul3A_1703, %add3A_1704 : i32
        %get3A_1706 = arith.index_cast %add3A_1705 : i32 to index
        %get3A_1707 = arith.constant 0 : index
        %get3A_1708 = tpu.vector_load %arg5[%get3A_1706, %get3A_1707] {strides = array<i32>} : memref<512x128xf32, #tpu.memory_space<vmem>>, vector<1x16xf32>,
        %get3A_1709 = vector.shape_cast %get3A_1708 : vector<1x16xf32> to vector<16xf32>
        %get3A_1710 = arith.index_cast %add3A_1705 : i32 to index
        %get3A_1711 = arith.constant 16 : index
        %get3A_1712 = tpu.vector_load %arg5[%get3A_1710, %get3A_1711] {strides = array<i32>} : memref<512x128xf32, #tpu.memory_space<vmem>>, vector<1x16xf32>,
        %get3A_1713 = vector.shape_cast %get3A_1712 : vector<1x16xf32> to vector<16xf32>
        %get3A_1714 = arith.index_cast %add3A_1705 : i32 to index
        %get3A_1715 = arith.constant 32 : index
        %get3A_1716 = tpu.vector_load %arg5[%get3A_1714, %get3A_1715] {strides = array<i32>} : memref<512x128xf32, #tpu.memory_space<vmem>>, vector<1x16xf32>,
        %get3A_1717 = vector.shape_cast %get3A_1716 : vector<1x16xf32> to vector<16xf32>
        %get3A_1718 = arith.index_cast %add3A_1705 : i32 to index
        %get3A_1719 = arith.constant 48 : index
        %get3A_1720 = tpu.vector_load %arg5[%get3A_1718, %get3A_1719] {strides = array<i32>} : memref<512x128xf32, #tpu.memory_space<vmem>>, vector<1x16xf32>,
        %get3A_1721 = vector.shape_cast %get3A_1720 : vector<1x16xf32> to vector<16xf32>
        %broadcast_in_dim3A_1722 = arith.constant 10 : i32
        %broadcast_in_dim3A_1723 = vector.broadcast %broadcast_in_dim3A_1722 : i32 to vector<16xi32>
        %reshape3A_1724 = vector.shape_cast %broadcast_in_dim3A_1723 : vector<16xi32> to vector<16x1xi32>
        %gather3A_1725 = vector.shape_cast %reshape3A_1724 : vector<16x1xi32> to vector<16xi32>
        %gather3A_1726 = tpu.dynamic_gather %get3A_554[%gather3A_1725] in [0] : vector<16xf32>, vector<16xi32> -> vector<16xf32>
        %mul3A_1727 = arith.mulf %gather3A_1726, %get3A_1709 : vector<16xf32>
        %add3A_1728 = arith.addf %add3A_1618, %mul3A_1727 : vector<16xf32>
        %mul3A_1729 = arith.mulf %gather3A_1726, %get3A_1713 : vector<16xf32>
        %add3A_1730 = arith.addf %add3A_1620, %mul3A_1729 : vector<16xf32>
        %mul3A_1731 = arith.mulf %gather3A_1726, %get3A_1717 : vector<16xf32>
        %add3A_1732 = arith.addf %add3A_1622, %mul3A_1731 : vector<16xf32>
        %mul3A_1733 = arith.mulf %gather3A_1726, %get3A_1721 : vector<16xf32>
        %add3A_1734 = arith.addf %add3A_1624, %mul3A_1733 : vector<16xf32>
        %reshape3A_1735 = vector.shape_cast %broadcast_in_dim3A_1723 : vector<16xi32> to vector<16x1xi32>
        %gather3A_1736 = vector.shape_cast %reshape3A_1735 : vector<16x1xi32> to vector<16xi32>
        %gather3A_1737 = tpu.dynamic_gather %get3A_561[%gather3A_1736] in [0] : vector<16xf32>, vector<16xi32> -> vector<16xf32>
        %mul3A_1738 = arith.mulf %gather3A_1737, %get3A_1709 : vector<16xf32>
        %add3A_1739 = arith.addf %add3A_1629, %mul3A_1738 : vector<16xf32>
        %mul3A_1740 = arith.mulf %gather3A_1737, %get3A_1713 : vector<16xf32>
        %add3A_1741 = arith.addf %add3A_1631, %mul3A_1740 : vector<16xf32>
        %mul3A_1742 = arith.mulf %gather3A_1737, %get3A_1717 : vector<16xf32>
        %add3A_1743 = arith.addf %add3A_1633, %mul3A_1742 : vector<16xf32>
        %mul3A_1744 = arith.mulf %gather3A_1737, %get3A_1721 : vector<16xf32>
        %add3A_1745 = arith.addf %add3A_1635, %mul3A_1744 : vector<16xf32>
        %reshape3A_1746 = vector.shape_cast %broadcast_in_dim3A_1723 : vector<16xi32> to vector<16x1xi32>
        %gather3A_1747 = vector.shape_cast %reshape3A_1746 : vector<16x1xi32> to vector<16xi32>
        %gather3A_1748 = tpu.dynamic_gather %get3A_568[%gather3A_1747] in [0] : vector<16xf32>, vector<16xi32> -> vector<16xf32>
        %mul3A_1749 = arith.mulf %gather3A_1748, %get3A_1709 : vector<16xf32>
        %add3A_1750 = arith.addf %add3A_1640, %mul3A_1749 : vector<16xf32>
        %mul3A_1751 = arith.mulf %gather3A_1748, %get3A_1713 : vector<16xf32>
        %add3A_1752 = arith.addf %add3A_1642, %mul3A_1751 : vector<16xf32>
        %mul3A_1753 = arith.mulf %gather3A_1748, %get3A_1717 : vector<16xf32>
        %add3A_1754 = arith.addf %add3A_1644, %mul3A_1753 : vector<16xf32>
        %mul3A_1755 = arith.mulf %gather3A_1748, %get3A_1721 : vector<16xf32>
        %add3A_1756 = arith.addf %add3A_1646, %mul3A_1755 : vector<16xf32>
        %reshape3A_1757 = vector.shape_cast %broadcast_in_dim3A_1723 : vector<16xi32> to vector<16x1xi32>
        %gather3A_1758 = vector.shape_cast %reshape3A_1757 : vector<16x1xi32> to vector<16xi32>
        %gather3A_1759 = tpu.dynamic_gather %get3A_575[%gather3A_1758] in [0] : vector<16xf32>, vector<16xi32> -> vector<16xf32>
        %mul3A_1760 = arith.mulf %gather3A_1759, %get3A_1709 : vector<16xf32>
        %add3A_1761 = arith.addf %add3A_1651, %mul3A_1760 : vector<16xf32>
        %mul3A_1762 = arith.mulf %gather3A_1759, %get3A_1713 : vector<16xf32>
        %add3A_1763 = arith.addf %add3A_1653, %mul3A_1762 : vector<16xf32>
        %mul3A_1764 = arith.mulf %gather3A_1759, %get3A_1717 : vector<16xf32>
        %add3A_1765 = arith.addf %add3A_1655, %mul3A_1764 : vector<16xf32>
        %mul3A_1766 = arith.mulf %gather3A_1759, %get3A_1721 : vector<16xf32>
        %add3A_1767 = arith.addf %add3A_1657, %mul3A_1766 : vector<16xf32>
        %reshape3A_1768 = vector.shape_cast %broadcast_in_dim3A_1723 : vector<16xi32> to vector<16x1xi32>
        %gather3A_1769 = vector.shape_cast %reshape3A_1768 : vector<16x1xi32> to vector<16xi32>
        %gather3A_1770 = tpu.dynamic_gather %get3A_582[%gather3A_1769] in [0] : vector<16xf32>, vector<16xi32> -> vector<16xf32>
        %mul3A_1771 = arith.mulf %gather3A_1770, %get3A_1709 : vector<16xf32>
        %add3A_1772 = arith.addf %add3A_1662, %mul3A_1771 : vector<16xf32>
        %mul3A_1773 = arith.mulf %gather3A_1770, %get3A_1713 : vector<16xf32>
        %add3A_1774 = arith.addf %add3A_1664, %mul3A_1773 : vector<16xf32>
        %mul3A_1775 = arith.mulf %gather3A_1770, %get3A_1717 : vector<16xf32>
        %add3A_1776 = arith.addf %add3A_1666, %mul3A_1775 : vector<16xf32>
        %mul3A_1777 = arith.mulf %gather3A_1770, %get3A_1721 : vector<16xf32>
        %add3A_1778 = arith.addf %add3A_1668, %mul3A_1777 : vector<16xf32>
        %reshape3A_1779 = vector.shape_cast %broadcast_in_dim3A_1723 : vector<16xi32> to vector<16x1xi32>
        %gather3A_1780 = vector.shape_cast %reshape3A_1779 : vector<16x1xi32> to vector<16xi32>
        %gather3A_1781 = tpu.dynamic_gather %get3A_589[%gather3A_1780] in [0] : vector<16xf32>, vector<16xi32> -> vector<16xf32>
        %mul3A_1782 = arith.mulf %gather3A_1781, %get3A_1709 : vector<16xf32>
        %add3A_1783 = arith.addf %add3A_1673, %mul3A_1782 : vector<16xf32>
        %mul3A_1784 = arith.mulf %gather3A_1781, %get3A_1713 : vector<16xf32>
        %add3A_1785 = arith.addf %add3A_1675, %mul3A_1784 : vector<16xf32>
        %mul3A_1786 = arith.mulf %gather3A_1781, %get3A_1717 : vector<16xf32>
        %add3A_1787 = arith.addf %add3A_1677, %mul3A_1786 : vector<16xf32>
        %mul3A_1788 = arith.mulf %gather3A_1781, %get3A_1721 : vector<16xf32>
        %add3A_1789 = arith.addf %add3A_1679, %mul3A_1788 : vector<16xf32>
        %reshape3A_1790 = vector.shape_cast %broadcast_in_dim3A_1723 : vector<16xi32> to vector<16x1xi32>
        %gather3A_1791 = vector.shape_cast %reshape3A_1790 : vector<16x1xi32> to vector<16xi32>
        %gather3A_1792 = tpu.dynamic_gather %get3A_596[%gather3A_1791] in [0] : vector<16xf32>, vector<16xi32> -> vector<16xf32>
        %mul3A_1793 = arith.mulf %gather3A_1792, %get3A_1709 : vector<16xf32>
        %add3A_1794 = arith.addf %add3A_1684, %mul3A_1793 : vector<16xf32>
        %mul3A_1795 = arith.mulf %gather3A_1792, %get3A_1713 : vector<16xf32>
        %add3A_1796 = arith.addf %add3A_1686, %mul3A_1795 : vector<16xf32>
        %mul3A_1797 = arith.mulf %gather3A_1792, %get3A_1717 : vector<16xf32>
        %add3A_1798 = arith.addf %add3A_1688, %mul3A_1797 : vector<16xf32>
        %mul3A_1799 = arith.mulf %gather3A_1792, %get3A_1721 : vector<16xf32>
        %add3A_1800 = arith.addf %add3A_1690, %mul3A_1799 : vector<16xf32>
        %reshape3A_1801 = vector.shape_cast %broadcast_in_dim3A_1723 : vector<16xi32> to vector<16x1xi32>
        %gather3A_1802 = vector.shape_cast %reshape3A_1801 : vector<16x1xi32> to vector<16xi32>
        %gather3A_1803 = tpu.dynamic_gather %get3A_603[%gather3A_1802] in [0] : vector<16xf32>, vector<16xi32> -> vector<16xf32>
        %mul3A_1804 = arith.mulf %gather3A_1803, %get3A_1709 : vector<16xf32>
        %add3A_1805 = arith.addf %add3A_1695, %mul3A_1804 : vector<16xf32>
        %mul3A_1806 = arith.mulf %gather3A_1803, %get3A_1713 : vector<16xf32>
        %add3A_1807 = arith.addf %add3A_1697, %mul3A_1806 : vector<16xf32>
        %mul3A_1808 = arith.mulf %gather3A_1803, %get3A_1717 : vector<16xf32>
        %add3A_1809 = arith.addf %add3A_1699, %mul3A_1808 : vector<16xf32>
        %mul3A_1810 = arith.mulf %gather3A_1803, %get3A_1721 : vector<16xf32>
        %add3A_1811 = arith.addf %add3A_1701, %mul3A_1810 : vector<16xf32>
        %mul3A_1812 = arith.constant 8 : i32
        %mul3A_1813 = arith.muli %scan3A_514, %mul3A_1812 : i32
        %add3A_1814 = arith.constant 5 : i32
        %add3A_1815 = arith.addi %mul3A_1813, %add3A_1814 : i32
        %get3A_1816 = arith.index_cast %add3A_1815 : i32 to index
        %get3A_1817 = arith.constant 64 : index
        %get3A_1818 = tpu.vector_load %arg5[%get3A_1816, %get3A_1817] {strides = array<i32>} : memref<512x128xf32, #tpu.memory_space<vmem>>, vector<1x16xf32>,
        %get3A_1819 = vector.shape_cast %get3A_1818 : vector<1x16xf32> to vector<16xf32>
        %get3A_1820 = arith.index_cast %add3A_1815 : i32 to index
        %get3A_1821 = arith.constant 80 : index
        %get3A_1822 = tpu.vector_load %arg5[%get3A_1820, %get3A_1821] {strides = array<i32>} : memref<512x128xf32, #tpu.memory_space<vmem>>, vector<1x16xf32>,
        %get3A_1823 = vector.shape_cast %get3A_1822 : vector<1x16xf32> to vector<16xf32>
        %get3A_1824 = arith.index_cast %add3A_1815 : i32 to index
        %get3A_1825 = arith.constant 96 : index
        %get3A_1826 = tpu.vector_load %arg5[%get3A_1824, %get3A_1825] {strides = array<i32>} : memref<512x128xf32, #tpu.memory_space<vmem>>, vector<1x16xf32>,
        %get3A_1827 = vector.shape_cast %get3A_1826 : vector<1x16xf32> to vector<16xf32>
        %get3A_1828 = arith.index_cast %add3A_1815 : i32 to index
        %get3A_1829 = arith.constant 112 : index
        %get3A_1830 = tpu.vector_load %arg5[%get3A_1828, %get3A_1829] {strides = array<i32>} : memref<512x128xf32, #tpu.memory_space<vmem>>, vector<1x16xf32>,
        %get3A_1831 = vector.shape_cast %get3A_1830 : vector<1x16xf32> to vector<16xf32>
        %broadcast_in_dim3A_1832 = arith.constant 11 : i32
        %broadcast_in_dim3A_1833 = vector.broadcast %broadcast_in_dim3A_1832 : i32 to vector<16xi32>
        %reshape3A_1834 = vector.shape_cast %broadcast_in_dim3A_1833 : vector<16xi32> to vector<16x1xi32>
        %gather3A_1835 = vector.shape_cast %reshape3A_1834 : vector<16x1xi32> to vector<16xi32>
        %gather3A_1836 = tpu.dynamic_gather %get3A_554[%gather3A_1835] in [0] : vector<16xf32>, vector<16xi32> -> vector<16xf32>
        %mul3A_1837 = arith.mulf %gather3A_1836, %get3A_1819 : vector<16xf32>
        %add3A_1838 = arith.addf %add3A_1728, %mul3A_1837 : vector<16xf32>
        %mul3A_1839 = arith.mulf %gather3A_1836, %get3A_1823 : vector<16xf32>
        %add3A_1840 = arith.addf %add3A_1730, %mul3A_1839 : vector<16xf32>
        %mul3A_1841 = arith.mulf %gather3A_1836, %get3A_1827 : vector<16xf32>
        %add3A_1842 = arith.addf %add3A_1732, %mul3A_1841 : vector<16xf32>
        %mul3A_1843 = arith.mulf %gather3A_1836, %get3A_1831 : vector<16xf32>
        %add3A_1844 = arith.addf %add3A_1734, %mul3A_1843 : vector<16xf32>
        %reshape3A_1845 = vector.shape_cast %broadcast_in_dim3A_1833 : vector<16xi32> to vector<16x1xi32>
        %gather3A_1846 = vector.shape_cast %reshape3A_1845 : vector<16x1xi32> to vector<16xi32>
        %gather3A_1847 = tpu.dynamic_gather %get3A_561[%gather3A_1846] in [0] : vector<16xf32>, vector<16xi32> -> vector<16xf32>
        %mul3A_1848 = arith.mulf %gather3A_1847, %get3A_1819 : vector<16xf32>
        %add3A_1849 = arith.addf %add3A_1739, %mul3A_1848 : vector<16xf32>
        %mul3A_1850 = arith.mulf %gather3A_1847, %get3A_1823 : vector<16xf32>
        %add3A_1851 = arith.addf %add3A_1741, %mul3A_1850 : vector<16xf32>
        %mul3A_1852 = arith.mulf %gather3A_1847, %get3A_1827 : vector<16xf32>
        %add3A_1853 = arith.addf %add3A_1743, %mul3A_1852 : vector<16xf32>
        %mul3A_1854 = arith.mulf %gather3A_1847, %get3A_1831 : vector<16xf32>
        %add3A_1855 = arith.addf %add3A_1745, %mul3A_1854 : vector<16xf32>
        %reshape3A_1856 = vector.shape_cast %broadcast_in_dim3A_1833 : vector<16xi32> to vector<16x1xi32>
        %gather3A_1857 = vector.shape_cast %reshape3A_1856 : vector<16x1xi32> to vector<16xi32>
        %gather3A_1858 = tpu.dynamic_gather %get3A_568[%gather3A_1857] in [0] : vector<16xf32>, vector<16xi32> -> vector<16xf32>
        %mul3A_1859 = arith.mulf %gather3A_1858, %get3A_1819 : vector<16xf32>
        %add3A_1860 = arith.addf %add3A_1750, %mul3A_1859 : vector<16xf32>
        %mul3A_1861 = arith.mulf %gather3A_1858, %get3A_1823 : vector<16xf32>
        %add3A_1862 = arith.addf %add3A_1752, %mul3A_1861 : vector<16xf32>
        %mul3A_1863 = arith.mulf %gather3A_1858, %get3A_1827 : vector<16xf32>
        %add3A_1864 = arith.addf %add3A_1754, %mul3A_1863 : vector<16xf32>
        %mul3A_1865 = arith.mulf %gather3A_1858, %get3A_1831 : vector<16xf32>
        %add3A_1866 = arith.addf %add3A_1756, %mul3A_1865 : vector<16xf32>
        %reshape3A_1867 = vector.shape_cast %broadcast_in_dim3A_1833 : vector<16xi32> to vector<16x1xi32>
        %gather3A_1868 = vector.shape_cast %reshape3A_1867 : vector<16x1xi32> to vector<16xi32>
        %gather3A_1869 = tpu.dynamic_gather %get3A_575[%gather3A_1868] in [0] : vector<16xf32>, vector<16xi32> -> vector<16xf32>
        %mul3A_1870 = arith.mulf %gather3A_1869, %get3A_1819 : vector<16xf32>
        %add3A_1871 = arith.addf %add3A_1761, %mul3A_1870 : vector<16xf32>
        %mul3A_1872 = arith.mulf %gather3A_1869, %get3A_1823 : vector<16xf32>
        %add3A_1873 = arith.addf %add3A_1763, %mul3A_1872 : vector<16xf32>
        %mul3A_1874 = arith.mulf %gather3A_1869, %get3A_1827 : vector<16xf32>
        %add3A_1875 = arith.addf %add3A_1765, %mul3A_1874 : vector<16xf32>
        %mul3A_1876 = arith.mulf %gather3A_1869, %get3A_1831 : vector<16xf32>
        %add3A_1877 = arith.addf %add3A_1767, %mul3A_1876 : vector<16xf32>
        %reshape3A_1878 = vector.shape_cast %broadcast_in_dim3A_1833 : vector<16xi32> to vector<16x1xi32>
        %gather3A_1879 = vector.shape_cast %reshape3A_1878 : vector<16x1xi32> to vector<16xi32>
        %gather3A_1880 = tpu.dynamic_gather %get3A_582[%gather3A_1879] in [0] : vector<16xf32>, vector<16xi32> -> vector<16xf32>
        %mul3A_1881 = arith.mulf %gather3A_1880, %get3A_1819 : vector<16xf32>
        %add3A_1882 = arith.addf %add3A_1772, %mul3A_1881 : vector<16xf32>
        %mul3A_1883 = arith.mulf %gather3A_1880, %get3A_1823 : vector<16xf32>
        %add3A_1884 = arith.addf %add3A_1774, %mul3A_1883 : vector<16xf32>
        %mul3A_1885 = arith.mulf %gather3A_1880, %get3A_1827 : vector<16xf32>
        %add3A_1886 = arith.addf %add3A_1776, %mul3A_1885 : vector<16xf32>
        %mul3A_1887 = arith.mulf %gather3A_1880, %get3A_1831 : vector<16xf32>
        %add3A_1888 = arith.addf %add3A_1778, %mul3A_1887 : vector<16xf32>
        %reshape3A_1889 = vector.shape_cast %broadcast_in_dim3A_1833 : vector<16xi32> to vector<16x1xi32>
        %gather3A_1890 = vector.shape_cast %reshape3A_1889 : vector<16x1xi32> to vector<16xi32>
        %gather3A_1891 = tpu.dynamic_gather %get3A_589[%gather3A_1890] in [0] : vector<16xf32>, vector<16xi32> -> vector<16xf32>
        %mul3A_1892 = arith.mulf %gather3A_1891, %get3A_1819 : vector<16xf32>
        %add3A_1893 = arith.addf %add3A_1783, %mul3A_1892 : vector<16xf32>
        %mul3A_1894 = arith.mulf %gather3A_1891, %get3A_1823 : vector<16xf32>
        %add3A_1895 = arith.addf %add3A_1785, %mul3A_1894 : vector<16xf32>
        %mul3A_1896 = arith.mulf %gather3A_1891, %get3A_1827 : vector<16xf32>
        %add3A_1897 = arith.addf %add3A_1787, %mul3A_1896 : vector<16xf32>
        %mul3A_1898 = arith.mulf %gather3A_1891, %get3A_1831 : vector<16xf32>
        %add3A_1899 = arith.addf %add3A_1789, %mul3A_1898 : vector<16xf32>
        %reshape3A_1900 = vector.shape_cast %broadcast_in_dim3A_1833 : vector<16xi32> to vector<16x1xi32>
        %gather3A_1901 = vector.shape_cast %reshape3A_1900 : vector<16x1xi32> to vector<16xi32>
        %gather3A_1902 = tpu.dynamic_gather %get3A_596[%gather3A_1901] in [0] : vector<16xf32>, vector<16xi32> -> vector<16xf32>
        %mul3A_1903 = arith.mulf %gather3A_1902, %get3A_1819 : vector<16xf32>
        %add3A_1904 = arith.addf %add3A_1794, %mul3A_1903 : vector<16xf32>
        %mul3A_1905 = arith.mulf %gather3A_1902, %get3A_1823 : vector<16xf32>
        %add3A_1906 = arith.addf %add3A_1796, %mul3A_1905 : vector<16xf32>
        %mul3A_1907 = arith.mulf %gather3A_1902, %get3A_1827 : vector<16xf32>
        %add3A_1908 = arith.addf %add3A_1798, %mul3A_1907 : vector<16xf32>
        %mul3A_1909 = arith.mulf %gather3A_1902, %get3A_1831 : vector<16xf32>
        %add3A_1910 = arith.addf %add3A_1800, %mul3A_1909 : vector<16xf32>
        %reshape3A_1911 = vector.shape_cast %broadcast_in_dim3A_1833 : vector<16xi32> to vector<16x1xi32>
        %gather3A_1912 = vector.shape_cast %reshape3A_1911 : vector<16x1xi32> to vector<16xi32>
        %gather3A_1913 = tpu.dynamic_gather %get3A_603[%gather3A_1912] in [0] : vector<16xf32>, vector<16xi32> -> vector<16xf32>
        %mul3A_1914 = arith.mulf %gather3A_1913, %get3A_1819 : vector<16xf32>
        %add3A_1915 = arith.addf %add3A_1805, %mul3A_1914 : vector<16xf32>
        %mul3A_1916 = arith.mulf %gather3A_1913, %get3A_1823 : vector<16xf32>
        %add3A_1917 = arith.addf %add3A_1807, %mul3A_1916 : vector<16xf32>
        %mul3A_1918 = arith.mulf %gather3A_1913, %get3A_1827 : vector<16xf32>
        %add3A_1919 = arith.addf %add3A_1809, %mul3A_1918 : vector<16xf32>
        %mul3A_1920 = arith.mulf %gather3A_1913, %get3A_1831 : vector<16xf32>
        %add3A_1921 = arith.addf %add3A_1811, %mul3A_1920 : vector<16xf32>
        %mul3A_1922 = arith.constant 8 : i32
        %mul3A_1923 = arith.muli %scan3A_514, %mul3A_1922 : i32
        %add3A_1924 = arith.constant 6 : i32
        %add3A_1925 = arith.addi %mul3A_1923, %add3A_1924 : i32
        %get3A_1926 = arith.index_cast %add3A_1925 : i32 to index
        %get3A_1927 = arith.constant 0 : index
        %get3A_1928 = tpu.vector_load %arg5[%get3A_1926, %get3A_1927] {strides = array<i32>} : memref<512x128xf32, #tpu.memory_space<vmem>>, vector<1x16xf32>,
        %get3A_1929 = vector.shape_cast %get3A_1928 : vector<1x16xf32> to vector<16xf32>
        %get3A_1930 = arith.index_cast %add3A_1925 : i32 to index
        %get3A_1931 = arith.constant 16 : index
        %get3A_1932 = tpu.vector_load %arg5[%get3A_1930, %get3A_1931] {strides = array<i32>} : memref<512x128xf32, #tpu.memory_space<vmem>>, vector<1x16xf32>,
        %get3A_1933 = vector.shape_cast %get3A_1932 : vector<1x16xf32> to vector<16xf32>
        %get3A_1934 = arith.index_cast %add3A_1925 : i32 to index
        %get3A_1935 = arith.constant 32 : index
        %get3A_1936 = tpu.vector_load %arg5[%get3A_1934, %get3A_1935] {strides = array<i32>} : memref<512x128xf32, #tpu.memory_space<vmem>>, vector<1x16xf32>,
        %get3A_1937 = vector.shape_cast %get3A_1936 : vector<1x16xf32> to vector<16xf32>
        %get3A_1938 = arith.index_cast %add3A_1925 : i32 to index
        %get3A_1939 = arith.constant 48 : index
        %get3A_1940 = tpu.vector_load %arg5[%get3A_1938, %get3A_1939] {strides = array<i32>} : memref<512x128xf32, #tpu.memory_space<vmem>>, vector<1x16xf32>,
        %get3A_1941 = vector.shape_cast %get3A_1940 : vector<1x16xf32> to vector<16xf32>
        %broadcast_in_dim3A_1942 = arith.constant 12 : i32
        %broadcast_in_dim3A_1943 = vector.broadcast %broadcast_in_dim3A_1942 : i32 to vector<16xi32>
        %reshape3A_1944 = vector.shape_cast %broadcast_in_dim3A_1943 : vector<16xi32> to vector<16x1xi32>
        %gather3A_1945 = vector.shape_cast %reshape3A_1944 : vector<16x1xi32> to vector<16xi32>
        %gather3A_1946 = tpu.dynamic_gather %get3A_554[%gather3A_1945] in [0] : vector<16xf32>, vector<16xi32> -> vector<16xf32>
        %mul3A_1947 = arith.mulf %gather3A_1946, %get3A_1929 : vector<16xf32>
        %add3A_1948 = arith.addf %add3A_1838, %mul3A_1947 : vector<16xf32>
        %mul3A_1949 = arith.mulf %gather3A_1946, %get3A_1933 : vector<16xf32>
        %add3A_1950 = arith.addf %add3A_1840, %mul3A_1949 : vector<16xf32>
        %mul3A_1951 = arith.mulf %gather3A_1946, %get3A_1937 : vector<16xf32>
        %add3A_1952 = arith.addf %add3A_1842, %mul3A_1951 : vector<16xf32>
        %mul3A_1953 = arith.mulf %gather3A_1946, %get3A_1941 : vector<16xf32>
        %add3A_1954 = arith.addf %add3A_1844, %mul3A_1953 : vector<16xf32>
        %reshape3A_1955 = vector.shape_cast %broadcast_in_dim3A_1943 : vector<16xi32> to vector<16x1xi32>
        %gather3A_1956 = vector.shape_cast %reshape3A_1955 : vector<16x1xi32> to vector<16xi32>
        %gather3A_1957 = tpu.dynamic_gather %get3A_561[%gather3A_1956] in [0] : vector<16xf32>, vector<16xi32> -> vector<16xf32>
        %mul3A_1958 = arith.mulf %gather3A_1957, %get3A_1929 : vector<16xf32>
        %add3A_1959 = arith.addf %add3A_1849, %mul3A_1958 : vector<16xf32>
        %mul3A_1960 = arith.mulf %gather3A_1957, %get3A_1933 : vector<16xf32>
        %add3A_1961 = arith.addf %add3A_1851, %mul3A_1960 : vector<16xf32>
        %mul3A_1962 = arith.mulf %gather3A_1957, %get3A_1937 : vector<16xf32>
        %add3A_1963 = arith.addf %add3A_1853, %mul3A_1962 : vector<16xf32>
        %mul3A_1964 = arith.mulf %gather3A_1957, %get3A_1941 : vector<16xf32>
        %add3A_1965 = arith.addf %add3A_1855, %mul3A_1964 : vector<16xf32>
        %reshape3A_1966 = vector.shape_cast %broadcast_in_dim3A_1943 : vector<16xi32> to vector<16x1xi32>
        %gather3A_1967 = vector.shape_cast %reshape3A_1966 : vector<16x1xi32> to vector<16xi32>
        %gather3A_1968 = tpu.dynamic_gather %get3A_568[%gather3A_1967] in [0] : vector<16xf32>, vector<16xi32> -> vector<16xf32>
        %mul3A_1969 = arith.mulf %gather3A_1968, %get3A_1929 : vector<16xf32>
        %add3A_1970 = arith.addf %add3A_1860, %mul3A_1969 : vector<16xf32>
        %mul3A_1971 = arith.mulf %gather3A_1968, %get3A_1933 : vector<16xf32>
        %add3A_1972 = arith.addf %add3A_1862, %mul3A_1971 : vector<16xf32>
        %mul3A_1973 = arith.mulf %gather3A_1968, %get3A_1937 : vector<16xf32>
        %add3A_1974 = arith.addf %add3A_1864, %mul3A_1973 : vector<16xf32>
        %mul3A_1975 = arith.mulf %gather3A_1968, %get3A_1941 : vector<16xf32>
        %add3A_1976 = arith.addf %add3A_1866, %mul3A_1975 : vector<16xf32>
        %reshape3A_1977 = vector.shape_cast %broadcast_in_dim3A_1943 : vector<16xi32> to vector<16x1xi32>
        %gather3A_1978 = vector.shape_cast %reshape3A_1977 : vector<16x1xi32> to vector<16xi32>
        %gather3A_1979 = tpu.dynamic_gather %get3A_575[%gather3A_1978] in [0] : vector<16xf32>, vector<16xi32> -> vector<16xf32>
        %mul3A_1980 = arith.mulf %gather3A_1979, %get3A_1929 : vector<16xf32>
        %add3A_1981 = arith.addf %add3A_1871, %mul3A_1980 : vector<16xf32>
        %mul3A_1982 = arith.mulf %gather3A_1979, %get3A_1933 : vector<16xf32>
        %add3A_1983 = arith.addf %add3A_1873, %mul3A_1982 : vector<16xf32>
        %mul3A_1984 = arith.mulf %gather3A_1979, %get3A_1937 : vector<16xf32>
        %add3A_1985 = arith.addf %add3A_1875, %mul3A_1984 : vector<16xf32>
        %mul3A_1986 = arith.mulf %gather3A_1979, %get3A_1941 : vector<16xf32>
        %add3A_1987 = arith.addf %add3A_1877, %mul3A_1986 : vector<16xf32>
        %reshape3A_1988 = vector.shape_cast %broadcast_in_dim3A_1943 : vector<16xi32> to vector<16x1xi32>
        %gather3A_1989 = vector.shape_cast %reshape3A_1988 : vector<16x1xi32> to vector<16xi32>
        %gather3A_1990 = tpu.dynamic_gather %get3A_582[%gather3A_1989] in [0] : vector<16xf32>, vector<16xi32> -> vector<16xf32>
        %mul3A_1991 = arith.mulf %gather3A_1990, %get3A_1929 : vector<16xf32>
        %add3A_1992 = arith.addf %add3A_1882, %mul3A_1991 : vector<16xf32>
        %mul3A_1993 = arith.mulf %gather3A_1990, %get3A_1933 : vector<16xf32>
        %add3A_1994 = arith.addf %add3A_1884, %mul3A_1993 : vector<16xf32>
        %mul3A_1995 = arith.mulf %gather3A_1990, %get3A_1937 : vector<16xf32>
        %add3A_1996 = arith.addf %add3A_1886, %mul3A_1995 : vector<16xf32>
        %mul3A_1997 = arith.mulf %gather3A_1990, %get3A_1941 : vector<16xf32>
        %add3A_1998 = arith.addf %add3A_1888, %mul3A_1997 : vector<16xf32>
        %reshape3A_1999 = vector.shape_cast %broadcast_in_dim3A_1943 : vector<16xi32> to vector<16x1xi32>
        %gather3A_2000 = vector.shape_cast %reshape3A_1999 : vector<16x1xi32> to vector<16xi32>
        %gather3A_2001 = tpu.dynamic_gather %get3A_589[%gather3A_2000] in [0] : vector<16xf32>, vector<16xi32> -> vector<16xf32>
        %mul3A_2002 = arith.mulf %gather3A_2001, %get3A_1929 : vector<16xf32>
        %add3A_2003 = arith.addf %add3A_1893, %mul3A_2002 : vector<16xf32>
        %mul3A_2004 = arith.mulf %gather3A_2001, %get3A_1933 : vector<16xf32>
        %add3A_2005 = arith.addf %add3A_1895, %mul3A_2004 : vector<16xf32>
        %mul3A_2006 = arith.mulf %gather3A_2001, %get3A_1937 : vector<16xf32>
        %add3A_2007 = arith.addf %add3A_1897, %mul3A_2006 : vector<16xf32>
        %mul3A_2008 = arith.mulf %gather3A_2001, %get3A_1941 : vector<16xf32>
        %add3A_2009 = arith.addf %add3A_1899, %mul3A_2008 : vector<16xf32>
        %reshape3A_2010 = vector.shape_cast %broadcast_in_dim3A_1943 : vector<16xi32> to vector<16x1xi32>
        %gather3A_2011 = vector.shape_cast %reshape3A_2010 : vector<16x1xi32> to vector<16xi32>
        %gather3A_2012 = tpu.dynamic_gather %get3A_596[%gather3A_2011] in [0] : vector<16xf32>, vector<16xi32> -> vector<16xf32>
        %mul3A_2013 = arith.mulf %gather3A_2012, %get3A_1929 : vector<16xf32>
        %add3A_2014 = arith.addf %add3A_1904, %mul3A_2013 : vector<16xf32>
        %mul3A_2015 = arith.mulf %gather3A_2012, %get3A_1933 : vector<16xf32>
        %add3A_2016 = arith.addf %add3A_1906, %mul3A_2015 : vector<16xf32>
        %mul3A_2017 = arith.mulf %gather3A_2012, %get3A_1937 : vector<16xf32>
        %add3A_2018 = arith.addf %add3A_1908, %mul3A_2017 : vector<16xf32>
        %mul3A_2019 = arith.mulf %gather3A_2012, %get3A_1941 : vector<16xf32>
        %add3A_2020 = arith.addf %add3A_1910, %mul3A_2019 : vector<16xf32>
        %reshape3A_2021 = vector.shape_cast %broadcast_in_dim3A_1943 : vector<16xi32> to vector<16x1xi32>
        %gather3A_2022 = vector.shape_cast %reshape3A_2021 : vector<16x1xi32> to vector<16xi32>
        %gather3A_2023 = tpu.dynamic_gather %get3A_603[%gather3A_2022] in [0] : vector<16xf32>, vector<16xi32> -> vector<16xf32>
        %mul3A_2024 = arith.mulf %gather3A_2023, %get3A_1929 : vector<16xf32>
        %add3A_2025 = arith.addf %add3A_1915, %mul3A_2024 : vector<16xf32>
        %mul3A_2026 = arith.mulf %gather3A_2023, %get3A_1933 : vector<16xf32>
        %add3A_2027 = arith.addf %add3A_1917, %mul3A_2026 : vector<16xf32>
        %mul3A_2028 = arith.mulf %gather3A_2023, %get3A_1937 : vector<16xf32>
        %add3A_2029 = arith.addf %add3A_1919, %mul3A_2028 : vector<16xf32>
        %mul3A_2030 = arith.mulf %gather3A_2023, %get3A_1941 : vector<16xf32>
        %add3A_2031 = arith.addf %add3A_1921, %mul3A_2030 : vector<16xf32>
        %mul3A_2032 = arith.constant 8 : i32
        %mul3A_2033 = arith.muli %scan3A_514, %mul3A_2032 : i32
        %add3A_2034 = arith.constant 6 : i32
        %add3A_2035 = arith.addi %mul3A_2033, %add3A_2034 : i32
        %get3A_2036 = arith.index_cast %add3A_2035 : i32 to index
        %get3A_2037 = arith.constant 64 : index
        %get3A_2038 = tpu.vector_load %arg5[%get3A_2036, %get3A_2037] {strides = array<i32>} : memref<512x128xf32, #tpu.memory_space<vmem>>, vector<1x16xf32>,
        %get3A_2039 = vector.shape_cast %get3A_2038 : vector<1x16xf32> to vector<16xf32>
        %get3A_2040 = arith.index_cast %add3A_2035 : i32 to index
        %get3A_2041 = arith.constant 80 : index
        %get3A_2042 = tpu.vector_load %arg5[%get3A_2040, %get3A_2041] {strides = array<i32>} : memref<512x128xf32, #tpu.memory_space<vmem>>, vector<1x16xf32>,
        %get3A_2043 = vector.shape_cast %get3A_2042 : vector<1x16xf32> to vector<16xf32>
        %get3A_2044 = arith.index_cast %add3A_2035 : i32 to index
        %get3A_2045 = arith.constant 96 : index
        %get3A_2046 = tpu.vector_load %arg5[%get3A_2044, %get3A_2045] {strides = array<i32>} : memref<512x128xf32, #tpu.memory_space<vmem>>, vector<1x16xf32>,
        %get3A_2047 = vector.shape_cast %get3A_2046 : vector<1x16xf32> to vector<16xf32>
        %get3A_2048 = arith.index_cast %add3A_2035 : i32 to index
        %get3A_2049 = arith.constant 112 : index
        %get3A_2050 = tpu.vector_load %arg5[%get3A_2048, %get3A_2049] {strides = array<i32>} : memref<512x128xf32, #tpu.memory_space<vmem>>, vector<1x16xf32>,
        %get3A_2051 = vector.shape_cast %get3A_2050 : vector<1x16xf32> to vector<16xf32>
        %broadcast_in_dim3A_2052 = arith.constant 13 : i32
        %broadcast_in_dim3A_2053 = vector.broadcast %broadcast_in_dim3A_2052 : i32 to vector<16xi32>
        %reshape3A_2054 = vector.shape_cast %broadcast_in_dim3A_2053 : vector<16xi32> to vector<16x1xi32>
        %gather3A_2055 = vector.shape_cast %reshape3A_2054 : vector<16x1xi32> to vector<16xi32>
        %gather3A_2056 = tpu.dynamic_gather %get3A_554[%gather3A_2055] in [0] : vector<16xf32>, vector<16xi32> -> vector<16xf32>
        %mul3A_2057 = arith.mulf %gather3A_2056, %get3A_2039 : vector<16xf32>
        %add3A_2058 = arith.addf %add3A_1948, %mul3A_2057 : vector<16xf32>
        %mul3A_2059 = arith.mulf %gather3A_2056, %get3A_2043 : vector<16xf32>
        %add3A_2060 = arith.addf %add3A_1950, %mul3A_2059 : vector<16xf32>
        %mul3A_2061 = arith.mulf %gather3A_2056, %get3A_2047 : vector<16xf32>
        %add3A_2062 = arith.addf %add3A_1952, %mul3A_2061 : vector<16xf32>
        %mul3A_2063 = arith.mulf %gather3A_2056, %get3A_2051 : vector<16xf32>
        %add3A_2064 = arith.addf %add3A_1954, %mul3A_2063 : vector<16xf32>
        %reshape3A_2065 = vector.shape_cast %broadcast_in_dim3A_2053 : vector<16xi32> to vector<16x1xi32>
        %gather3A_2066 = vector.shape_cast %reshape3A_2065 : vector<16x1xi32> to vector<16xi32>
        %gather3A_2067 = tpu.dynamic_gather %get3A_561[%gather3A_2066] in [0] : vector<16xf32>, vector<16xi32> -> vector<16xf32>
        %mul3A_2068 = arith.mulf %gather3A_2067, %get3A_2039 : vector<16xf32>
        %add3A_2069 = arith.addf %add3A_1959, %mul3A_2068 : vector<16xf32>
        %mul3A_2070 = arith.mulf %gather3A_2067, %get3A_2043 : vector<16xf32>
        %add3A_2071 = arith.addf %add3A_1961, %mul3A_2070 : vector<16xf32>
        %mul3A_2072 = arith.mulf %gather3A_2067, %get3A_2047 : vector<16xf32>
        %add3A_2073 = arith.addf %add3A_1963, %mul3A_2072 : vector<16xf32>
        %mul3A_2074 = arith.mulf %gather3A_2067, %get3A_2051 : vector<16xf32>
        %add3A_2075 = arith.addf %add3A_1965, %mul3A_2074 : vector<16xf32>
        %reshape3A_2076 = vector.shape_cast %broadcast_in_dim3A_2053 : vector<16xi32> to vector<16x1xi32>
        %gather3A_2077 = vector.shape_cast %reshape3A_2076 : vector<16x1xi32> to vector<16xi32>
        %gather3A_2078 = tpu.dynamic_gather %get3A_568[%gather3A_2077] in [0] : vector<16xf32>, vector<16xi32> -> vector<16xf32>
        %mul3A_2079 = arith.mulf %gather3A_2078, %get3A_2039 : vector<16xf32>
        %add3A_2080 = arith.addf %add3A_1970, %mul3A_2079 : vector<16xf32>
        %mul3A_2081 = arith.mulf %gather3A_2078, %get3A_2043 : vector<16xf32>
        %add3A_2082 = arith.addf %add3A_1972, %mul3A_2081 : vector<16xf32>
        %mul3A_2083 = arith.mulf %gather3A_2078, %get3A_2047 : vector<16xf32>
        %add3A_2084 = arith.addf %add3A_1974, %mul3A_2083 : vector<16xf32>
        %mul3A_2085 = arith.mulf %gather3A_2078, %get3A_2051 : vector<16xf32>
        %add3A_2086 = arith.addf %add3A_1976, %mul3A_2085 : vector<16xf32>
        %reshape3A_2087 = vector.shape_cast %broadcast_in_dim3A_2053 : vector<16xi32> to vector<16x1xi32>
        %gather3A_2088 = vector.shape_cast %reshape3A_2087 : vector<16x1xi32> to vector<16xi32>
        %gather3A_2089 = tpu.dynamic_gather %get3A_575[%gather3A_2088] in [0] : vector<16xf32>, vector<16xi32> -> vector<16xf32>
        %mul3A_2090 = arith.mulf %gather3A_2089, %get3A_2039 : vector<16xf32>
        %add3A_2091 = arith.addf %add3A_1981, %mul3A_2090 : vector<16xf32>
        %mul3A_2092 = arith.mulf %gather3A_2089, %get3A_2043 : vector<16xf32>
        %add3A_2093 = arith.addf %add3A_1983, %mul3A_2092 : vector<16xf32>
        %mul3A_2094 = arith.mulf %gather3A_2089, %get3A_2047 : vector<16xf32>
        %add3A_2095 = arith.addf %add3A_1985, %mul3A_2094 : vector<16xf32>
        %mul3A_2096 = arith.mulf %gather3A_2089, %get3A_2051 : vector<16xf32>
        %add3A_2097 = arith.addf %add3A_1987, %mul3A_2096 : vector<16xf32>
        %reshape3A_2098 = vector.shape_cast %broadcast_in_dim3A_2053 : vector<16xi32> to vector<16x1xi32>
        %gather3A_2099 = vector.shape_cast %reshape3A_2098 : vector<16x1xi32> to vector<16xi32>
        %gather3A_2100 = tpu.dynamic_gather %get3A_582[%gather3A_2099] in [0] : vector<16xf32>, vector<16xi32> -> vector<16xf32>
        %mul3A_2101 = arith.mulf %gather3A_2100, %get3A_2039 : vector<16xf32>
        %add3A_2102 = arith.addf %add3A_1992, %mul3A_2101 : vector<16xf32>
        %mul3A_2103 = arith.mulf %gather3A_2100, %get3A_2043 : vector<16xf32>
        %add3A_2104 = arith.addf %add3A_1994, %mul3A_2103 : vector<16xf32>
        %mul3A_2105 = arith.mulf %gather3A_2100, %get3A_2047 : vector<16xf32>
        %add3A_2106 = arith.addf %add3A_1996, %mul3A_2105 : vector<16xf32>
        %mul3A_2107 = arith.mulf %gather3A_2100, %get3A_2051 : vector<16xf32>
        %add3A_2108 = arith.addf %add3A_1998, %mul3A_2107 : vector<16xf32>
        %reshape3A_2109 = vector.shape_cast %broadcast_in_dim3A_2053 : vector<16xi32> to vector<16x1xi32>
        %gather3A_2110 = vector.shape_cast %reshape3A_2109 : vector<16x1xi32> to vector<16xi32>
        %gather3A_2111 = tpu.dynamic_gather %get3A_589[%gather3A_2110] in [0] : vector<16xf32>, vector<16xi32> -> vector<16xf32>
        %mul3A_2112 = arith.mulf %gather3A_2111, %get3A_2039 : vector<16xf32>
        %add3A_2113 = arith.addf %add3A_2003, %mul3A_2112 : vector<16xf32>
        %mul3A_2114 = arith.mulf %gather3A_2111, %get3A_2043 : vector<16xf32>
        %add3A_2115 = arith.addf %add3A_2005, %mul3A_2114 : vector<16xf32>
        %mul3A_2116 = arith.mulf %gather3A_2111, %get3A_2047 : vector<16xf32>
        %add3A_2117 = arith.addf %add3A_2007, %mul3A_2116 : vector<16xf32>
        %mul3A_2118 = arith.mulf %gather3A_2111, %get3A_2051 : vector<16xf32>
        %add3A_2119 = arith.addf %add3A_2009, %mul3A_2118 : vector<16xf32>
        %reshape3A_2120 = vector.shape_cast %broadcast_in_dim3A_2053 : vector<16xi32> to vector<16x1xi32>
        %gather3A_2121 = vector.shape_cast %reshape3A_2120 : vector<16x1xi32> to vector<16xi32>
        %gather3A_2122 = tpu.dynamic_gather %get3A_596[%gather3A_2121] in [0] : vector<16xf32>, vector<16xi32> -> vector<16xf32>
        %mul3A_2123 = arith.mulf %gather3A_2122, %get3A_2039 : vector<16xf32>
        %add3A_2124 = arith.addf %add3A_2014, %mul3A_2123 : vector<16xf32>
        %mul3A_2125 = arith.mulf %gather3A_2122, %get3A_2043 : vector<16xf32>
        %add3A_2126 = arith.addf %add3A_2016, %mul3A_2125 : vector<16xf32>
        %mul3A_2127 = arith.mulf %gather3A_2122, %get3A_2047 : vector<16xf32>
        %add3A_2128 = arith.addf %add3A_2018, %mul3A_2127 : vector<16xf32>
        %mul3A_2129 = arith.mulf %gather3A_2122, %get3A_2051 : vector<16xf32>
        %add3A_2130 = arith.addf %add3A_2020, %mul3A_2129 : vector<16xf32>
        %reshape3A_2131 = vector.shape_cast %broadcast_in_dim3A_2053 : vector<16xi32> to vector<16x1xi32>
        %gather3A_2132 = vector.shape_cast %reshape3A_2131 : vector<16x1xi32> to vector<16xi32>
        %gather3A_2133 = tpu.dynamic_gather %get3A_603[%gather3A_2132] in [0] : vector<16xf32>, vector<16xi32> -> vector<16xf32>
        %mul3A_2134 = arith.mulf %gather3A_2133, %get3A_2039 : vector<16xf32>
        %add3A_2135 = arith.addf %add3A_2025, %mul3A_2134 : vector<16xf32>
        %mul3A_2136 = arith.mulf %gather3A_2133, %get3A_2043 : vector<16xf32>
        %add3A_2137 = arith.addf %add3A_2027, %mul3A_2136 : vector<16xf32>
        %mul3A_2138 = arith.mulf %gather3A_2133, %get3A_2047 : vector<16xf32>
        %add3A_2139 = arith.addf %add3A_2029, %mul3A_2138 : vector<16xf32>
        %mul3A_2140 = arith.mulf %gather3A_2133, %get3A_2051 : vector<16xf32>
        %add3A_2141 = arith.addf %add3A_2031, %mul3A_2140 : vector<16xf32>
        %mul3A_2142 = arith.constant 8 : i32
        %mul3A_2143 = arith.muli %scan3A_514, %mul3A_2142 : i32
        %add3A_2144 = arith.constant 7 : i32
        %add3A_2145 = arith.addi %mul3A_2143, %add3A_2144 : i32
        %get3A_2146 = arith.index_cast %add3A_2145 : i32 to index
        %get3A_2147 = arith.constant 0 : index
        %get3A_2148 = tpu.vector_load %arg5[%get3A_2146, %get3A_2147] {strides = array<i32>} : memref<512x128xf32, #tpu.memory_space<vmem>>, vector<1x16xf32>,
        %get3A_2149 = vector.shape_cast %get3A_2148 : vector<1x16xf32> to vector<16xf32>
        %get3A_2150 = arith.index_cast %add3A_2145 : i32 to index
        %get3A_2151 = arith.constant 16 : index
        %get3A_2152 = tpu.vector_load %arg5[%get3A_2150, %get3A_2151] {strides = array<i32>} : memref<512x128xf32, #tpu.memory_space<vmem>>, vector<1x16xf32>,
        %get3A_2153 = vector.shape_cast %get3A_2152 : vector<1x16xf32> to vector<16xf32>
        %get3A_2154 = arith.index_cast %add3A_2145 : i32 to index
        %get3A_2155 = arith.constant 32 : index
        %get3A_2156 = tpu.vector_load %arg5[%get3A_2154, %get3A_2155] {strides = array<i32>} : memref<512x128xf32, #tpu.memory_space<vmem>>, vector<1x16xf32>,
        %get3A_2157 = vector.shape_cast %get3A_2156 : vector<1x16xf32> to vector<16xf32>
        %get3A_2158 = arith.index_cast %add3A_2145 : i32 to index
        %get3A_2159 = arith.constant 48 : index
        %get3A_2160 = tpu.vector_load %arg5[%get3A_2158, %get3A_2159] {strides = array<i32>} : memref<512x128xf32, #tpu.memory_space<vmem>>, vector<1x16xf32>,
        %get3A_2161 = vector.shape_cast %get3A_2160 : vector<1x16xf32> to vector<16xf32>
        %broadcast_in_dim3A_2162 = arith.constant 14 : i32
        %broadcast_in_dim3A_2163 = vector.broadcast %broadcast_in_dim3A_2162 : i32 to vector<16xi32>
        %reshape3A_2164 = vector.shape_cast %broadcast_in_dim3A_2163 : vector<16xi32> to vector<16x1xi32>
        %gather3A_2165 = vector.shape_cast %reshape3A_2164 : vector<16x1xi32> to vector<16xi32>
        %gather3A_2166 = tpu.dynamic_gather %get3A_554[%gather3A_2165] in [0] : vector<16xf32>, vector<16xi32> -> vector<16xf32>
        %mul3A_2167 = arith.mulf %gather3A_2166, %get3A_2149 : vector<16xf32>
        %add3A_2168 = arith.addf %add3A_2058, %mul3A_2167 : vector<16xf32>
        %mul3A_2169 = arith.mulf %gather3A_2166, %get3A_2153 : vector<16xf32>
        %add3A_2170 = arith.addf %add3A_2060, %mul3A_2169 : vector<16xf32>
        %mul3A_2171 = arith.mulf %gather3A_2166, %get3A_2157 : vector<16xf32>
        %add3A_2172 = arith.addf %add3A_2062, %mul3A_2171 : vector<16xf32>
        %mul3A_2173 = arith.mulf %gather3A_2166, %get3A_2161 : vector<16xf32>
        %add3A_2174 = arith.addf %add3A_2064, %mul3A_2173 : vector<16xf32>
        %reshape3A_2175 = vector.shape_cast %broadcast_in_dim3A_2163 : vector<16xi32> to vector<16x1xi32>
        %gather3A_2176 = vector.shape_cast %reshape3A_2175 : vector<16x1xi32> to vector<16xi32>
        %gather3A_2177 = tpu.dynamic_gather %get3A_561[%gather3A_2176] in [0] : vector<16xf32>, vector<16xi32> -> vector<16xf32>
        %mul3A_2178 = arith.mulf %gather3A_2177, %get3A_2149 : vector<16xf32>
        %add3A_2179 = arith.addf %add3A_2069, %mul3A_2178 : vector<16xf32>
        %mul3A_2180 = arith.mulf %gather3A_2177, %get3A_2153 : vector<16xf32>
        %add3A_2181 = arith.addf %add3A_2071, %mul3A_2180 : vector<16xf32>
        %mul3A_2182 = arith.mulf %gather3A_2177, %get3A_2157 : vector<16xf32>
        %add3A_2183 = arith.addf %add3A_2073, %mul3A_2182 : vector<16xf32>
        %mul3A_2184 = arith.mulf %gather3A_2177, %get3A_2161 : vector<16xf32>
        %add3A_2185 = arith.addf %add3A_2075, %mul3A_2184 : vector<16xf32>
        %reshape3A_2186 = vector.shape_cast %broadcast_in_dim3A_2163 : vector<16xi32> to vector<16x1xi32>
        %gather3A_2187 = vector.shape_cast %reshape3A_2186 : vector<16x1xi32> to vector<16xi32>
        %gather3A_2188 = tpu.dynamic_gather %get3A_568[%gather3A_2187] in [0] : vector<16xf32>, vector<16xi32> -> vector<16xf32>
        %mul3A_2189 = arith.mulf %gather3A_2188, %get3A_2149 : vector<16xf32>
        %add3A_2190 = arith.addf %add3A_2080, %mul3A_2189 : vector<16xf32>
        %mul3A_2191 = arith.mulf %gather3A_2188, %get3A_2153 : vector<16xf32>
        %add3A_2192 = arith.addf %add3A_2082, %mul3A_2191 : vector<16xf32>
        %mul3A_2193 = arith.mulf %gather3A_2188, %get3A_2157 : vector<16xf32>
        %add3A_2194 = arith.addf %add3A_2084, %mul3A_2193 : vector<16xf32>
        %mul3A_2195 = arith.mulf %gather3A_2188, %get3A_2161 : vector<16xf32>
        %add3A_2196 = arith.addf %add3A_2086, %mul3A_2195 : vector<16xf32>
        %reshape3A_2197 = vector.shape_cast %broadcast_in_dim3A_2163 : vector<16xi32> to vector<16x1xi32>
        %gather3A_2198 = vector.shape_cast %reshape3A_2197 : vector<16x1xi32> to vector<16xi32>
        %gather3A_2199 = tpu.dynamic_gather %get3A_575[%gather3A_2198] in [0] : vector<16xf32>, vector<16xi32> -> vector<16xf32>
        %mul3A_2200 = arith.mulf %gather3A_2199, %get3A_2149 : vector<16xf32>
        %add3A_2201 = arith.addf %add3A_2091, %mul3A_2200 : vector<16xf32>
        %mul3A_2202 = arith.mulf %gather3A_2199, %get3A_2153 : vector<16xf32>
        %add3A_2203 = arith.addf %add3A_2093, %mul3A_2202 : vector<16xf32>
        %mul3A_2204 = arith.mulf %gather3A_2199, %get3A_2157 : vector<16xf32>
        %add3A_2205 = arith.addf %add3A_2095, %mul3A_2204 : vector<16xf32>
        %mul3A_2206 = arith.mulf %gather3A_2199, %get3A_2161 : vector<16xf32>
        %add3A_2207 = arith.addf %add3A_2097, %mul3A_2206 : vector<16xf32>
        %reshape3A_2208 = vector.shape_cast %broadcast_in_dim3A_2163 : vector<16xi32> to vector<16x1xi32>
        %gather3A_2209 = vector.shape_cast %reshape3A_2208 : vector<16x1xi32> to vector<16xi32>
        %gather3A_2210 = tpu.dynamic_gather %get3A_582[%gather3A_2209] in [0] : vector<16xf32>, vector<16xi32> -> vector<16xf32>
        %mul3A_2211 = arith.mulf %gather3A_2210, %get3A_2149 : vector<16xf32>
        %add3A_2212 = arith.addf %add3A_2102, %mul3A_2211 : vector<16xf32>
        %mul3A_2213 = arith.mulf %gather3A_2210, %get3A_2153 : vector<16xf32>
        %add3A_2214 = arith.addf %add3A_2104, %mul3A_2213 : vector<16xf32>
        %mul3A_2215 = arith.mulf %gather3A_2210, %get3A_2157 : vector<16xf32>
        %add3A_2216 = arith.addf %add3A_2106, %mul3A_2215 : vector<16xf32>
        %mul3A_2217 = arith.mulf %gather3A_2210, %get3A_2161 : vector<16xf32>
        %add3A_2218 = arith.addf %add3A_2108, %mul3A_2217 : vector<16xf32>
        %reshape3A_2219 = vector.shape_cast %broadcast_in_dim3A_2163 : vector<16xi32> to vector<16x1xi32>
        %gather3A_2220 = vector.shape_cast %reshape3A_2219 : vector<16x1xi32> to vector<16xi32>
        %gather3A_2221 = tpu.dynamic_gather %get3A_589[%gather3A_2220] in [0] : vector<16xf32>, vector<16xi32> -> vector<16xf32>
        %mul3A_2222 = arith.mulf %gather3A_2221, %get3A_2149 : vector<16xf32>
        %add3A_2223 = arith.addf %add3A_2113, %mul3A_2222 : vector<16xf32>
        %mul3A_2224 = arith.mulf %gather3A_2221, %get3A_2153 : vector<16xf32>
        %add3A_2225 = arith.addf %add3A_2115, %mul3A_2224 : vector<16xf32>
        %mul3A_2226 = arith.mulf %gather3A_2221, %get3A_2157 : vector<16xf32>
        %add3A_2227 = arith.addf %add3A_2117, %mul3A_2226 : vector<16xf32>
        %mul3A_2228 = arith.mulf %gather3A_2221, %get3A_2161 : vector<16xf32>
        %add3A_2229 = arith.addf %add3A_2119, %mul3A_2228 : vector<16xf32>
        %reshape3A_2230 = vector.shape_cast %broadcast_in_dim3A_2163 : vector<16xi32> to vector<16x1xi32>
        %gather3A_2231 = vector.shape_cast %reshape3A_2230 : vector<16x1xi32> to vector<16xi32>
        %gather3A_2232 = tpu.dynamic_gather %get3A_596[%gather3A_2231] in [0] : vector<16xf32>, vector<16xi32> -> vector<16xf32>
        %mul3A_2233 = arith.mulf %gather3A_2232, %get3A_2149 : vector<16xf32>
        %add3A_2234 = arith.addf %add3A_2124, %mul3A_2233 : vector<16xf32>
        %mul3A_2235 = arith.mulf %gather3A_2232, %get3A_2153 : vector<16xf32>
        %add3A_2236 = arith.addf %add3A_2126, %mul3A_2235 : vector<16xf32>
        %mul3A_2237 = arith.mulf %gather3A_2232, %get3A_2157 : vector<16xf32>
        %add3A_2238 = arith.addf %add3A_2128, %mul3A_2237 : vector<16xf32>
        %mul3A_2239 = arith.mulf %gather3A_2232, %get3A_2161 : vector<16xf32>
        %add3A_2240 = arith.addf %add3A_2130, %mul3A_2239 : vector<16xf32>
        %reshape3A_2241 = vector.shape_cast %broadcast_in_dim3A_2163 : vector<16xi32> to vector<16x1xi32>
        %gather3A_2242 = vector.shape_cast %reshape3A_2241 : vector<16x1xi32> to vector<16xi32>
        %gather3A_2243 = tpu.dynamic_gather %get3A_603[%gather3A_2242] in [0] : vector<16xf32>, vector<16xi32> -> vector<16xf32>
        %mul3A_2244 = arith.mulf %gather3A_2243, %get3A_2149 : vector<16xf32>
        %add3A_2245 = arith.addf %add3A_2135, %mul3A_2244 : vector<16xf32>
        %mul3A_2246 = arith.mulf %gather3A_2243, %get3A_2153 : vector<16xf32>
        %add3A_2247 = arith.addf %add3A_2137, %mul3A_2246 : vector<16xf32>
        %mul3A_2248 = arith.mulf %gather3A_2243, %get3A_2157 : vector<16xf32>
        %add3A_2249 = arith.addf %add3A_2139, %mul3A_2248 : vector<16xf32>
        %mul3A_2250 = arith.mulf %gather3A_2243, %get3A_2161 : vector<16xf32>
        %add3A_2251 = arith.addf %add3A_2141, %mul3A_2250 : vector<16xf32>
        %mul3A_2252 = arith.constant 8 : i32
        %mul3A_2253 = arith.muli %scan3A_514, %mul3A_2252 : i32
        %add3A_2254 = arith.constant 7 : i32
        %add3A_2255 = arith.addi %mul3A_2253, %add3A_2254 : i32
        %get3A_2256 = arith.index_cast %add3A_2255 : i32 to index
        %get3A_2257 = arith.constant 64 : index
        %get3A_2258 = tpu.vector_load %arg5[%get3A_2256, %get3A_2257] {strides = array<i32>} : memref<512x128xf32, #tpu.memory_space<vmem>>, vector<1x16xf32>,
        %get3A_2259 = vector.shape_cast %get3A_2258 : vector<1x16xf32> to vector<16xf32>
        %get3A_2260 = arith.index_cast %add3A_2255 : i32 to index
        %get3A_2261 = arith.constant 80 : index
        %get3A_2262 = tpu.vector_load %arg5[%get3A_2260, %get3A_2261] {strides = array<i32>} : memref<512x128xf32, #tpu.memory_space<vmem>>, vector<1x16xf32>,
        %get3A_2263 = vector.shape_cast %get3A_2262 : vector<1x16xf32> to vector<16xf32>
        %get3A_2264 = arith.index_cast %add3A_2255 : i32 to index
        %get3A_2265 = arith.constant 96 : index
        %get3A_2266 = tpu.vector_load %arg5[%get3A_2264, %get3A_2265] {strides = array<i32>} : memref<512x128xf32, #tpu.memory_space<vmem>>, vector<1x16xf32>,
        %get3A_2267 = vector.shape_cast %get3A_2266 : vector<1x16xf32> to vector<16xf32>
        %get3A_2268 = arith.index_cast %add3A_2255 : i32 to index
        %get3A_2269 = arith.constant 112 : index
        %get3A_2270 = tpu.vector_load %arg5[%get3A_2268, %get3A_2269] {strides = array<i32>} : memref<512x128xf32, #tpu.memory_space<vmem>>, vector<1x16xf32>,
        %get3A_2271 = vector.shape_cast %get3A_2270 : vector<1x16xf32> to vector<16xf32>
        %broadcast_in_dim3A_2272 = arith.constant 15 : i32
        %broadcast_in_dim3A_2273 = vector.broadcast %broadcast_in_dim3A_2272 : i32 to vector<16xi32>
        %reshape3A_2274 = vector.shape_cast %broadcast_in_dim3A_2273 : vector<16xi32> to vector<16x1xi32>
        %gather3A_2275 = vector.shape_cast %reshape3A_2274 : vector<16x1xi32> to vector<16xi32>
        %gather3A_2276 = tpu.dynamic_gather %get3A_554[%gather3A_2275] in [0] : vector<16xf32>, vector<16xi32> -> vector<16xf32>
        %mul3A_2277 = arith.mulf %gather3A_2276, %get3A_2259 : vector<16xf32>
        %add3A_2278 = arith.addf %add3A_2168, %mul3A_2277 : vector<16xf32>
        %mul3A_2279 = arith.mulf %gather3A_2276, %get3A_2263 : vector<16xf32>
        %add3A_2280 = arith.addf %add3A_2170, %mul3A_2279 : vector<16xf32>
        %mul3A_2281 = arith.mulf %gather3A_2276, %get3A_2267 : vector<16xf32>
        %add3A_2282 = arith.addf %add3A_2172, %mul3A_2281 : vector<16xf32>
        %mul3A_2283 = arith.mulf %gather3A_2276, %get3A_2271 : vector<16xf32>
        %add3A_2284 = arith.addf %add3A_2174, %mul3A_2283 : vector<16xf32>
        %reshape3A_2285 = vector.shape_cast %broadcast_in_dim3A_2273 : vector<16xi32> to vector<16x1xi32>
        %gather3A_2286 = vector.shape_cast %reshape3A_2285 : vector<16x1xi32> to vector<16xi32>
        %gather3A_2287 = tpu.dynamic_gather %get3A_561[%gather3A_2286] in [0] : vector<16xf32>, vector<16xi32> -> vector<16xf32>
        %mul3A_2288 = arith.mulf %gather3A_2287, %get3A_2259 : vector<16xf32>
        %add3A_2289 = arith.addf %add3A_2179, %mul3A_2288 : vector<16xf32>
        %mul3A_2290 = arith.mulf %gather3A_2287, %get3A_2263 : vector<16xf32>
        %add3A_2291 = arith.addf %add3A_2181, %mul3A_2290 : vector<16xf32>
        %mul3A_2292 = arith.mulf %gather3A_2287, %get3A_2267 : vector<16xf32>
        %add3A_2293 = arith.addf %add3A_2183, %mul3A_2292 : vector<16xf32>
        %mul3A_2294 = arith.mulf %gather3A_2287, %get3A_2271 : vector<16xf32>
        %add3A_2295 = arith.addf %add3A_2185, %mul3A_2294 : vector<16xf32>
        %reshape3A_2296 = vector.shape_cast %broadcast_in_dim3A_2273 : vector<16xi32> to vector<16x1xi32>
        %gather3A_2297 = vector.shape_cast %reshape3A_2296 : vector<16x1xi32> to vector<16xi32>
        %gather3A_2298 = tpu.dynamic_gather %get3A_568[%gather3A_2297] in [0] : vector<16xf32>, vector<16xi32> -> vector<16xf32>
        %mul3A_2299 = arith.mulf %gather3A_2298, %get3A_2259 : vector<16xf32>
        %add3A_2300 = arith.addf %add3A_2190, %mul3A_2299 : vector<16xf32>
        %mul3A_2301 = arith.mulf %gather3A_2298, %get3A_2263 : vector<16xf32>
        %add3A_2302 = arith.addf %add3A_2192, %mul3A_2301 : vector<16xf32>
        %mul3A_2303 = arith.mulf %gather3A_2298, %get3A_2267 : vector<16xf32>
        %add3A_2304 = arith.addf %add3A_2194, %mul3A_2303 : vector<16xf32>
        %mul3A_2305 = arith.mulf %gather3A_2298, %get3A_2271 : vector<16xf32>
        %add3A_2306 = arith.addf %add3A_2196, %mul3A_2305 : vector<16xf32>
        %reshape3A_2307 = vector.shape_cast %broadcast_in_dim3A_2273 : vector<16xi32> to vector<16x1xi32>
        %gather3A_2308 = vector.shape_cast %reshape3A_2307 : vector<16x1xi32> to vector<16xi32>
        %gather3A_2309 = tpu.dynamic_gather %get3A_575[%gather3A_2308] in [0] : vector<16xf32>, vector<16xi32> -> vector<16xf32>
        %mul3A_2310 = arith.mulf %gather3A_2309, %get3A_2259 : vector<16xf32>
        %add3A_2311 = arith.addf %add3A_2201, %mul3A_2310 : vector<16xf32>
        %mul3A_2312 = arith.mulf %gather3A_2309, %get3A_2263 : vector<16xf32>
        %add3A_2313 = arith.addf %add3A_2203, %mul3A_2312 : vector<16xf32>
        %mul3A_2314 = arith.mulf %gather3A_2309, %get3A_2267 : vector<16xf32>
        %add3A_2315 = arith.addf %add3A_2205, %mul3A_2314 : vector<16xf32>
        %mul3A_2316 = arith.mulf %gather3A_2309, %get3A_2271 : vector<16xf32>
        %add3A_2317 = arith.addf %add3A_2207, %mul3A_2316 : vector<16xf32>
        %reshape3A_2318 = vector.shape_cast %broadcast_in_dim3A_2273 : vector<16xi32> to vector<16x1xi32>
        %gather3A_2319 = vector.shape_cast %reshape3A_2318 : vector<16x1xi32> to vector<16xi32>
        %gather3A_2320 = tpu.dynamic_gather %get3A_582[%gather3A_2319] in [0] : vector<16xf32>, vector<16xi32> -> vector<16xf32>
        %mul3A_2321 = arith.mulf %gather3A_2320, %get3A_2259 : vector<16xf32>
        %add3A_2322 = arith.addf %add3A_2212, %mul3A_2321 : vector<16xf32>
        %mul3A_2323 = arith.mulf %gather3A_2320, %get3A_2263 : vector<16xf32>
        %add3A_2324 = arith.addf %add3A_2214, %mul3A_2323 : vector<16xf32>
        %mul3A_2325 = arith.mulf %gather3A_2320, %get3A_2267 : vector<16xf32>
        %add3A_2326 = arith.addf %add3A_2216, %mul3A_2325 : vector<16xf32>
        %mul3A_2327 = arith.mulf %gather3A_2320, %get3A_2271 : vector<16xf32>
        %add3A_2328 = arith.addf %add3A_2218, %mul3A_2327 : vector<16xf32>
        %reshape3A_2329 = vector.shape_cast %broadcast_in_dim3A_2273 : vector<16xi32> to vector<16x1xi32>
        %gather3A_2330 = vector.shape_cast %reshape3A_2329 : vector<16x1xi32> to vector<16xi32>
        %gather3A_2331 = tpu.dynamic_gather %get3A_589[%gather3A_2330] in [0] : vector<16xf32>, vector<16xi32> -> vector<16xf32>
        %mul3A_2332 = arith.mulf %gather3A_2331, %get3A_2259 : vector<16xf32>
        %add3A_2333 = arith.addf %add3A_2223, %mul3A_2332 : vector<16xf32>
        %mul3A_2334 = arith.mulf %gather3A_2331, %get3A_2263 : vector<16xf32>
        %add3A_2335 = arith.addf %add3A_2225, %mul3A_2334 : vector<16xf32>
        %mul3A_2336 = arith.mulf %gather3A_2331, %get3A_2267 : vector<16xf32>
        %add3A_2337 = arith.addf %add3A_2227, %mul3A_2336 : vector<16xf32>
        %mul3A_2338 = arith.mulf %gather3A_2331, %get3A_2271 : vector<16xf32>
        %add3A_2339 = arith.addf %add3A_2229, %mul3A_2338 : vector<16xf32>
        %reshape3A_2340 = vector.shape_cast %broadcast_in_dim3A_2273 : vector<16xi32> to vector<16x1xi32>
        %gather3A_2341 = vector.shape_cast %reshape3A_2340 : vector<16x1xi32> to vector<16xi32>
        %gather3A_2342 = tpu.dynamic_gather %get3A_596[%gather3A_2341] in [0] : vector<16xf32>, vector<16xi32> -> vector<16xf32>
        %mul3A_2343 = arith.mulf %gather3A_2342, %get3A_2259 : vector<16xf32>
        %add3A_2344 = arith.addf %add3A_2234, %mul3A_2343 : vector<16xf32>
        %mul3A_2345 = arith.mulf %gather3A_2342, %get3A_2263 : vector<16xf32>
        %add3A_2346 = arith.addf %add3A_2236, %mul3A_2345 : vector<16xf32>
        %mul3A_2347 = arith.mulf %gather3A_2342, %get3A_2267 : vector<16xf32>
        %add3A_2348 = arith.addf %add3A_2238, %mul3A_2347 : vector<16xf32>
        %mul3A_2349 = arith.mulf %gather3A_2342, %get3A_2271 : vector<16xf32>
        %add3A_2350 = arith.addf %add3A_2240, %mul3A_2349 : vector<16xf32>
        %reshape3A_2351 = vector.shape_cast %broadcast_in_dim3A_2273 : vector<16xi32> to vector<16x1xi32>
        %gather3A_2352 = vector.shape_cast %reshape3A_2351 : vector<16x1xi32> to vector<16xi32>
        %gather3A_2353 = tpu.dynamic_gather %get3A_603[%gather3A_2352] in [0] : vector<16xf32>, vector<16xi32> -> vector<16xf32>
        %mul3A_2354 = arith.mulf %gather3A_2353, %get3A_2259 : vector<16xf32>
        %add3A_2355 = arith.addf %add3A_2245, %mul3A_2354 : vector<16xf32>
        %mul3A_2356 = arith.mulf %gather3A_2353, %get3A_2263 : vector<16xf32>
        %add3A_2357 = arith.addf %add3A_2247, %mul3A_2356 : vector<16xf32>
        %mul3A_2358 = arith.mulf %gather3A_2353, %get3A_2267 : vector<16xf32>
        %add3A_2359 = arith.addf %add3A_2249, %mul3A_2358 : vector<16xf32>
        %mul3A_2360 = arith.mulf %gather3A_2353, %get3A_2271 : vector<16xf32>
        %add3A_2361 = arith.addf %add3A_2251, %mul3A_2360 : vector<16xf32>
        scf.yield %add3A_2278, %add3A_2280, %add3A_2282, %add3A_2284, %add3A_2289, %add3A_2291, %add3A_2293, %add3A_2295, %add3A_2300, %add3A_2302, %add3A_2304, %add3A_2306, %add3A_2311, %add3A_2313, %add3A_2315, %add3A_2317, %add3A_2322, %add3A_2324, %add3A_2326, %add3A_2328, %add3A_2333, %add3A_2335, %add3A_2337, %add3A_2339, %add3A_2344, %add3A_2346, %add3A_2348, %add3A_2350, %add3A_2355, %add3A_2357, %add3A_2359, %add3A_2361 : vector<16xf32>, vector<16xf32>, vector<16xf32>, vector<16xf32>, vector<16xf32>, vector<16xf32>, vector<16xf32>, vector<16xf32>, vector<16xf32>, vector<16xf32>, vector<16xf32>, vector<16xf32>, vector<16xf32>, vector<16xf32>, vector<16xf32>, vector<16xf32>, vector<16xf32>, vector<16xf32>, vector<16xf32>, vector<16xf32>, vector<16xf32>, vector<16xf32>, vector<16xf32>, vector<16xf32>, vector<16xf32>, vector<16xf32>, vector<16xf32>, vector<16xf32>, vector<16xf32>, vector<16xf32>, vector<16xf32>, vector<16xf32>
      }
      %scan3A_318 = arith.constant 64 : i32
      %swap3A_319 = arith.constant 0 : i32
      %swap3A_320 = arith.index_cast %swap3A_319 : i32 to index
      %swap3A_321 = arith.constant 0 : index
      %swap3A_322 = tpu.vector_load %arg7[%swap3A_320, %swap3A_321] {strides = array<i32>} : memref<8x64xf32, #tpu.memory_space<vmem>>, vector<1x16xf32>,
      %swap3A_323 = vector.shape_cast %swap3A_322 : vector<1x16xf32> to vector<16xf32>
      %swap3A_324 = vector.shape_cast %scan3A_317#0 : vector<16xf32> to vector<1x16xf32>
      tpu.vector_store %arg7[%swap3A_320, %swap3A_321], %swap3A_324 {strides = array<i32>} : memref<8x64xf32, #tpu.memory_space<vmem>>, vector<1x16xf32>,
      %swap3A_325 = arith.constant 0 : i32
      %swap3A_326 = arith.index_cast %swap3A_325 : i32 to index
      %swap3A_327 = arith.constant 16 : index
      %swap3A_328 = tpu.vector_load %arg7[%swap3A_326, %swap3A_327] {strides = array<i32>} : memref<8x64xf32, #tpu.memory_space<vmem>>, vector<1x16xf32>,
      %swap3A_329 = vector.shape_cast %swap3A_328 : vector<1x16xf32> to vector<16xf32>
      %swap3A_330 = vector.shape_cast %scan3A_317#1 : vector<16xf32> to vector<1x16xf32>
      tpu.vector_store %arg7[%swap3A_326, %swap3A_327], %swap3A_330 {strides = array<i32>} : memref<8x64xf32, #tpu.memory_space<vmem>>, vector<1x16xf32>,
      %swap3A_331 = arith.constant 0 : i32
      %swap3A_332 = arith.index_cast %swap3A_331 : i32 to index
      %swap3A_333 = arith.constant 32 : index
      %swap3A_334 = tpu.vector_load %arg7[%swap3A_332, %swap3A_333] {strides = array<i32>} : memref<8x64xf32, #tpu.memory_space<vmem>>, vector<1x16xf32>,
      %swap3A_335 = vector.shape_cast %swap3A_334 : vector<1x16xf32> to vector<16xf32>
      %swap3A_336 = vector.shape_cast %scan3A_317#2 : vector<16xf32> to vector<1x16xf32>
      tpu.vector_store %arg7[%swap3A_332, %swap3A_333], %swap3A_336 {strides = array<i32>} : memref<8x64xf32, #tpu.memory_space<vmem>>, vector<1x16xf32>,
      %swap3A_337 = arith.constant 0 : i32
      %swap3A_338 = arith.index_cast %swap3A_337 : i32 to index
      %swap3A_339 = arith.constant 48 : index
      %swap3A_340 = tpu.vector_load %arg7[%swap3A_338, %swap3A_339] {strides = array<i32>} : memref<8x64xf32, #tpu.memory_space<vmem>>, vector<1x16xf32>,
      %swap3A_341 = vector.shape_cast %swap3A_340 : vector<1x16xf32> to vector<16xf32>
      %swap3A_342 = vector.shape_cast %scan3A_317#3 : vector<16xf32> to vector<1x16xf32>
      tpu.vector_store %arg7[%swap3A_338, %swap3A_339], %swap3A_342 {strides = array<i32>} : memref<8x64xf32, #tpu.memory_space<vmem>>, vector<1x16xf32>,
      %swap3A_343 = arith.constant 1 : i32
      %swap3A_344 = arith.index_cast %swap3A_343 : i32 to index
      %swap3A_345 = arith.constant 0 : index
      %swap3A_346 = tpu.vector_load %arg7[%swap3A_344, %swap3A_345] {strides = array<i32>} : memref<8x64xf32, #tpu.memory_space<vmem>>, vector<1x16xf32>,
      %swap3A_347 = vector.shape_cast %swap3A_346 : vector<1x16xf32> to vector<16xf32>
      %swap3A_348 = vector.shape_cast %scan3A_317#4 : vector<16xf32> to vector<1x16xf32>
      tpu.vector_store %arg7[%swap3A_344, %swap3A_345], %swap3A_348 {strides = array<i32>} : memref<8x64xf32, #tpu.memory_space<vmem>>, vector<1x16xf32>,
      %swap3A_349 = arith.constant 1 : i32
      %swap3A_350 = arith.index_cast %swap3A_349 : i32 to index
      %swap3A_351 = arith.constant 16 : index
      %swap3A_352 = tpu.vector_load %arg7[%swap3A_350, %swap3A_351] {strides = array<i32>} : memref<8x64xf32, #tpu.memory_space<vmem>>, vector<1x16xf32>,
      %swap3A_353 = vector.shape_cast %swap3A_352 : vector<1x16xf32> to vector<16xf32>
      %swap3A_354 = vector.shape_cast %scan3A_317#5 : vector<16xf32> to vector<1x16xf32>
      tpu.vector_store %arg7[%swap3A_350, %swap3A_351], %swap3A_354 {strides = array<i32>} : memref<8x64xf32, #tpu.memory_space<vmem>>, vector<1x16xf32>,
      %swap3A_355 = arith.constant 1 : i32
      %swap3A_356 = arith.index_cast %swap3A_355 : i32 to index
      %swap3A_357 = arith.constant 32 : index
      %swap3A_358 = tpu.vector_load %arg7[%swap3A_356, %swap3A_357] {strides = array<i32>} : memref<8x64xf32, #tpu.memory_space<vmem>>, vector<1x16xf32>,
      %swap3A_359 = vector.shape_cast %swap3A_358 : vector<1x16xf32> to vector<16xf32>
      %swap3A_360 = vector.shape_cast %scan3A_317#6 : vector<16xf32> to vector<1x16xf32>
      tpu.vector_store %arg7[%swap3A_356, %swap3A_357], %swap3A_360 {strides = array<i32>} : memref<8x64xf32, #tpu.memory_space<vmem>>, vector<1x16xf32>,
      %swap3A_361 = arith.constant 1 : i32
      %swap3A_362 = arith.index_cast %swap3A_361 : i32 to index
      %swap3A_363 = arith.constant 48 : index
      %swap3A_364 = tpu.vector_load %arg7[%swap3A_362, %swap3A_363] {strides = array<i32>} : memref<8x64xf32, #tpu.memory_space<vmem>>, vector<1x16xf32>,
      %swap3A_365 = vector.shape_cast %swap3A_364 : vector<1x16xf32> to vector<16xf32>
      %swap3A_366 = vector.shape_cast %scan3A_317#7 : vector<16xf32> to vector<1x16xf32>
      tpu.vector_store %arg7[%swap3A_362, %swap3A_363], %swap3A_366 {strides = array<i32>} : memref<8x64xf32, #tpu.memory_space<vmem>>, vector<1x16xf32>,
      %swap3A_367 = arith.constant 2 : i32
      %swap3A_368 = arith.index_cast %swap3A_367 : i32 to index
      %swap3A_369 = arith.constant 0 : index
      %swap3A_370 = tpu.vector_load %arg7[%swap3A_368, %swap3A_369] {strides = array<i32>} : memref<8x64xf32, #tpu.memory_space<vmem>>, vector<1x16xf32>,
      %swap3A_371 = vector.shape_cast %swap3A_370 : vector<1x16xf32> to vector<16xf32>
      %swap3A_372 = vector.shape_cast %scan3A_317#8 : vector<16xf32> to vector<1x16xf32>
      tpu.vector_store %arg7[%swap3A_368, %swap3A_369], %swap3A_372 {strides = array<i32>} : memref<8x64xf32, #tpu.memory_space<vmem>>, vector<1x16xf32>,
      %swap3A_373 = arith.constant 2 : i32
      %swap3A_374 = arith.index_cast %swap3A_373 : i32 to index
      %swap3A_375 = arith.constant 16 : index
      %swap3A_376 = tpu.vector_load %arg7[%swap3A_374, %swap3A_375] {strides = array<i32>} : memref<8x64xf32, #tpu.memory_space<vmem>>, vector<1x16xf32>,
      %swap3A_377 = vector.shape_cast %swap3A_376 : vector<1x16xf32> to vector<16xf32>
      %swap3A_378 = vector.shape_cast %scan3A_317#9 : vector<16xf32> to vector<1x16xf32>
      tpu.vector_store %arg7[%swap3A_374, %swap3A_375], %swap3A_378 {strides = array<i32>} : memref<8x64xf32, #tpu.memory_space<vmem>>, vector<1x16xf32>,
      %swap3A_379 = arith.constant 2 : i32
      %swap3A_380 = arith.index_cast %swap3A_379 : i32 to index
      %swap3A_381 = arith.constant 32 : index
      %swap3A_382 = tpu.vector_load %arg7[%swap3A_380, %swap3A_381] {strides = array<i32>} : memref<8x64xf32, #tpu.memory_space<vmem>>, vector<1x16xf32>,
      %swap3A_383 = vector.shape_cast %swap3A_382 : vector<1x16xf32> to vector<16xf32>
      %swap3A_384 = vector.shape_cast %scan3A_317#10 : vector<16xf32> to vector<1x16xf32>
      tpu.vector_store %arg7[%swap3A_380, %swap3A_381], %swap3A_384 {strides = array<i32>} : memref<8x64xf32, #tpu.memory_space<vmem>>, vector<1x16xf32>,
      %swap3A_385 = arith.constant 2 : i32
      %swap3A_386 = arith.index_cast %swap3A_385 : i32 to index
      %swap3A_387 = arith.constant 48 : index
      %swap3A_388 = tpu.vector_load %arg7[%swap3A_386, %swap3A_387] {strides = array<i32>} : memref<8x64xf32, #tpu.memory_space<vmem>>, vector<1x16xf32>,
      %swap3A_389 = vector.shape_cast %swap3A_388 : vector<1x16xf32> to vector<16xf32>
      %swap3A_390 = vector.shape_cast %scan3A_317#11 : vector<16xf32> to vector<1x16xf32>
      tpu.vector_store %arg7[%swap3A_386, %swap3A_387], %swap3A_390 {strides = array<i32>} : memref<8x64xf32, #tpu.memory_space<vmem>>, vector<1x16xf32>,
      %swap3A_391 = arith.constant 3 : i32
      %swap3A_392 = arith.index_cast %swap3A_391 : i32 to index
      %swap3A_393 = arith.constant 0 : index
      %swap3A_394 = tpu.vector_load %arg7[%swap3A_392, %swap3A_393] {strides = array<i32>} : memref<8x64xf32, #tpu.memory_space<vmem>>, vector<1x16xf32>,
      %swap3A_395 = vector.shape_cast %swap3A_394 : vector<1x16xf32> to vector<16xf32>
      %swap3A_396 = vector.shape_cast %scan3A_317#12 : vector<16xf32> to vector<1x16xf32>
      tpu.vector_store %arg7[%swap3A_392, %swap3A_393], %swap3A_396 {strides = array<i32>} : memref<8x64xf32, #tpu.memory_space<vmem>>, vector<1x16xf32>,
      %swap3A_397 = arith.constant 3 : i32
      %swap3A_398 = arith.index_cast %swap3A_397 : i32 to index
      %swap3A_399 = arith.constant 16 : index
      %swap3A_400 = tpu.vector_load %arg7[%swap3A_398, %swap3A_399] {strides = array<i32>} : memref<8x64xf32, #tpu.memory_space<vmem>>, vector<1x16xf32>,
      %swap3A_401 = vector.shape_cast %swap3A_400 : vector<1x16xf32> to vector<16xf32>
      %swap3A_402 = vector.shape_cast %scan3A_317#13 : vector<16xf32> to vector<1x16xf32>
      tpu.vector_store %arg7[%swap3A_398, %swap3A_399], %swap3A_402 {strides = array<i32>} : memref<8x64xf32, #tpu.memory_space<vmem>>, vector<1x16xf32>,
      %swap3A_403 = arith.constant 3 : i32
      %swap3A_404 = arith.index_cast %swap3A_403 : i32 to index
      %swap3A_405 = arith.constant 32 : index
      %swap3A_406 = tpu.vector_load %arg7[%swap3A_404, %swap3A_405] {strides = array<i32>} : memref<8x64xf32, #tpu.memory_space<vmem>>, vector<1x16xf32>,
      %swap3A_407 = vector.shape_cast %swap3A_406 : vector<1x16xf32> to vector<16xf32>
      %swap3A_408 = vector.shape_cast %scan3A_317#14 : vector<16xf32> to vector<1x16xf32>
      tpu.vector_store %arg7[%swap3A_404, %swap3A_405], %swap3A_408 {strides = array<i32>} : memref<8x64xf32, #tpu.memory_space<vmem>>, vector<1x16xf32>,
      %swap3A_409 = arith.constant 3 : i32
      %swap3A_410 = arith.index_cast %swap3A_409 : i32 to index
      %swap3A_411 = arith.constant 48 : index
      %swap3A_412 = tpu.vector_load %arg7[%swap3A_410, %swap3A_411] {strides = array<i32>} : memref<8x64xf32, #tpu.memory_space<vmem>>, vector<1x16xf32>,
      %swap3A_413 = vector.shape_cast %swap3A_412 : vector<1x16xf32> to vector<16xf32>
      %swap3A_414 = vector.shape_cast %scan3A_317#15 : vector<16xf32> to vector<1x16xf32>
      tpu.vector_store %arg7[%swap3A_410, %swap3A_411], %swap3A_414 {strides = array<i32>} : memref<8x64xf32, #tpu.memory_space<vmem>>, vector<1x16xf32>,
      %swap3A_415 = arith.constant 4 : i32
      %swap3A_416 = arith.index_cast %swap3A_415 : i32 to index
      %swap3A_417 = arith.constant 0 : index
      %swap3A_418 = tpu.vector_load %arg7[%swap3A_416, %swap3A_417] {strides = array<i32>} : memref<8x64xf32, #tpu.memory_space<vmem>>, vector<1x16xf32>,
      %swap3A_419 = vector.shape_cast %swap3A_418 : vector<1x16xf32> to vector<16xf32>
      %swap3A_420 = vector.shape_cast %scan3A_317#16 : vector<16xf32> to vector<1x16xf32>
      tpu.vector_store %arg7[%swap3A_416, %swap3A_417], %swap3A_420 {strides = array<i32>} : memref<8x64xf32, #tpu.memory_space<vmem>>, vector<1x16xf32>,
      %swap3A_421 = arith.constant 4 : i32
      %swap3A_422 = arith.index_cast %swap3A_421 : i32 to index
      %swap3A_423 = arith.constant 16 : index
      %swap3A_424 = tpu.vector_load %arg7[%swap3A_422, %swap3A_423] {strides = array<i32>} : memref<8x64xf32, #tpu.memory_space<vmem>>, vector<1x16xf32>,
      %swap3A_425 = vector.shape_cast %swap3A_424 : vector<1x16xf32> to vector<16xf32>
      %swap3A_426 = vector.shape_cast %scan3A_317#17 : vector<16xf32> to vector<1x16xf32>
      tpu.vector_store %arg7[%swap3A_422, %swap3A_423], %swap3A_426 {strides = array<i32>} : memref<8x64xf32, #tpu.memory_space<vmem>>, vector<1x16xf32>,
      %swap3A_427 = arith.constant 4 : i32
      %swap3A_428 = arith.index_cast %swap3A_427 : i32 to index
      %swap3A_429 = arith.constant 32 : index
      %swap3A_430 = tpu.vector_load %arg7[%swap3A_428, %swap3A_429] {strides = array<i32>} : memref<8x64xf32, #tpu.memory_space<vmem>>, vector<1x16xf32>,
      %swap3A_431 = vector.shape_cast %swap3A_430 : vector<1x16xf32> to vector<16xf32>
      %swap3A_432 = vector.shape_cast %scan3A_317#18 : vector<16xf32> to vector<1x16xf32>
      tpu.vector_store %arg7[%swap3A_428, %swap3A_429], %swap3A_432 {strides = array<i32>} : memref<8x64xf32, #tpu.memory_space<vmem>>, vector<1x16xf32>,
      %swap3A_433 = arith.constant 4 : i32
      %swap3A_434 = arith.index_cast %swap3A_433 : i32 to index
      %swap3A_435 = arith.constant 48 : index
      %swap3A_436 = tpu.vector_load %arg7[%swap3A_434, %swap3A_435] {strides = array<i32>} : memref<8x64xf32, #tpu.memory_space<vmem>>, vector<1x16xf32>,
      %swap3A_437 = vector.shape_cast %swap3A_436 : vector<1x16xf32> to vector<16xf32>
      %swap3A_438 = vector.shape_cast %scan3A_317#19 : vector<16xf32> to vector<1x16xf32>
      tpu.vector_store %arg7[%swap3A_434, %swap3A_435], %swap3A_438 {strides = array<i32>} : memref<8x64xf32, #tpu.memory_space<vmem>>, vector<1x16xf32>,
      %swap3A_439 = arith.constant 5 : i32
      %swap3A_440 = arith.index_cast %swap3A_439 : i32 to index
      %swap3A_441 = arith.constant 0 : index
      %swap3A_442 = tpu.vector_load %arg7[%swap3A_440, %swap3A_441] {strides = array<i32>} : memref<8x64xf32, #tpu.memory_space<vmem>>, vector<1x16xf32>,
      %swap3A_443 = vector.shape_cast %swap3A_442 : vector<1x16xf32> to vector<16xf32>
      %swap3A_444 = vector.shape_cast %scan3A_317#20 : vector<16xf32> to vector<1x16xf32>
      tpu.vector_store %arg7[%swap3A_440, %swap3A_441], %swap3A_444 {strides = array<i32>} : memref<8x64xf32, #tpu.memory_space<vmem>>, vector<1x16xf32>,
      %swap3A_445 = arith.constant 5 : i32
      %swap3A_446 = arith.index_cast %swap3A_445 : i32 to index
      %swap3A_447 = arith.constant 16 : index
      %swap3A_448 = tpu.vector_load %arg7[%swap3A_446, %swap3A_447] {strides = array<i32>} : memref<8x64xf32, #tpu.memory_space<vmem>>, vector<1x16xf32>,
      %swap3A_449 = vector.shape_cast %swap3A_448 : vector<1x16xf32> to vector<16xf32>
      %swap3A_450 = vector.shape_cast %scan3A_317#21 : vector<16xf32> to vector<1x16xf32>
      tpu.vector_store %arg7[%swap3A_446, %swap3A_447], %swap3A_450 {strides = array<i32>} : memref<8x64xf32, #tpu.memory_space<vmem>>, vector<1x16xf32>,
      %swap3A_451 = arith.constant 5 : i32
      %swap3A_452 = arith.index_cast %swap3A_451 : i32 to index
      %swap3A_453 = arith.constant 32 : index
      %swap3A_454 = tpu.vector_load %arg7[%swap3A_452, %swap3A_453] {strides = array<i32>} : memref<8x64xf32, #tpu.memory_space<vmem>>, vector<1x16xf32>,
      %swap3A_455 = vector.shape_cast %swap3A_454 : vector<1x16xf32> to vector<16xf32>
      %swap3A_456 = vector.shape_cast %scan3A_317#22 : vector<16xf32> to vector<1x16xf32>
      tpu.vector_store %arg7[%swap3A_452, %swap3A_453], %swap3A_456 {strides = array<i32>} : memref<8x64xf32, #tpu.memory_space<vmem>>, vector<1x16xf32>,
      %swap3A_457 = arith.constant 5 : i32
      %swap3A_458 = arith.index_cast %swap3A_457 : i32 to index
      %swap3A_459 = arith.constant 48 : index
      %swap3A_460 = tpu.vector_load %arg7[%swap3A_458, %swap3A_459] {strides = array<i32>} : memref<8x64xf32, #tpu.memory_space<vmem>>, vector<1x16xf32>,
      %swap3A_461 = vector.shape_cast %swap3A_460 : vector<1x16xf32> to vector<16xf32>
      %swap3A_462 = vector.shape_cast %scan3A_317#23 : vector<16xf32> to vector<1x16xf32>
      tpu.vector_store %arg7[%swap3A_458, %swap3A_459], %swap3A_462 {strides = array<i32>} : memref<8x64xf32, #tpu.memory_space<vmem>>, vector<1x16xf32>,
      %swap3A_463 = arith.constant 6 : i32
      %swap3A_464 = arith.index_cast %swap3A_463 : i32 to index
      %swap3A_465 = arith.constant 0 : index
      %swap3A_466 = tpu.vector_load %arg7[%swap3A_464, %swap3A_465] {strides = array<i32>} : memref<8x64xf32, #tpu.memory_space<vmem>>, vector<1x16xf32>,
      %swap3A_467 = vector.shape_cast %swap3A_466 : vector<1x16xf32> to vector<16xf32>
      %swap3A_468 = vector.shape_cast %scan3A_317#24 : vector<16xf32> to vector<1x16xf32>
      tpu.vector_store %arg7[%swap3A_464, %swap3A_465], %swap3A_468 {strides = array<i32>} : memref<8x64xf32, #tpu.memory_space<vmem>>, vector<1x16xf32>,
      %swap3A_469 = arith.constant 6 : i32
      %swap3A_470 = arith.index_cast %swap3A_469 : i32 to index
      %swap3A_471 = arith.constant 16 : index
      %swap3A_472 = tpu.vector_load %arg7[%swap3A_470, %swap3A_471] {strides = array<i32>} : memref<8x64xf32, #tpu.memory_space<vmem>>, vector<1x16xf32>,
      %swap3A_473 = vector.shape_cast %swap3A_472 : vector<1x16xf32> to vector<16xf32>
      %swap3A_474 = vector.shape_cast %scan3A_317#25 : vector<16xf32> to vector<1x16xf32>
      tpu.vector_store %arg7[%swap3A_470, %swap3A_471], %swap3A_474 {strides = array<i32>} : memref<8x64xf32, #tpu.memory_space<vmem>>, vector<1x16xf32>,
      %swap3A_475 = arith.constant 6 : i32
      %swap3A_476 = arith.index_cast %swap3A_475 : i32 to index
      %swap3A_477 = arith.constant 32 : index
      %swap3A_478 = tpu.vector_load %arg7[%swap3A_476, %swap3A_477] {strides = array<i32>} : memref<8x64xf32, #tpu.memory_space<vmem>>, vector<1x16xf32>,
      %swap3A_479 = vector.shape_cast %swap3A_478 : vector<1x16xf32> to vector<16xf32>
      %swap3A_480 = vector.shape_cast %scan3A_317#26 : vector<16xf32> to vector<1x16xf32>
      tpu.vector_store %arg7[%swap3A_476, %swap3A_477], %swap3A_480 {strides = array<i32>} : memref<8x64xf32, #tpu.memory_space<vmem>>, vector<1x16xf32>,
      %swap3A_481 = arith.constant 6 : i32
      %swap3A_482 = arith.index_cast %swap3A_481 : i32 to index
      %swap3A_483 = arith.constant 48 : index
      %swap3A_484 = tpu.vector_load %arg7[%swap3A_482, %swap3A_483] {strides = array<i32>} : memref<8x64xf32, #tpu.memory_space<vmem>>, vector<1x16xf32>,
      %swap3A_485 = vector.shape_cast %swap3A_484 : vector<1x16xf32> to vector<16xf32>
      %swap3A_486 = vector.shape_cast %scan3A_317#27 : vector<16xf32> to vector<1x16xf32>
      tpu.vector_store %arg7[%swap3A_482, %swap3A_483], %swap3A_486 {strides = array<i32>} : memref<8x64xf32, #tpu.memory_space<vmem>>, vector<1x16xf32>,
      %swap3A_487 = arith.constant 7 : i32
      %swap3A_488 = arith.index_cast %swap3A_487 : i32 to index
      %swap3A_489 = arith.constant 0 : index
      %swap3A_490 = tpu.vector_load %arg7[%swap3A_488, %swap3A_489] {strides = array<i32>} : memref<8x64xf32, #tpu.memory_space<vmem>>, vector<1x16xf32>,
      %swap3A_491 = vector.shape_cast %swap3A_490 : vector<1x16xf32> to vector<16xf32>
      %swap3A_492 = vector.shape_cast %scan3A_317#28 : vector<16xf32> to vector<1x16xf32>
      tpu.vector_store %arg7[%swap3A_488, %swap3A_489], %swap3A_492 {strides = array<i32>} : memref<8x64xf32, #tpu.memory_space<vmem>>, vector<1x16xf32>,
      %swap3A_493 = arith.constant 7 : i32
      %swap3A_494 = arith.index_cast %swap3A_493 : i32 to index
      %swap3A_495 = arith.constant 16 : index
      %swap3A_496 = tpu.vector_load %arg7[%swap3A_494, %swap3A_495] {strides = array<i32>} : memref<8x64xf32, #tpu.memory_space<vmem>>, vector<1x16xf32>,
      %swap3A_497 = vector.shape_cast %swap3A_496 : vector<1x16xf32> to vector<16xf32>
      %swap3A_498 = vector.shape_cast %scan3A_317#29 : vector<16xf32> to vector<1x16xf32>
      tpu.vector_store %arg7[%swap3A_494, %swap3A_495], %swap3A_498 {strides = array<i32>} : memref<8x64xf32, #tpu.memory_space<vmem>>, vector<1x16xf32>,
      %swap3A_499 = arith.constant 7 : i32
      %swap3A_500 = arith.index_cast %swap3A_499 : i32 to index
      %swap3A_501 = arith.constant 32 : index
      %swap3A_502 = tpu.vector_load %arg7[%swap3A_500, %swap3A_501] {strides = array<i32>} : memref<8x64xf32, #tpu.memory_space<vmem>>, vector<1x16xf32>,
      %swap3A_503 = vector.shape_cast %swap3A_502 : vector<1x16xf32> to vector<16xf32>
      %swap3A_504 = vector.shape_cast %scan3A_317#30 : vector<16xf32> to vector<1x16xf32>
      tpu.vector_store %arg7[%swap3A_500, %swap3A_501], %swap3A_504 {strides = array<i32>} : memref<8x64xf32, #tpu.memory_space<vmem>>, vector<1x16xf32>,
      %swap3A_505 = arith.constant 7 : i32
      %swap3A_506 = arith.index_cast %swap3A_505 : i32 to index
      %swap3A_507 = arith.constant 48 : index
      %swap3A_508 = tpu.vector_load %arg7[%swap3A_506, %swap3A_507] {strides = array<i32>} : memref<8x64xf32, #tpu.memory_space<vmem>>, vector<1x16xf32>,
      %swap3A_509 = vector.shape_cast %swap3A_508 : vector<1x16xf32> to vector<16xf32>
      %swap3A_510 = vector.shape_cast %scan3A_317#31 : vector<16xf32> to vector<1x16xf32>
      tpu.vector_store %arg7[%swap3A_506, %swap3A_507], %swap3A_510 {strides = array<i32>} : memref<8x64xf32, #tpu.memory_space<vmem>>, vector<1x16xf32>,
      %mul3A_511 = arith.constant 8 : i32
      %mul3A_512 = arith.muli %add3A_286, %mul3A_511 : i32
      %add3A_513 = arith.addi %mul3A_34, %mul3A_512 : i32
      "tpu.region"() ({
        %run_scoped3A = tpu.sem_alloc : memref<!tpu.dma_semaphore, #tpu.memory_space<semaphore_mem>>
        %dma_start3A_514 = arith.constant 0 : i32
        %dma_start3A_515 = tpu.memref_slice %arg4[%select_n3A_9, %add3A_513, %dma_start3A_514] : memref<4x1024x64xf32, #tpu.memory_space<hbm>> -> memref<1x8x64xf32, #tpu.memory_space<hbm>>
        %dma_start3A_516 = tpu.memref_squeeze %dma_start3A_515 : memref<1x8x64xf32, #tpu.memory_space<hbm>> -> memref<8x64xf32, #tpu.memory_space<hbm>>
        %dma_start3A_517 = arith.constant 0 : i32
        %dma_start3A_518 = tpu.memref_slice %arg4[%select_n3A_9, %add3A_513, %dma_start3A_517] : memref<4x1024x64xf32, #tpu.memory_space<hbm>> -> memref<1x8x64xf32, #tpu.memory_space<hbm>>
        %dma_start3A_519 = tpu.memref_squeeze %dma_start3A_518 : memref<1x8x64xf32, #tpu.memory_space<hbm>> -> memref<8x64xf32, #tpu.memory_space<hbm>>
        tpu.enqueue_dma source(%arg7 : memref<8x64xf32, #tpu.memory_space<vmem>>) target(%dma_start3A_519 : memref<8x64xf32, #tpu.memory_space<hbm>>) target_semaphore(%run_scoped3A : memref<!tpu.dma_semaphore, #tpu.memory_space<semaphore_mem>>)
        %dma_wait3A_520 = arith.constant 0 : i32
        %dma_wait3A_521 = tpu.memref_slice %arg4[%select_n3A_9, %add3A_513, %dma_wait3A_520] : memref<4x1024x64xf32, #tpu.memory_space<hbm>> -> memref<1x8x64xf32, #tpu.memory_space<hbm>>
        %dma_wait3A_522 = tpu.memref_squeeze %dma_wait3A_521 : memref<1x8x64xf32, #tpu.memory_space<hbm>> -> memref<8x64xf32, #tpu.memory_space<hbm>>
        %dma_wait3A_523 = arith.constant 0 : i32
        %dma_wait3A_524 = tpu.memref_slice %arg4[%select_n3A_9, %add3A_513, %dma_wait3A_523] : memref<4x1024x64xf32, #tpu.memory_space<hbm>> -> memref<1x8x64xf32, #tpu.memory_space<hbm>>
        %dma_wait3A_525 = tpu.memref_squeeze %dma_wait3A_524 : memref<1x8x64xf32, #tpu.memory_space<hbm>> -> memref<8x64xf32, #tpu.memory_space<hbm>>
        tpu.wait_dma2 semaphore(%run_scoped3A : memref<!tpu.dma_semaphore, #tpu.memory_space<semaphore_mem>>) src(%arg7 : memref<8x64xf32, #tpu.memory_space<vmem>>) dst(%dma_wait3A_525 : memref<8x64xf32, #tpu.memory_space<hbm>>)
        tpu.yield
      }) : () -> ()
    }
    %scan3A_55 = arith.constant 8 : i32
    return
  }
}

module attributes {stable_mosaic.version = 14 : i64} {
  func.func @_interp_tile(%arg0: i32, %arg1: memref<512x4096xf32, #tpu.memory_space<vmem>>, %arg2: memref<4096x64xf32, #tpu.memory_space<vmem>>, %arg3: memref<512x64xf32, #tpu.memory_space<vmem>>) attributes {dimension_semantics = [#tpu.dimension_semantics<arbitrary>], iteration_bounds = array<i64: 30>, scalar_prefetch = 0 : i64, scratch_operands = 0 : i64, tpu.core_type = #tpu.core_type<tc>, window_params = [{transform_indices = @transform_0, window_bounds = array<i64: 512, 4096>}, {pipeline_mode = #tpu.pipeline_mode<synchronous>, transform_indices = @transform_1, window_bounds = array<i64: 4096, 64>}, {transform_indices = @transform_2, window_bounds = array<i64: 512, 64>}]} {
    %get3A = arith.constant 0 : index
    %get3A_0 = arith.constant 0 : index
    %get3A_1 = vector.load %arg1[%get3A, %get3A_0] : memref<512x4096xf32, #tpu.memory_space<vmem>>, vector<512x4096xf32>
    %get3A_2 = arith.constant 0 : index
    %get3A_3 = arith.constant 0 : index
    %get3A_4 = vector.load %arg2[%get3A_2, %get3A_3] : memref<4096x64xf32, #tpu.memory_space<vmem>>, vector<4096x64xf32>
    %dot_general3A = arith.constant dense<0.000000e+00> : vector<512x64xf32>
    %dot_general3A_5 = tpu.matmul %get3A_1, %get3A_4, %dot_general3A {dimension_numbers = #tpu.dot_dimension_numbers<[1], [0], [0], [1], [0, 0, 1, 1], [], []>, transpose_lhs_hint = false} : vector<512x4096xf32>, vector<4096x64xf32>, vector<512x64xf32> -> vector<512x64xf32>
    %swap3A = arith.constant 0 : index
    %swap3A_6 = arith.constant 0 : index
    %swap3A_7 = vector.load %arg3[%swap3A, %swap3A_6] : memref<512x64xf32, #tpu.memory_space<vmem>>, vector<512x64xf32>
    tpu.vector_store %arg3[%swap3A, %swap3A_6], %dot_general3A_5 {strides = array<i32>} : memref<512x64xf32, #tpu.memory_space<vmem>>, vector<512x64xf32>,
    return
  }
  func.func @transform_0(%arg0: i32) -> (i32, i32) {
    %add3A = arith.constant 2 : i32
    %add3A_0 = arith.addi %arg0, %add3A : i32
    %c0_i32 = arith.constant 0 : i32
    %c0_i32_1 = arith.constant 0 : i32
    return %add3A_0, %c0_i32 : i32, i32
  }
  func.func @transform_1(%arg0: i32) -> (i32, i32) {
    %c0_i32 = arith.constant 0 : i32
    %c0_i32_0 = arith.constant 0 : i32
    %c0_i32_1 = arith.constant 0 : i32
    return %c0_i32, %c0_i32_0 : i32, i32
  }
  func.func @transform_2(%arg0: i32) -> (i32, i32) {
    %c0_i32 = arith.constant 0 : i32
    %c0_i32_0 = arith.constant 0 : i32
    return %arg0, %c0_i32 : i32, i32
  }
}

</mosaic_0001>

<sc_bundles>
// kernel: kernel.4.cloned.1.call-start
scs
__scs_entry_jumppad:
0x0: {  	(pc) =	sbr.rel $0x88, $3  }
0x1: {  	(tag) =	ssettag $0x0;
	lr =	simm.s32 $0x1  }
0x2: {  	[smem:$0x3F9F] =	sst lr;
	_ =	strace $0xD0000000  }
0x3: {  	_ = 	snop  }
0x4: {  	_ = 	snop  }
0x5: {  	_ = 	snop  }
0x6: {  	_ = 	snop  }
0x7: {  	_ = 	snop  }
__scs_overlays_trampoline_lowered:
0x8: {  	[smem:$0x3FAE] =	sst s0  }
0x9: {  	[smem:$0x3FAF] =	sst s1  }
0xa: {  	[smem:$0x3FB0] =	sst s2  }
0xb: {  	[smem:$0x3FB1] =	sst s3  }
0xc: {  	[smem:$0x3FB2] =	sst s4  }
0xd: {  	[smem:$0x3FB3] =	sst s5  }
0xe: {  	[smem:$0x3FB4] =	sst s6  }
0xf: {  	[smem:$0x3FB5] =	sst s7  }
0x10: {  	[smem:$0x3FB6] =	sst s8  }
0x11: {  	[smem:$0x3FB7] =	sst s9;
	s0 =	simm.s32 @!p0 $0x0  }
0x12: {  	s1 =	sld [smem:$0x3F9D];
	s0 =	simm.s32 @p0 $0x1  }
0x13: {  	[smem:$0x3FB8] =	sst s0;
	s0 =	simm.s32 @!p1 $0x0  }
0x14: {  	s2 =	sld [smem:$0x3F9C];
	s0 =	simm.s32 @p1 $0x1  }
0x15: {  	[smem:$0x3FB9] =	sst s0;
	s0 =	simm.s32 @!p2 $0x0  }
0x16: {  	s3 =	sld [smem:$0x3FDB];
	s0 =	simm.s32 @p2 $0x1  }
0x17: {  	s4 =	simm.s32 $0x1BF5;
	[smem:$0x3FBB] =	sst s0  }
0x18: {  	s0 =	sld [smem:$0x3F9E];
	_ =	swait.ge [sflag:s4], $0x0  }
0x19: {  	s7 =	sld [smem:$0x3F9F]  }
0x1a: {  	s8 =	sadd.s32 $0xFFFFE003, lr  }
0x1b: {  	s9 =	sadd.s32 $0xFFFFFEF7, lr;
	s5 =	simm.s32 $0xFFFFFFFF;
	p2 =	slt.u32 s8, $0xFFFFF086  }
0x1c: {  	p1 =	slt.u32 s9, $0xF7A;
	s5 =	simm.s32 @!p2 $0x0  }
0x1d: {  	s5 =	simm.s32 @p1 $0x1;
	p0 =	seq.s32 s7, s2  }
0x1e: {  	s7 =	smul.u32 @!p0 $0xF7A, s2;
	p2 =	seq.s32 @!p0 s5, $0x0  }
0x1f: {  	s9 =	smul.u32 $0xF7A, s1;
	s8 =	simm.s32 @!p0 $0x1BF5;
	p2 =	por !p2, p0  }
0x20: {  	[sflag:s8] =	ssyncset.s32 @!p0 $0xFFFFF086;
	s6 =	sadd.s32 @!p0 s3, s7;
	s7 =	simm.s32 @!p0 $0x108  }
0x21: {  	s3 =	sadd.s32 s3, s9;
	s6 =	sadd.s32 @!p0 $0x88, s6;
	s7 =	simm.s32 @p2 $0x1082  }
0x22: {  	[simem:s7], [sflag:s8] =	dma.local @!p0 [hbm:s6], $0xF7A  }
0x23: {  	s9 =	sor.u32 $0xD0000000, s2;
	s6 =	simm.s32 $0x108;
	_ =	swait.ge @!p0 [sflag:s8], $0x0  }
0x24: {  	s3 =	sadd.s32 $0x88, s3;
	s6 =	simm.s32 @!p1 $0x1082;
	[sflag:s4] =	ssyncset.s32 $0xFFFFF086  }
0x25: {  	[simem:s6], [sflag:s4] =	dma.local [hbm:s3], $0xF7A  }
0x26: {  	[smem:$0x3F9F] =	sst s1;
	(tag) =	ssettag s2;
	_ =	strace s9  }
0x27: {  	s1 =	sld [smem:$0x3FAF]  }
0x28: {  	s2 =	sld [smem:$0x3FB0]  }
0x29: {  	s4 =	sld [smem:$0x3FB2]  }
0x2a: {  	p0 =	seq.s32 s5, $0x0;
	s5 =	sld [smem:$0x3FB3]  }
0x2b: {  	s6 =	sld [smem:$0x3FB4]  }
0x2c: {  	s7 =	sld [smem:$0x3FB5]  }
0x2d: {  	s3 =	simm.s32 $0x108;
	s8 =	sld [smem:$0x3FB6]  }
0x2e: {  	s3 =	simm.s32 @!p0 $0x1082;
	s9 =	sld [smem:$0x3FB7]  }
0x2f: {  	lr =	sadd.s32 s0, s3;
	s0 =	sld [smem:$0x3FAE]  }
0x30: {  	s3 =	sld [smem:$0x3FB1]  }
0x31: {  	[smem:$0x3FBA] =	sst s10  }
0x32: {  	s10 =	sld [smem:$0x3FB8];
	_ =	sdelay $0x3  }
0x33: {  	p0 =	seq.s32 s10, $0x1;
	s10 =	sld [smem:$0x3FBA];
	_ =	sdelay $0x3  }
0x34: {  	[smem:$0x3FBA] =	sst s10  }
0x35: {  	s10 =	sld [smem:$0x3FB9];
	_ =	sdelay $0x3  }
0x36: {  	p1 =	seq.s32 s10, $0x1;
	s10 =	sld [smem:$0x3FBA];
	_ =	sdelay $0x3  }
0x37: {  	[smem:$0x3FBA] =	sst s10  }
0x38: {  	s10 =	sld [smem:$0x3FBB]  }
0x39: {  	_ = 	snop;
	(pc) =	sbr.ind lr, $3  }
0x3a: {  	_ = 	snop  }
0x3b: {  	_ = 	snop  }
0x3c: {  	p2 =	seq.s32 s10, $0x1;
	s10 =	sld [smem:$0x3FBA]  }
0x3d: {  	_ =	shalt  }
0x3e: {  	_ =	shalt  }
0x3f: {  	_ =	shalt  }
0x40: {  	_ =	shalt  }
0x41: {  	_ =	shalt  }
0x42: {  	_ =	shalt  }
0x43: {  	_ =	shalt  }
0x44: {  	_ =	shalt  }
0x45: {  	_ =	shalt  }
0x46: {  	_ =	shalt  }
0x47: {  	_ =	shalt  }
0x48: {  	_ =	shalt  }
0x49: {  	_ =	shalt  }
0x4a: {  	_ =	shalt  }
0x4b: {  	_ =	shalt  }
0x4c: {  	_ =	shalt  }
0x4d: {  	_ =	shalt  }
0x4e: {  	_ =	shalt  }
0x4f: {  	_ =	shalt  }
0x50: {  	_ =	shalt  }
0x51: {  	_ =	shalt  }
0x52: {  	_ =	shalt  }
0x53: {  	_ =	shalt  }
0x54: {  	_ =	shalt  }
0x55: {  	_ =	shalt  }
0x56: {  	_ =	shalt  }
0x57: {  	_ =	shalt  }
0x58: {  	_ =	shalt  }
0x59: {  	_ =	shalt  }
0x5a: {  	_ =	shalt  }
0x5b: {  	_ =	shalt  }
0x5c: {  	_ =	shalt  }
0x5d: {  	_ =	shalt  }
0x5e: {  	_ =	shalt  }
0x5f: {  	_ =	shalt  }
0x60: {  	_ =	shalt  }
0x61: {  	_ =	shalt  }
0x62: {  	_ =	shalt  }
0x63: {  	_ =	shalt  }
0x64: {  	_ =	shalt  }
0x65: {  	_ =	shalt  }
0x66: {  	_ =	shalt  }
0x67: {  	_ =	shalt  }
0x68: {  	_ =	shalt  }
0x69: {  	_ =	shalt  }
0x6a: {  	_ =	shalt  }
0x6b: {  	_ =	shalt  }
0x6c: {  	_ =	shalt  }
0x6d: {  	_ =	shalt  }
0x6e: {  	_ =	shalt  }
0x6f: {  	_ =	shalt  }
0x70: {  	_ =	shalt  }
0x71: {  	_ =	shalt  }
0x72: {  	_ =	shalt  }
0x73: {  	_ =	shalt  }
0x74: {  	_ =	shalt  }
0x75: {  	_ =	shalt  }
0x76: {  	_ =	shalt  }
0x77: {  	_ =	shalt  }
0x78: {  	_ =	shalt  }
0x79: {  	_ =	shalt  }
0x7a: {  	_ =	shalt  }
0x7b: {  	_ =	shalt  }
0x7c: {  	_ =	shalt  }
0x7d: {  	_ =	shalt  }
0x7e: {  	_ =	shalt  }
0x7f: {  	_ =	shalt  }
0x80: {  	_ =	shalt  }
0x81: {  	_ =	shalt  }
0x82: {  	_ =	shalt  }
0x83: {  	_ =	shalt  }
0x84: {  	_ =	shalt  }
0x85: {  	_ =	shalt  }
0x86: {  	_ =	shalt  }
0x87: {  	_ =	shalt  }
.Lfunc_end0:
.L_simem_size_0:
called_computation_lowered:
.L_overlay_start_0:
0x88: {  	s2 =	sld [smem:$0x3FD9]  }
0x89: {  	s3 =	sld [smem:$0x3FFE];
	_ =	sdelay $0x1  }
0x8a: {  	s1 =	srdreg.scid  }
0x8b: {  	s0 =	sand.u32 $0x1, s1  }
0x8c: {  	s17 =	sshll.u32 s0, $0xA;
	s2 =	sadd.s32 s3, s2  }
0x8d: {  	s2 =	sadd.s32 s2, s17  }
0x8e: {  	[smem:$0x3FC6] =	sst s2  }
0x8f: {  	_ = 	snop  }
0x90: {  	s2 =	sld [smem:$0x3FC8];
	(tm) =	ssettm $0x1  }
0x91: {  	s18 =	sld [smem:$0x3FFB];
	_ =	sdelay $0x3  }
0x92: {  	_ =	strace s18  }
0x93: {  	s3 =	sld [smem:$0x3FFC];
	_ =	sdelay $0x3  }
0x94: {  	_ =	strace s3  }
0x95: {  	s3 =	sld [smem:$0x3FFD];
	_ =	sdelay $0x3  }
0x96: {  	_ =	strace s3  }
0x97: {  	_ =	strace $0x8FFFFFFF  }
0x98: {  	s19 =	sld [smem:$0x3FDB];
	_ =	sdelay $0x1  }
0x99: {  	s4 =	simm.s32 $_scs_section_size  }
0x9a: {  	s5 =	simm.s32 $_size__tile_overlayer_lowered;
	s6 =	simm.s32 $_tile_overlayer_lowered  }
0x9b: {  	s22 =	simm.s32 $0x1BFF;
	s21 =	sshll.u32 s6, $0x1;
	s3 =	sadd.s32 s4, s19  }
0x9c: {  	s7 =	simm.s32 $0x0;
	s20 =	sshll.u32 s5, $0x1;
	s5 =	sadd.s32 s21, s3  }
0x9d: {  	[timem:s7], [sflag:s22] =	dma.local [hbm:s5], s20  }
0x9e: {  	_ =	swait.ge [sflag:s22], s20  }
0x9f: {  	s4 =	ssub.s32 $0x0, s20;
	[sflag:s22] =	ssyncset.done $0x0  }
0xa0: {  	[sflag:s22] =	ssyncadd.s32 s4;
	_ =	sdelay $0x1  }
0xa1: {  	s23 =	simm.s32 $0x1B8B  }
0xa2: {  	_ =	swait.ge [sflag:s23], $0x1  }
0xa3: {  	[sflag:s23] =	ssyncset.done $0x0  }
0xa4: {  	s25 =	simm.s32 $0x1B8E;
	s24 =	sld [smem:$0x3FFE];
	[sflag:s23] =	ssyncadd.s32 $0xFFFFFFFF  }
0xa5: {  	s26 =	simm.s32 $execute0_lowered;
	[smem:$0x3FD2] =	sst s25  }
0xa6: {  	s5 =	sshll.u32 s26, $0x1;
	_ =	strace $0x80000046;
	[dreg:$0x1] =	wrdreg $0xFFFFFFFF  }
0xa7: {  	s28 =	simm.s32 $_size_execute0_lowered;
	s3 =	sadd.s32 s3, s5;
	[dreg:$0x0] =	wrdreg $0x0  }
0xa8: {  	s5 =	sshll.u32 s28, $0x1;
	[dreg:$0x2] =	wrdreg s3  }
0xa9: {  	[dreg:$0x3] =	wrdreg s5  }
0xaa: {  	[dreg:$0x4] =	wrdreg $0xC0  }
0xab: {  	_ =	task [dreg:s7], $0x5FFFF  }
0xac: {  	[dreg:$0x1] =	wrdreg $0xFFFFFFFF  }
0xad: {  	[dreg:$0x0] =	wrdreg $0x60  }
0xae: {  	[dreg:$0x2] =	wrdreg s24  }
0xaf: {  	[dreg:$0x3] =	wrdreg s2  }
0xb0: {  	[dreg:$0x4] =	wrdreg $0x9  }
0xb1: {  	_ =	task.clear_ibuf [dreg:s7], $0x5FFFF;
	_ =	strace $0x90000046  }
0xb2: {  	s29 =	simm.s32 $0x9;
	_ =	strace $0x80000048  }
0xb3: {  	_ =	swait.ge [sflag:s29], $0x1  }
0xb4: {  	[sflag:s29] =	ssyncadd.s32 $0xFFFFFFFF  }
0xb5: {  	_ =	strace $0x90000048  }
0xb6: {  	_ =	sfence  }
0xb7: {  	s30 =	sld [smem:$0x0];
	_ =	sdelay $0x2  }
0xb8: {  	s31 =	sshll.u32 s1, $0xD;
	s1 =	sshrl.u32 s1, $0x2  }
0xb9: {  	s3 =	sand.u32 $0x4000, s31;
	s1 =	sadd.s32 s1, s30  }
0xba: {  	s0 =	sor.u32 s3, s0;
	s1 =	sshll.u32 s1, $0x11  }
0xbb: {  	s0 =	sor.u32 s1, s0  }
0xbc: {  	s0 =	sadd.s32 $0x8F2B, s0  }
0xbd: {  	[sflag:s0] =	ssyncadd.remote.s32 $0x1  }
0xbe: {  	_ =	sfence.sel $0xFFFF  }
0xbf: {  	[dreg:$0x0] =	wrdreg $0xFFFFFFFF;
	(pc) =	sbr.abs _section_cstart, $3  }
0xc0: {  	[dreg:$0x1] =	wrdreg $0xFFFFFFFF  }
0xc1: {  	_ =	task.clear_ibuf [dreg:s7], $0x2FFFF;
	_ =	strace $0x9FFFFFFF  }
0xc2: {  	(tm) =	ssettm $0x7FFFFFFF  }
0xc3: {  	_ =	shalt  }
tec
execute0_lowered:
.L_overlay_start_1:
0x0: {  	(tag) =	ssettag $0x1  }
0x1: {  	s4 =	rddreg [dreg:$0x0]  }
0x2: {  	s2 =	rddreg [dreg:$0x1]  }
0x3: {  	s0 =	rddreg [dreg:$0x2]  }
0x4: {  	s1 =	stileid.u32;
	s3 =	simm.s32 $0x0;
	s5 =	srdreg.scid  }
0x5: {  	s12 =	simm.s32 $0x10000;
	s13 =	simm.s32 $0x12000;
	s14 =	simm.s32 $0x1  }
0x6: {  	s15 =	simm.s32 $0x14000;
	s16 =	simm.s32 $0x2;
	s17 =	simm.s32 $0x0  }
0x7: {  	s6 =	sshll.u32 s1, $0x1;
	[smem:$0x7FF] =	sst s3;
	s5 =	sand.u32 $0x1, s5  }
0x8: {  	s8 =	sshrl.u32 s1, $0x1;
	s6 =	sand.u32 $0x2, s6;
	_ =	strace $0x80000047  }
0x9: {  	s11 =	sshll.u32 s8, $0x13;
	s6 =	sor.u32 s5, s6;
	s5 =	ssub.s32 $0x2, s5  }
0xa: {  	v62 =	vimm.s32 $0x0;
	s8 =	sshll.u32 s8, $0xE;
	s7 =	sshll.u32 s6, $0xD;
	s10 =	sshrl.u32 s5, $0x1  }
0xb: {  	v5 =	vimm.s32 $0x3;
	v6 =	vimm.s32 $0x4;
	v7 =	vimm.s32 $0x5;
	s31 =	sshll.u32 s6, $0x11;
	s9 =	sadd.s32 s7, s4;
	s4 =	sadd.s32 $0x8800, s4  }
0xc: {  	v8 =	vimm.s32 $0x6;
	v9 =	vimm.s32 $0x7;
	v10 =	vimm.s32 $0x8;
	s10 =	ssub.s32 s5, s10;
	s5 =	sor.u32 s11, s7;
	s8 =	sor.u32 s31, s8  }
0xd: {  	v11 =	vimm.s32 $0x9;
	v12 =	vimm.s32 $0xA;
	v13 =	vimm.s32 $0xB;
	s11 =	simm.s32 $0x3;
	s7 =	sshrl.u32 s5, $0x3;
	s6 =	sadd.s32 $0x800, s9  }
0xe: {  	v14 =	vimm.s32 $0xC;
	v15 =	vimm.s32 $0xD;
	v3 =	vimm.s32 $0xE;
	s9 =	sor.u32 $0x10000, s5;
	s10 =	smax.u32 s10, $0x1;
	s7 =	sadd.s32 s2, s7  }
.LBB2_1:
0xf: {  	[tilespmem:s3], [sflag:$0x3] =	stream.linear.gather [hbm4b:s6+s3], $0x10000, $0x38;
	[tilespmem:$0x14400] =	vst v63  }
0x10: {  	_ =	swait.ge [sflag:s11], $0x10000  }
0x11: {  	[sflag:s11] =	ssyncset.done $0x0  }
0x12: {  	s18 =	simm.s32 $0x0;
	[sflag:s11] =	ssyncadd.s32 $0xFFFF0000  }
0x13: {  	[tilespmem:s12], [sflag:$0x1] =	stream.linear.gather [hbm4b:s7+s3], $0x2000, $0x38;
	[tilespmem:$0x14400] =	vst v63  }
.LBB2_2:
0x14: {  	v24 =	vimm.f32 $0.0e+00;
	v25 =	vimm.f32 $0.0e+00  }
0x15: {  	v26 =	vimm.f32 $0.0e+00;
	v27 =	vimm.f32 $0.0e+00;
	v28 =	vimm.f32 $0.0e+00  }
0x16: {  	s19 =	sshllo.u32 s18, $0x1;
	v29 =	vimm.f32 $0.0e+00;
	v30 =	vimm.f32 $0.0e+00;
	v31 =	vimm.f32 $0.0e+00  }
0x17: {  	v32 =	vimm.f32 $0.0e+00;
	v33 =	vimm.f32 $0.0e+00;
	v34 =	vimm.f32 $0.0e+00;
	s20 =	sshll.u32 s19, $0xF  }
0x18: {  	v35 =	vimm.f32 $0.0e+00;
	v36 =	vimm.f32 $0.0e+00;
	v37 =	vimm.f32 $0.0e+00;
	s20 =	sadd.s32 s5, s20  }
0x19: {  	v38 =	vimm.f32 $0.0e+00;
	v39 =	vimm.f32 $0.0e+00;
	v40 =	vimm.f32 $0.0e+00;
	s20 =	sshrl.u32 s20, $0x3  }
0x1a: {  	v41 =	vimm.f32 $0.0e+00;
	v42 =	vimm.f32 $0.0e+00;
	v43 =	vimm.f32 $0.0e+00;
	s21 =	sadd.s32 s2, s20;
	s20 =	simm.s32 $0x0  }
0x1b: {  	v44 =	vimm.f32 $0.0e+00;
	v45 =	vimm.f32 $0.0e+00;
	v46 =	vimm.f32 $0.0e+00;
	[tilespmem:s13], [sflag:$0x2] =	stream.linear.gather [hbm4b:s21+s20], $0x2000, $0x38;
	[tilespmem:$0x14400] =	vst v63  }
0x1c: {  	v47 =	vimm.f32 $0.0e+00;
	v48 =	vimm.f32 $0.0e+00;
	v49 =	vimm.f32 $0.0e+00;
	_ =	swait.ge [sflag:s14], $0x2000  }
0x1d: {  	v50 =	vimm.f32 $0.0e+00;
	v51 =	vimm.f32 $0.0e+00;
	v52 =	vimm.f32 $0.0e+00;
	[sflag:s14] =	ssyncset.done $0x0  }
0x1e: {  	s22 =	simm.s32 $0x0;
	v53 =	vimm.f32 $0.0e+00;
	v54 =	vimm.f32 $0.0e+00;
	v55 =	vimm.f32 $0.0e+00;
	s21 =	simm.s32 $0x200;
	[sflag:s14] =	ssyncadd.s32 $0xFFFFE000  }
.LBB2_3:
0x1f: {  	s23 =	sand.u32 $0x70, s22;
	s24 =	sand.u32 $0x1C00, s20;
	v56 =	vld [tilespmem:s21+$0xFFFFFE00]  }
0x20: {  	v57 =	vld [tilespmem:s21+$0xFFFFFE10];
	s23 =	sor.u32 s23, s24  }
0x21: {  	v23 =	vld [tilespmem:s23+$0x10000]  }
0x22: {  	v22 =	vld [tilespmem:s23+$0x10080]  }
0x23: {  	v20 =	vld [tilespmem:s23+$0x10100]  }
0x24: {  	v16 =	vld [tilespmem:s23+$0x10180]  }
0x25: {  	v58 =	vld [tilespmem:s21+$0xFFFFFE20]  }
0x26: {  	v59 =	vld [tilespmem:s21+$0xFFFFFE30];
	_ =	sdelay $0x1  }
0x27: {  	v1 =	vimm.s32 $0x0;
	v17 =	vperm.xlane v23, v62;
	v60 =	vperm.xlane v22, v62  }
0x28: {  	v61 =	vperm.xlane v20, v62;
	v62 =	vperm.xlane v16, v1  }
0x29: {  	v18 =	vmul.f32 v17, v56;
	v19 =	vmul.f32 v17, v57  }
0x2a: {  	v21 =	vmul.f32 v17, v58;
	v17 =	vmul.f32 v17, v59  }
0x2b: {  	v63 =	vmul.f32 v60, v59;
	v55 =	vadd.f32 v18, v55;
	v54 =	vadd.f32 v19, v54  }
0x2c: {  	v53 =	vadd.f32 v21, v53;
	v18 =	vmul.f32 v60, v56;
	v19 =	vmul.f32 v60, v57  }
0x2d: {  	v52 =	vadd.f32 v17, v52;
	v21 =	vmul.f32 v60, v58;
	v17 =	vld [tilespmem:s23+$0x10200];
	v48 =	vadd.f32 v63, v48  }
0x2e: {  	v60 =	vmul.f32 v61, v58;
	v50 =	vadd.f32 v19, v50;
	v19 =	vmul.f32 v61, v56  }
0x2f: {  	v51 =	vadd.f32 v18, v51;
	v49 =	vadd.f32 v21, v49;
	v21 =	vmul.f32 v61, v57  }
0x30: {  	v18 =	vld [tilespmem:s23+$0x10280];
	v45 =	vadd.f32 v60, v45;
	v60 =	vmul.f32 v62, v57;
	v47 =	vadd.f32 v19, v47  }
0x31: {  	v46 =	vadd.f32 v21, v46;
	v19 =	vmul.f32 v61, v59;
	v21 =	vmul.f32 v62, v56  }
0x32: {  	v61 =	vmul.f32 v62, v58;
	v42 =	vadd.f32 v60, v42;
	v63 =	vperm.xlane v17, v1  }
0x33: {  	v44 =	vadd.f32 v19, v44;
	v19 =	vld [tilespmem:s23+$0x10300];
	v43 =	vadd.f32 v21, v43;
	v21 =	vmul.f32 v62, v59  }
0x34: {  	s31 =	sor.u32 s20, s22;
	v41 =	vadd.f32 v61, v41;
	v60 =	vmul.f32 v63, v56;
	v61 =	vmul.f32 v63, v57  }
0x35: {  	s23 =	sor.u32 $0x380, s31;
	v62 =	vmul.f32 v63, v58;
	v0 =	vperm.xlane v18, v1;
	v40 =	vadd.f32 v21, v40  }
0x36: {  	v21 =	vld [tilespmem:s23+$0x10000];
	v39 =	vadd.f32 v60, v39;
	v38 =	vadd.f32 v61, v38;
	v60 =	vmul.f32 v63, v59  }
0x37: {  	v37 =	vadd.f32 v62, v37;
	v61 =	vmul.f32 v0, v56;
	v62 =	vmul.f32 v0, v57  }
0x38: {  	v36 =	vadd.f32 v60, v36;
	v60 =	vmul.f32 v0, v58;
	v63 =	vperm.xlane v19, v1  }
0x39: {  	v35 =	vadd.f32 v61, v35;
	v34 =	vadd.f32 v62, v34;
	v0 =	vmul.f32 v0, v59  }
0x3a: {  	v33 =	vadd.f32 v60, v33;
	v60 =	vmul.f32 v63, v56;
	v61 =	vmul.f32 v63, v57  }
0x3b: {  	v2 =	vld [tilespmem:s21+$0xFFFFFE50];
	v0 =	vadd.f32 v0, v32;
	v32 =	vmul.f32 v63, v58;
	v1 =	vperm.xlane v21, v1  }
0x3c: {  	v62 =	vld [tilespmem:s21+$0xFFFFFE40];
	v31 =	vadd.f32 v60, v31;
	v30 =	vadd.f32 v61, v30  }
0x3d: {  	v60 =	vmul.f32 v63, v59;
	v61 =	vld [tilespmem:s21+$0xFFFFFE60];
	v29 =	vadd.f32 v32, v29;
	v32 =	vmul.f32 v1, v56  }
0x3e: {  	v56 =	vmul.f32 v1, v57;
	v57 =	vld [tilespmem:s21+$0xFFFFFE70];
	v58 =	vmul.f32 v1, v58;
	v63 =	vimm.s32 $0x1  }
0x3f: {  	v1 =	vmul.f32 v1, v59;
	v28 =	vadd.f32 v60, v28;
	v60 =	vperm.xlane v23, v63  }
0x40: {  	v59 =	vperm.xlane v20, v63;
	v27 =	vadd.f32 v32, v27;
	v26 =	vadd.f32 v56, v26  }
0x41: {  	v25 =	vadd.f32 v58, v25;
	v32 =	vmul.f32 v60, v62;
	v56 =	vmul.f32 v60, v2  }
0x42: {  	v1 =	vadd.f32 v1, v24;
	v58 =	vperm.xlane v22, v63;
	v24 =	vmul.f32 v60, v61  }
0x43: {  	v32 =	vadd.f32 v32, v55;
	v54 =	vadd.f32 v56, v54;
	v55 =	vmul.f32 v60, v57  }
0x44: {  	v60 =	vmul.f32 v58, v2;
	v56 =	vmul.f32 v59, v2;
	v24 =	vadd.f32 v24, v53  }
0x45: {  	v53 =	vmul.f32 v58, v62;
	v52 =	vadd.f32 v55, v52;
	v55 =	vmul.f32 v58, v61  }
0x46: {  	v50 =	vadd.f32 v60, v50;
	v60 =	vmul.f32 v58, v57;
	v58 =	vperm.xlane v16, v63  }
0x47: {  	v46 =	vadd.f32 v56, v46;
	v49 =	vadd.f32 v55, v49;
	v55 =	vmul.f32 v59, v62  }
0x48: {  	v51 =	vadd.f32 v53, v51;
	v48 =	vadd.f32 v60, v48;
	v60 =	vmul.f32 v59, v61  }
0x49: {  	v53 =	vmul.f32 v58, v62;
	v47 =	vadd.f32 v55, v47;
	v55 =	vmul.f32 v59, v57  }
0x4a: {  	v45 =	vadd.f32 v60, v45;
	v60 =	vmul.f32 v58, v2;
	v59 =	vperm.xlane v17, v63  }
0x4b: {  	v43 =	vadd.f32 v53, v43;
	v44 =	vadd.f32 v55, v44;
	v55 =	vmul.f32 v58, v61  }
0x4c: {  	v42 =	vadd.f32 v60, v42;
	v60 =	vmul.f32 v58, v57;
	v56 =	vmul.f32 v59, v2  }
0x4d: {  	v58 =	vperm.xlane v18, v63;
	v41 =	vadd.f32 v55, v41;
	v55 =	vmul.f32 v59, v62  }
0x4e: {  	v40 =	vadd.f32 v60, v40;
	v60 =	vmul.f32 v59, v61;
	v38 =	vadd.f32 v56, v38  }
0x4f: {  	v53 =	vmul.f32 v58, v62;
	v39 =	vadd.f32 v55, v39;
	v55 =	vmul.f32 v59, v57  }
0x50: {  	v37 =	vadd.f32 v60, v37;
	v60 =	vmul.f32 v58, v2;
	v59 =	vperm.xlane v19, v63  }
0x51: {  	v35 =	vadd.f32 v53, v35;
	v36 =	vadd.f32 v55, v36;
	v55 =	vmul.f32 v58, v61  }
0x52: {  	v34 =	vadd.f32 v60, v34;
	v60 =	vmul.f32 v58, v57;
	v56 =	vmul.f32 v59, v2  }
0x53: {  	v58 =	vld [tilespmem:s21+$0xFFFFFE80];
	v53 =	vmul.f32 v59, v61;
	v33 =	vadd.f32 v55, v33;
	v55 =	vmul.f32 v59, v62  }
0x54: {  	v0 =	vadd.f32 v60, v0;
	v60 =	vperm.xlane v21, v63;
	v63 =	vld [tilespmem:s21+$0xFFFFFE90];
	v30 =	vadd.f32 v56, v30  }
0x55: {  	v56 =	vld [tilespmem:s21+$0xFFFFFEA0];
	v29 =	vadd.f32 v53, v29;
	v31 =	vadd.f32 v55, v31;
	v55 =	vmul.f32 v59, v57  }
0x56: {  	v53 =	vmul.f32 v60, v62;
	v2 =	vmul.f32 v60, v2;
	v59 =	vld [tilespmem:s21+$0xFFFFFEB0];
	v62 =	vimm.s32 $0x2  }
0x57: {  	v28 =	vadd.f32 v55, v28;
	v55 =	vmul.f32 v60, v61;
	v61 =	vperm.xlane v23, v62  }
0x58: {  	v27 =	vadd.f32 v53, v27;
	v2 =	vadd.f32 v2, v26;
	v26 =	vmul.f32 v60, v57  }
0x59: {  	v57 =	vperm.xlane v22, v62;
	v25 =	vadd.f32 v55, v25;
	v53 =	vmul.f32 v61, v58  }
0x5a: {  	v60 =	vmul.f32 v61, v63;
	v1 =	vadd.f32 v26, v1;
	v26 =	vmul.f32 v61, v56  }
0x5b: {  	v55 =	vmul.f32 v57, v63;
	v61 =	vmul.f32 v61, v59;
	v32 =	vadd.f32 v53, v32  }
0x5c: {  	v53 =	vadd.f32 v60, v54;
	v24 =	vadd.f32 v26, v24;
	v26 =	vmul.f32 v57, v58  }
0x5d: {  	v54 =	vmul.f32 v57, v56;
	v60 =	vperm.xlane v20, v62;
	v50 =	vadd.f32 v55, v50  }
0x5e: {  	v57 =	vmul.f32 v57, v59;
	v52 =	vadd.f32 v61, v52;
	v26 =	vadd.f32 v26, v51  }
0x5f: {  	v49 =	vadd.f32 v54, v49;
	v54 =	vmul.f32 v60, v58;
	v61 =	vmul.f32 v60, v63  }
0x60: {  	v48 =	vadd.f32 v57, v48;
	v51 =	vmul.f32 v60, v56;
	v57 =	vperm.xlane v16, v62  }
0x61: {  	v47 =	vadd.f32 v54, v47;
	v46 =	vadd.f32 v61, v46;
	v61 =	vmul.f32 v60, v59  }
0x62: {  	v45 =	vadd.f32 v51, v45;
	v51 =	vmul.f32 v57, v58;
	v55 =	vmul.f32 v57, v63  }
0x63: {  	v54 =	vmul.f32 v57, v56;
	v60 =	vperm.xlane v17, v62;
	v44 =	vadd.f32 v61, v44  }
0x64: {  	v57 =	vmul.f32 v57, v59;
	v43 =	vadd.f32 v51, v43;
	v42 =	vadd.f32 v55, v42  }
0x65: {  	v41 =	vadd.f32 v54, v41;
	v54 =	vmul.f32 v60, v58;
	v55 =	vmul.f32 v60, v63  }
0x66: {  	v40 =	vadd.f32 v57, v40;
	v61 =	vmul.f32 v60, v56;
	v57 =	vperm.xlane v18, v62  }
0x67: {  	v60 =	vmul.f32 v60, v59;
	v39 =	vadd.f32 v54, v39;
	v38 =	vadd.f32 v55, v38  }
0x68: {  	v37 =	vadd.f32 v61, v37;
	v51 =	vmul.f32 v57, v58;
	v55 =	vmul.f32 v57, v63  }
0x69: {  	v36 =	vadd.f32 v60, v36;
	v54 =	vmul.f32 v57, v56;
	v60 =	vperm.xlane v19, v62  }
0x6a: {  	v61 =	vmul.f32 v57, v59;
	v35 =	vadd.f32 v51, v35;
	v34 =	vadd.f32 v55, v34  }
0x6b: {  	v33 =	vadd.f32 v54, v33;
	v54 =	vmul.f32 v60, v58;
	v55 =	vmul.f32 v60, v63  }
0x6c: {  	v57 =	vld [tilespmem:s21+$0xFFFFFEC0];
	v0 =	vadd.f32 v61, v0;
	v51 =	vmul.f32 v60, v56;
	v61 =	vperm.xlane v21, v62  }
0x6d: {  	v62 =	vld [tilespmem:s21+$0xFFFFFED0];
	v31 =	vadd.f32 v54, v31;
	v30 =	vadd.f32 v55, v30  }
0x6e: {  	v54 =	vmul.f32 v60, v59;
	v55 =	vld [tilespmem:s21+$0xFFFFFEE0];
	v29 =	vadd.f32 v51, v29;
	v51 =	vmul.f32 v61, v58  }
0x6f: {  	v58 =	vmul.f32 v61, v63;
	v60 =	vld [tilespmem:s21+$0xFFFFFEF0];
	v63 =	vmul.f32 v61, v56  }
0x70: {  	v56 =	vperm.xlane v23, v5;
	v61 =	vmul.f32 v61, v59  }
0x71: {  	v59 =	vperm.xlane v22, v5;
	v28 =	vadd.f32 v54, v28;
	v27 =	vadd.f32 v51, v27  }
0x72: {  	v2 =	vadd.f32 v58, v2;
	v25 =	vadd.f32 v63, v25;
	v63 =	vmul.f32 v56, v62  }
0x73: {  	v54 =	vmul.f32 v56, v57;
	v1 =	vadd.f32 v61, v1;
	v61 =	vmul.f32 v56, v55  }
0x74: {  	v51 =	vmul.f32 v59, v57;
	v53 =	vadd.f32 v63, v53;
	v63 =	vmul.f32 v56, v60  }
0x75: {  	v58 =	vperm.xlane v20, v5;
	v24 =	vadd.f32 v61, v24;
	v61 =	vmul.f32 v59, v62  }
0x76: {  	v32 =	vadd.f32 v54, v32;
	v52 =	vadd.f32 v63, v52;
	v63 =	vmul.f32 v59, v55  }
0x77: {  	v26 =	vadd.f32 v51, v26;
	v50 =	vadd.f32 v61, v50;
	v61 =	vmul.f32 v59, v60  }
0x78: {  	v54 =	vmul.f32 v58, v57;
	v49 =	vadd.f32 v63, v49;
	v63 =	vmul.f32 v58, v62  }
0x79: {  	v59 =	vperm.xlane v16, v5;
	v48 =	vadd.f32 v61, v48;
	v61 =	vmul.f32 v58, v55  }
0x7a: {  	v47 =	vadd.f32 v54, v47;
	v46 =	vadd.f32 v63, v46;
	v63 =	vmul.f32 v58, v60  }
0x7b: {  	v51 =	vmul.f32 v59, v57;
	v45 =	vadd.f32 v61, v45;
	v61 =	vmul.f32 v59, v62  }
0x7c: {  	v58 =	vperm.xlane v17, v5;
	v44 =	vadd.f32 v63, v44;
	v63 =	vmul.f32 v59, v55  }
0x7d: {  	v43 =	vadd.f32 v51, v43;
	v42 =	vadd.f32 v61, v42;
	v61 =	vmul.f32 v59, v60  }
0x7e: {  	v54 =	vmul.f32 v58, v57;
	v41 =	vadd.f32 v63, v41;
	v63 =	vmul.f32 v58, v62  }
0x7f: {  	v59 =	vperm.xlane v18, v5;
	v40 =	vadd.f32 v61, v40;
	v61 =	vmul.f32 v58, v55  }
0x80: {  	v39 =	vadd.f32 v54, v39;
	v38 =	vadd.f32 v63, v38;
	v63 =	vmul.f32 v58, v60  }
0x81: {  	v58 =	vperm.xlane v19, v5;
	v37 =	vadd.f32 v61, v37;
	v61 =	vmul.f32 v59, v62  }
0x82: {  	v51 =	vmul.f32 v59, v57;
	v36 =	vadd.f32 v63, v36;
	v63 =	vmul.f32 v59, v55  }
0x83: {  	v54 =	vmul.f32 v58, v57;
	v34 =	vadd.f32 v61, v34;
	v61 =	vmul.f32 v59, v60  }
0x84: {  	v35 =	vadd.f32 v51, v35;
	v56 =	vmul.f32 v58, v62;
	v51 =	vmul.f32 v58, v55  }
0x85: {  	v33 =	vadd.f32 v63, v33;
	v63 =	vld [tilespmem:s21+$0xFFFFFF10];
	v0 =	vadd.f32 v61, v0;
	v61 =	vperm.xlane v21, v5  }
0x86: {  	v31 =	vadd.f32 v54, v31;
	v30 =	vadd.f32 v56, v30;
	v54 =	vmul.f32 v58, v60;
	v56 =	vld [tilespmem:s21+$0xFFFFFF20]  }
0x87: {  	v59 =	vld [tilespmem:s21+$0xFFFFFF00];
	v29 =	vadd.f32 v51, v29;
	v51 =	vmul.f32 v61, v57;
	v62 =	vmul.f32 v61, v62  }
0x88: {  	v58 =	vld [tilespmem:s21+$0xFFFFFF30];
	v28 =	vadd.f32 v54, v28;
	v54 =	vmul.f32 v61, v55;
	v55 =	vperm.xlane v23, v6  }
0x89: {  	v27 =	vadd.f32 v51, v27  }
0x8a: {  	v2 =	vadd.f32 v62, v2;
	v62 =	vmul.f32 v61, v60;
	v57 =	vmul.f32 v55, v63  }
0x8b: {  	v25 =	vadd.f32 v54, v25;
	v51 =	vmul.f32 v55, v56;
	v60 =	vperm.xlane v22, v6  }
0x8c: {  	v54 =	vmul.f32 v55, v59;
	v1 =	vadd.f32 v62, v1;
	v53 =	vadd.f32 v57, v53  }
0x8d: {  	v57 =	vmul.f32 v55, v58;
	v24 =	vadd.f32 v51, v24;
	v51 =	vmul.f32 v60, v59  }
0x8e: {  	v32 =	vadd.f32 v54, v32;
	v61 =	vmul.f32 v60, v63;
	v62 =	vmul.f32 v60, v56  }
0x8f: {  	v60 =	vmul.f32 v60, v58;
	v52 =	vadd.f32 v57, v52;
	v57 =	vperm.xlane v20, v6  }
0x90: {  	v26 =	vadd.f32 v51, v26;
	v50 =	vadd.f32 v61, v50  }
0x91: {  	v48 =	vadd.f32 v60, v48;
	v60 =	vperm.xlane v16, v6;
	v54 =	vmul.f32 v57, v59  }
0x92: {  	v49 =	vadd.f32 v62, v49;
	v55 =	vmul.f32 v57, v63;
	v51 =	vmul.f32 v57, v56  }
0x93: {  	v61 =	vmul.f32 v57, v58;
	v62 =	vmul.f32 v60, v63;
	v47 =	vadd.f32 v54, v47  }
0x94: {  	v57 =	vperm.xlane v17, v6;
	v46 =	vadd.f32 v55, v46;
	v45 =	vadd.f32 v51, v45  }
0x95: {  	v51 =	vmul.f32 v60, v59;
	v44 =	vadd.f32 v61, v44;
	v61 =	vmul.f32 v60, v56  }
0x96: {  	v42 =	vadd.f32 v62, v42;
	v62 =	vmul.f32 v60, v58;
	v54 =	vmul.f32 v57, v59  }
0x97: {  	v55 =	vmul.f32 v57, v63;
	v60 =	vperm.xlane v18, v6;
	v43 =	vadd.f32 v51, v43  }
0x98: {  	v41 =	vadd.f32 v61, v41;
	v40 =	vadd.f32 v62, v40;
	v51 =	vmul.f32 v57, v56  }
0x99: {  	v39 =	vadd.f32 v54, v39;
	v38 =	vadd.f32 v55, v38;
	v57 =	vmul.f32 v57, v58  }
0x9a: {  	v61 =	vmul.f32 v60, v63;
	v37 =	vadd.f32 v51, v37;
	v51 =	vmul.f32 v60, v59  }
0x9b: {  	v62 =	vmul.f32 v60, v56;
	v36 =	vadd.f32 v57, v36;
	v57 =	vperm.xlane v19, v6  }
0x9c: {  	v34 =	vadd.f32 v61, v34;
	v35 =	vadd.f32 v51, v35;
	v51 =	vmul.f32 v60, v58  }
0x9d: {  	v33 =	vadd.f32 v62, v33;
	v62 =	vld [tilespmem:s21+$0xFFFFFF50];
	v54 =	vmul.f32 v57, v59;
	v55 =	vmul.f32 v57, v63  }
0x9e: {  	v61 =	vperm.xlane v21, v6;
	v60 =	vld [tilespmem:s21+$0xFFFFFF40];
	v0 =	vadd.f32 v51, v0;
	v51 =	vmul.f32 v57, v56  }
0x9f: {  	v31 =	vadd.f32 v54, v31;
	v30 =	vadd.f32 v55, v30;
	v54 =	vmul.f32 v57, v58;
	v55 =	vld [tilespmem:s21+$0xFFFFFF60]  }
0xa0: {  	v57 =	vmul.f32 v61, v63;
	v29 =	vadd.f32 v51, v29;
	v51 =	vmul.f32 v61, v59;
	v59 =	vld [tilespmem:s21+$0xFFFFFF70]  }
0xa1: {  	v63 =	vmul.f32 v61, v56;
	v56 =	vperm.xlane v23, v7  }
0xa2: {  	v28 =	vadd.f32 v54, v28;
	v2 =	vadd.f32 v57, v2;
	v61 =	vmul.f32 v61, v58  }
0xa3: {  	v25 =	vadd.f32 v63, v25;
	v63 =	vmul.f32 v56, v62;
	v58 =	vperm.xlane v22, v7  }
0xa4: {  	v57 =	vperm.xlane v20, v7;
	v1 =	vadd.f32 v61, v1;
	v61 =	vmul.f32 v56, v55  }
0xa5: {  	v54 =	vmul.f32 v56, v60;
	v53 =	vadd.f32 v63, v53;
	v63 =	vmul.f32 v56, v59  }
0xa6: {  	v27 =	vadd.f32 v51, v27;
	v24 =	vadd.f32 v61, v24;
	v61 =	vmul.f32 v58, v62  }
0xa7: {  	v51 =	vmul.f32 v58, v60;
	v52 =	vadd.f32 v63, v52;
	v63 =	vmul.f32 v58, v55  }
0xa8: {  	v32 =	vadd.f32 v54, v32;
	v50 =	vadd.f32 v61, v50;
	v61 =	vmul.f32 v58, v59  }
0xa9: {  	v54 =	vmul.f32 v57, v60;
	v49 =	vadd.f32 v63, v49;
	v63 =	vmul.f32 v57, v62  }
0xaa: {  	v58 =	vperm.xlane v16, v7;
	v48 =	vadd.f32 v61, v48;
	v61 =	vmul.f32 v57, v55  }
0xab: {  	v26 =	vadd.f32 v51, v26;
	v46 =	vadd.f32 v63, v46;
	v63 =	vmul.f32 v57, v59  }
0xac: {  	v47 =	vadd.f32 v54, v47;
	v45 =	vadd.f32 v61, v45;
	v61 =	vmul.f32 v58, v62  }
0xad: {  	v57 =	vperm.xlane v17, v7;
	v44 =	vadd.f32 v63, v44;
	v63 =	vmul.f32 v58, v55  }
0xae: {  	v51 =	vmul.f32 v58, v60;
	v42 =	vadd.f32 v61, v42;
	v61 =	vmul.f32 v58, v59  }
0xaf: {  	v54 =	vmul.f32 v57, v60;
	v41 =	vadd.f32 v63, v41;
	v63 =	vmul.f32 v57, v62  }
0xb0: {  	v58 =	vperm.xlane v18, v7;
	v40 =	vadd.f32 v61, v40;
	v61 =	vmul.f32 v57, v55  }
0xb1: {  	v43 =	vadd.f32 v51, v43;
	v38 =	vadd.f32 v63, v38;
	v63 =	vmul.f32 v57, v59  }
0xb2: {  	v39 =	vadd.f32 v54, v39;
	v37 =	vadd.f32 v61, v37;
	v61 =	vmul.f32 v58, v62  }
0xb3: {  	v51 =	vmul.f32 v58, v60;
	v57 =	vperm.xlane v19, v7;
	v36 =	vadd.f32 v63, v36  }
0xb4: {  	v63 =	vmul.f32 v58, v55;
	v34 =	vadd.f32 v61, v34;
	v61 =	vmul.f32 v58, v59  }
0xb5: {  	v35 =	vadd.f32 v51, v35;
	v54 =	vmul.f32 v57, v60;
	v56 =	vmul.f32 v57, v62  }
0xb6: {  	v58 =	vld [tilespmem:s21+$0xFFFFFF80];
	v51 =	vmul.f32 v57, v55;
	v0 =	vadd.f32 v61, v0;
	v61 =	vperm.xlane v21, v7  }
0xb7: {  	v33 =	vadd.f32 v63, v33;
	v63 =	vld [tilespmem:s21+$0xFFFFFF90];
	v31 =	vadd.f32 v54, v31;
	v54 =	vmul.f32 v57, v59  }
0xb8: {  	v30 =	vadd.f32 v56, v30;
	v56 =	vld [tilespmem:s21+$0xFFFFFFA0];
	v29 =	vadd.f32 v51, v29;
	v51 =	vmul.f32 v61, v60  }
0xb9: {  	v57 =	vmul.f32 v61, v62;
	v60 =	vld [tilespmem:s21+$0xFFFFFFB0];
	v28 =	vadd.f32 v54, v28;
	v54 =	vmul.f32 v61, v55  }
0xba: {  	v55 =	vperm.xlane v23, v8;
	v62 =	vmul.f32 v61, v59  }
0xbb: {  	v59 =	vperm.xlane v22, v8;
	v27 =	vadd.f32 v51, v27;
	v2 =	vadd.f32 v57, v2  }
0xbc: {  	v25 =	vadd.f32 v54, v25;
	v54 =	vmul.f32 v55, v58;
	v61 =	vmul.f32 v55, v63  }
0xbd: {  	v1 =	vadd.f32 v62, v1;
	v51 =	vmul.f32 v59, v58;
	v62 =	vmul.f32 v55, v56  }
0xbe: {  	v32 =	vadd.f32 v54, v32;
	v53 =	vadd.f32 v61, v53;
	v57 =	vmul.f32 v55, v60  }
0xbf: {  	v24 =	vadd.f32 v62, v24;
	v61 =	vmul.f32 v59, v63;
	v62 =	vmul.f32 v59, v56  }
0xc0: {  	v59 =	vmul.f32 v59, v60;
	v52 =	vadd.f32 v57, v52;
	v57 =	vperm.xlane v20, v8  }
0xc1: {  	v26 =	vadd.f32 v51, v26;
	v50 =	vadd.f32 v61, v50  }
0xc2: {  	v48 =	vadd.f32 v59, v48;
	v59 =	vperm.xlane v16, v8;
	v54 =	vmul.f32 v57, v58  }
0xc3: {  	v49 =	vadd.f32 v62, v49;
	v61 =	vmul.f32 v57, v63;
	v62 =	vmul.f32 v57, v56  }
0xc4: {  	v57 =	vmul.f32 v57, v60;
	v51 =	vmul.f32 v59, v58;
	v47 =	vadd.f32 v54, v47  }
0xc5: {  	v46 =	vadd.f32 v61, v46;
	v45 =	vadd.f32 v62, v45;
	v61 =	vmul.f32 v59, v63  }
0xc6: {  	v44 =	vadd.f32 v57, v44;
	v62 =	vmul.f32 v59, v56;
	v57 =	vperm.xlane v17, v8  }
0xc7: {  	v43 =	vadd.f32 v51, v43;
	v59 =	vmul.f32 v59, v60;
	v42 =	vadd.f32 v61, v42  }
0xc8: {  	v41 =	vadd.f32 v62, v41;
	v54 =	vmul.f32 v57, v58;
	v61 =	vmul.f32 v57, v63  }
0xc9: {  	v40 =	vadd.f32 v59, v40;
	v62 =	vmul.f32 v57, v56;
	v59 =	vperm.xlane v18, v8  }
0xca: {  	v39 =	vadd.f32 v54, v39;
	v38 =	vadd.f32 v61, v38;
	v61 =	vmul.f32 v57, v60  }
0xcb: {  	v37 =	vadd.f32 v62, v37;
	v62 =	vmul.f32 v59, v63;
	v57 =	vperm.xlane v19, v8  }
0xcc: {  	v51 =	vmul.f32 v59, v58;
	v36 =	vadd.f32 v61, v36;
	v61 =	vmul.f32 v59, v56  }
0xcd: {  	v34 =	vadd.f32 v62, v34;
	v62 =	vmul.f32 v59, v60;
	v54 =	vmul.f32 v57, v58  }
0xce: {  	v35 =	vadd.f32 v51, v35;
	v55 =	vmul.f32 v57, v63;
	v59 =	vld [tilespmem:s21+$0xFFFFFFC0];
	v51 =	vmul.f32 v57, v56  }
0xcf: {  	v33 =	vadd.f32 v61, v33;
	v0 =	vadd.f32 v62, v0;
	v61 =	vperm.xlane v21, v8;
	v62 =	vld [tilespmem:s21+$0xFFFFFFD0]  }
0xd0: {  	v31 =	vadd.f32 v54, v31;
	v30 =	vadd.f32 v55, v30;
	v54 =	vmul.f32 v57, v60;
	v55 =	vld [tilespmem:s21+$0xFFFFFFE0]  }
0xd1: {  	v29 =	vadd.f32 v51, v29;
	v51 =	vmul.f32 v61, v58;
	v57 =	vmul.f32 v61, v63  }
0xd2: {  	v58 =	vld [tilespmem:s21+$0xFFFFFFF0];
	v63 =	vmul.f32 v61, v56;
	v56 =	vperm.xlane v23, v9  }
0xd3: {  	v28 =	vadd.f32 v54, v28;
	v61 =	vmul.f32 v61, v60;
	v60 =	vperm.xlane v22, v9  }
0xd4: {  	v27 =	vadd.f32 v51, v27;
	v2 =	vadd.f32 v57, v2;
	v54 =	vmul.f32 v56, v59  }
0xd5: {  	v25 =	vadd.f32 v63, v25;
	v57 =	vmul.f32 v56, v62;
	v51 =	vmul.f32 v56, v55  }
0xd6: {  	v1 =	vadd.f32 v61, v1;
	v61 =	vmul.f32 v60, v62;
	v32 =	vadd.f32 v54, v32  }
0xd7: {  	v53 =	vadd.f32 v57, v53;
	v63 =	vmul.f32 v56, v58;
	v24 =	vadd.f32 v51, v24  }
0xd8: {  	v51 =	vmul.f32 v60, v59;
	v57 =	vperm.xlane v20, v9;
	v50 =	vadd.f32 v61, v50  }
0xd9: {  	v61 =	vmul.f32 v60, v58;
	v52 =	vadd.f32 v63, v52;
	v63 =	vmul.f32 v60, v55  }
0xda: {  	v26 =	vadd.f32 v51, v26;
	v54 =	vmul.f32 v57, v59;
	v56 =	vmul.f32 v57, v62  }
0xdb: {  	v48 =	vadd.f32 v61, v48;
	v51 =	vmul.f32 v57, v55;
	v60 =	vperm.xlane v16, v9  }
0xdc: {  	v49 =	vadd.f32 v63, v49;
	v47 =	vadd.f32 v54, v47;
	v63 =	vmul.f32 v57, v58  }
0xdd: {  	v45 =	vadd.f32 v51, v45;
	v51 =	vmul.f32 v60, v59;
	v57 =	vperm.xlane v17, v9  }
0xde: {  	v61 =	vmul.f32 v60, v62;
	v44 =	vadd.f32 v63, v44;
	v63 =	vmul.f32 v60, v55  }
0xdf: {  	v46 =	vadd.f32 v56, v46;
	v60 =	vmul.f32 v60, v58;
	v54 =	vmul.f32 v57, v59  }
0xe0: {  	v43 =	vadd.f32 v51, v43;
	v56 =	vmul.f32 v57, v62;
	v51 =	vmul.f32 v57, v55  }
0xe1: {  	v42 =	vadd.f32 v61, v42;
	v61 =	vmul.f32 v57, v58;
	v57 =	vperm.xlane v19, v9  }
0xe2: {  	v41 =	vadd.f32 v63, v41;
	v40 =	vadd.f32 v60, v40;
	v60 =	vperm.xlane v18, v9  }
0xe3: {  	v39 =	vadd.f32 v54, v39;
	v38 =	vadd.f32 v56, v38;
	v54 =	vmul.f32 v57, v59  }
0xe4: {  	v37 =	vadd.f32 v51, v37;
	v56 =	vmul.f32 v57, v62;
	v51 =	vmul.f32 v60, v59  }
0xe5: {  	v36 =	vadd.f32 v61, v36;
	v63 =	vmul.f32 v60, v62;
	v61 =	vmul.f32 v60, v55  }
0xe6: {  	v31 =	vadd.f32 v54, v31;
	v35 =	vadd.f32 v51, v35;
	v51 =	vmul.f32 v60, v58  }
0xe7: {  	v54 =	vmul.f32 v57, v58;
	v33 =	vadd.f32 v61, v33;
	v60 =	vld [tilespmem:s21+$0x0];
	v61 =	vperm.xlane v21, v9  }
0xe8: {  	v34 =	vadd.f32 v63, v34;
	v63 =	vld [tilespmem:s21+$0x10];
	v0 =	vadd.f32 v51, v0;
	v51 =	vmul.f32 v57, v55  }
0xe9: {  	v30 =	vadd.f32 v56, v30;
	v56 =	vld [tilespmem:s21+$0x20];
	v28 =	vadd.f32 v54, v28;
	v62 =	vmul.f32 v61, v62  }
0xea: {  	v54 =	vmul.f32 v61, v55;
	v29 =	vadd.f32 v51, v29;
	v51 =	vmul.f32 v61, v59;
	v59 =	vld [tilespmem:s21+$0x30]  }
0xeb: {  	v55 =	vperm.xlane v23, v10;
	v2 =	vadd.f32 v62, v2  }
0xec: {  	v62 =	vmul.f32 v61, v58;
	v25 =	vadd.f32 v54, v25;
	v58 =	vperm.xlane v22, v10  }
0xed: {  	v54 =	vmul.f32 v55, v60;
	v61 =	vmul.f32 v55, v63;
	v27 =	vadd.f32 v51, v27  }
0xee: {  	v1 =	vadd.f32 v62, v1;
	v62 =	vmul.f32 v55, v56;
	v51 =	vmul.f32 v58, v60  }
0xef: {  	v32 =	vadd.f32 v54, v32;
	v53 =	vadd.f32 v61, v53;
	v57 =	vmul.f32 v55, v59  }
0xf0: {  	v61 =	vmul.f32 v58, v63;
	v24 =	vadd.f32 v62, v24;
	v62 =	vmul.f32 v58, v56  }
0xf1: {  	v58 =	vmul.f32 v58, v59;
	v52 =	vadd.f32 v57, v52;
	v57 =	vperm.xlane v20, v10  }
0xf2: {  	v26 =	vadd.f32 v51, v26;
	v50 =	vadd.f32 v61, v50  }
0xf3: {  	v48 =	vadd.f32 v58, v48;
	v58 =	vperm.xlane v16, v10;
	v54 =	vmul.f32 v57, v60  }
0xf4: {  	v49 =	vadd.f32 v62, v49;
	v61 =	vmul.f32 v57, v63;
	v62 =	vmul.f32 v57, v56  }
0xf5: {  	v57 =	vmul.f32 v57, v59;
	v51 =	vmul.f32 v58, v60;
	v47 =	vadd.f32 v54, v47  }
0xf6: {  	v46 =	vadd.f32 v61, v46;
	v45 =	vadd.f32 v62, v45;
	v61 =	vmul.f32 v58, v63  }
0xf7: {  	v44 =	vadd.f32 v57, v44;
	v62 =	vmul.f32 v58, v56;
	v57 =	vperm.xlane v17, v10  }
0xf8: {  	v43 =	vadd.f32 v51, v43;
	v58 =	vmul.f32 v58, v59;
	v42 =	vadd.f32 v61, v42  }
0xf9: {  	v41 =	vadd.f32 v62, v41;
	v54 =	vmul.f32 v57, v60;
	v61 =	vmul.f32 v57, v63  }
0xfa: {  	v40 =	vadd.f32 v58, v40;
	v62 =	vmul.f32 v57, v56;
	v58 =	vperm.xlane v18, v10  }
0xfb: {  	v39 =	vadd.f32 v54, v39;
	v38 =	vadd.f32 v61, v38;
	v61 =	vmul.f32 v57, v59  }
0xfc: {  	v37 =	vadd.f32 v62, v37;
	v62 =	vmul.f32 v58, v63;
	v57 =	vperm.xlane v19, v10  }
0xfd: {  	v51 =	vmul.f32 v58, v60;
	v36 =	vadd.f32 v61, v36;
	v61 =	vmul.f32 v58, v56  }
0xfe: {  	v34 =	vadd.f32 v62, v34;
	v62 =	vmul.f32 v58, v59;
	v54 =	vmul.f32 v57, v60  }
0xff: {  	v35 =	vadd.f32 v51, v35;
	v55 =	vmul.f32 v57, v63;
	v58 =	vld [tilespmem:s21+$0x40];
	v51 =	vmul.f32 v57, v56  }
0x100: {  	v33 =	vadd.f32 v61, v33;
	v0 =	vadd.f32 v62, v0;
	v61 =	vperm.xlane v21, v10;
	v62 =	vld [tilespmem:s21+$0x50]  }
0x101: {  	v31 =	vadd.f32 v54, v31;
	v30 =	vadd.f32 v55, v30;
	v54 =	vmul.f32 v57, v59;
	v55 =	vld [tilespmem:s21+$0x60]  }
0x102: {  	v29 =	vadd.f32 v51, v29;
	v51 =	vmul.f32 v61, v60;
	v57 =	vmul.f32 v61, v63;
	v60 =	vld [tilespmem:s21+$0x70]  }
0x103: {  	v28 =	vadd.f32 v54, v28;
	v63 =	vmul.f32 v61, v56;
	v56 =	vperm.xlane v23, v11  }
0x104: {  	v61 =	vmul.f32 v61, v59;
	v59 =	vperm.xlane v22, v11;
	v27 =	vadd.f32 v51, v27  }
0x105: {  	v2 =	vadd.f32 v57, v2;
	v25 =	vadd.f32 v63, v25;
	v63 =	vmul.f32 v56, v62  }
0x106: {  	v54 =	vmul.f32 v56, v58;
	v1 =	vadd.f32 v61, v1;
	v61 =	vmul.f32 v56, v55  }
0x107: {  	v51 =	vmul.f32 v59, v58;
	v53 =	vadd.f32 v63, v53;
	v63 =	vmul.f32 v56, v60  }
0x108: {  	v57 =	vperm.xlane v20, v11;
	v24 =	vadd.f32 v61, v24;
	v61 =	vmul.f32 v59, v62  }
0x109: {  	v32 =	vadd.f32 v54, v32;
	v52 =	vadd.f32 v63, v52;
	v63 =	vmul.f32 v59, v55  }
0x10a: {  	v26 =	vadd.f32 v51, v26;
	v50 =	vadd.f32 v61, v50;
	v61 =	vmul.f32 v59, v60  }
0x10b: {  	v54 =	vmul.f32 v57, v58;
	v49 =	vadd.f32 v63, v49;
	v63 =	vmul.f32 v57, v62  }
0x10c: {  	v59 =	vperm.xlane v16, v11;
	v48 =	vadd.f32 v61, v48;
	v61 =	vmul.f32 v57, v55  }
0x10d: {  	v47 =	vadd.f32 v54, v47;
	v46 =	vadd.f32 v63, v46;
	v63 =	vmul.f32 v57, v60  }
0x10e: {  	v51 =	vmul.f32 v59, v58;
	v45 =	vadd.f32 v61, v45;
	v61 =	vmul.f32 v59, v62  }
0x10f: {  	v57 =	vperm.xlane v17, v11;
	v44 =	vadd.f32 v63, v44;
	v63 =	vmul.f32 v59, v55  }
0x110: {  	v43 =	vadd.f32 v51, v43;
	v42 =	vadd.f32 v61, v42;
	v61 =	vmul.f32 v59, v60  }
0x111: {  	v54 =	vmul.f32 v57, v58;
	v41 =	vadd.f32 v63, v41;
	v63 =	vmul.f32 v57, v62  }
0x112: {  	v59 =	vperm.xlane v18, v11;
	v40 =	vadd.f32 v61, v40;
	v61 =	vmul.f32 v57, v55  }
0x113: {  	v39 =	vadd.f32 v54, v39;
	v38 =	vadd.f32 v63, v38;
	v63 =	vmul.f32 v57, v60  }
0x114: {  	v37 =	vadd.f32 v61, v37;
	v61 =	vmul.f32 v59, v62;
	v57 =	vperm.xlane v19, v11  }
0x115: {  	v51 =	vmul.f32 v59, v58;
	v36 =	vadd.f32 v63, v36;
	v63 =	vmul.f32 v59, v55  }
0x116: {  	v34 =	vadd.f32 v61, v34;
	v61 =	vmul.f32 v59, v60;
	v54 =	vmul.f32 v57, v58  }
0x117: {  	v35 =	vadd.f32 v51, v35;
	v56 =	vmul.f32 v57, v62;
	v51 =	vmul.f32 v57, v55  }
0x118: {  	v59 =	vld [tilespmem:s21+$0x80];
	v33 =	vadd.f32 v63, v33;
	v0 =	vadd.f32 v61, v0;
	v61 =	vperm.xlane v21, v11  }
0x119: {  	v63 =	vld [tilespmem:s21+$0x90];
	v31 =	vadd.f32 v54, v31;
	v30 =	vadd.f32 v56, v30;
	v54 =	vmul.f32 v57, v60  }
0x11a: {  	v56 =	vld [tilespmem:s21+$0xA0];
	v29 =	vadd.f32 v51, v29;
	v51 =	vmul.f32 v61, v58;
	v62 =	vmul.f32 v61, v62  }
0x11b: {  	v58 =	vld [tilespmem:s21+$0xB0];
	v28 =	vadd.f32 v54, v28;
	v54 =	vmul.f32 v61, v55;
	v55 =	vperm.xlane v23, v12  }
0x11c: {  	v2 =	vadd.f32 v62, v2  }
0x11d: {  	v62 =	vmul.f32 v61, v60;
	v25 =	vadd.f32 v54, v25;
	v54 =	vmul.f32 v55, v59  }
0x11e: {  	v27 =	vadd.f32 v51, v27;
	v60 =	vperm.xlane v22, v12;
	v57 =	vmul.f32 v55, v63  }
0x11f: {  	v51 =	vmul.f32 v55, v56;
	v1 =	vadd.f32 v62, v1;
	v32 =	vadd.f32 v54, v32  }
0x120: {  	v61 =	vmul.f32 v60, v63;
	v53 =	vadd.f32 v57, v53;
	v57 =	vmul.f32 v55, v58  }
0x121: {  	v62 =	vmul.f32 v60, v56;
	v24 =	vadd.f32 v51, v24;
	v51 =	vmul.f32 v60, v59  }
0x122: {  	v60 =	vmul.f32 v60, v58;
	v52 =	vadd.f32 v57, v52;
	v57 =	vperm.xlane v20, v12  }
0x123: {  	v50 =	vadd.f32 v61, v50;
	v49 =	vadd.f32 v62, v49  }
0x124: {  	v48 =	vadd.f32 v60, v48;
	v60 =	vperm.xlane v16, v12;
	v54 =	vmul.f32 v57, v59  }
0x125: {  	v26 =	vadd.f32 v51, v26;
	v55 =	vmul.f32 v57, v63;
	v51 =	vmul.f32 v57, v56  }
0x126: {  	v61 =	vmul.f32 v57, v58;
	v62 =	vmul.f32 v60, v63;
	v47 =	vadd.f32 v54, v47  }
0x127: {  	v57 =	vperm.xlane v17, v12;
	v46 =	vadd.f32 v55, v46;
	v45 =	vadd.f32 v51, v45  }
0x128: {  	v51 =	vmul.f32 v60, v59;
	v44 =	vadd.f32 v61, v44;
	v61 =	vmul.f32 v60, v56  }
0x129: {  	v42 =	vadd.f32 v62, v42;
	v62 =	vmul.f32 v60, v58;
	v54 =	vmul.f32 v57, v59  }
0x12a: {  	v55 =	vmul.f32 v57, v63;
	v60 =	vperm.xlane v18, v12;
	v43 =	vadd.f32 v51, v43  }
0x12b: {  	v41 =	vadd.f32 v61, v41;
	v40 =	vadd.f32 v62, v40;
	v51 =	vmul.f32 v57, v56  }
0x12c: {  	v39 =	vadd.f32 v54, v39;
	v38 =	vadd.f32 v55, v38;
	v57 =	vmul.f32 v57, v58  }
0x12d: {  	v61 =	vmul.f32 v60, v63;
	v37 =	vadd.f32 v51, v37;
	v51 =	vmul.f32 v60, v59  }
0x12e: {  	v62 =	vmul.f32 v60, v56;
	v36 =	vadd.f32 v57, v36;
	v57 =	vperm.xlane v19, v12  }
0x12f: {  	v34 =	vadd.f32 v61, v34;
	v35 =	vadd.f32 v51, v35;
	v51 =	vmul.f32 v60, v58  }
0x130: {  	v33 =	vadd.f32 v62, v33;
	v62 =	vld [tilespmem:s21+$0xD0];
	v54 =	vmul.f32 v57, v59;
	v55 =	vmul.f32 v57, v63  }
0x131: {  	v61 =	vperm.xlane v21, v12;
	v60 =	vld [tilespmem:s21+$0xC0];
	v0 =	vadd.f32 v51, v0;
	v51 =	vmul.f32 v57, v56  }
0x132: {  	v31 =	vadd.f32 v54, v31;
	v30 =	vadd.f32 v55, v30;
	v54 =	vmul.f32 v57, v58;
	v55 =	vld [tilespmem:s21+$0xE0]  }
0x133: {  	v57 =	vmul.f32 v61, v63;
	v29 =	vadd.f32 v51, v29;
	v51 =	vmul.f32 v61, v59;
	v59 =	vld [tilespmem:s21+$0xF0]  }
0x134: {  	v63 =	vmul.f32 v61, v56;
	v56 =	vperm.xlane v23, v13  }
0x135: {  	v28 =	vadd.f32 v54, v28;
	v2 =	vadd.f32 v57, v2;
	v61 =	vmul.f32 v61, v58  }
0x136: {  	v25 =	vadd.f32 v63, v25;
	v63 =	vmul.f32 v56, v62;
	v58 =	vperm.xlane v22, v13  }
0x137: {  	v57 =	vperm.xlane v20, v13;
	v1 =	vadd.f32 v61, v1;
	v61 =	vmul.f32 v56, v55  }
0x138: {  	v54 =	vmul.f32 v56, v60;
	v53 =	vadd.f32 v63, v53;
	v63 =	vmul.f32 v56, v59  }
0x139: {  	v27 =	vadd.f32 v51, v27;
	v24 =	vadd.f32 v61, v24;
	v61 =	vmul.f32 v58, v62  }
0x13a: {  	v51 =	vmul.f32 v58, v60;
	v52 =	vadd.f32 v63, v52;
	v63 =	vmul.f32 v58, v55  }
0x13b: {  	v32 =	vadd.f32 v54, v32;
	v50 =	vadd.f32 v61, v50;
	v61 =	vmul.f32 v58, v59  }
0x13c: {  	v54 =	vmul.f32 v57, v60;
	v49 =	vadd.f32 v63, v49;
	v63 =	vmul.f32 v57, v62  }
0x13d: {  	v58 =	vperm.xlane v16, v13;
	v48 =	vadd.f32 v61, v48;
	v61 =	vmul.f32 v57, v55  }
0x13e: {  	v26 =	vadd.f32 v51, v26;
	v46 =	vadd.f32 v63, v46;
	v63 =	vmul.f32 v57, v59  }
0x13f: {  	v47 =	vadd.f32 v54, v47;
	v45 =	vadd.f32 v61, v45;
	v61 =	vmul.f32 v58, v62  }
0x140: {  	v57 =	vperm.xlane v17, v13;
	v44 =	vadd.f32 v63, v44;
	v63 =	vmul.f32 v58, v55  }
0x141: {  	v51 =	vmul.f32 v58, v60;
	v42 =	vadd.f32 v61, v42;
	v61 =	vmul.f32 v58, v59  }
0x142: {  	v54 =	vmul.f32 v57, v60;
	v41 =	vadd.f32 v63, v41;
	v63 =	vmul.f32 v57, v62  }
0x143: {  	v58 =	vperm.xlane v18, v13;
	v40 =	vadd.f32 v61, v40;
	v61 =	vmul.f32 v57, v55  }
0x144: {  	v43 =	vadd.f32 v51, v43;
	v38 =	vadd.f32 v63, v38;
	v63 =	vmul.f32 v57, v59  }
0x145: {  	v39 =	vadd.f32 v54, v39;
	v37 =	vadd.f32 v61, v37;
	v61 =	vmul.f32 v58, v62  }
0x146: {  	v51 =	vmul.f32 v58, v60;
	v57 =	vperm.xlane v19, v13;
	v36 =	vadd.f32 v63, v36  }
0x147: {  	v63 =	vmul.f32 v58, v55;
	v34 =	vadd.f32 v61, v34;
	v61 =	vmul.f32 v58, v59  }
0x148: {  	v35 =	vadd.f32 v51, v35;
	v54 =	vmul.f32 v57, v60;
	v56 =	vmul.f32 v57, v62  }
0x149: {  	v58 =	vld [tilespmem:s21+$0x100];
	v51 =	vmul.f32 v57, v55;
	v0 =	vadd.f32 v61, v0;
	v61 =	vperm.xlane v21, v13  }
0x14a: {  	v33 =	vadd.f32 v63, v33;
	v63 =	vld [tilespmem:s21+$0x110];
	v31 =	vadd.f32 v54, v31;
	v54 =	vmul.f32 v57, v59  }
0x14b: {  	v30 =	vadd.f32 v56, v30;
	v56 =	vld [tilespmem:s21+$0x120];
	v29 =	vadd.f32 v51, v29;
	v51 =	vmul.f32 v61, v60  }
0x14c: {  	v57 =	vmul.f32 v61, v62;
	v60 =	vld [tilespmem:s21+$0x130];
	v28 =	vadd.f32 v54, v28;
	v54 =	vmul.f32 v61, v55  }
0x14d: {  	v55 =	vperm.xlane v23, v14;
	v62 =	vmul.f32 v61, v59  }
0x14e: {  	v59 =	vperm.xlane v22, v14;
	v27 =	vadd.f32 v51, v27;
	v2 =	vadd.f32 v57, v2  }
0x14f: {  	v25 =	vadd.f32 v54, v25;
	v54 =	vmul.f32 v55, v58;
	v61 =	vmul.f32 v55, v63  }
0x150: {  	v1 =	vadd.f32 v62, v1;
	v51 =	vmul.f32 v59, v58;
	v62 =	vmul.f32 v55, v56  }
0x151: {  	v32 =	vadd.f32 v54, v32;
	v53 =	vadd.f32 v61, v53;
	v57 =	vmul.f32 v55, v60  }
0x152: {  	v24 =	vadd.f32 v62, v24;
	v61 =	vmul.f32 v59, v63;
	v62 =	vmul.f32 v59, v56  }
0x153: {  	v59 =	vmul.f32 v59, v60;
	v52 =	vadd.f32 v57, v52;
	v57 =	vperm.xlane v20, v14  }
0x154: {  	v4 =	vimm.s32 $0xF;
	v26 =	vadd.f32 v51, v26;
	v50 =	vadd.f32 v61, v50  }
0x155: {  	v48 =	vadd.f32 v59, v48;
	v59 =	vperm.xlane v16, v14;
	v54 =	vmul.f32 v57, v58  }
0x156: {  	v49 =	vadd.f32 v62, v49;
	v61 =	vmul.f32 v57, v63;
	v62 =	vmul.f32 v57, v56  }
0x157: {  	v57 =	vmul.f32 v57, v60;
	v51 =	vmul.f32 v59, v58;
	v47 =	vadd.f32 v54, v47  }
0x158: {  	v46 =	vadd.f32 v61, v46;
	v45 =	vadd.f32 v62, v45;
	v61 =	vmul.f32 v59, v63  }
0x159: {  	v44 =	vadd.f32 v57, v44;
	v62 =	vmul.f32 v59, v56;
	v57 =	vperm.xlane v17, v14  }
0x15a: {  	v43 =	vadd.f32 v51, v43;
	v59 =	vmul.f32 v59, v60;
	v42 =	vadd.f32 v61, v42  }
0x15b: {  	v41 =	vadd.f32 v62, v41;
	v54 =	vmul.f32 v57, v58;
	v61 =	vmul.f32 v57, v63  }
0x15c: {  	v40 =	vadd.f32 v59, v40;
	v62 =	vmul.f32 v57, v56;
	v59 =	vperm.xlane v18, v14  }
0x15d: {  	v39 =	vadd.f32 v54, v39;
	v38 =	vadd.f32 v61, v38;
	v61 =	vmul.f32 v57, v60  }
0x15e: {  	v37 =	vadd.f32 v62, v37;
	v62 =	vmul.f32 v59, v63;
	v57 =	vperm.xlane v19, v14  }
0x15f: {  	v51 =	vmul.f32 v59, v58;
	v36 =	vadd.f32 v61, v36;
	v61 =	vmul.f32 v59, v56  }
0x160: {  	v34 =	vadd.f32 v62, v34;
	v62 =	vmul.f32 v59, v60;
	v54 =	vmul.f32 v57, v58  }
0x161: {  	v35 =	vadd.f32 v51, v35;
	v55 =	vmul.f32 v57, v63;
	v59 =	vld [tilespmem:s21+$0x140];
	v51 =	vmul.f32 v57, v56  }
0x162: {  	v33 =	vadd.f32 v61, v33;
	v0 =	vadd.f32 v62, v0;
	v61 =	vperm.xlane v21, v14;
	v62 =	vld [tilespmem:s21+$0x150]  }
0x163: {  	v31 =	vadd.f32 v54, v31;
	v30 =	vadd.f32 v55, v30;
	v54 =	vmul.f32 v57, v60;
	v55 =	vld [tilespmem:s21+$0x160]  }
0x164: {  	v29 =	vadd.f32 v51, v29;
	v51 =	vmul.f32 v61, v58;
	v57 =	vmul.f32 v61, v63  }
0x165: {  	v58 =	vld [tilespmem:s21+$0x170];
	v28 =	vadd.f32 v54, v28;
	v63 =	vmul.f32 v61, v56;
	v56 =	vperm.xlane v23, v15  }
0x166: {  	v61 =	vmul.f32 v61, v60;
	v60 =	vperm.xlane v22, v15;
	v27 =	vadd.f32 v51, v27  }
0x167: {  	v2 =	vadd.f32 v57, v2;
	v54 =	vmul.f32 v56, v59;
	v57 =	vmul.f32 v56, v62  }
0x168: {  	v25 =	vadd.f32 v63, v25;
	v1 =	vadd.f32 v61, v1;
	v51 =	vmul.f32 v56, v55  }
0x169: {  	v61 =	vmul.f32 v60, v62;
	v32 =	vadd.f32 v54, v32;
	v53 =	vadd.f32 v57, v53  }
0x16a: {  	v63 =	vmul.f32 v56, v58;
	v24 =	vadd.f32 v51, v24;
	v51 =	vmul.f32 v60, v59  }
0x16b: {  	v57 =	vperm.xlane v20, v15;
	v50 =	vadd.f32 v61, v50;
	v61 =	vmul.f32 v60, v58  }
0x16c: {  	v52 =	vadd.f32 v63, v52;
	v63 =	vmul.f32 v60, v55;
	v26 =	vadd.f32 v51, v26  }
0x16d: {  	v54 =	vmul.f32 v57, v59;
	v56 =	vmul.f32 v57, v62;
	v48 =	vadd.f32 v61, v48  }
0x16e: {  	v51 =	vmul.f32 v57, v55;
	v60 =	vperm.xlane v16, v15;
	v49 =	vadd.f32 v63, v49  }
0x16f: {  	v47 =	vadd.f32 v54, v47;
	v46 =	vadd.f32 v56, v46;
	v63 =	vmul.f32 v57, v58  }
0x170: {  	v45 =	vadd.f32 v51, v45;
	v51 =	vmul.f32 v60, v59;
	v57 =	vperm.xlane v17, v15  }
0x171: {  	v61 =	vmul.f32 v60, v62;
	v44 =	vadd.f32 v63, v44;
	v63 =	vmul.f32 v60, v55  }
0x172: {  	v43 =	vadd.f32 v51, v43;
	v60 =	vmul.f32 v60, v58;
	v54 =	vmul.f32 v57, v59  }
0x173: {  	v42 =	vadd.f32 v61, v42;
	v56 =	vmul.f32 v57, v62;
	v51 =	vmul.f32 v57, v55  }
0x174: {  	v61 =	vmul.f32 v57, v58;
	v57 =	vperm.xlane v19, v15;
	v41 =	vadd.f32 v63, v41  }
0x175: {  	v40 =	vadd.f32 v60, v40;
	v60 =	vperm.xlane v18, v15;
	v39 =	vadd.f32 v54, v39  }
0x176: {  	v38 =	vadd.f32 v56, v38;
	v37 =	vadd.f32 v51, v37;
	v54 =	vmul.f32 v57, v59  }
0x177: {  	v36 =	vadd.f32 v61, v36;
	v56 =	vmul.f32 v57, v62;
	v51 =	vmul.f32 v60, v59  }
0x178: {  	v63 =	vmul.f32 v60, v62;
	v61 =	vmul.f32 v60, v55;
	v31 =	vadd.f32 v54, v31  }
0x179: {  	v30 =	vadd.f32 v56, v30;
	v35 =	vadd.f32 v51, v35;
	v51 =	vmul.f32 v60, v58  }
0x17a: {  	v54 =	vmul.f32 v57, v58;
	v33 =	vadd.f32 v61, v33;
	v60 =	vld [tilespmem:s21+$0x180];
	v61 =	vperm.xlane v21, v15  }
0x17b: {  	v34 =	vadd.f32 v63, v34;
	v63 =	vld [tilespmem:s21+$0x190];
	v0 =	vadd.f32 v51, v0;
	v51 =	vmul.f32 v57, v55  }
0x17c: {  	v56 =	vld [tilespmem:s21+$0x1A0];
	v28 =	vadd.f32 v54, v28;
	v62 =	vmul.f32 v61, v62;
	v54 =	vmul.f32 v61, v55  }
0x17d: {  	v55 =	vperm.xlane v23, v3;
	v29 =	vadd.f32 v51, v29;
	v51 =	vmul.f32 v61, v59;
	v59 =	vld [tilespmem:s21+$0x1B0]  }
0x17e: {  	v23 =	vperm.xlane v23, v4;
	v2 =	vadd.f32 v62, v2;
	v62 =	vmul.f32 v61, v58  }
0x17f: {  	v25 =	vadd.f32 v54, v25;
	v58 =	vperm.xlane v22, v3;
	v22 =	vperm.xlane v22, v4  }
0x180: {  	v54 =	vmul.f32 v55, v60;
	v61 =	vmul.f32 v55, v63;
	v27 =	vadd.f32 v51, v27  }
0x181: {  	v1 =	vadd.f32 v62, v1;
	v62 =	vmul.f32 v55, v56;
	v51 =	vmul.f32 v58, v60  }
0x182: {  	v53 =	vadd.f32 v61, v53;
	v61 =	vmul.f32 v58, v63;
	v57 =	vmul.f32 v55, v59  }
0x183: {  	v24 =	vadd.f32 v62, v24;
	v62 =	vmul.f32 v58, v56;
	v58 =	vmul.f32 v58, v59  }
0x184: {  	v32 =	vadd.f32 v54, v32;
	v52 =	vadd.f32 v57, v52;
	v57 =	vperm.xlane v20, v3  }
0x185: {  	v26 =	vadd.f32 v51, v26;
	v48 =	vadd.f32 v58, v48;
	v58 =	vperm.xlane v16, v3  }
0x186: {  	v50 =	vadd.f32 v61, v50;
	v20 =	vperm.xlane v20, v4;
	v54 =	vmul.f32 v57, v60  }
0x187: {  	v49 =	vadd.f32 v62, v49;
	v61 =	vmul.f32 v57, v63;
	v62 =	vmul.f32 v57, v56  }
0x188: {  	v16 =	vperm.xlane v16, v4;
	v57 =	vmul.f32 v57, v59;
	v47 =	vadd.f32 v54, v47  }
0x189: {  	v51 =	vmul.f32 v58, v60;
	v46 =	vadd.f32 v61, v46;
	v45 =	vadd.f32 v62, v45  }
0x18a: {  	v61 =	vmul.f32 v58, v63;
	v44 =	vadd.f32 v57, v44;
	v57 =	vperm.xlane v17, v3  }
0x18b: {  	v62 =	vmul.f32 v58, v56;
	v43 =	vadd.f32 v51, v43;
	v58 =	vmul.f32 v58, v59  }
0x18c: {  	v17 =	vperm.xlane v17, v4;
	v42 =	vadd.f32 v61, v42;
	v54 =	vmul.f32 v57, v60  }
0x18d: {  	v41 =	vadd.f32 v62, v41;
	v61 =	vmul.f32 v57, v63;
	v62 =	vmul.f32 v57, v56  }
0x18e: {  	v40 =	vadd.f32 v58, v40;
	v58 =	vperm.xlane v18, v3;
	v18 =	vperm.xlane v18, v4  }
0x18f: {  	v39 =	vadd.f32 v54, v39;
	v38 =	vadd.f32 v61, v38;
	v61 =	vmul.f32 v57, v59  }
0x190: {  	v37 =	vadd.f32 v62, v37;
	v62 =	vmul.f32 v58, v63;
	v57 =	vperm.xlane v19, v3  }
0x191: {  	v51 =	vmul.f32 v58, v60;
	v36 =	vadd.f32 v61, v36;
	v61 =	vmul.f32 v58, v56  }
0x192: {  	v34 =	vadd.f32 v62, v34;
	v62 =	vmul.f32 v58, v59;
	v54 =	vmul.f32 v57, v60  }
0x193: {  	v35 =	vadd.f32 v51, v35;
	v55 =	vmul.f32 v57, v63;
	v58 =	vld [tilespmem:s21+$0x1C0];
	v51 =	vmul.f32 v57, v56  }
0x194: {  	v33 =	vadd.f32 v61, v33;
	v0 =	vadd.f32 v62, v0;
	v61 =	vperm.xlane v21, v3;
	v62 =	vld [tilespmem:s21+$0x1D0]  }
0x195: {  	v19 =	vperm.xlane v19, v4;
	v31 =	vadd.f32 v54, v31;
	v54 =	vmul.f32 v57, v59;
	v57 =	vld [tilespmem:s21+$0x1E0]  }
0x196: {  	v30 =	vadd.f32 v55, v30;
	v29 =	vadd.f32 v51, v29;
	v51 =	vmul.f32 v61, v60  }
0x197: {  	v55 =	vmul.f32 v61, v63;
	v28 =	vadd.f32 v54, v28;
	v63 =	vmul.f32 v61, v56  }
0x198: {  	v60 =	vld [tilespmem:s21+$0x1F0];
	v61 =	vmul.f32 v61, v59;
	v54 =	vmul.f32 v23, v58;
	v27 =	vadd.f32 v51, v27  }
0x199: {  	v59 =	vmul.f32 v20, v58;
	v2 =	vadd.f32 v55, v2;
	v25 =	vadd.f32 v63, v25  }
0x19a: {  	v1 =	vadd.f32 v61, v1;
	v63 =	vmul.f32 v23, v62;
	v61 =	vmul.f32 v23, v57  }
0x19b: {  	v55 =	vadd.f32 v54, v32;
	v56 =	vmul.f32 v22, v57;
	v47 =	vadd.f32 v59, v47  }
0x19c: {  	v32 =	vmul.f32 v16, v62;
	v59 =	vmul.f32 v17, v58;
	v54 =	vadd.f32 v63, v53  }
0x19d: {  	v23 =	vmul.f32 v23, v60;
	v53 =	vadd.f32 v61, v24;
	v24 =	vmul.f32 v22, v58  }
0x19e: {  	v63 =	vmul.f32 v22, v62;
	v22 =	vmul.f32 v22, v60;
	v49 =	vadd.f32 v56, v49  }
0x19f: {  	v61 =	vmul.f32 v20, v57;
	v42 =	vadd.f32 v32, v42;
	v39 =	vadd.f32 v59, v39  }
0x1a0: {  	v56 =	vmul.f32 v16, v57;
	v52 =	vadd.f32 v23, v52;
	v51 =	vadd.f32 v24, v26  }
0x1a1: {  	v50 =	vadd.f32 v63, v50;
	v24 =	vmul.f32 v20, v62;
	v20 =	vmul.f32 v20, v60  }
0x1a2: {  	v48 =	vadd.f32 v22, v48;
	v63 =	vmul.f32 v16, v58;
	v16 =	vmul.f32 v16, v60  }
0x1a3: {  	v45 =	vadd.f32 v61, v45;
	v41 =	vadd.f32 v56, v41;
	v61 =	vmul.f32 v17, v62  }
0x1a4: {  	v56 =	vmul.f32 v19, v62;
	v40 =	vadd.f32 v16, v40;
	v16 =	vmul.f32 v17, v57  }
0x1a5: {  	v46 =	vadd.f32 v24, v46;
	v44 =	vadd.f32 v20, v44;
	v17 =	vmul.f32 v17, v60  }
0x1a6: {  	v43 =	vadd.f32 v63, v43;
	v37 =	vadd.f32 v16, v37;
	v16 =	vmul.f32 v18, v58  }
0x1a7: {  	v38 =	vadd.f32 v61, v38;
	v36 =	vadd.f32 v17, v36;
	v17 =	vmul.f32 v18, v57  }
0x1a8: {  	v63 =	vmul.f32 v18, v62;
	v35 =	vadd.f32 v16, v35;
	v16 =	vmul.f32 v18, v60  }
0x1a9: {  	v30 =	vadd.f32 v56, v30;
	v33 =	vadd.f32 v17, v33;
	v17 =	vmul.f32 v19, v58  }
0x1aa: {  	p0 =	sne.s32 s22, $0x3F0;
	v32 =	vadd.f32 v16, v0;
	v0 =	vmul.f32 v19, v57;
	v16 =	vperm.xlane v21, v4  }
.Ltmp0:
0x1ab: {  	v34 =	vadd.f32 v63, v34;
	v31 =	vadd.f32 v17, v31;
	v17 =	vmul.f32 v19, v60;
	(pc) =	sbr.rel @p0 .LBB2_3-.Ltmp0, $4  }
0x1ac: {  	v29 =	vadd.f32 v0, v29;
	v0 =	vmul.f32 v16, v58;
	v59 =	vmul.f32 v16, v62  }
0x1ad: {  	v28 =	vadd.f32 v17, v28;
	v17 =	vmul.f32 v16, v57;
	v16 =	vmul.f32 v16, v60  }
0x1ae: {  	v27 =	vadd.f32 v0, v27;
	v26 =	vadd.f32 v59, v2  }
0x1af: {  	s20 =	sadd.s32 $0x80, s20;
	s22 =	sadd.s32 $0x10, s22;
	s21 =	sadd.s32 $0x400, s21;
	v62 =	vimm.s32 $0x0;
	v25 =	vadd.f32 v17, v25;
	v24 =	vadd.f32 v16, v1  }
0x1b0: {  	[tilespmem:$0x14000] =	vst v55  }
0x1b1: {  	[tilespmem:$0x14010] =	vst v54  }
0x1b2: {  	[tilespmem:$0x14020] =	vst v53  }
0x1b3: {  	[tilespmem:$0x14030] =	vst v52  }
0x1b4: {  	[tilespmem:$0x14080] =	vst v51  }
0x1b5: {  	[tilespmem:$0x14090] =	vst v50  }
0x1b6: {  	[tilespmem:$0x140A0] =	vst v49  }
0x1b7: {  	[tilespmem:$0x140B0] =	vst v48  }
0x1b8: {  	[tilespmem:$0x14100] =	vst v47  }
0x1b9: {  	[tilespmem:$0x14110] =	vst v46  }
0x1ba: {  	[tilespmem:$0x14120] =	vst v45  }
0x1bb: {  	[tilespmem:$0x14130] =	vst v44  }
0x1bc: {  	[tilespmem:$0x14180] =	vst v43  }
0x1bd: {  	[tilespmem:$0x14190] =	vst v42  }
0x1be: {  	[tilespmem:$0x141A0] =	vst v41  }
0x1bf: {  	[tilespmem:$0x141B0] =	vst v40  }
0x1c0: {  	[tilespmem:$0x14200] =	vst v39  }
0x1c1: {  	[tilespmem:$0x14210] =	vst v38  }
0x1c2: {  	[tilespmem:$0x14220] =	vst v37  }
0x1c3: {  	[tilespmem:$0x14230] =	vst v36  }
0x1c4: {  	[tilespmem:$0x14280] =	vst v35  }
0x1c5: {  	[tilespmem:$0x14290] =	vst v34  }
0x1c6: {  	[tilespmem:$0x142A0] =	vst v33  }
0x1c7: {  	[tilespmem:$0x142B0] =	vst v32  }
0x1c8: {  	[tilespmem:$0x14300] =	vst v31  }
0x1c9: {  	[tilespmem:$0x14310] =	vst v30  }
0x1ca: {  	[tilespmem:$0x14320] =	vst v29  }
0x1cb: {  	[tilespmem:$0x14330] =	vst v28  }
0x1cc: {  	[tilespmem:$0x14380] =	vst v27;
	s20 =	sshll.u32 s18, $0xB  }
0x1cd: {  	[tilespmem:$0x14390] =	vst v26;
	s20 =	sadd.s32 s8, s20  }
0x1ce: {  	v26 =	vimm.f32 $0.0e+00;
	v27 =	vimm.f32 $0.0e+00;
	[tilespmem:$0x143A0] =	vst v25;
	s20 =	sshrl.u32 s20, $0x3  }
0x1cf: {  	p0 =	seq.s32 s18, $0x7;
	v28 =	vimm.f32 $0.0e+00;
	v29 =	vimm.f32 $0.0e+00;
	v30 =	vimm.f32 $0.0e+00;
	[tilespmem:$0x143B0] =	vst v24;
	s20 =	sadd.s32 s4, s20  }
0x1d0: {  	v31 =	vimm.f32 $0.0e+00;
	v32 =	vimm.f32 $0.0e+00;
	v33 =	vimm.f32 $0.0e+00;
	[hbm4b:s20+s3] =	stream.linear.scatter [tilespmem:s15], [sflag:$0x3], $0x400, $0x38;
	[tilespmem:$0x14400] =	vst v63  }
0x1d1: {  	v34 =	vimm.f32 $0.0e+00;
	v35 =	vimm.f32 $0.0e+00;
	v36 =	vimm.f32 $0.0e+00;
	s20 =	sshll.u32 @!p0 s18, $0x10  }
0x1d2: {  	v37 =	vimm.f32 $0.0e+00;
	v38 =	vimm.f32 $0.0e+00;
	v39 =	vimm.f32 $0.0e+00;
	_ =	swait.ge [sflag:s11], $0x400;
	s20 =	sadd.s32 @!p0 s20, s9  }
0x1d3: {  	v40 =	vimm.f32 $0.0e+00;
	v41 =	vimm.f32 $0.0e+00;
	v42 =	vimm.f32 $0.0e+00;
	s21 =	simm.s32 @!p0 $0x0;
	[sflag:s11] =	ssyncset.done $0x0;
	s20 =	sshrl.u32 @!p0 s20, $0x3  }
0x1d4: {  	v43 =	vimm.f32 $0.0e+00;
	v44 =	vimm.f32 $0.0e+00;
	v45 =	vimm.f32 $0.0e+00;
	s22 =	simm.s32 @!p0 $0x10000;
	[sflag:s11] =	ssyncadd.s32 $0xFFFFFC00;
	s20 =	sadd.s32 @!p0 s2, s20  }
0x1d5: {  	v46 =	vimm.f32 $0.0e+00;
	v47 =	vimm.f32 $0.0e+00;
	v48 =	vimm.f32 $0.0e+00;
	[tilespmem:s22], [sflag:$0x1] =	stream.linear.gather @!p0 [hbm4b:s20+s21], $0x2000, $0x38;
	[tilespmem:$0x14400] =	vst v63  }
0x1d6: {  	v49 =	vimm.f32 $0.0e+00;
	v50 =	vimm.f32 $0.0e+00;
	v51 =	vimm.f32 $0.0e+00;
	_ =	swait.ge [sflag:s16], $0x2000  }
0x1d7: {  	v52 =	vimm.f32 $0.0e+00;
	v53 =	vimm.f32 $0.0e+00;
	v54 =	vimm.f32 $0.0e+00;
	s20 =	simm.s32 $0x0;
	[sflag:s16] =	ssyncset.done $0x0  }
0x1d8: {  	v55 =	vimm.f32 $0.0e+00;
	v24 =	vimm.f32 $0.0e+00;
	v25 =	vimm.f32 $0.0e+00;
	s21 =	simm.s32 $0x200;
	s22 =	simm.s32 $0x0;
	[sflag:s16] =	ssyncadd.s32 $0xFFFFE000  }
.LBB2_5:
0x1d9: {  	s23 =	sand.u32 $0x70, s22;
	s24 =	sand.u32 $0x1C00, s20;
	v0 =	vld [tilespmem:s21+$0xFFFFFE00]  }
0x1da: {  	v1 =	vld [tilespmem:s21+$0xFFFFFE10];
	s23 =	sor.u32 s23, s24  }
0x1db: {  	v23 =	vld [tilespmem:s23+$0x12000]  }
0x1dc: {  	v22 =	vld [tilespmem:s23+$0x12080]  }
0x1dd: {  	v20 =	vld [tilespmem:s23+$0x12100]  }
0x1de: {  	v2 =	vld [tilespmem:s21+$0xFFFFFE20]  }
0x1df: {  	v56 =	vld [tilespmem:s21+$0xFFFFFE30];
	_ =	sdelay $0x1  }
0x1e0: {  	v17 =	vperm.xlane v23, v62  }
0x1e1: {  	v57 =	vperm.xlane v22, v62;
	v58 =	vperm.xlane v20, v62  }
0x1e2: {  	v18 =	vmul.f32 v17, v0;
	v19 =	vmul.f32 v17, v1  }
0x1e3: {  	v16 =	vld [tilespmem:s23+$0x12180];
	v21 =	vmul.f32 v17, v2;
	v17 =	vmul.f32 v17, v56  }
0x1e4: {  	v60 =	vmul.f32 v57, v0;
	v61 =	vmul.f32 v57, v1;
	v55 =	vadd.f32 v18, v55  }
0x1e5: {  	v63 =	vmul.f32 v57, v2;
	v54 =	vadd.f32 v19, v54;
	v53 =	vadd.f32 v21, v53  }
0x1e6: {  	v59 =	vmul.f32 v57, v56;
	v52 =	vadd.f32 v17, v52;
	v17 =	vld [tilespmem:s23+$0x12200];
	v51 =	vadd.f32 v60, v51  }
0x1e7: {  	v50 =	vadd.f32 v61, v50;
	v49 =	vadd.f32 v63, v49;
	v60 =	vmul.f32 v58, v0  }
0x1e8: {  	v61 =	vmul.f32 v58, v1;
	v48 =	vadd.f32 v59, v48;
	v59 =	vperm.xlane v16, v62;
	v18 =	vld [tilespmem:s23+$0x12280]  }
0x1e9: {  	v63 =	vmul.f32 v58, v2;
	v47 =	vadd.f32 v60, v47;
	v60 =	vmul.f32 v58, v56  }
0x1ea: {  	v19 =	vld [tilespmem:s23+$0x12300];
	v46 =	vadd.f32 v61, v46;
	v21 =	vmul.f32 v59, v0;
	v57 =	vmul.f32 v59, v1  }
0x1eb: {  	v61 =	vmul.f32 v59, v56;
	v44 =	vadd.f32 v60, v44;
	v60 =	vperm.xlane v17, v62  }
0x1ec: {  	v58 =	vmul.f32 v59, v2;
	v43 =	vadd.f32 v21, v43;
	v42 =	vadd.f32 v57, v42  }
0x1ed: {  	v40 =	vadd.f32 v61, v40;
	v21 =	vld [tilespmem:s23+$0x12380];
	v61 =	vperm.xlane v18, v62;
	v57 =	vmul.f32 v60, v0  }
0x1ee: {  	v41 =	vadd.f32 v58, v41;
	v58 =	vmul.f32 v60, v1;
	v59 =	vmul.f32 v60, v2  }
0x1ef: {  	v45 =	vadd.f32 v63, v45;
	v63 =	vmul.f32 v60, v56;
	v60 =	vperm.xlane v19, v62  }
0x1f0: {  	v62 =	vimm.s32 $0x0;
	v39 =	vadd.f32 v57, v39;
	v38 =	vadd.f32 v58, v38  }
0x1f1: {  	v37 =	vadd.f32 v59, v37;
	v58 =	vmul.f32 v61, v0;
	v59 =	vmul.f32 v61, v1  }
0x1f2: {  	v36 =	vadd.f32 v63, v36;
	v57 =	vmul.f32 v61, v2;
	v62 =	vperm.xlane v21, v62  }
0x1f3: {  	v35 =	vadd.f32 v58, v35;
	v34 =	vadd.f32 v59, v34;
	v58 =	vmul.f32 v61, v56  }
0x1f4: {  	v63 =	vld [tilespmem:s21+$0xFFFFFE50];
	v33 =	vadd.f32 v57, v33;
	v57 =	vmul.f32 v60, v0;
	v59 =	vmul.f32 v60, v1  }
0x1f5: {  	v61 =	vld [tilespmem:s21+$0xFFFFFE40];
	v32 =	vadd.f32 v58, v32;
	v58 =	vmul.f32 v60, v2;
	v60 =	vmul.f32 v60, v56  }
0x1f6: {  	v0 =	vmul.f32 v62, v0;
	v1 =	vmul.f32 v62, v1;
	v30 =	vadd.f32 v59, v30;
	v59 =	vld [tilespmem:s21+$0xFFFFFE60]  }
0x1f7: {  	v29 =	vadd.f32 v58, v29;
	v58 =	vld [tilespmem:s21+$0xFFFFFE70];
	v28 =	vadd.f32 v60, v28;
	v60 =	vimm.s32 $0x1  }
0x1f8: {  	v31 =	vadd.f32 v57, v31;
	v2 =	vmul.f32 v62, v2;
	v57 =	vperm.xlane v23, v60  }
0x1f9: {  	v0 =	vadd.f32 v0, v27;
	v1 =	vadd.f32 v1, v26;
	v26 =	vmul.f32 v62, v56  }
0x1fa: {  	v2 =	vadd.f32 v2, v25;
	v56 =	vperm.xlane v22, v60;
	v27 =	vmul.f32 v57, v63  }
0x1fb: {  	v24 =	vadd.f32 v26, v24;
	v25 =	vmul.f32 v57, v61;
	v26 =	vmul.f32 v57, v59  }
0x1fc: {  	v62 =	vmul.f32 v56, v63;
	v27 =	vadd.f32 v27, v54;
	v57 =	vmul.f32 v57, v58  }
0x1fd: {  	v26 =	vadd.f32 v26, v53;
	v53 =	vmul.f32 v56, v61;
	v54 =	vmul.f32 v56, v59  }
0x1fe: {  	v50 =	vadd.f32 v62, v50;
	v62 =	vmul.f32 v56, v58;
	v56 =	vperm.xlane v16, v60  }
0x1ff: {  	v52 =	vadd.f32 v57, v52;
	v57 =	vperm.xlane v20, v60  }
0x200: {  	v51 =	vadd.f32 v53, v51;
	v49 =	vadd.f32 v54, v49;
	v53 =	vmul.f32 v56, v61  }
0x201: {  	v48 =	vadd.f32 v62, v48;
	v54 =	vmul.f32 v57, v61;
	v62 =	vmul.f32 v57, v59  }
0x202: {  	v25 =	vadd.f32 v25, v55;
	v55 =	vmul.f32 v57, v63;
	v57 =	vmul.f32 v57, v58  }
0x203: {  	v47 =	vadd.f32 v54, v47;
	v45 =	vadd.f32 v62, v45;
	v62 =	vmul.f32 v56, v63  }
0x204: {  	v44 =	vadd.f32 v57, v44;
	v54 =	vmul.f32 v56, v59;
	v57 =	vperm.xlane v17, v60  }
0x205: {  	v42 =	vadd.f32 v62, v42;
	v62 =	vmul.f32 v56, v58  }
0x206: {  	v43 =	vadd.f32 v53, v43;
	v41 =	vadd.f32 v54, v41;
	v54 =	vmul.f32 v57, v61  }
0x207: {  	v56 =	vperm.xlane v18, v60;
	v40 =	vadd.f32 v62, v40;
	v62 =	vmul.f32 v57, v59  }
0x208: {  	v46 =	vadd.f32 v55, v46;
	v55 =	vmul.f32 v57, v63;
	v57 =	vmul.f32 v57, v58  }
0x209: {  	v39 =	vadd.f32 v54, v39;
	v54 =	vmul.f32 v56, v59;
	v37 =	vadd.f32 v62, v37  }
0x20a: {  	v62 =	vmul.f32 v56, v63;
	v36 =	vadd.f32 v57, v36;
	v57 =	vperm.xlane v19, v60  }
0x20b: {  	v38 =	vadd.f32 v55, v38;
	v53 =	vmul.f32 v56, v61;
	v33 =	vadd.f32 v54, v33  }
0x20c: {  	v34 =	vadd.f32 v62, v34;
	v62 =	vmul.f32 v56, v58;
	v54 =	vmul.f32 v57, v61  }
0x20d: {  	v35 =	vadd.f32 v53, v35;
	v55 =	vmul.f32 v57, v63;
	v56 =	vld [tilespmem:s21+$0xFFFFFE80];
	v53 =	vmul.f32 v57, v59  }
0x20e: {  	v60 =	vperm.xlane v21, v60;
	v32 =	vadd.f32 v62, v32;
	v62 =	vld [tilespmem:s21+$0xFFFFFE90];
	v31 =	vadd.f32 v54, v31  }
0x20f: {  	v30 =	vadd.f32 v55, v30;
	v54 =	vmul.f32 v57, v58;
	v55 =	vld [tilespmem:s21+$0xFFFFFEA0];
	v29 =	vadd.f32 v53, v29  }
0x210: {  	v53 =	vmul.f32 v60, v61;
	v57 =	vmul.f32 v60, v63;
	v61 =	vld [tilespmem:s21+$0xFFFFFEB0];
	v63 =	vimm.s32 $0x2  }
0x211: {  	v28 =	vadd.f32 v54, v28;
	v54 =	vmul.f32 v60, v59;
	v59 =	vperm.xlane v23, v63  }
0x212: {  	v0 =	vadd.f32 v53, v0;
	v60 =	vmul.f32 v60, v58;
	v58 =	vperm.xlane v22, v63  }
0x213: {  	v1 =	vadd.f32 v57, v1;
	v2 =	vadd.f32 v54, v2;
	v54 =	vmul.f32 v59, v56  }
0x214: {  	v24 =	vadd.f32 v60, v24;
	v53 =	vmul.f32 v58, v56;
	v60 =	vmul.f32 v59, v55  }
0x215: {  	v57 =	vmul.f32 v59, v62;
	v25 =	vadd.f32 v54, v25;
	v54 =	vmul.f32 v59, v61  }
0x216: {  	v59 =	vperm.xlane v20, v63;
	v26 =	vadd.f32 v60, v26;
	v60 =	vmul.f32 v58, v62  }
0x217: {  	v51 =	vadd.f32 v53, v51;
	v52 =	vadd.f32 v54, v52;
	v54 =	vmul.f32 v58, v55  }
0x218: {  	v27 =	vadd.f32 v57, v27;
	v50 =	vadd.f32 v60, v50;
	v60 =	vmul.f32 v58, v61  }
0x219: {  	v57 =	vmul.f32 v59, v62;
	v49 =	vadd.f32 v54, v49;
	v54 =	vmul.f32 v59, v56  }
0x21a: {  	v58 =	vperm.xlane v16, v63;
	v48 =	vadd.f32 v60, v48;
	v60 =	vmul.f32 v59, v55  }
0x21b: {  	v46 =	vadd.f32 v57, v46;
	v47 =	vadd.f32 v54, v47;
	v54 =	vmul.f32 v59, v61  }
0x21c: {  	v53 =	vmul.f32 v58, v56;
	v45 =	vadd.f32 v60, v45;
	v60 =	vmul.f32 v58, v62  }
0x21d: {  	v59 =	vperm.xlane v17, v63;
	v44 =	vadd.f32 v54, v44;
	v54 =	vmul.f32 v58, v55  }
0x21e: {  	v43 =	vadd.f32 v53, v43;
	v42 =	vadd.f32 v60, v42;
	v60 =	vmul.f32 v58, v61  }
0x21f: {  	v57 =	vmul.f32 v59, v62;
	v41 =	vadd.f32 v54, v41;
	v54 =	vmul.f32 v59, v56  }
0x220: {  	v58 =	vperm.xlane v18, v63;
	v40 =	vadd.f32 v60, v40;
	v60 =	vmul.f32 v59, v55  }
0x221: {  	v38 =	vadd.f32 v57, v38;
	v39 =	vadd.f32 v54, v39;
	v54 =	vmul.f32 v59, v61  }
0x222: {  	v53 =	vmul.f32 v58, v56;
	v37 =	vadd.f32 v60, v37;
	v60 =	vmul.f32 v58, v62  }
0x223: {  	v59 =	vperm.xlane v19, v63;
	v36 =	vadd.f32 v54, v36;
	v54 =	vmul.f32 v58, v55  }
0x224: {  	v35 =	vadd.f32 v53, v35;
	v34 =	vadd.f32 v60, v34;
	v60 =	vmul.f32 v58, v61  }
0x225: {  	v57 =	vmul.f32 v59, v62;
	v53 =	vmul.f32 v59, v55;
	v33 =	vadd.f32 v54, v33  }
0x226: {  	v58 =	vld [tilespmem:s21+$0xFFFFFEC0];
	v54 =	vmul.f32 v59, v56;
	v32 =	vadd.f32 v60, v32;
	v60 =	vperm.xlane v21, v63  }
0x227: {  	v30 =	vadd.f32 v57, v30;
	v57 =	vld [tilespmem:s21+$0xFFFFFEE0];
	v29 =	vadd.f32 v53, v29  }
0x228: {  	v63 =	vld [tilespmem:s21+$0xFFFFFED0];
	v31 =	vadd.f32 v54, v31;
	v54 =	vmul.f32 v59, v61;
	v53 =	vmul.f32 v60, v56  }
0x229: {  	v59 =	vld [tilespmem:s21+$0xFFFFFEF0];
	v56 =	vmul.f32 v60, v62;
	v62 =	vmul.f32 v60, v55  }
0x22a: {  	v55 =	vperm.xlane v23, v5;
	v61 =	vmul.f32 v60, v61;
	v28 =	vadd.f32 v54, v28  }
0x22b: {  	v60 =	vperm.xlane v22, v5;
	v0 =	vadd.f32 v53, v0;
	v1 =	vadd.f32 v56, v1  }
0x22c: {  	v2 =	vadd.f32 v62, v2;
	v54 =	vmul.f32 v55, v58;
	v53 =	vmul.f32 v55, v57  }
0x22d: {  	v24 =	vadd.f32 v61, v24;
	v56 =	vmul.f32 v55, v63;
	v61 =	vmul.f32 v60, v63  }
0x22e: {  	v25 =	vadd.f32 v54, v25;
	v62 =	vmul.f32 v55, v59;
	v26 =	vadd.f32 v53, v26  }
0x22f: {  	v53 =	vmul.f32 v60, v58;
	v27 =	vadd.f32 v56, v27;
	v56 =	vperm.xlane v20, v5  }
0x230: {  	v50 =	vadd.f32 v61, v50;
	v61 =	vmul.f32 v60, v59;
	v52 =	vadd.f32 v62, v52  }
0x231: {  	v62 =	vmul.f32 v60, v57;
	v51 =	vadd.f32 v53, v51;
	v60 =	vperm.xlane v16, v5  }
0x232: {  	v54 =	vmul.f32 v56, v58;
	v55 =	vmul.f32 v56, v63;
	v48 =	vadd.f32 v61, v48  }
0x233: {  	v53 =	vmul.f32 v56, v57;
	v49 =	vadd.f32 v62, v49;
	v62 =	vmul.f32 v56, v59  }
0x234: {  	v61 =	vmul.f32 v60, v63;
	v56 =	vperm.xlane v17, v5;
	v47 =	vadd.f32 v54, v47  }
0x235: {  	v45 =	vadd.f32 v53, v45;
	v53 =	vmul.f32 v60, v58;
	v44 =	vadd.f32 v62, v44  }
0x236: {  	v62 =	vmul.f32 v60, v57;
	v42 =	vadd.f32 v61, v42;
	v61 =	vmul.f32 v60, v59  }
0x237: {  	v46 =	vadd.f32 v55, v46;
	v54 =	vmul.f32 v56, v58;
	v55 =	vmul.f32 v56, v63  }
0x238: {  	v60 =	vperm.xlane v18, v5;
	v43 =	vadd.f32 v53, v43;
	v41 =	vadd.f32 v62, v41  }
0x239: {  	v53 =	vmul.f32 v56, v57;
	v40 =	vadd.f32 v61, v40;
	v39 =	vadd.f32 v54, v39  }
0x23a: {  	v38 =	vadd.f32 v55, v38;
	v62 =	vmul.f32 v56, v59;
	v56 =	vperm.xlane v19, v5  }
0x23b: {  	v61 =	vmul.f32 v60, v63;
	v37 =	vadd.f32 v53, v37;
	v53 =	vmul.f32 v60, v58  }
0x23c: {  	v36 =	vadd.f32 v62, v36;
	v62 =	vmul.f32 v60, v57;
	v54 =	vmul.f32 v56, v58  }
0x23d: {  	v34 =	vadd.f32 v61, v34;
	v55 =	vmul.f32 v56, v63;
	v61 =	vperm.xlane v21, v5  }
0x23e: {  	v35 =	vadd.f32 v53, v35;
	v53 =	vmul.f32 v60, v59;
	v60 =	vld [tilespmem:s21+$0xFFFFFF00];
	v33 =	vadd.f32 v62, v33  }
0x23f: {  	v31 =	vadd.f32 v54, v31;
	v30 =	vadd.f32 v55, v30;
	v54 =	vmul.f32 v56, v59;
	v55 =	vld [tilespmem:s21+$0xFFFFFF20]  }
0x240: {  	v62 =	vld [tilespmem:s21+$0xFFFFFF10];
	v32 =	vadd.f32 v53, v32;
	v53 =	vmul.f32 v56, v57;
	v56 =	vmul.f32 v61, v63  }
0x241: {  	v63 =	vmul.f32 v61, v57;
	v57 =	vperm.xlane v23, v6;
	v28 =	vadd.f32 v54, v28  }
0x242: {  	v29 =	vadd.f32 v53, v29;
	v53 =	vmul.f32 v61, v58;
	v58 =	vld [tilespmem:s21+$0xFFFFFF30];
	v61 =	vmul.f32 v61, v59  }
0x243: {  	v1 =	vadd.f32 v56, v1;
	v2 =	vadd.f32 v63, v2  }
0x244: {  	v59 =	vperm.xlane v22, v6;
	v24 =	vadd.f32 v61, v24;
	v61 =	vmul.f32 v57, v55  }
0x245: {  	v54 =	vmul.f32 v57, v60;
	v0 =	vadd.f32 v53, v0;
	v63 =	vmul.f32 v57, v62  }
0x246: {  	v53 =	vmul.f32 v59, v60;
	v26 =	vadd.f32 v61, v26;
	v61 =	vmul.f32 v59, v62  }
0x247: {  	v27 =	vadd.f32 v63, v27;
	v63 =	vmul.f32 v57, v58;
	v57 =	vperm.xlane v20, v6  }
0x248: {  	v25 =	vadd.f32 v54, v25;
	v50 =	vadd.f32 v61, v50;
	v61 =	vmul.f32 v59, v58  }
0x249: {  	v52 =	vadd.f32 v63, v52;
	v63 =	vmul.f32 v59, v55;
	v54 =	vmul.f32 v57, v60  }
0x24a: {  	v59 =	vperm.xlane v16, v6;
	v48 =	vadd.f32 v61, v48;
	v61 =	vmul.f32 v57, v55  }
0x24b: {  	v51 =	vadd.f32 v53, v51;
	v49 =	vadd.f32 v63, v49;
	v63 =	vmul.f32 v57, v62  }
0x24c: {  	v47 =	vadd.f32 v54, v47;
	v45 =	vadd.f32 v61, v45;
	v61 =	vmul.f32 v59, v62  }
0x24d: {  	v46 =	vadd.f32 v63, v46;
	v63 =	vmul.f32 v57, v58;
	v57 =	vperm.xlane v17, v6  }
0x24e: {  	v53 =	vmul.f32 v59, v60;
	v42 =	vadd.f32 v61, v42;
	v61 =	vmul.f32 v59, v58  }
0x24f: {  	v44 =	vadd.f32 v63, v44;
	v63 =	vmul.f32 v59, v55;
	v54 =	vmul.f32 v57, v60  }
0x250: {  	v59 =	vperm.xlane v18, v6;
	v40 =	vadd.f32 v61, v40;
	v61 =	vmul.f32 v57, v55  }
0x251: {  	v43 =	vadd.f32 v53, v43;
	v41 =	vadd.f32 v63, v41;
	v63 =	vmul.f32 v57, v62  }
0x252: {  	v39 =	vadd.f32 v54, v39;
	v37 =	vadd.f32 v61, v37;
	v61 =	vmul.f32 v59, v62  }
0x253: {  	v38 =	vadd.f32 v63, v38;
	v63 =	vmul.f32 v57, v58;
	v57 =	vperm.xlane v19, v6  }
0x254: {  	v53 =	vmul.f32 v59, v60;
	v34 =	vadd.f32 v61, v34;
	v61 =	vmul.f32 v59, v58  }
0x255: {  	v36 =	vadd.f32 v63, v36;
	v63 =	vmul.f32 v59, v55;
	v54 =	vmul.f32 v57, v60  }
0x256: {  	v35 =	vadd.f32 v53, v35;
	v56 =	vmul.f32 v57, v62;
	v53 =	vmul.f32 v57, v55  }
0x257: {  	v59 =	vld [tilespmem:s21+$0xFFFFFF40];
	v32 =	vadd.f32 v61, v32;
	v61 =	vperm.xlane v21, v6;
	v33 =	vadd.f32 v63, v33  }
0x258: {  	v63 =	vld [tilespmem:s21+$0xFFFFFF50];
	v31 =	vadd.f32 v54, v31;
	v30 =	vadd.f32 v56, v30;
	v54 =	vmul.f32 v57, v58  }
0x259: {  	v56 =	vld [tilespmem:s21+$0xFFFFFF60];
	v29 =	vadd.f32 v53, v29;
	v53 =	vmul.f32 v61, v60;
	v57 =	vmul.f32 v61, v62  }
0x25a: {  	v60 =	vld [tilespmem:s21+$0xFFFFFF70];
	v62 =	vmul.f32 v61, v58;
	v58 =	vperm.xlane v22, v7  }
0x25b: {  	v28 =	vadd.f32 v54, v28;
	v54 =	vmul.f32 v61, v55;
	v55 =	vperm.xlane v23, v7  }
0x25c: {  	v0 =	vadd.f32 v53, v0;
	v1 =	vadd.f32 v57, v1  }
0x25d: {  	v24 =	vadd.f32 v62, v24;
	v53 =	vmul.f32 v58, v59;
	v61 =	vmul.f32 v55, v63  }
0x25e: {  	v2 =	vadd.f32 v54, v2;
	v54 =	vmul.f32 v55, v59;
	v62 =	vmul.f32 v55, v56  }
0x25f: {  	v51 =	vadd.f32 v53, v51;
	v57 =	vmul.f32 v55, v60;
	v27 =	vadd.f32 v61, v27  }
0x260: {  	v26 =	vadd.f32 v62, v26;
	v61 =	vmul.f32 v58, v63;
	v62 =	vmul.f32 v58, v56  }
0x261: {  	v58 =	vmul.f32 v58, v60;
	v52 =	vadd.f32 v57, v52;
	v57 =	vperm.xlane v20, v7  }
0x262: {  	v25 =	vadd.f32 v54, v25;
	v50 =	vadd.f32 v61, v50  }
0x263: {  	v48 =	vadd.f32 v58, v48;
	v58 =	vperm.xlane v16, v7;
	v54 =	vmul.f32 v57, v59  }
0x264: {  	v49 =	vadd.f32 v62, v49;
	v61 =	vmul.f32 v57, v63;
	v62 =	vmul.f32 v57, v56  }
0x265: {  	v57 =	vmul.f32 v57, v60;
	v53 =	vmul.f32 v58, v59;
	v47 =	vadd.f32 v54, v47  }
0x266: {  	v46 =	vadd.f32 v61, v46;
	v45 =	vadd.f32 v62, v45;
	v61 =	vmul.f32 v58, v63  }
0x267: {  	v44 =	vadd.f32 v57, v44;
	v62 =	vmul.f32 v58, v56;
	v57 =	vperm.xlane v17, v7  }
0x268: {  	v58 =	vmul.f32 v58, v60;
	v43 =	vadd.f32 v53, v43;
	v42 =	vadd.f32 v61, v42  }
0x269: {  	v41 =	vadd.f32 v62, v41;
	v54 =	vmul.f32 v57, v59;
	v61 =	vmul.f32 v57, v63  }
0x26a: {  	v40 =	vadd.f32 v58, v40;
	v62 =	vmul.f32 v57, v56;
	v58 =	vperm.xlane v18, v7  }
0x26b: {  	v39 =	vadd.f32 v54, v39;
	v38 =	vadd.f32 v61, v38;
	v61 =	vmul.f32 v57, v60  }
0x26c: {  	v37 =	vadd.f32 v62, v37;
	v62 =	vmul.f32 v58, v63;
	v57 =	vperm.xlane v19, v7  }
0x26d: {  	v53 =	vmul.f32 v58, v59;
	v36 =	vadd.f32 v61, v36;
	v61 =	vmul.f32 v58, v56  }
0x26e: {  	v34 =	vadd.f32 v62, v34;
	v62 =	vmul.f32 v58, v60;
	v54 =	vmul.f32 v57, v59  }
0x26f: {  	v35 =	vadd.f32 v53, v35;
	v55 =	vmul.f32 v57, v63;
	v58 =	vld [tilespmem:s21+$0xFFFFFF80];
	v53 =	vmul.f32 v57, v56  }
0x270: {  	v33 =	vadd.f32 v61, v33;
	v32 =	vadd.f32 v62, v32;
	v61 =	vperm.xlane v21, v7;
	v62 =	vld [tilespmem:s21+$0xFFFFFF90]  }
0x271: {  	v31 =	vadd.f32 v54, v31;
	v30 =	vadd.f32 v55, v30;
	v54 =	vmul.f32 v57, v60;
	v55 =	vld [tilespmem:s21+$0xFFFFFFA0]  }
0x272: {  	v29 =	vadd.f32 v53, v29;
	v53 =	vmul.f32 v61, v59;
	v57 =	vmul.f32 v61, v63  }
0x273: {  	v59 =	vld [tilespmem:s21+$0xFFFFFFB0];
	v63 =	vmul.f32 v61, v56;
	v56 =	vperm.xlane v23, v8  }
0x274: {  	v28 =	vadd.f32 v54, v28;
	v61 =	vmul.f32 v61, v60;
	v60 =	vperm.xlane v22, v8  }
0x275: {  	v0 =	vadd.f32 v53, v0;
	v1 =	vadd.f32 v57, v1;
	v54 =	vmul.f32 v56, v58  }
0x276: {  	v2 =	vadd.f32 v63, v2;
	v57 =	vmul.f32 v56, v62;
	v53 =	vmul.f32 v56, v55  }
0x277: {  	v24 =	vadd.f32 v61, v24;
	v61 =	vmul.f32 v60, v62;
	v25 =	vadd.f32 v54, v25  }
0x278: {  	v27 =	vadd.f32 v57, v27;
	v63 =	vmul.f32 v56, v59;
	v26 =	vadd.f32 v53, v26  }
0x279: {  	v53 =	vmul.f32 v60, v58;
	v57 =	vperm.xlane v20, v8;
	v50 =	vadd.f32 v61, v50  }
0x27a: {  	v61 =	vmul.f32 v60, v59;
	v52 =	vadd.f32 v63, v52;
	v63 =	vmul.f32 v60, v55  }
0x27b: {  	v51 =	vadd.f32 v53, v51;
	v54 =	vmul.f32 v57, v58;
	v56 =	vmul.f32 v57, v62  }
0x27c: {  	v48 =	vadd.f32 v61, v48;
	v53 =	vmul.f32 v57, v55;
	v60 =	vperm.xlane v16, v8  }
0x27d: {  	v49 =	vadd.f32 v63, v49;
	v47 =	vadd.f32 v54, v47;
	v63 =	vmul.f32 v57, v59  }
0x27e: {  	v45 =	vadd.f32 v53, v45;
	v53 =	vmul.f32 v60, v58;
	v57 =	vperm.xlane v17, v8  }
0x27f: {  	v61 =	vmul.f32 v60, v62;
	v44 =	vadd.f32 v63, v44;
	v63 =	vmul.f32 v60, v55  }
0x280: {  	v46 =	vadd.f32 v56, v46;
	v60 =	vmul.f32 v60, v59;
	v54 =	vmul.f32 v57, v58  }
0x281: {  	v43 =	vadd.f32 v53, v43;
	v56 =	vmul.f32 v57, v62;
	v53 =	vmul.f32 v57, v55  }
0x282: {  	v42 =	vadd.f32 v61, v42;
	v61 =	vmul.f32 v57, v59;
	v57 =	vperm.xlane v19, v8  }
0x283: {  	v41 =	vadd.f32 v63, v41;
	v40 =	vadd.f32 v60, v40;
	v60 =	vperm.xlane v18, v8  }
0x284: {  	v39 =	vadd.f32 v54, v39;
	v38 =	vadd.f32 v56, v38;
	v54 =	vmul.f32 v57, v58  }
0x285: {  	v37 =	vadd.f32 v53, v37;
	v56 =	vmul.f32 v57, v62;
	v53 =	vmul.f32 v60, v58  }
0x286: {  	v36 =	vadd.f32 v61, v36;
	v63 =	vmul.f32 v60, v62;
	v61 =	vmul.f32 v60, v55  }
0x287: {  	v31 =	vadd.f32 v54, v31;
	v35 =	vadd.f32 v53, v35;
	v53 =	vmul.f32 v60, v59  }
0x288: {  	v54 =	vmul.f32 v57, v59;
	v33 =	vadd.f32 v61, v33;
	v60 =	vld [tilespmem:s21+$0xFFFFFFC0];
	v61 =	vperm.xlane v21, v8  }
0x289: {  	v34 =	vadd.f32 v63, v34;
	v63 =	vld [tilespmem:s21+$0xFFFFFFD0];
	v32 =	vadd.f32 v53, v32;
	v53 =	vmul.f32 v57, v55  }
0x28a: {  	v30 =	vadd.f32 v56, v30;
	v56 =	vld [tilespmem:s21+$0xFFFFFFE0];
	v28 =	vadd.f32 v54, v28;
	v62 =	vmul.f32 v61, v62  }
0x28b: {  	v54 =	vmul.f32 v61, v55;
	v29 =	vadd.f32 v53, v29;
	v53 =	vmul.f32 v61, v58;
	v58 =	vld [tilespmem:s21+$0xFFFFFFF0]  }
0x28c: {  	v55 =	vperm.xlane v23, v9;
	v1 =	vadd.f32 v62, v1  }
0x28d: {  	v62 =	vmul.f32 v61, v59;
	v2 =	vadd.f32 v54, v2;
	v59 =	vperm.xlane v22, v9  }
0x28e: {  	v54 =	vmul.f32 v55, v60;
	v61 =	vmul.f32 v55, v63;
	v0 =	vadd.f32 v53, v0  }
0x28f: {  	v24 =	vadd.f32 v62, v24;
	v62 =	vmul.f32 v55, v56;
	v53 =	vmul.f32 v59, v60  }
0x290: {  	v25 =	vadd.f32 v54, v25;
	v27 =	vadd.f32 v61, v27;
	v57 =	vmul.f32 v55, v58  }
0x291: {  	v61 =	vmul.f32 v59, v63;
	v26 =	vadd.f32 v62, v26;
	v62 =	vmul.f32 v59, v56  }
0x292: {  	v59 =	vmul.f32 v59, v58;
	v52 =	vadd.f32 v57, v52;
	v57 =	vperm.xlane v20, v9  }
0x293: {  	v51 =	vadd.f32 v53, v51;
	v50 =	vadd.f32 v61, v50  }
0x294: {  	v48 =	vadd.f32 v59, v48;
	v59 =	vperm.xlane v16, v9;
	v54 =	vmul.f32 v57, v60  }
0x295: {  	v49 =	vadd.f32 v62, v49;
	v61 =	vmul.f32 v57, v63;
	v62 =	vmul.f32 v57, v56  }
0x296: {  	v57 =	vmul.f32 v57, v58;
	v53 =	vmul.f32 v59, v60;
	v47 =	vadd.f32 v54, v47  }
0x297: {  	v46 =	vadd.f32 v61, v46;
	v45 =	vadd.f32 v62, v45;
	v61 =	vmul.f32 v59, v63  }
0x298: {  	v44 =	vadd.f32 v57, v44;
	v62 =	vmul.f32 v59, v56;
	v57 =	vperm.xlane v17, v9  }
0x299: {  	v43 =	vadd.f32 v53, v43;
	v59 =	vmul.f32 v59, v58;
	v42 =	vadd.f32 v61, v42  }
0x29a: {  	v41 =	vadd.f32 v62, v41;
	v54 =	vmul.f32 v57, v60;
	v61 =	vmul.f32 v57, v63  }
0x29b: {  	v40 =	vadd.f32 v59, v40;
	v62 =	vmul.f32 v57, v56;
	v59 =	vperm.xlane v18, v9  }
0x29c: {  	v39 =	vadd.f32 v54, v39;
	v38 =	vadd.f32 v61, v38;
	v61 =	vmul.f32 v57, v58  }
0x29d: {  	v37 =	vadd.f32 v62, v37;
	v62 =	vmul.f32 v59, v63;
	v57 =	vperm.xlane v19, v9  }
0x29e: {  	v53 =	vmul.f32 v59, v60;
	v36 =	vadd.f32 v61, v36;
	v61 =	vmul.f32 v59, v56  }
0x29f: {  	v34 =	vadd.f32 v62, v34;
	v62 =	vmul.f32 v59, v58;
	v54 =	vmul.f32 v57, v60  }
0x2a0: {  	v35 =	vadd.f32 v53, v35;
	v55 =	vmul.f32 v57, v63;
	v59 =	vld [tilespmem:s21+$0x0];
	v53 =	vmul.f32 v57, v56  }
0x2a1: {  	v33 =	vadd.f32 v61, v33;
	v32 =	vadd.f32 v62, v32;
	v61 =	vperm.xlane v21, v9;
	v62 =	vld [tilespmem:s21+$0x10]  }
0x2a2: {  	v31 =	vadd.f32 v54, v31;
	v30 =	vadd.f32 v55, v30;
	v54 =	vmul.f32 v57, v58;
	v55 =	vld [tilespmem:s21+$0x20]  }
0x2a3: {  	v29 =	vadd.f32 v53, v29;
	v53 =	vmul.f32 v61, v60;
	v57 =	vmul.f32 v61, v63;
	v60 =	vld [tilespmem:s21+$0x30]  }
0x2a4: {  	v28 =	vadd.f32 v54, v28;
	v63 =	vmul.f32 v61, v56;
	v56 =	vperm.xlane v23, v10  }
0x2a5: {  	v61 =	vmul.f32 v61, v58;
	v58 =	vperm.xlane v22, v10;
	v0 =	vadd.f32 v53, v0  }
0x2a6: {  	v1 =	vadd.f32 v57, v1;
	v2 =	vadd.f32 v63, v2;
	v63 =	vmul.f32 v56, v62  }
0x2a7: {  	v54 =	vmul.f32 v56, v59;
	v24 =	vadd.f32 v61, v24;
	v61 =	vmul.f32 v56, v55  }
0x2a8: {  	v53 =	vmul.f32 v58, v59;
	v27 =	vadd.f32 v63, v27;
	v63 =	vmul.f32 v56, v60  }
0x2a9: {  	v57 =	vperm.xlane v20, v10;
	v26 =	vadd.f32 v61, v26;
	v61 =	vmul.f32 v58, v62  }
0x2aa: {  	v25 =	vadd.f32 v54, v25;
	v52 =	vadd.f32 v63, v52;
	v63 =	vmul.f32 v58, v55  }
0x2ab: {  	v51 =	vadd.f32 v53, v51;
	v50 =	vadd.f32 v61, v50;
	v61 =	vmul.f32 v58, v60  }
0x2ac: {  	v54 =	vmul.f32 v57, v59;
	v49 =	vadd.f32 v63, v49;
	v63 =	vmul.f32 v57, v62  }
0x2ad: {  	v58 =	vperm.xlane v16, v10;
	v48 =	vadd.f32 v61, v48;
	v61 =	vmul.f32 v57, v55  }
0x2ae: {  	v47 =	vadd.f32 v54, v47;
	v46 =	vadd.f32 v63, v46;
	v63 =	vmul.f32 v57, v60  }
0x2af: {  	v53 =	vmul.f32 v58, v59;
	v45 =	vadd.f32 v61, v45;
	v61 =	vmul.f32 v58, v62  }
0x2b0: {  	v57 =	vperm.xlane v17, v10;
	v44 =	vadd.f32 v63, v44;
	v63 =	vmul.f32 v58, v55  }
0x2b1: {  	v43 =	vadd.f32 v53, v43;
	v42 =	vadd.f32 v61, v42;
	v61 =	vmul.f32 v58, v60  }
0x2b2: {  	v54 =	vmul.f32 v57, v59;
	v41 =	vadd.f32 v63, v41;
	v63 =	vmul.f32 v57, v62  }
0x2b3: {  	v58 =	vperm.xlane v18, v10;
	v40 =	vadd.f32 v61, v40;
	v61 =	vmul.f32 v57, v55  }
0x2b4: {  	v39 =	vadd.f32 v54, v39;
	v38 =	vadd.f32 v63, v38;
	v63 =	vmul.f32 v57, v60  }
0x2b5: {  	v37 =	vadd.f32 v61, v37;
	v61 =	vmul.f32 v58, v62;
	v57 =	vperm.xlane v19, v10  }
0x2b6: {  	v53 =	vmul.f32 v58, v59;
	v36 =	vadd.f32 v63, v36;
	v63 =	vmul.f32 v58, v55  }
0x2b7: {  	v34 =	vadd.f32 v61, v34;
	v61 =	vmul.f32 v58, v60;
	v54 =	vmul.f32 v57, v59  }
0x2b8: {  	v35 =	vadd.f32 v53, v35;
	v56 =	vmul.f32 v57, v62;
	v53 =	vmul.f32 v57, v55  }
0x2b9: {  	v58 =	vld [tilespmem:s21+$0x40];
	v33 =	vadd.f32 v63, v33;
	v32 =	vadd.f32 v61, v32;
	v61 =	vperm.xlane v21, v10  }
0x2ba: {  	v63 =	vld [tilespmem:s21+$0x50];
	v31 =	vadd.f32 v54, v31;
	v30 =	vadd.f32 v56, v30;
	v54 =	vmul.f32 v57, v60  }
0x2bb: {  	v56 =	vld [tilespmem:s21+$0x60];
	v29 =	vadd.f32 v53, v29;
	v53 =	vmul.f32 v61, v59;
	v62 =	vmul.f32 v61, v62  }
0x2bc: {  	v59 =	vld [tilespmem:s21+$0x70];
	v28 =	vadd.f32 v54, v28;
	v54 =	vmul.f32 v61, v55;
	v55 =	vperm.xlane v23, v11  }
0x2bd: {  	v1 =	vadd.f32 v62, v1  }
0x2be: {  	v62 =	vmul.f32 v61, v60;
	v2 =	vadd.f32 v54, v2;
	v54 =	vmul.f32 v55, v58  }
0x2bf: {  	v0 =	vadd.f32 v53, v0;
	v60 =	vperm.xlane v22, v11;
	v57 =	vmul.f32 v55, v63  }
0x2c0: {  	v53 =	vmul.f32 v55, v56;
	v24 =	vadd.f32 v62, v24;
	v25 =	vadd.f32 v54, v25  }
0x2c1: {  	v61 =	vmul.f32 v60, v63;
	v27 =	vadd.f32 v57, v27;
	v57 =	vmul.f32 v55, v59  }
0x2c2: {  	v62 =	vmul.f32 v60, v56;
	v26 =	vadd.f32 v53, v26;
	v53 =	vmul.f32 v60, v58  }
0x2c3: {  	v60 =	vmul.f32 v60, v59;
	v52 =	vadd.f32 v57, v52;
	v57 =	vperm.xlane v20, v11  }
0x2c4: {  	v50 =	vadd.f32 v61, v50;
	v49 =	vadd.f32 v62, v49  }
0x2c5: {  	v48 =	vadd.f32 v60, v48;
	v60 =	vperm.xlane v16, v11;
	v54 =	vmul.f32 v57, v58  }
0x2c6: {  	v51 =	vadd.f32 v53, v51;
	v55 =	vmul.f32 v57, v63;
	v53 =	vmul.f32 v57, v56  }
0x2c7: {  	v61 =	vmul.f32 v57, v59;
	v62 =	vmul.f32 v60, v63;
	v47 =	vadd.f32 v54, v47  }
0x2c8: {  	v57 =	vperm.xlane v17, v11;
	v46 =	vadd.f32 v55, v46;
	v45 =	vadd.f32 v53, v45  }
0x2c9: {  	v53 =	vmul.f32 v60, v58;
	v44 =	vadd.f32 v61, v44;
	v61 =	vmul.f32 v60, v56  }
0x2ca: {  	v42 =	vadd.f32 v62, v42;
	v62 =	vmul.f32 v60, v59;
	v54 =	vmul.f32 v57, v58  }
0x2cb: {  	v55 =	vmul.f32 v57, v63;
	v60 =	vperm.xlane v18, v11;
	v43 =	vadd.f32 v53, v43  }
0x2cc: {  	v41 =	vadd.f32 v61, v41;
	v40 =	vadd.f32 v62, v40;
	v53 =	vmul.f32 v57, v56  }
0x2cd: {  	v39 =	vadd.f32 v54, v39;
	v38 =	vadd.f32 v55, v38;
	v57 =	vmul.f32 v57, v59  }
0x2ce: {  	v61 =	vmul.f32 v60, v63;
	v37 =	vadd.f32 v53, v37;
	v53 =	vmul.f32 v60, v58  }
0x2cf: {  	v62 =	vmul.f32 v60, v56;
	v36 =	vadd.f32 v57, v36;
	v57 =	vperm.xlane v19, v11  }
0x2d0: {  	v34 =	vadd.f32 v61, v34;
	v35 =	vadd.f32 v53, v35;
	v53 =	vmul.f32 v60, v59  }
0x2d1: {  	v33 =	vadd.f32 v62, v33;
	v62 =	vld [tilespmem:s21+$0x90];
	v54 =	vmul.f32 v57, v58;
	v55 =	vmul.f32 v57, v63  }
0x2d2: {  	v61 =	vperm.xlane v21, v11;
	v60 =	vld [tilespmem:s21+$0x80];
	v32 =	vadd.f32 v53, v32;
	v53 =	vmul.f32 v57, v56  }
0x2d3: {  	v31 =	vadd.f32 v54, v31;
	v30 =	vadd.f32 v55, v30;
	v54 =	vmul.f32 v57, v59;
	v55 =	vld [tilespmem:s21+$0xA0]  }
0x2d4: {  	v57 =	vmul.f32 v61, v63;
	v29 =	vadd.f32 v53, v29;
	v53 =	vmul.f32 v61, v58;
	v58 =	vld [tilespmem:s21+$0xB0]  }
0x2d5: {  	v63 =	vmul.f32 v61, v56;
	v56 =	vperm.xlane v23, v12  }
0x2d6: {  	v28 =	vadd.f32 v54, v28;
	v1 =	vadd.f32 v57, v1;
	v61 =	vmul.f32 v61, v59  }
0x2d7: {  	v2 =	vadd.f32 v63, v2;
	v63 =	vmul.f32 v56, v62;
	v59 =	vperm.xlane v22, v12  }
0x2d8: {  	v57 =	vperm.xlane v20, v12;
	v24 =	vadd.f32 v61, v24;
	v61 =	vmul.f32 v56, v55  }
0x2d9: {  	v54 =	vmul.f32 v56, v60;
	v27 =	vadd.f32 v63, v27;
	v63 =	vmul.f32 v56, v58  }
0x2da: {  	v0 =	vadd.f32 v53, v0;
	v26 =	vadd.f32 v61, v26;
	v61 =	vmul.f32 v59, v62  }
0x2db: {  	v53 =	vmul.f32 v59, v60;
	v52 =	vadd.f32 v63, v52;
	v63 =	vmul.f32 v59, v55  }
0x2dc: {  	v25 =	vadd.f32 v54, v25;
	v50 =	vadd.f32 v61, v50;
	v61 =	vmul.f32 v59, v58  }
0x2dd: {  	v54 =	vmul.f32 v57, v60;
	v49 =	vadd.f32 v63, v49;
	v63 =	vmul.f32 v57, v62  }
0x2de: {  	v59 =	vperm.xlane v16, v12;
	v48 =	vadd.f32 v61, v48;
	v61 =	vmul.f32 v57, v55  }
0x2df: {  	v51 =	vadd.f32 v53, v51;
	v46 =	vadd.f32 v63, v46;
	v63 =	vmul.f32 v57, v58  }
0x2e0: {  	v47 =	vadd.f32 v54, v47;
	v45 =	vadd.f32 v61, v45;
	v61 =	vmul.f32 v59, v62  }
0x2e1: {  	v57 =	vperm.xlane v17, v12;
	v44 =	vadd.f32 v63, v44;
	v63 =	vmul.f32 v59, v55  }
0x2e2: {  	v53 =	vmul.f32 v59, v60;
	v42 =	vadd.f32 v61, v42;
	v61 =	vmul.f32 v59, v58  }
0x2e3: {  	v54 =	vmul.f32 v57, v60;
	v41 =	vadd.f32 v63, v41;
	v63 =	vmul.f32 v57, v62  }
0x2e4: {  	v59 =	vperm.xlane v18, v12;
	v40 =	vadd.f32 v61, v40;
	v61 =	vmul.f32 v57, v55  }
0x2e5: {  	v43 =	vadd.f32 v53, v43;
	v38 =	vadd.f32 v63, v38;
	v63 =	vmul.f32 v57, v58  }
0x2e6: {  	v39 =	vadd.f32 v54, v39;
	v37 =	vadd.f32 v61, v37;
	v61 =	vmul.f32 v59, v62  }
0x2e7: {  	v53 =	vmul.f32 v59, v60;
	v57 =	vperm.xlane v19, v12;
	v36 =	vadd.f32 v63, v36  }
0x2e8: {  	v63 =	vmul.f32 v59, v55;
	v34 =	vadd.f32 v61, v34;
	v61 =	vmul.f32 v59, v58  }
0x2e9: {  	v35 =	vadd.f32 v53, v35;
	v54 =	vmul.f32 v57, v60;
	v56 =	vmul.f32 v57, v62  }
0x2ea: {  	v59 =	vld [tilespmem:s21+$0xC0];
	v53 =	vmul.f32 v57, v55;
	v32 =	vadd.f32 v61, v32;
	v61 =	vperm.xlane v21, v12  }
0x2eb: {  	v33 =	vadd.f32 v63, v33;
	v63 =	vld [tilespmem:s21+$0xD0];
	v31 =	vadd.f32 v54, v31;
	v54 =	vmul.f32 v57, v58  }
0x2ec: {  	v30 =	vadd.f32 v56, v30;
	v56 =	vld [tilespmem:s21+$0xE0];
	v29 =	vadd.f32 v53, v29;
	v53 =	vmul.f32 v61, v60  }
0x2ed: {  	v57 =	vmul.f32 v61, v62;
	v60 =	vld [tilespmem:s21+$0xF0];
	v28 =	vadd.f32 v54, v28;
	v54 =	vmul.f32 v61, v55  }
0x2ee: {  	v55 =	vperm.xlane v23, v13;
	v62 =	vmul.f32 v61, v58  }
0x2ef: {  	v58 =	vperm.xlane v22, v13;
	v0 =	vadd.f32 v53, v0;
	v1 =	vadd.f32 v57, v1  }
0x2f0: {  	v2 =	vadd.f32 v54, v2;
	v54 =	vmul.f32 v55, v59;
	v61 =	vmul.f32 v55, v63  }
0x2f1: {  	v24 =	vadd.f32 v62, v24;
	v53 =	vmul.f32 v58, v59;
	v62 =	vmul.f32 v55, v56  }
0x2f2: {  	v25 =	vadd.f32 v54, v25;
	v27 =	vadd.f32 v61, v27;
	v57 =	vmul.f32 v55, v60  }
0x2f3: {  	v26 =	vadd.f32 v62, v26;
	v61 =	vmul.f32 v58, v63;
	v62 =	vmul.f32 v58, v56  }
0x2f4: {  	v58 =	vmul.f32 v58, v60;
	v52 =	vadd.f32 v57, v52;
	v57 =	vperm.xlane v20, v13  }
0x2f5: {  	v51 =	vadd.f32 v53, v51;
	v50 =	vadd.f32 v61, v50  }
0x2f6: {  	v48 =	vadd.f32 v58, v48;
	v58 =	vperm.xlane v16, v13;
	v54 =	vmul.f32 v57, v59  }
0x2f7: {  	v49 =	vadd.f32 v62, v49;
	v61 =	vmul.f32 v57, v63;
	v62 =	vmul.f32 v57, v56  }
0x2f8: {  	v57 =	vmul.f32 v57, v60;
	v53 =	vmul.f32 v58, v59;
	v47 =	vadd.f32 v54, v47  }
0x2f9: {  	v46 =	vadd.f32 v61, v46;
	v45 =	vadd.f32 v62, v45;
	v61 =	vmul.f32 v58, v63  }
0x2fa: {  	v44 =	vadd.f32 v57, v44;
	v62 =	vmul.f32 v58, v56;
	v57 =	vperm.xlane v17, v13  }
0x2fb: {  	v43 =	vadd.f32 v53, v43;
	v58 =	vmul.f32 v58, v60;
	v42 =	vadd.f32 v61, v42  }
0x2fc: {  	v41 =	vadd.f32 v62, v41;
	v54 =	vmul.f32 v57, v59;
	v61 =	vmul.f32 v57, v63  }
0x2fd: {  	v40 =	vadd.f32 v58, v40;
	v62 =	vmul.f32 v57, v56;
	v58 =	vperm.xlane v18, v13  }
0x2fe: {  	v39 =	vadd.f32 v54, v39;
	v38 =	vadd.f32 v61, v38;
	v61 =	vmul.f32 v57, v60  }
0x2ff: {  	v37 =	vadd.f32 v62, v37;
	v62 =	vmul.f32 v58, v63;
	v57 =	vperm.xlane v19, v13  }
0x300: {  	v53 =	vmul.f32 v58, v59;
	v36 =	vadd.f32 v61, v36;
	v61 =	vmul.f32 v58, v56  }
0x301: {  	v34 =	vadd.f32 v62, v34;
	v62 =	vmul.f32 v58, v60;
	v54 =	vmul.f32 v57, v59  }
0x302: {  	v35 =	vadd.f32 v53, v35;
	v55 =	vmul.f32 v57, v63;
	v58 =	vld [tilespmem:s21+$0x100];
	v53 =	vmul.f32 v57, v56  }
0x303: {  	v33 =	vadd.f32 v61, v33;
	v32 =	vadd.f32 v62, v32;
	v61 =	vperm.xlane v21, v13;
	v62 =	vld [tilespmem:s21+$0x110]  }
0x304: {  	v31 =	vadd.f32 v54, v31;
	v30 =	vadd.f32 v55, v30;
	v54 =	vmul.f32 v57, v60;
	v55 =	vld [tilespmem:s21+$0x120]  }
0x305: {  	v29 =	vadd.f32 v53, v29;
	v53 =	vmul.f32 v61, v59;
	v57 =	vmul.f32 v61, v63  }
0x306: {  	v59 =	vld [tilespmem:s21+$0x130];
	v28 =	vadd.f32 v54, v28;
	v63 =	vmul.f32 v61, v56;
	v56 =	vperm.xlane v23, v14  }
0x307: {  	v61 =	vmul.f32 v61, v60;
	v60 =	vperm.xlane v22, v14;
	v0 =	vadd.f32 v53, v0  }
0x308: {  	v1 =	vadd.f32 v57, v1;
	v54 =	vmul.f32 v56, v58;
	v57 =	vmul.f32 v56, v62  }
0x309: {  	v2 =	vadd.f32 v63, v2;
	v24 =	vadd.f32 v61, v24;
	v53 =	vmul.f32 v56, v55  }
0x30a: {  	v61 =	vmul.f32 v60, v62;
	v25 =	vadd.f32 v54, v25;
	v27 =	vadd.f32 v57, v27  }
0x30b: {  	v63 =	vmul.f32 v56, v59;
	v26 =	vadd.f32 v53, v26;
	v53 =	vmul.f32 v60, v58  }
0x30c: {  	v57 =	vperm.xlane v20, v14;
	v50 =	vadd.f32 v61, v50;
	v61 =	vmul.f32 v60, v59  }
0x30d: {  	v52 =	vadd.f32 v63, v52;
	v63 =	vmul.f32 v60, v55;
	v51 =	vadd.f32 v53, v51  }
0x30e: {  	v54 =	vmul.f32 v57, v58;
	v56 =	vmul.f32 v57, v62;
	v48 =	vadd.f32 v61, v48  }
0x30f: {  	v53 =	vmul.f32 v57, v55;
	v60 =	vperm.xlane v16, v14;
	v49 =	vadd.f32 v63, v49  }
0x310: {  	v47 =	vadd.f32 v54, v47;
	v46 =	vadd.f32 v56, v46;
	v63 =	vmul.f32 v57, v59  }
0x311: {  	v45 =	vadd.f32 v53, v45;
	v53 =	vmul.f32 v60, v58;
	v57 =	vperm.xlane v17, v14  }
0x312: {  	v61 =	vmul.f32 v60, v62;
	v44 =	vadd.f32 v63, v44;
	v63 =	vmul.f32 v60, v55  }
0x313: {  	v43 =	vadd.f32 v53, v43;
	v60 =	vmul.f32 v60, v59;
	v54 =	vmul.f32 v57, v58  }
0x314: {  	v42 =	vadd.f32 v61, v42;
	v56 =	vmul.f32 v57, v62;
	v53 =	vmul.f32 v57, v55  }
0x315: {  	v61 =	vmul.f32 v57, v59;
	v40 =	vadd.f32 v60, v40;
	v60 =	vperm.xlane v18, v14  }
0x316: {  	v57 =	vperm.xlane v19, v14;
	v41 =	vadd.f32 v63, v41;
	v39 =	vadd.f32 v54, v39  }
0x317: {  	v38 =	vadd.f32 v56, v38;
	v37 =	vadd.f32 v53, v37;
	v53 =	vmul.f32 v60, v58  }
0x318: {  	v36 =	vadd.f32 v61, v36;
	v63 =	vmul.f32 v60, v62;
	v61 =	vmul.f32 v60, v55  }
0x319: {  	v54 =	vmul.f32 v57, v58;
	v35 =	vadd.f32 v53, v35;
	v53 =	vmul.f32 v60, v59  }
0x31a: {  	v56 =	vmul.f32 v57, v62;
	v34 =	vadd.f32 v63, v34;
	v33 =	vadd.f32 v61, v33;
	v60 =	vld [tilespmem:s21+$0x140]  }
0x31b: {  	v61 =	vperm.xlane v21, v14;
	v63 =	vld [tilespmem:s21+$0x150];
	v32 =	vadd.f32 v53, v32;
	v53 =	vmul.f32 v57, v55  }
0x31c: {  	v31 =	vadd.f32 v54, v31;
	v30 =	vadd.f32 v56, v30;
	v54 =	vmul.f32 v57, v59;
	v56 =	vld [tilespmem:s21+$0x160]  }
0x31d: {  	v62 =	vmul.f32 v61, v62;
	v29 =	vadd.f32 v53, v29;
	v53 =	vmul.f32 v61, v58;
	v58 =	vld [tilespmem:s21+$0x170]  }
0x31e: {  	v28 =	vadd.f32 v54, v28;
	v54 =	vmul.f32 v61, v55;
	v55 =	vperm.xlane v23, v15  }
0x31f: {  	v1 =	vadd.f32 v62, v1;
	v62 =	vmul.f32 v61, v59;
	v59 =	vperm.xlane v22, v15  }
0x320: {  	v2 =	vadd.f32 v54, v2;
	v54 =	vmul.f32 v55, v60;
	v61 =	vmul.f32 v55, v63  }
0x321: {  	v0 =	vadd.f32 v53, v0;
	v24 =	vadd.f32 v62, v24;
	v62 =	vmul.f32 v55, v56  }
0x322: {  	v53 =	vmul.f32 v59, v60;
	v27 =	vadd.f32 v61, v27;
	v57 =	vmul.f32 v55, v58  }
0x323: {  	v61 =	vmul.f32 v59, v63;
	v26 =	vadd.f32 v62, v26;
	v62 =	vmul.f32 v59, v56  }
0x324: {  	v59 =	vmul.f32 v59, v58;
	v52 =	vadd.f32 v57, v52;
	v57 =	vperm.xlane v20, v15  }
0x325: {  	v25 =	vadd.f32 v54, v25;
	v50 =	vadd.f32 v61, v50  }
0x326: {  	v48 =	vadd.f32 v59, v48;
	v59 =	vperm.xlane v16, v15;
	v54 =	vmul.f32 v57, v60  }
0x327: {  	v49 =	vadd.f32 v62, v49;
	v61 =	vmul.f32 v57, v63;
	v62 =	vmul.f32 v57, v56  }
0x328: {  	v51 =	vadd.f32 v53, v51;
	v57 =	vmul.f32 v57, v58;
	v53 =	vmul.f32 v59, v60  }
0x329: {  	v46 =	vadd.f32 v61, v46;
	v45 =	vadd.f32 v62, v45;
	v61 =	vmul.f32 v59, v63  }
0x32a: {  	v44 =	vadd.f32 v57, v44;
	v62 =	vmul.f32 v59, v56;
	v57 =	vperm.xlane v17, v15  }
0x32b: {  	v47 =	vadd.f32 v54, v47;
	v59 =	vmul.f32 v59, v58;
	v42 =	vadd.f32 v61, v42  }
0x32c: {  	v41 =	vadd.f32 v62, v41;
	v54 =	vmul.f32 v57, v60;
	v61 =	vmul.f32 v57, v63  }
0x32d: {  	v40 =	vadd.f32 v59, v40;
	v62 =	vmul.f32 v57, v56;
	v59 =	vperm.xlane v18, v15  }
0x32e: {  	v43 =	vadd.f32 v53, v43;
	v38 =	vadd.f32 v61, v38;
	v61 =	vmul.f32 v57, v58  }
0x32f: {  	v39 =	vadd.f32 v54, v39;
	v37 =	vadd.f32 v62, v37;
	v62 =	vmul.f32 v59, v63  }
0x330: {  	v53 =	vmul.f32 v59, v60;
	v57 =	vperm.xlane v19, v15;
	v36 =	vadd.f32 v61, v36  }
0x331: {  	v61 =	vmul.f32 v59, v56;
	v34 =	vadd.f32 v62, v34;
	v62 =	vmul.f32 v59, v58  }
0x332: {  	v35 =	vadd.f32 v53, v35;
	v54 =	vmul.f32 v57, v60;
	v55 =	vmul.f32 v57, v63  }
0x333: {  	v53 =	vmul.f32 v57, v56;
	v33 =	vadd.f32 v61, v33;
	v61 =	vperm.xlane v21, v15  }
0x334: {  	v59 =	vld [tilespmem:s21+$0x180];
	v32 =	vadd.f32 v62, v32;
	v31 =	vadd.f32 v54, v31;
	v54 =	vmul.f32 v57, v58  }
0x335: {  	v62 =	vld [tilespmem:s21+$0x190];
	v30 =	vadd.f32 v55, v30;
	v29 =	vadd.f32 v53, v29;
	v53 =	vmul.f32 v61, v60  }
0x336: {  	v55 =	vld [tilespmem:s21+$0x1A0];
	v57 =	vmul.f32 v61, v63;
	v28 =	vadd.f32 v54, v28;
	v54 =	vmul.f32 v61, v56  }
0x337: {  	v4 =	vimm.s32 $0xF;
	v60 =	vld [tilespmem:s21+$0x1B0];
	v56 =	vperm.xlane v23, v3;
	v63 =	vmul.f32 v61, v58  }
0x338: {  	v58 =	vperm.xlane v22, v3;
	v23 =	vperm.xlane v23, v4  }
0x339: {  	v22 =	vperm.xlane v22, v4;
	v0 =	vadd.f32 v53, v0;
	v1 =	vadd.f32 v57, v1  }
0x33a: {  	v2 =	vadd.f32 v54, v2;
	v54 =	vmul.f32 v56, v59;
	v61 =	vmul.f32 v56, v62  }
0x33b: {  	v24 =	vadd.f32 v63, v24;
	v53 =	vmul.f32 v58, v59;
	v63 =	vmul.f32 v56, v55  }
0x33c: {  	v57 =	vperm.xlane v20, v3;
	v27 =	vadd.f32 v61, v27;
	v61 =	vmul.f32 v56, v60  }
0x33d: {  	v20 =	vperm.xlane v20, v4;
	v26 =	vadd.f32 v63, v26;
	v63 =	vmul.f32 v58, v62  }
0x33e: {  	v25 =	vadd.f32 v54, v25;
	v52 =	vadd.f32 v61, v52;
	v61 =	vmul.f32 v58, v55  }
0x33f: {  	v51 =	vadd.f32 v53, v51;
	v50 =	vadd.f32 v63, v50;
	v63 =	vmul.f32 v58, v60  }
0x340: {  	v54 =	vmul.f32 v57, v59;
	v58 =	vperm.xlane v16, v3;
	v49 =	vadd.f32 v61, v49  }
0x341: {  	v61 =	vmul.f32 v57, v62;
	v48 =	vadd.f32 v63, v48;
	v63 =	vmul.f32 v57, v55  }
0x342: {  	v47 =	vadd.f32 v54, v47;
	v16 =	vperm.xlane v16, v4;
	v53 =	vmul.f32 v58, v59  }
0x343: {  	v46 =	vadd.f32 v61, v46;
	v61 =	vmul.f32 v57, v60;
	v45 =	vadd.f32 v63, v45  }
0x344: {  	v63 =	vmul.f32 v58, v62;
	v57 =	vperm.xlane v17, v3;
	v43 =	vadd.f32 v53, v43  }
0x345: {  	v17 =	vperm.xlane v17, v4;
	v44 =	vadd.f32 v61, v44;
	v61 =	vmul.f32 v58, v55  }
0x346: {  	v42 =	vadd.f32 v63, v42;
	v63 =	vmul.f32 v58, v60;
	v54 =	vmul.f32 v57, v59  }
0x347: {  	v58 =	vperm.xlane v18, v3;
	v41 =	vadd.f32 v61, v41;
	v61 =	vmul.f32 v57, v62  }
0x348: {  	v18 =	vperm.xlane v18, v4;
	v40 =	vadd.f32 v63, v40;
	v63 =	vmul.f32 v57, v55  }
0x349: {  	v39 =	vadd.f32 v54, v39;
	v38 =	vadd.f32 v61, v38;
	v61 =	vmul.f32 v57, v60  }
0x34a: {  	v37 =	vadd.f32 v63, v37;
	v63 =	vmul.f32 v58, v62;
	v57 =	vperm.xlane v19, v3  }
0x34b: {  	v53 =	vmul.f32 v58, v59;
	v36 =	vadd.f32 v61, v36;
	v61 =	vmul.f32 v58, v55  }
0x34c: {  	v34 =	vadd.f32 v63, v34;
	v63 =	vmul.f32 v58, v60;
	v54 =	vmul.f32 v57, v59  }
0x34d: {  	v35 =	vadd.f32 v53, v35;
	v56 =	vmul.f32 v57, v62;
	v58 =	vld [tilespmem:s21+$0x1C0];
	v53 =	vmul.f32 v57, v55  }
0x34e: {  	v33 =	vadd.f32 v61, v33;
	v32 =	vadd.f32 v63, v32;
	v61 =	vperm.xlane v21, v3;
	v63 =	vld [tilespmem:s21+$0x1D0]  }
0x34f: {  	v31 =	vadd.f32 v54, v31;
	v30 =	vadd.f32 v56, v30;
	v54 =	vmul.f32 v57, v60;
	v56 =	vld [tilespmem:s21+$0x1E0]  }
0x350: {  	v29 =	vadd.f32 v53, v29;
	v53 =	vmul.f32 v61, v59;
	v57 =	vmul.f32 v61, v62  }
0x351: {  	v19 =	vperm.xlane v19, v4;
	v59 =	vld [tilespmem:s21+$0x1F0];
	v28 =	vadd.f32 v54, v28;
	v54 =	vmul.f32 v61, v55  }
0x352: {  	v61 =	vmul.f32 v61, v60;
	v0 =	vadd.f32 v53, v0;
	v1 =	vadd.f32 v57, v1  }
0x353: {  	v2 =	vadd.f32 v54, v2;
	v54 =	vmul.f32 v23, v58;
	v60 =	vmul.f32 v23, v63  }
0x354: {  	v24 =	vadd.f32 v61, v24;
	v61 =	vmul.f32 v23, v56;
	v57 =	vmul.f32 v22, v56  }
0x355: {  	v55 =	vadd.f32 v54, v25;
	v25 =	vmul.f32 v22, v58;
	v54 =	vadd.f32 v60, v27  }
0x356: {  	v23 =	vmul.f32 v23, v59;
	v53 =	vadd.f32 v61, v26;
	v26 =	vmul.f32 v22, v63  }
0x357: {  	v22 =	vmul.f32 v22, v59;
	v49 =	vadd.f32 v57, v49;
	v60 =	vmul.f32 v20, v58  }
0x358: {  	v61 =	vmul.f32 v20, v56;
	v57 =	vmul.f32 v16, v58;
	v51 =	vadd.f32 v25, v51  }
0x359: {  	v25 =	vmul.f32 v20, v63;
	v52 =	vadd.f32 v23, v52;
	v50 =	vadd.f32 v26, v50  }
0x35a: {  	v20 =	vmul.f32 v20, v59;
	v48 =	vadd.f32 v22, v48;
	v47 =	vadd.f32 v60, v47  }
0x35b: {  	v45 =	vadd.f32 v61, v45;
	v60 =	vmul.f32 v16, v63;
	v61 =	vmul.f32 v16, v56  }
0x35c: {  	v43 =	vadd.f32 v57, v43;
	v16 =	vmul.f32 v16, v59;
	v46 =	vadd.f32 v25, v46  }
0x35d: {  	v57 =	vmul.f32 v17, v58;
	v44 =	vadd.f32 v20, v44;
	v42 =	vadd.f32 v60, v42  }
0x35e: {  	v41 =	vadd.f32 v61, v41;
	v40 =	vadd.f32 v16, v40;
	v16 =	vmul.f32 v17, v56  }
0x35f: {  	v60 =	vmul.f32 v17, v63;
	v39 =	vadd.f32 v57, v39;
	v17 =	vmul.f32 v17, v59  }
0x360: {  	v61 =	vmul.f32 v18, v63;
	v37 =	vadd.f32 v16, v37;
	v16 =	vmul.f32 v18, v58  }
0x361: {  	v57 =	vmul.f32 v19, v63;
	v36 =	vadd.f32 v17, v36;
	v17 =	vmul.f32 v18, v56  }
0x362: {  	v38 =	vadd.f32 v60, v38;
	v35 =	vadd.f32 v16, v35;
	v16 =	vmul.f32 v18, v59  }
0x363: {  	v34 =	vadd.f32 v61, v34;
	v33 =	vadd.f32 v17, v33;
	v17 =	vmul.f32 v19, v58  }
0x364: {  	p0 =	sne.s32 s22, $0x3F0;
	v60 =	vperm.xlane v21, v4;
	v32 =	vadd.f32 v16, v32;
	v16 =	vmul.f32 v19, v56  }
.Ltmp1:
0x365: {  	v30 =	vadd.f32 v57, v30;
	v31 =	vadd.f32 v17, v31;
	v17 =	vmul.f32 v19, v59;
	(pc) =	sbr.rel @p0 .LBB2_5-.Ltmp1, $4  }
0x366: {  	v61 =	vmul.f32 v60, v63;
	v63 =	vmul.f32 v60, v59;
	v29 =	vadd.f32 v16, v29  }
0x367: {  	v16 =	vmul.f32 v60, v58;
	v28 =	vadd.f32 v17, v28;
	v17 =	vmul.f32 v60, v56  }
0x368: {  	v26 =	vadd.f32 v61, v1;
	v24 =	vadd.f32 v63, v24  }
0x369: {  	s20 =	sadd.s32 $0x80, s20;
	s22 =	sadd.s32 $0x10, s22;
	v62 =	vimm.s32 $0x0;
	s21 =	sadd.s32 $0x400, s21;
	v27 =	vadd.f32 v16, v0;
	v25 =	vadd.f32 v17, v2  }
0x36a: {  	[tilespmem:$0x14000] =	vst v55  }
0x36b: {  	[tilespmem:$0x14010] =	vst v54  }
0x36c: {  	[tilespmem:$0x14020] =	vst v53  }
0x36d: {  	[tilespmem:$0x14030] =	vst v52  }
0x36e: {  	[tilespmem:$0x14080] =	vst v51  }
0x36f: {  	[tilespmem:$0x14090] =	vst v50  }
0x370: {  	[tilespmem:$0x140A0] =	vst v49  }
0x371: {  	[tilespmem:$0x140B0] =	vst v48  }
0x372: {  	[tilespmem:$0x14100] =	vst v47  }
0x373: {  	[tilespmem:$0x14110] =	vst v46  }
0x374: {  	[tilespmem:$0x14120] =	vst v45  }
0x375: {  	[tilespmem:$0x14130] =	vst v44  }
0x376: {  	[tilespmem:$0x14180] =	vst v43  }
0x377: {  	[tilespmem:$0x14190] =	vst v42  }
0x378: {  	[tilespmem:$0x141A0] =	vst v41  }
0x379: {  	[tilespmem:$0x141B0] =	vst v40  }
0x37a: {  	[tilespmem:$0x14200] =	vst v39  }
0x37b: {  	[tilespmem:$0x14210] =	vst v38  }
0x37c: {  	[tilespmem:$0x14220] =	vst v37  }
0x37d: {  	[tilespmem:$0x14230] =	vst v36  }
0x37e: {  	[tilespmem:$0x14280] =	vst v35  }
0x37f: {  	[tilespmem:$0x14290] =	vst v34  }
0x380: {  	[tilespmem:$0x142A0] =	vst v33  }
0x381: {  	[tilespmem:$0x142B0] =	vst v32  }
0x382: {  	[tilespmem:$0x14300] =	vst v31  }
0x383: {  	[tilespmem:$0x14310] =	vst v30  }
0x384: {  	[tilespmem:$0x14320] =	vst v29  }
0x385: {  	[tilespmem:$0x14330] =	vst v28  }
0x386: {  	s19 =	sshll.u32 s19, $0xA;
	[tilespmem:$0x14390] =	vst v26  }
0x387: {  	[tilespmem:$0x143B0] =	vst v24;
	s18 =	sadd.s32 $0x1, s18;
	s19 =	sadd.s32 s8, s19  }
0x388: {  	[tilespmem:$0x14380] =	vst v27;
	p0 =	sne.s32 s18, $0x8;
	s19 =	sshrl.u32 s19, $0x3  }
.Ltmp2:
0x389: {  	[tilespmem:$0x143A0] =	vst v25;
	s19 =	sadd.s32 s4, s19;
	(pc) =	sbr.rel @p0 .LBB2_2-.Ltmp2, $4  }
0x38a: {  	[hbm4b:s19+s3] =	stream.linear.scatter [tilespmem:s15], [sflag:$0x3], $0x400, $0x38;
	[tilespmem:$0x14400] =	vst v63  }
0x38b: {  	_ =	swait.ge [sflag:s11], $0x400  }
0x38c: {  	[sflag:s11] =	ssyncset.done $0x0  }
0x38d: {  	[sflag:s11] =	ssyncadd.s32 $0xFFFFFC00  }
0x38e: {  	s17 =	sadd.s32 $0x1, s17  }
0x38f: {  	p0 =	sne.s32 s17, s10  }
.Ltmp3:
0x390: {  	_ = 	snop;
	(pc) =	sbr.rel @p0 .LBB2_1-.Ltmp3, $1  }
0x391: {  	_ =	sdelay $0x3  }
0x392: {  	_ =	sfence.sel $0x180000  }
0x393: {  	[bflag:$0x0] =	sbarrier.arrive $0xFFFF  }
0x394: {  	p0 =	sne.s32 s1, $0x0;
	_ =	strace $0x90000047  }
0x395: {  	s0 =	sadd.s32 @!p0 $0x100000, s0;
	[bflag:$0x2] =	sbarrier.arrive $0xFFFF  }
0x396: {  	[sflag:s0] =	ssyncadd.tile.s32 @!p0 $0x1;
	_ =	shalt  }
.Lfunc_end2:
_tile_overlayer_lowered:
.L_overlay_start_2:
0x397: {  	(tag) =	ssettag $0x2  }
0x398: {  	s0 =	rddreg [dreg:$0x0];
	s2 =	stileid.u32  }
0x399: {  	s1 =	rddreg [dreg:$0x1];
	p0 =	sne.s32 s2, $0x0  }
0x39a: {  	s3 =	rddreg [dreg:$0x2];
	[bflag:$0x3] =	sbarrier.arrive $0xFFFF;
	s2 =	simm.s32 @!p0 $0x1C03  }
0x39b: {  	[timem:s3], [sflag:s2] =	dma.local @!p0 [hbm:s0], s1  }
0x39c: {  	s0 =	simm.s32 @!p0 $0x3  }
0x39d: {  	_ =	swait.ge @!p0 [sflag:s0], s1  }
0x39e: {  	s1 =	ssub.s32 @!p0 $0x0, s1;
	[sflag:s0] =	ssyncset.done @!p0 $0x0  }
0x39f: {  	[sflag:s0] =	ssyncadd.s32 @!p0 s1  }
0x3a0: {  	[bflag:$0x3] =	sbarrier.arrive $0xFFFF  }
0x3a1: {  	_ =	shalt  }

</sc_bundles>
